<compile_context>
chip_gen: v7x
topology: tpu7x:2x2x1
jax: 0.10.2.dev20260603
libtpu: 0.0.44.dev20260713+nightly
codegen_flags: <defaults>
</compile_context>

<pallas_src>
import functools

import jax
import jax.numpy as jnp
from jax import lax
from jax.experimental import pallas as pl
from jax.experimental.pallas import tpu as pltpu
from jax.experimental.pallas import tpu_sc as plsc

N = 10000
NP = 10240
F = 128
LOUT = 16
E = 320000
ET = E + N
NC, NS = 2, 16
NW = NC * NS
CA = 128
KA = -(-ET // (NW * CA))
EPADA = NW * KA * CA
CD = 128
KD = -(-ET // (NW * CD))
EPADD = NW * KD * CD
RPT = NP // NS
NBUF = 2
RB = 1280
GRID = NP // RB


def _sc_mesh():
    return plsc.VectorSubcoreMesh(
        core_axis_name="c", subcore_axis_name="s", num_cores=NC, num_subcores=NS
    )


def _make_agg_kernel():
    scratch = [
        pltpu.VMEM((KA, CA), jnp.int32),
        pltpu.VMEM((KA, CA), jnp.int32),
        pltpu.VMEM((CA, F), jnp.float32),
        pltpu.VMEM_SHARED((NP, F), jnp.float32),
        pltpu.SemaphoreType.DMA,
    ]

    @functools.partial(
        pl.kernel,
        out_type=jax.ShapeDtypeStruct((NC, NP, F), jnp.float32),
        mesh=_sc_mesh(),
        scratch_types=scratch,
    )
    def agg(y_hbm, src_hbm, dst_hbm, z_hbm, out_hbm,
            src_v, dst_v, buf_v, acc_sh, sem):
        c = lax.axis_index("c")
        s = lax.axis_index("s")
        wid = c * NS + s
        pltpu.sync_copy(z_hbm, acc_sh.at[pl.ds(s * RPT, RPT)])
        pltpu.sync_copy(src_hbm.at[wid], src_v)
        pltpu.sync_copy(dst_hbm.at[wid], dst_v)
        plsc.subcore_barrier()

        def body(j, carry):
            pltpu.async_copy(y_hbm.at[src_v.at[j]], buf_v, sem).wait()
            pltpu.sync_copy(buf_v, acc_sh.at[dst_v.at[j]], add=True)
            return carry

        lax.fori_loop(0, KA, body, 0)
        plsc.subcore_barrier()
        pltpu.sync_copy(acc_sh.at[pl.ds(s * RPT, RPT)],
                        out_hbm.at[c, pl.ds(s * RPT, RPT)])

    return agg


def _make_deg_kernel():
    scratch = [
        pltpu.VMEM((KD, CD), jnp.int32),
        pltpu.VMEM((NP,), jnp.float32),
    ]

    @functools.partial(
        pl.kernel,
        out_type=jax.ShapeDtypeStruct((NW, NP), jnp.float32),
        mesh=_sc_mesh(),
        scratch_types=scratch,
        compiler_params=pltpu.CompilerParams(needs_layout_passes=False),
    )
    def deg(dst_hbm, znp_hbm, out_hbm, dst_v, deg_v):
        c = lax.axis_index("c")
        s = lax.axis_index("s")
        wid = c * NS + s
        pltpu.sync_copy(znp_hbm, deg_v)
        pltpu.sync_copy(dst_hbm.at[wid], dst_v)
        ones16 = jnp.ones((16,), jnp.float32)

        def body(t, carry):
            j = t // (CD // 16)
            i = t % (CD // 16)
            idx = dst_v[j, pl.ds(i * 16, 16)]
            plsc.addupdate_scatter(deg_v, [idx], ones16)
            return carry

        lax.fori_loop(0, KD * (CD // 16), body, 0)
        pltpu.sync_copy(deg_v, out_hbm.at[wid])

    return deg


def _dinv_block(pdeg_blk):
    deg = jnp.sum(pdeg_blk, axis=0)
    return lax.rsqrt(jnp.maximum(deg, 1.0))[:, None]


def _tc_first(x, w, pdeg):

    def body(x_ref, w_ref, pdeg_ref, y_ref):
        dinv = _dinv_block(pdeg_ref[...])
        y_ref[...] = jnp.dot(x_ref[...] * dinv, w_ref[...],
                             preferred_element_type=jnp.float32)

    return pl.pallas_call(
        body,
        grid=(GRID,),
        in_specs=[
            pl.BlockSpec((RB, F), lambda i: (i, 0)),
            pl.BlockSpec((F, F), lambda i: (0, 0)),
            pl.BlockSpec((NW, RB), lambda i: (0, i)),
        ],
        out_specs=pl.BlockSpec((RB, F), lambda i: (i, 0)),
        out_shape=jax.ShapeDtypeStruct((NP, F), jnp.float32),
    )(x, w, pdeg)


def _tc_mid(p, pdeg, b2d, w):

    def body(p_ref, pdeg_ref, b_ref, w_ref, y_ref):
        dinv = _dinv_block(pdeg_ref[...])
        hcur = jnp.maximum((p_ref[0] + p_ref[1]) * dinv + b_ref[...], 0.0)
        y_ref[...] = jnp.dot(hcur * dinv, w_ref[...],
                             preferred_element_type=jnp.float32)

    return pl.pallas_call(
        body,
        grid=(GRID,),
        in_specs=[
            pl.BlockSpec((NC, RB, F), lambda i: (0, i, 0)),
            pl.BlockSpec((NW, RB), lambda i: (0, i)),
            pl.BlockSpec((1, F), lambda i: (0, 0)),
            pl.BlockSpec((F, F), lambda i: (0, 0)),
        ],
        out_specs=pl.BlockSpec((RB, F), lambda i: (i, 0)),
        out_shape=jax.ShapeDtypeStruct((NP, F), jnp.float32),
    )(p, pdeg, b2d, w)


def _tc_final(pa, pdega, ba2d, pb, pdegb, bb2d):

    def body(pa_ref, pdega_ref, ba_ref, pb_ref, pdegb_ref, bb_ref, o_ref):
        za = (pa_ref[0] + pa_ref[1]) * _dinv_block(pdega_ref[...]) + ba_ref[...]
        zb = (pb_ref[0] + pb_ref[1]) * _dinv_block(pdegb_ref[...]) + bb_ref[...]
        sa = 1.0 / (1.0 + jnp.exp(-za))
        sb = 1.0 / (1.0 + jnp.exp(-zb))
        o_ref[...] = ((sa + sb) * 0.5)[:, :LOUT]

    return pl.pallas_call(
        body,
        grid=(GRID,),
        in_specs=[
            pl.BlockSpec((NC, RB, F), lambda i: (0, i, 0)),
            pl.BlockSpec((NW, RB), lambda i: (0, i)),
            pl.BlockSpec((1, F), lambda i: (0, 0)),
            pl.BlockSpec((NC, RB, F), lambda i: (0, i, 0)),
            pl.BlockSpec((NW, RB), lambda i: (0, i)),
            pl.BlockSpec((1, F), lambda i: (0, 0)),
        ],
        out_specs=pl.BlockSpec((RB, LOUT), lambda i: (i, 0)),
        out_shape=jax.ShapeDtypeStruct((NP, LOUT), jnp.float32),
    )(pa, pdega, ba2d, pb, pdegb, bb2d)


def _edge_lists(edge_index):
    loop = jnp.arange(N, dtype=jnp.int32)
    srcl = jnp.concatenate([edge_index[0], loop])
    dstl = jnp.concatenate([edge_index[1], loop])

    def pad_to(arr, total, pad_vals):
        return jnp.concatenate([arr, pad_vals[: total - ET]])

    pad_dst = jnp.full((max(EPADA, EPADD) - ET,), N + 200, jnp.int32)
    pad_src = jnp.zeros((max(EPADA, EPADD) - ET,), jnp.int32)
    src_a = pad_to(srcl, EPADA, pad_src).reshape(NW, KA, CA)
    dst_a = pad_to(dstl, EPADA, pad_dst).reshape(NW, KA, CA)
    dst_d = pad_to(dstl, EPADD, pad_dst).reshape(NW, KD, CD)
    return src_a, dst_a, dst_d


def _pad_cols(w, b):
    wp = jnp.zeros((F, F), jnp.float32).at[:, :LOUT].set(w)
    bp = jnp.zeros((1, F), jnp.float32).at[0, :LOUT].set(b)
    return wp, bp


def kernel(x_1, edge_index_1, x_2, edge_index_2,
           W1_1, b1_1, W2_1, b2_1, W3_1, b3_1, W4_1, b4_1,
           W1_2, b1_2, W2_2, b2_2, W3_2, b3_2, W4_2, b4_2):
    agg = _make_agg_kernel()
    deg_k = _make_deg_kernel()

    zf = jnp.zeros((RPT, F), jnp.float32)
    znp = jnp.zeros((NP,), jnp.float32)

    def tower(x, edge_index, params):
        (w1, b1), (w2, b2), (w3, b3), (w4, b4) = params
        src, dst, dst_d = _edge_lists(edge_index)
        xp = jnp.zeros((NP, F), jnp.float32).at[:N].set(x)
        w4p, b4p = _pad_cols(w4, b4)
        pdeg = deg_k(dst_d, znp)
        y = _tc_first(xp, w1, pdeg)
        p = agg(y, src, dst, zf)
        y = _tc_mid(p, pdeg, b1.reshape(1, F), w2)
        p = agg(y, src, dst, zf)
        y = _tc_mid(p, pdeg, b2.reshape(1, F), w3)
        p = agg(y, src, dst, zf)
        y = _tc_mid(p, pdeg, b3.reshape(1, F), w4p)
        p = agg(y, src, dst, zf)
        return p, pdeg, b4p

    pa, pdega, ba = tower(x_1, edge_index_1,
                          [(W1_1, b1_1), (W2_1, b2_1), (W3_1, b3_1), (W4_1, b4_1)])
    x_2 = x_2 + 0.0 * pa[0, 0, 0]
    pb, pdegb, bb = tower(x_2, edge_index_2,
                          [(W1_2, b1_2), (W2_2, b2_2), (W3_2, b3_2), (W4_2, b4_2)])
    out = _tc_final(pa, pdega, ba, pb, pdegb, bb)
    return out[:N]

# --- scband reference (transcript-rebuilt; emitter-appended) ---
"""Pipeline reference for scband-dual-gcn-77086073029158 (READ-ONLY COPY).

The authoritative reference and input builder live on the scoring server;
editing this copy changes nothing except your own understanding.
"""

import jax, jax.numpy as jnp
import numpy as np


def _gcn_conv(x, edge_index, W, b):
    # PyG GCNConv: add self-loops, symmetric normalization, linear transform, scatter-add, bias
    N = x.shape[0]
    loop = jnp.arange(N, dtype=edge_index.dtype)
    src = jnp.concatenate([edge_index[0], loop])
    dst = jnp.concatenate([edge_index[1], loop])
    deg = jax.ops.segment_sum(jnp.ones(src.shape[0], dtype=x.dtype), dst, num_segments=N)
    dinv = jnp.where(deg > 0, 1.0 / jnp.sqrt(deg), 0.0)
    norm = dinv[src] * dinv[dst]
    xw = x @ W
    out = jax.ops.segment_sum(xw[src] * norm[:, None], dst, num_segments=N)
    return out + b


def _tower(x, edge_index, params):
    n = len(params)
    for i in range(n):
        W, b = params[i]
        x = _gcn_conv(x, edge_index, W, b)
        if i < n - 1:
            x = jax.nn.relu(x)
            # dropout p=0.1 is identity in eval mode
    return x


def setup_inputs(seed: int = 0):
    key = jax.random.key(seed)
    N, E, F, H, L = 10000, 320000, 128, 128, 16
    ks = iter(jax.random.split(key, 32))
    d = {}
    d['x_1'] = jax.random.normal(next(ks), (N, F), dtype=jnp.float32)
    d['edge_index_1'] = jax.random.randint(next(ks), (2, E), 0, N, dtype=jnp.int32)
    d['x_2'] = jax.random.normal(next(ks), (N, F), dtype=jnp.float32)
    d['edge_index_2'] = jax.random.randint(next(ks), (2, E), 0, N, dtype=jnp.int32)
    dims = [(F, H), (H, H), (H, H), (H, L)]
    for t in (1, 2):
        for i, (di, do) in enumerate(dims, start=1):
            d['W%d_%d' % (i, t)] = jax.random.normal(next(ks), (di, do), dtype=jnp.float32) * (1.0 / np.sqrt(di))
            d['b%d_%d' % (i, t)] = jax.random.normal(next(ks), (do,), dtype=jnp.float32) * 0.01
    return d


def reference(x_1, edge_index_1, x_2, edge_index_2,
              W1_1, b1_1, W2_1, b2_1, W3_1, b3_1, W4_1, b4_1,
              W1_2, b1_2, W2_2, b2_2, W3_2, b3_2, W4_2, b4_2):
    p1 = [(W1_1, b1_1), (W2_1, b2_1), (W3_1, b3_1), (W4_1, b4_1)]
    p2 = [(W1_2, b1_2), (W2_2, b2_2), (W3_2, b3_2), (W4_2, b4_2)]
    o1 = _tower(x_1, edge_index_1, p1)
    o2 = _tower(x_2, edge_index_2, p2)
    return (jax.nn.sigmoid(o1) + jax.nn.sigmoid(o2)) / 2.0

if __name__ == "__main__":
    import jax
    _d = setup_inputs()
    print(jax.jit(kernel)(*tuple(_d.values())))

</pallas_src>

<mosaic_0001>
#map = affine_map<(d0, d1) -> (0, 0)>
#map1 = affine_map<(d0, d1) -> (0, 0, 0)>
module attributes {stable_mosaic.version = 14 : i64} {
  func.func @agg(%arg0: i32, %arg1: i32, %arg2: memref<10240x128xf32, #tpu.memory_space<hbm>>, %arg3: memref<32x81x128xi32, #tpu.memory_space<hbm>>, %arg4: memref<32x81x128xi32, #tpu.memory_space<hbm>>, %arg5: memref<640x128xf32, #tpu.memory_space<hbm>>, %arg6: memref<2x10240x128xf32, #tpu.memory_space<hbm>>, %arg7: memref<81x128xi32, #tpu.memory_space<vmem>>, %arg8: memref<81x128xi32, #tpu.memory_space<vmem>>, %arg9: memref<128x128xf32, #tpu.memory_space<vmem>>, %arg10: memref<10240x128xf32, #tpu.memory_space<vmem_shared>>, %arg11: memref<!tpu.dma_semaphore, #tpu.memory_space<semaphore_mem>>) attributes {dimension_semantics = [#tpu.dimension_semantics<core_parallel>, #tpu.dimension_semantics<subcore_parallel>], iteration_bounds = array<i64: 2, 16>, scalar_prefetch = 0 : i64, scratch_operands = 5 : i64, tpu.core_type = #tpu.core_type<sc_vector_subcore>, window_params = [{transform_indices = #map}, {transform_indices = #map1}, {transform_indices = #map1}, {transform_indices = #map}, {transform_indices = #map1}]} {
    %mul3A = arith.constant 16 : i32
    %mul3A_0 = arith.muli %arg0, %mul3A : i32
    %add3A = arith.addi %mul3A_0, %arg1 : i32
    %mul3A_1 = arith.constant 640 : i32
    %mul3A_2 = arith.muli %arg1, %mul3A_1 : i32
    "tpu.region"() ({
      %run_scoped3A = tpu.sem_alloc : memref<!tpu.dma_semaphore, #tpu.memory_space<semaphore_mem>>
      %dma_start3A = arith.constant 0 : i32
      %dma_start3A_13 = tpu.memref_slice %arg10[%mul3A_2, %dma_start3A] : memref<10240x128xf32, #tpu.memory_space<vmem_shared>> -> memref<640x128xf32, #tpu.memory_space<vmem_shared>>
      tpu.enqueue_dma source(%arg5 : memref<640x128xf32, #tpu.memory_space<hbm>>) target(%dma_start3A_13 : memref<640x128xf32, #tpu.memory_space<vmem_shared>>) target_semaphore(%run_scoped3A : memref<!tpu.dma_semaphore, #tpu.memory_space<semaphore_mem>>)
      %dma_wait3A = arith.constant 0 : i32
      %dma_wait3A_14 = tpu.memref_slice %arg10[%mul3A_2, %dma_wait3A] : memref<10240x128xf32, #tpu.memory_space<vmem_shared>> -> memref<640x128xf32, #tpu.memory_space<vmem_shared>>
      tpu.wait_dma2 semaphore(%run_scoped3A : memref<!tpu.dma_semaphore, #tpu.memory_space<semaphore_mem>>) src(%arg5 : memref<640x128xf32, #tpu.memory_space<hbm>>) dst(%dma_wait3A_14 : memref<640x128xf32, #tpu.memory_space<vmem_shared>>)
      tpu.yield
    }) : () -> ()
    "tpu.region"() ({
      %run_scoped3A = tpu.sem_alloc : memref<!tpu.dma_semaphore, #tpu.memory_space<semaphore_mem>>
      %dma_start3A = arith.constant 0 : i32
      %dma_start3A_13 = arith.constant 0 : i32
      %dma_start3A_14 = tpu.memref_slice %arg3[%add3A, %dma_start3A, %dma_start3A_13] : memref<32x81x128xi32, #tpu.memory_space<hbm>> -> memref<1x81x128xi32, #tpu.memory_space<hbm>>
      %dma_start3A_15 = tpu.memref_squeeze %dma_start3A_14 : memref<1x81x128xi32, #tpu.memory_space<hbm>> -> memref<81x128xi32, #tpu.memory_space<hbm>>
      %dma_start3A_16 = arith.constant 0 : i32
      %dma_start3A_17 = arith.constant 0 : i32
      %dma_start3A_18 = tpu.memref_slice %arg3[%add3A, %dma_start3A_16, %dma_start3A_17] : memref<32x81x128xi32, #tpu.memory_space<hbm>> -> memref<1x81x128xi32, #tpu.memory_space<hbm>>
      %dma_start3A_19 = tpu.memref_squeeze %dma_start3A_18 : memref<1x81x128xi32, #tpu.memory_space<hbm>> -> memref<81x128xi32, #tpu.memory_space<hbm>>
      tpu.enqueue_dma source(%dma_start3A_19 : memref<81x128xi32, #tpu.memory_space<hbm>>) target(%arg7 : memref<81x128xi32, #tpu.memory_space<vmem>>) target_semaphore(%run_scoped3A : memref<!tpu.dma_semaphore, #tpu.memory_space<semaphore_mem>>)
      %dma_wait3A = arith.constant 0 : i32
      %dma_wait3A_20 = arith.constant 0 : i32
      %dma_wait3A_21 = tpu.memref_slice %arg3[%add3A, %dma_wait3A, %dma_wait3A_20] : memref<32x81x128xi32, #tpu.memory_space<hbm>> -> memref<1x81x128xi32, #tpu.memory_space<hbm>>
      %dma_wait3A_22 = tpu.memref_squeeze %dma_wait3A_21 : memref<1x81x128xi32, #tpu.memory_space<hbm>> -> memref<81x128xi32, #tpu.memory_space<hbm>>
      %dma_wait3A_23 = arith.constant 0 : i32
      %dma_wait3A_24 = arith.constant 0 : i32
      %dma_wait3A_25 = tpu.memref_slice %arg3[%add3A, %dma_wait3A_23, %dma_wait3A_24] : memref<32x81x128xi32, #tpu.memory_space<hbm>> -> memref<1x81x128xi32, #tpu.memory_space<hbm>>
      %dma_wait3A_26 = tpu.memref_squeeze %dma_wait3A_25 : memref<1x81x128xi32, #tpu.memory_space<hbm>> -> memref<81x128xi32, #tpu.memory_space<hbm>>
      tpu.wait_dma2 semaphore(%run_scoped3A : memref<!tpu.dma_semaphore, #tpu.memory_space<semaphore_mem>>) src(%dma_wait3A_26 : memref<81x128xi32, #tpu.memory_space<hbm>>) dst(%arg7 : memref<81x128xi32, #tpu.memory_space<vmem>>)
      tpu.yield
    }) : () -> ()
    "tpu.region"() ({
      %run_scoped3A = tpu.sem_alloc : memref<!tpu.dma_semaphore, #tpu.memory_space<semaphore_mem>>
      %dma_start3A = arith.constant 0 : i32
      %dma_start3A_13 = arith.constant 0 : i32
      %dma_start3A_14 = tpu.memref_slice %arg4[%add3A, %dma_start3A, %dma_start3A_13] : memref<32x81x128xi32, #tpu.memory_space<hbm>> -> memref<1x81x128xi32, #tpu.memory_space<hbm>>
      %dma_start3A_15 = tpu.memref_squeeze %dma_start3A_14 : memref<1x81x128xi32, #tpu.memory_space<hbm>> -> memref<81x128xi32, #tpu.memory_space<hbm>>
      %dma_start3A_16 = arith.constant 0 : i32
      %dma_start3A_17 = arith.constant 0 : i32
      %dma_start3A_18 = tpu.memref_slice %arg4[%add3A, %dma_start3A_16, %dma_start3A_17] : memref<32x81x128xi32, #tpu.memory_space<hbm>> -> memref<1x81x128xi32, #tpu.memory_space<hbm>>
      %dma_start3A_19 = tpu.memref_squeeze %dma_start3A_18 : memref<1x81x128xi32, #tpu.memory_space<hbm>> -> memref<81x128xi32, #tpu.memory_space<hbm>>
      tpu.enqueue_dma source(%dma_start3A_19 : memref<81x128xi32, #tpu.memory_space<hbm>>) target(%arg8 : memref<81x128xi32, #tpu.memory_space<vmem>>) target_semaphore(%run_scoped3A : memref<!tpu.dma_semaphore, #tpu.memory_space<semaphore_mem>>)
      %dma_wait3A = arith.constant 0 : i32
      %dma_wait3A_20 = arith.constant 0 : i32
      %dma_wait3A_21 = tpu.memref_slice %arg4[%add3A, %dma_wait3A, %dma_wait3A_20] : memref<32x81x128xi32, #tpu.memory_space<hbm>> -> memref<1x81x128xi32, #tpu.memory_space<hbm>>
      %dma_wait3A_22 = tpu.memref_squeeze %dma_wait3A_21 : memref<1x81x128xi32, #tpu.memory_space<hbm>> -> memref<81x128xi32, #tpu.memory_space<hbm>>
      %dma_wait3A_23 = arith.constant 0 : i32
      %dma_wait3A_24 = arith.constant 0 : i32
      %dma_wait3A_25 = tpu.memref_slice %arg4[%add3A, %dma_wait3A_23, %dma_wait3A_24] : memref<32x81x128xi32, #tpu.memory_space<hbm>> -> memref<1x81x128xi32, #tpu.memory_space<hbm>>
      %dma_wait3A_26 = tpu.memref_squeeze %dma_wait3A_25 : memref<1x81x128xi32, #tpu.memory_space<hbm>> -> memref<81x128xi32, #tpu.memory_space<hbm>>
      tpu.wait_dma2 semaphore(%run_scoped3A : memref<!tpu.dma_semaphore, #tpu.memory_space<semaphore_mem>>) src(%dma_wait3A_26 : memref<81x128xi32, #tpu.memory_space<hbm>>) dst(%arg8 : memref<81x128xi32, #tpu.memory_space<vmem>>)
      tpu.yield
    }) : () -> ()
    %barrier3A = arith.constant 0 : index
    tpu.barrier barrier_id(%barrier3A)
    %scan3A = arith.constant 0 : i32
    %scan3A_3 = arith.constant 0 : i32
    %scan3A_4 = arith.constant 81 : i32
    %scan3A_5 = arith.addi %scan3A_3, %scan3A_4 : i32
    %scan3A_6 = arith.constant 1 : i32
    scf.for %scan3A_13 = %scan3A_3 to %scan3A_5 step %scan3A_6  : i32 {
      %dma_start3A = arith.constant 0 : i32
      %dma_start3A_14 = tpu.memref_slice %arg7[%scan3A_13, %dma_start3A] : memref<81x128xi32, #tpu.memory_space<vmem>> -> memref<1x128xi32, #tpu.memory_space<vmem>>
      %dma_start3A_15 = tpu.memref_squeeze %dma_start3A_14 : memref<1x128xi32, #tpu.memory_space<vmem>> -> memref<128xi32, #tpu.memory_space<vmem>>
      %dma_start3A_16 = arith.constant 0 : i32
      %dma_start3A_17 = arith.constant 0 : i32
      %dma_start3A_18 = tpu.memref_slice %arg2[%dma_start3A_16, %dma_start3A_17] : memref<10240x128xf32, #tpu.memory_space<hbm>> -> memref<10240x128xf32, #tpu.memory_space<hbm>>
      tpu.enqueue_indirect_dma source(%dma_start3A_18 : memref<10240x128xf32, #tpu.memory_space<hbm>>) target(%arg9 : memref<128x128xf32, #tpu.memory_space<vmem>>) offsets(%dma_start3A_15 : memref<128xi32, #tpu.memory_space<vmem>>) semaphore(%arg11 : memref<!tpu.dma_semaphore, #tpu.memory_space<semaphore_mem>>)
      %dma_wait3A = arith.constant 0 : i32
      %dma_wait3A_19 = tpu.memref_slice %arg7[%scan3A_13, %dma_wait3A] : memref<81x128xi32, #tpu.memory_space<vmem>> -> memref<1x128xi32, #tpu.memory_space<vmem>>
      %dma_wait3A_20 = tpu.memref_squeeze %dma_wait3A_19 : memref<1x128xi32, #tpu.memory_space<vmem>> -> memref<128xi32, #tpu.memory_space<vmem>>
      %dma_wait3A_21 = arith.constant 0 : i32
      %dma_wait3A_22 = arith.constant 0 : i32
      %dma_wait3A_23 = tpu.memref_slice %arg2[%dma_wait3A_21, %dma_wait3A_22] : memref<10240x128xf32, #tpu.memory_space<hbm>> -> memref<10240x128xf32, #tpu.memory_space<hbm>>
      tpu.wait_indirect_dma semaphore(%arg11 : memref<!tpu.dma_semaphore, #tpu.memory_space<semaphore_mem>>) src(%dma_wait3A_23 : memref<10240x128xf32, #tpu.memory_space<hbm>>) dst(%arg9 : memref<128x128xf32, #tpu.memory_space<vmem>>)
      "tpu.region"() ({
        %run_scoped3A = tpu.sem_alloc : memref<!tpu.dma_semaphore, #tpu.memory_space<semaphore_mem>>
        %dma_start3A_24 = arith.constant 0 : i32
        %dma_start3A_25 = tpu.memref_slice %arg8[%scan3A_13, %dma_start3A_24] : memref<81x128xi32, #tpu.memory_space<vmem>> -> memref<1x128xi32, #tpu.memory_space<vmem>>
        %dma_start3A_26 = tpu.memref_squeeze %dma_start3A_25 : memref<1x128xi32, #tpu.memory_space<vmem>> -> memref<128xi32, #tpu.memory_space<vmem>>
        %dma_start3A_27 = arith.constant 0 : i32
        %dma_start3A_28 = arith.constant 0 : i32
        %dma_start3A_29 = tpu.memref_slice %arg10[%dma_start3A_27, %dma_start3A_28] : memref<10240x128xf32, #tpu.memory_space<vmem_shared>> -> memref<10240x128xf32, #tpu.memory_space<vmem_shared>>
        tpu.enqueue_indirect_dma source(%arg9 : memref<128x128xf32, #tpu.memory_space<vmem>>) target(%dma_start3A_29 : memref<10240x128xf32, #tpu.memory_space<vmem_shared>>) offsets(%dma_start3A_26 : memref<128xi32, #tpu.memory_space<vmem>>) semaphore(%run_scoped3A : memref<!tpu.dma_semaphore, #tpu.memory_space<semaphore_mem>>) {add = true}
        %dma_wait3A_30 = arith.constant 0 : i32
        %dma_wait3A_31 = tpu.memref_slice %arg8[%scan3A_13, %dma_wait3A_30] : memref<81x128xi32, #tpu.memory_space<vmem>> -> memref<1x128xi32, #tpu.memory_space<vmem>>
        %dma_wait3A_32 = tpu.memref_squeeze %dma_wait3A_31 : memref<1x128xi32, #tpu.memory_space<vmem>> -> memref<128xi32, #tpu.memory_space<vmem>>
        %dma_wait3A_33 = arith.constant 0 : i32
        %dma_wait3A_34 = arith.constant 0 : i32
        %dma_wait3A_35 = tpu.memref_slice %arg10[%dma_wait3A_33, %dma_wait3A_34] : memref<10240x128xf32, #tpu.memory_space<vmem_shared>> -> memref<10240x128xf32, #tpu.memory_space<vmem_shared>>
        tpu.wait_indirect_dma semaphore(%run_scoped3A : memref<!tpu.dma_semaphore, #tpu.memory_space<semaphore_mem>>) src(%arg9 : memref<128x128xf32, #tpu.memory_space<vmem>>) dst(%dma_wait3A_35 : memref<10240x128xf32, #tpu.memory_space<vmem_shared>>)
        tpu.yield
      }) : () -> ()
    }
    %scan3A_7 = arith.constant 81 : i32
    %barrier3A_8 = arith.constant 0 : index
    tpu.barrier barrier_id(%barrier3A_8)
    %mul3A_9 = arith.constant 640 : i32
    %mul3A_10 = arith.muli %arg1, %mul3A_9 : i32
    %mul3A_11 = arith.constant 640 : i32
    %mul3A_12 = arith.muli %arg1, %mul3A_11 : i32
    "tpu.region"() ({
      %run_scoped3A = tpu.sem_alloc : memref<!tpu.dma_semaphore, #tpu.memory_space<semaphore_mem>>
      %dma_start3A = arith.constant 0 : i32
      %dma_start3A_13 = tpu.memref_slice %arg6[%arg0, %mul3A_12, %dma_start3A] : memref<2x10240x128xf32, #tpu.memory_space<hbm>> -> memref<1x640x128xf32, #tpu.memory_space<hbm>>
      %dma_start3A_14 = tpu.memref_squeeze %dma_start3A_13 : memref<1x640x128xf32, #tpu.memory_space<hbm>> -> memref<640x128xf32, #tpu.memory_space<hbm>>
      %dma_start3A_15 = arith.constant 0 : i32
      %dma_start3A_16 = tpu.memref_slice %arg10[%mul3A_10, %dma_start3A_15] : memref<10240x128xf32, #tpu.memory_space<vmem_shared>> -> memref<640x128xf32, #tpu.memory_space<vmem_shared>>
      tpu.enqueue_dma source(%dma_start3A_16 : memref<640x128xf32, #tpu.memory_space<vmem_shared>>) target(%dma_start3A_14 : memref<640x128xf32, #tpu.memory_space<hbm>>) target_semaphore(%run_scoped3A : memref<!tpu.dma_semaphore, #tpu.memory_space<semaphore_mem>>)
      %dma_wait3A = arith.constant 0 : i32
      %dma_wait3A_17 = tpu.memref_slice %arg6[%arg0, %mul3A_12, %dma_wait3A] : memref<2x10240x128xf32, #tpu.memory_space<hbm>> -> memref<1x640x128xf32, #tpu.memory_space<hbm>>
      %dma_wait3A_18 = tpu.memref_squeeze %dma_wait3A_17 : memref<1x640x128xf32, #tpu.memory_space<hbm>> -> memref<640x128xf32, #tpu.memory_space<hbm>>
      %dma_wait3A_19 = arith.constant 0 : i32
      %dma_wait3A_20 = tpu.memref_slice %arg10[%mul3A_10, %dma_wait3A_19] : memref<10240x128xf32, #tpu.memory_space<vmem_shared>> -> memref<640x128xf32, #tpu.memory_space<vmem_shared>>
      tpu.wait_dma2 semaphore(%run_scoped3A : memref<!tpu.dma_semaphore, #tpu.memory_space<semaphore_mem>>) src(%dma_wait3A_20 : memref<640x128xf32, #tpu.memory_space<vmem_shared>>) dst(%dma_wait3A_18 : memref<640x128xf32, #tpu.memory_space<hbm>>)
      tpu.yield
    }) : () -> ()
    return
  }
}

#map = affine_map<(d0, d1) -> (0, 0, 0)>
#map1 = affine_map<(d0, d1) -> (0)>
#map2 = affine_map<(d0, d1) -> (0, 0)>
module attributes {stable_mosaic.version = 14 : i64} {
  func.func @deg(%arg0: i32, %arg1: i32, %arg2: memref<32x81x128xi32, #tpu.memory_space<hbm>>, %arg3: memref<10240xf32, #tpu.memory_space<hbm>>, %arg4: memref<32x10240xf32, #tpu.memory_space<hbm>>, %arg5: memref<81x128xi32, #tpu.memory_space<vmem>>, %arg6: memref<10240xf32, #tpu.memory_space<vmem>>) attributes {dimension_semantics = [#tpu.dimension_semantics<core_parallel>, #tpu.dimension_semantics<subcore_parallel>], iteration_bounds = array<i64: 2, 16>, scalar_prefetch = 0 : i64, scratch_operands = 2 : i64, tpu.core_type = #tpu.core_type<sc_vector_subcore>, window_params = [{transform_indices = #map}, {transform_indices = #map1}, {transform_indices = #map2}]} {
    %mul3A = arith.constant 16 : i32
    %mul3A_0 = arith.muli %arg0, %mul3A : i32
    %add3A = arith.addi %mul3A_0, %arg1 : i32
    "tpu.region"() ({
      %run_scoped3A = tpu.sem_alloc : memref<!tpu.dma_semaphore, #tpu.memory_space<semaphore_mem>>
      tpu.enqueue_dma source(%arg3 : memref<10240xf32, #tpu.memory_space<hbm>>) target(%arg6 : memref<10240xf32, #tpu.memory_space<vmem>>) target_semaphore(%run_scoped3A : memref<!tpu.dma_semaphore, #tpu.memory_space<semaphore_mem>>)
      tpu.wait_dma2 semaphore(%run_scoped3A : memref<!tpu.dma_semaphore, #tpu.memory_space<semaphore_mem>>) src(%arg3 : memref<10240xf32, #tpu.memory_space<hbm>>) dst(%arg6 : memref<10240xf32, #tpu.memory_space<vmem>>)
      tpu.yield
    }) : () -> ()
    "tpu.region"() ({
      %run_scoped3A = tpu.sem_alloc : memref<!tpu.dma_semaphore, #tpu.memory_space<semaphore_mem>>
      %dma_start3A = arith.constant 0 : i32
      %dma_start3A_7 = arith.constant 0 : i32
      %dma_start3A_8 = tpu.memref_slice %arg2[%add3A, %dma_start3A, %dma_start3A_7] : memref<32x81x128xi32, #tpu.memory_space<hbm>> -> memref<1x81x128xi32, #tpu.memory_space<hbm>>
      %dma_start3A_9 = tpu.memref_squeeze %dma_start3A_8 : memref<1x81x128xi32, #tpu.memory_space<hbm>> -> memref<81x128xi32, #tpu.memory_space<hbm>>
      %dma_start3A_10 = arith.constant 0 : i32
      %dma_start3A_11 = arith.constant 0 : i32
      %dma_start3A_12 = tpu.memref_slice %arg2[%add3A, %dma_start3A_10, %dma_start3A_11] : memref<32x81x128xi32, #tpu.memory_space<hbm>> -> memref<1x81x128xi32, #tpu.memory_space<hbm>>
      %dma_start3A_13 = tpu.memref_squeeze %dma_start3A_12 : memref<1x81x128xi32, #tpu.memory_space<hbm>> -> memref<81x128xi32, #tpu.memory_space<hbm>>
      tpu.enqueue_dma source(%dma_start3A_13 : memref<81x128xi32, #tpu.memory_space<hbm>>) target(%arg5 : memref<81x128xi32, #tpu.memory_space<vmem>>) target_semaphore(%run_scoped3A : memref<!tpu.dma_semaphore, #tpu.memory_space<semaphore_mem>>)
      %dma_wait3A = arith.constant 0 : i32
      %dma_wait3A_14 = arith.constant 0 : i32
      %dma_wait3A_15 = tpu.memref_slice %arg2[%add3A, %dma_wait3A, %dma_wait3A_14] : memref<32x81x128xi32, #tpu.memory_space<hbm>> -> memref<1x81x128xi32, #tpu.memory_space<hbm>>
      %dma_wait3A_16 = tpu.memref_squeeze %dma_wait3A_15 : memref<1x81x128xi32, #tpu.memory_space<hbm>> -> memref<81x128xi32, #tpu.memory_space<hbm>>
      %dma_wait3A_17 = arith.constant 0 : i32
      %dma_wait3A_18 = arith.constant 0 : i32
      %dma_wait3A_19 = tpu.memref_slice %arg2[%add3A, %dma_wait3A_17, %dma_wait3A_18] : memref<32x81x128xi32, #tpu.memory_space<hbm>> -> memref<1x81x128xi32, #tpu.memory_space<hbm>>
      %dma_wait3A_20 = tpu.memref_squeeze %dma_wait3A_19 : memref<1x81x128xi32, #tpu.memory_space<hbm>> -> memref<81x128xi32, #tpu.memory_space<hbm>>
      tpu.wait_dma2 semaphore(%run_scoped3A : memref<!tpu.dma_semaphore, #tpu.memory_space<semaphore_mem>>) src(%dma_wait3A_20 : memref<81x128xi32, #tpu.memory_space<hbm>>) dst(%arg5 : memref<81x128xi32, #tpu.memory_space<vmem>>)
      tpu.yield
    }) : () -> ()
    %broadcast_in_dim3A = arith.constant 1.000000e+00 : f32
    %broadcast_in_dim3A_1 = vector.broadcast %broadcast_in_dim3A : f32 to vector<16xf32>
    %scan3A = arith.constant 0 : i32
    %scan3A_2 = arith.constant 0 : i32
    %scan3A_3 = arith.constant 648 : i32
    %scan3A_4 = arith.addi %scan3A_2, %scan3A_3 : i32
    %scan3A_5 = arith.constant 1 : i32
    scf.for %scan3A_7 = %scan3A_2 to %scan3A_4 step %scan3A_5  : i32 {
      %jit3A = arith.constant 8 : i32
      %div3A = arith.divsi %scan3A_7, %jit3A : i32
      %sign3A = arith.constant 0 : i32
      %sign3A_8 = arith.cmpi sgt, %scan3A_7, %sign3A : i32
      %sign3A_9 = arith.extui %sign3A_8 : i1 to i32
      %sign3A_10 = arith.constant 0 : i32
      %sign3A_11 = arith.cmpi slt, %scan3A_7, %sign3A_10 : i32
      %sign3A_12 = arith.extui %sign3A_11 : i1 to i32
      %sign3A_13 = arith.subi %sign3A_9, %sign3A_12 : i32
      %sign3A_14 = arith.constant 0 : i32
      %sign3A_15 = arith.cmpi sgt, %jit3A, %sign3A_14 : i32
      %sign3A_16 = arith.extui %sign3A_15 : i1 to i32
      %sign3A_17 = arith.constant 0 : i32
      %sign3A_18 = arith.cmpi slt, %jit3A, %sign3A_17 : i32
      %sign3A_19 = arith.extui %sign3A_18 : i1 to i32
      %sign3A_20 = arith.subi %sign3A_16, %sign3A_19 : i32
      %ne3A = arith.cmpi ne, %sign3A_13, %sign3A_20 : i32
      %rem3A = arith.remsi %scan3A_7, %jit3A : i32
      %ne3A_21 = arith.constant 0 : i32
      %ne3A_22 = arith.cmpi ne, %rem3A, %ne3A_21 : i32
      %and3A = arith.andi %ne3A, %ne3A_22 : i1
      %sub3A = arith.constant 1 : i32
      %sub3A_23 = arith.subi %div3A, %sub3A : i32
      %select_n3A = arith.select %and3A, %sub3A_23, %div3A : i32
      %jit3A_24 = arith.constant 8 : i32
      %eq3A = arith.constant 0 : i32
      %eq3A_25 = arith.cmpi eq, %jit3A_24, %eq3A : i32
      %jit3A_26 = arith.constant 1 : i32
      %select_n3A_27 = arith.select %eq3A_25, %jit3A_26, %jit3A_24 : i32
      %rem3A_28 = arith.remsi %scan3A_7, %select_n3A_27 : i32
      %ne3A_29 = arith.constant 0 : i32
      %ne3A_30 = arith.cmpi ne, %rem3A_28, %ne3A_29 : i32
      %lt3A = arith.constant 0 : i32
      %lt3A_31 = arith.cmpi slt, %rem3A_28, %lt3A : i32
      %lt3A_32 = arith.constant 0 : i32
      %lt3A_33 = arith.cmpi slt, %select_n3A_27, %lt3A_32 : i32
      %ne3A_34 = arith.xori %lt3A_31, %lt3A_33 : i1
      %and3A_35 = arith.andi %ne3A_34, %ne3A_30 : i1
      %add3A_36 = arith.addi %rem3A_28, %select_n3A_27 : i32
      %select_n3A_37 = arith.select %and3A_35, %add3A_36, %rem3A_28 : i32
      %mul3A_38 = arith.constant 16 : i32
      %mul3A_39 = arith.muli %select_n3A_37, %mul3A_38 : i32
      %get3A = arith.index_cast %select_n3A : i32 to index
      %get3A_40 = arith.index_cast %mul3A_39 : i32 to index
      %get3A_41 = tpu.vector_load %arg5[%get3A, %get3A_40] {strides = array<i32>} : memref<81x128xi32, #tpu.memory_space<vmem>>, vector<16xi32>,
      tpu.vector_store_idx %arg6[%get3A_41], %broadcast_in_dim3A_1 {add = true} : memref<10240xf32, #tpu.memory_space<vmem>>[vector<16xi32>], vector<16xf32>,
    }
    %scan3A_6 = arith.constant 648 : i32
    "tpu.region"() ({
      %run_scoped3A = tpu.sem_alloc : memref<!tpu.dma_semaphore, #tpu.memory_space<semaphore_mem>>
      %dma_start3A = arith.constant 0 : i32
      %dma_start3A_7 = tpu.memref_slice %arg4[%add3A, %dma_start3A] : memref<32x10240xf32, #tpu.memory_space<hbm>> -> memref<1x10240xf32, #tpu.memory_space<hbm>>
      %dma_start3A_8 = tpu.memref_squeeze %dma_start3A_7 : memref<1x10240xf32, #tpu.memory_space<hbm>> -> memref<10240xf32, #tpu.memory_space<hbm>>
      %dma_start3A_9 = arith.constant 0 : i32
      %dma_start3A_10 = tpu.memref_slice %arg4[%add3A, %dma_start3A_9] : memref<32x10240xf32, #tpu.memory_space<hbm>> -> memref<1x10240xf32, #tpu.memory_space<hbm>>
      %dma_start3A_11 = tpu.memref_squeeze %dma_start3A_10 : memref<1x10240xf32, #tpu.memory_space<hbm>> -> memref<10240xf32, #tpu.memory_space<hbm>>
      tpu.enqueue_dma source(%arg6 : memref<10240xf32, #tpu.memory_space<vmem>>) target(%dma_start3A_11 : memref<10240xf32, #tpu.memory_space<hbm>>) target_semaphore(%run_scoped3A : memref<!tpu.dma_semaphore, #tpu.memory_space<semaphore_mem>>)
      %dma_wait3A = arith.constant 0 : i32
      %dma_wait3A_12 = tpu.memref_slice %arg4[%add3A, %dma_wait3A] : memref<32x10240xf32, #tpu.memory_space<hbm>> -> memref<1x10240xf32, #tpu.memory_space<hbm>>
      %dma_wait3A_13 = tpu.memref_squeeze %dma_wait3A_12 : memref<1x10240xf32, #tpu.memory_space<hbm>> -> memref<10240xf32, #tpu.memory_space<hbm>>
      %dma_wait3A_14 = arith.constant 0 : i32
      %dma_wait3A_15 = tpu.memref_slice %arg4[%add3A, %dma_wait3A_14] : memref<32x10240xf32, #tpu.memory_space<hbm>> -> memref<1x10240xf32, #tpu.memory_space<hbm>>
      %dma_wait3A_16 = tpu.memref_squeeze %dma_wait3A_15 : memref<1x10240xf32, #tpu.memory_space<hbm>> -> memref<10240xf32, #tpu.memory_space<hbm>>
      tpu.wait_dma2 semaphore(%run_scoped3A : memref<!tpu.dma_semaphore, #tpu.memory_space<semaphore_mem>>) src(%arg6 : memref<10240xf32, #tpu.memory_space<vmem>>) dst(%dma_wait3A_16 : memref<10240xf32, #tpu.memory_space<hbm>>)
      tpu.yield
    }) : () -> ()
    return
  }
}

#map = affine_map<(d0, d1) -> (0, 0)>
#map1 = affine_map<(d0, d1) -> (0, 0, 0)>
module attributes {stable_mosaic.version = 14 : i64} {
  func.func @agg(%arg0: i32, %arg1: i32, %arg2: memref<10240x128xf32, #tpu.memory_space<hbm>>, %arg3: memref<32x81x128xi32, #tpu.memory_space<hbm>>, %arg4: memref<32x81x128xi32, #tpu.memory_space<hbm>>, %arg5: memref<640x128xf32, #tpu.memory_space<hbm>>, %arg6: memref<2x10240x128xf32, #tpu.memory_space<hbm>>, %arg7: memref<81x128xi32, #tpu.memory_space<vmem>>, %arg8: memref<81x128xi32, #tpu.memory_space<vmem>>, %arg9: memref<128x128xf32, #tpu.memory_space<vmem>>, %arg10: memref<10240x128xf32, #tpu.memory_space<vmem_shared>>, %arg11: memref<!tpu.dma_semaphore, #tpu.memory_space<semaphore_mem>>) attributes {dimension_semantics = [#tpu.dimension_semantics<core_parallel>, #tpu.dimension_semantics<subcore_parallel>], iteration_bounds = array<i64: 2, 16>, scalar_prefetch = 0 : i64, scratch_operands = 5 : i64, tpu.core_type = #tpu.core_type<sc_vector_subcore>, window_params = [{transform_indices = #map}, {transform_indices = #map1}, {transform_indices = #map1}, {transform_indices = #map}, {transform_indices = #map1}]} {
    %mul3A = arith.constant 16 : i32
    %mul3A_0 = arith.muli %arg0, %mul3A : i32
    %add3A = arith.addi %mul3A_0, %arg1 : i32
    %mul3A_1 = arith.constant 640 : i32
    %mul3A_2 = arith.muli %arg1, %mul3A_1 : i32
    "tpu.region"() ({
      %run_scoped3A = tpu.sem_alloc : memref<!tpu.dma_semaphore, #tpu.memory_space<semaphore_mem>>
      %dma_start3A = arith.constant 0 : i32
      %dma_start3A_13 = tpu.memref_slice %arg10[%mul3A_2, %dma_start3A] : memref<10240x128xf32, #tpu.memory_space<vmem_shared>> -> memref<640x128xf32, #tpu.memory_space<vmem_shared>>
      tpu.enqueue_dma source(%arg5 : memref<640x128xf32, #tpu.memory_space<hbm>>) target(%dma_start3A_13 : memref<640x128xf32, #tpu.memory_space<vmem_shared>>) target_semaphore(%run_scoped3A : memref<!tpu.dma_semaphore, #tpu.memory_space<semaphore_mem>>)
      %dma_wait3A = arith.constant 0 : i32
      %dma_wait3A_14 = tpu.memref_slice %arg10[%mul3A_2, %dma_wait3A] : memref<10240x128xf32, #tpu.memory_space<vmem_shared>> -> memref<640x128xf32, #tpu.memory_space<vmem_shared>>
      tpu.wait_dma2 semaphore(%run_scoped3A : memref<!tpu.dma_semaphore, #tpu.memory_space<semaphore_mem>>) src(%arg5 : memref<640x128xf32, #tpu.memory_space<hbm>>) dst(%dma_wait3A_14 : memref<640x128xf32, #tpu.memory_space<vmem_shared>>)
      tpu.yield
    }) : () -> ()
    "tpu.region"() ({
      %run_scoped3A = tpu.sem_alloc : memref<!tpu.dma_semaphore, #tpu.memory_space<semaphore_mem>>
      %dma_start3A = arith.constant 0 : i32
      %dma_start3A_13 = arith.constant 0 : i32
      %dma_start3A_14 = tpu.memref_slice %arg3[%add3A, %dma_start3A, %dma_start3A_13] : memref<32x81x128xi32, #tpu.memory_space<hbm>> -> memref<1x81x128xi32, #tpu.memory_space<hbm>>
      %dma_start3A_15 = tpu.memref_squeeze %dma_start3A_14 : memref<1x81x128xi32, #tpu.memory_space<hbm>> -> memref<81x128xi32, #tpu.memory_space<hbm>>
      %dma_start3A_16 = arith.constant 0 : i32
      %dma_start3A_17 = arith.constant 0 : i32
      %dma_start3A_18 = tpu.memref_slice %arg3[%add3A, %dma_start3A_16, %dma_start3A_17] : memref<32x81x128xi32, #tpu.memory_space<hbm>> -> memref<1x81x128xi32, #tpu.memory_space<hbm>>
      %dma_start3A_19 = tpu.memref_squeeze %dma_start3A_18 : memref<1x81x128xi32, #tpu.memory_space<hbm>> -> memref<81x128xi32, #tpu.memory_space<hbm>>
      tpu.enqueue_dma source(%dma_start3A_19 : memref<81x128xi32, #tpu.memory_space<hbm>>) target(%arg7 : memref<81x128xi32, #tpu.memory_space<vmem>>) target_semaphore(%run_scoped3A : memref<!tpu.dma_semaphore, #tpu.memory_space<semaphore_mem>>)
      %dma_wait3A = arith.constant 0 : i32
      %dma_wait3A_20 = arith.constant 0 : i32
      %dma_wait3A_21 = tpu.memref_slice %arg3[%add3A, %dma_wait3A, %dma_wait3A_20] : memref<32x81x128xi32, #tpu.memory_space<hbm>> -> memref<1x81x128xi32, #tpu.memory_space<hbm>>
      %dma_wait3A_22 = tpu.memref_squeeze %dma_wait3A_21 : memref<1x81x128xi32, #tpu.memory_space<hbm>> -> memref<81x128xi32, #tpu.memory_space<hbm>>
      %dma_wait3A_23 = arith.constant 0 : i32
      %dma_wait3A_24 = arith.constant 0 : i32
      %dma_wait3A_25 = tpu.memref_slice %arg3[%add3A, %dma_wait3A_23, %dma_wait3A_24] : memref<32x81x128xi32, #tpu.memory_space<hbm>> -> memref<1x81x128xi32, #tpu.memory_space<hbm>>
      %dma_wait3A_26 = tpu.memref_squeeze %dma_wait3A_25 : memref<1x81x128xi32, #tpu.memory_space<hbm>> -> memref<81x128xi32, #tpu.memory_space<hbm>>
      tpu.wait_dma2 semaphore(%run_scoped3A : memref<!tpu.dma_semaphore, #tpu.memory_space<semaphore_mem>>) src(%dma_wait3A_26 : memref<81x128xi32, #tpu.memory_space<hbm>>) dst(%arg7 : memref<81x128xi32, #tpu.memory_space<vmem>>)
      tpu.yield
    }) : () -> ()
    "tpu.region"() ({
      %run_scoped3A = tpu.sem_alloc : memref<!tpu.dma_semaphore, #tpu.memory_space<semaphore_mem>>
      %dma_start3A = arith.constant 0 : i32
      %dma_start3A_13 = arith.constant 0 : i32
      %dma_start3A_14 = tpu.memref_slice %arg4[%add3A, %dma_start3A, %dma_start3A_13] : memref<32x81x128xi32, #tpu.memory_space<hbm>> -> memref<1x81x128xi32, #tpu.memory_space<hbm>>
      %dma_start3A_15 = tpu.memref_squeeze %dma_start3A_14 : memref<1x81x128xi32, #tpu.memory_space<hbm>> -> memref<81x128xi32, #tpu.memory_space<hbm>>
      %dma_start3A_16 = arith.constant 0 : i32
      %dma_start3A_17 = arith.constant 0 : i32
      %dma_start3A_18 = tpu.memref_slice %arg4[%add3A, %dma_start3A_16, %dma_start3A_17] : memref<32x81x128xi32, #tpu.memory_space<hbm>> -> memref<1x81x128xi32, #tpu.memory_space<hbm>>
      %dma_start3A_19 = tpu.memref_squeeze %dma_start3A_18 : memref<1x81x128xi32, #tpu.memory_space<hbm>> -> memref<81x128xi32, #tpu.memory_space<hbm>>
      tpu.enqueue_dma source(%dma_start3A_19 : memref<81x128xi32, #tpu.memory_space<hbm>>) target(%arg8 : memref<81x128xi32, #tpu.memory_space<vmem>>) target_semaphore(%run_scoped3A : memref<!tpu.dma_semaphore, #tpu.memory_space<semaphore_mem>>)
      %dma_wait3A = arith.constant 0 : i32
      %dma_wait3A_20 = arith.constant 0 : i32
      %dma_wait3A_21 = tpu.memref_slice %arg4[%add3A, %dma_wait3A, %dma_wait3A_20] : memref<32x81x128xi32, #tpu.memory_space<hbm>> -> memref<1x81x128xi32, #tpu.memory_space<hbm>>
      %dma_wait3A_22 = tpu.memref_squeeze %dma_wait3A_21 : memref<1x81x128xi32, #tpu.memory_space<hbm>> -> memref<81x128xi32, #tpu.memory_space<hbm>>
      %dma_wait3A_23 = arith.constant 0 : i32
      %dma_wait3A_24 = arith.constant 0 : i32
      %dma_wait3A_25 = tpu.memref_slice %arg4[%add3A, %dma_wait3A_23, %dma_wait3A_24] : memref<32x81x128xi32, #tpu.memory_space<hbm>> -> memref<1x81x128xi32, #tpu.memory_space<hbm>>
      %dma_wait3A_26 = tpu.memref_squeeze %dma_wait3A_25 : memref<1x81x128xi32, #tpu.memory_space<hbm>> -> memref<81x128xi32, #tpu.memory_space<hbm>>
      tpu.wait_dma2 semaphore(%run_scoped3A : memref<!tpu.dma_semaphore, #tpu.memory_space<semaphore_mem>>) src(%dma_wait3A_26 : memref<81x128xi32, #tpu.memory_space<hbm>>) dst(%arg8 : memref<81x128xi32, #tpu.memory_space<vmem>>)
      tpu.yield
    }) : () -> ()
    %barrier3A = arith.constant 0 : index
    tpu.barrier barrier_id(%barrier3A)
    %scan3A = arith.constant 0 : i32
    %scan3A_3 = arith.constant 0 : i32
    %scan3A_4 = arith.constant 81 : i32
    %scan3A_5 = arith.addi %scan3A_3, %scan3A_4 : i32
    %scan3A_6 = arith.constant 1 : i32
    scf.for %scan3A_13 = %scan3A_3 to %scan3A_5 step %scan3A_6  : i32 {
      %dma_start3A = arith.constant 0 : i32
      %dma_start3A_14 = tpu.memref_slice %arg7[%scan3A_13, %dma_start3A] : memref<81x128xi32, #tpu.memory_space<vmem>> -> memref<1x128xi32, #tpu.memory_space<vmem>>
      %dma_start3A_15 = tpu.memref_squeeze %dma_start3A_14 : memref<1x128xi32, #tpu.memory_space<vmem>> -> memref<128xi32, #tpu.memory_space<vmem>>
      %dma_start3A_16 = arith.constant 0 : i32
      %dma_start3A_17 = arith.constant 0 : i32
      %dma_start3A_18 = tpu.memref_slice %arg2[%dma_start3A_16, %dma_start3A_17] : memref<10240x128xf32, #tpu.memory_space<hbm>> -> memref<10240x128xf32, #tpu.memory_space<hbm>>
      tpu.enqueue_indirect_dma source(%dma_start3A_18 : memref<10240x128xf32, #tpu.memory_space<hbm>>) target(%arg9 : memref<128x128xf32, #tpu.memory_space<vmem>>) offsets(%dma_start3A_15 : memref<128xi32, #tpu.memory_space<vmem>>) semaphore(%arg11 : memref<!tpu.dma_semaphore, #tpu.memory_space<semaphore_mem>>)
      %dma_wait3A = arith.constant 0 : i32
      %dma_wait3A_19 = tpu.memref_slice %arg7[%scan3A_13, %dma_wait3A] : memref<81x128xi32, #tpu.memory_space<vmem>> -> memref<1x128xi32, #tpu.memory_space<vmem>>
      %dma_wait3A_20 = tpu.memref_squeeze %dma_wait3A_19 : memref<1x128xi32, #tpu.memory_space<vmem>> -> memref<128xi32, #tpu.memory_space<vmem>>
      %dma_wait3A_21 = arith.constant 0 : i32
      %dma_wait3A_22 = arith.constant 0 : i32
      %dma_wait3A_23 = tpu.memref_slice %arg2[%dma_wait3A_21, %dma_wait3A_22] : memref<10240x128xf32, #tpu.memory_space<hbm>> -> memref<10240x128xf32, #tpu.memory_space<hbm>>
      tpu.wait_indirect_dma semaphore(%arg11 : memref<!tpu.dma_semaphore, #tpu.memory_space<semaphore_mem>>) src(%dma_wait3A_23 : memref<10240x128xf32, #tpu.memory_space<hbm>>) dst(%arg9 : memref<128x128xf32, #tpu.memory_space<vmem>>)
      "tpu.region"() ({
        %run_scoped3A = tpu.sem_alloc : memref<!tpu.dma_semaphore, #tpu.memory_space<semaphore_mem>>
        %dma_start3A_24 = arith.constant 0 : i32
        %dma_start3A_25 = tpu.memref_slice %arg8[%scan3A_13, %dma_start3A_24] : memref<81x128xi32, #tpu.memory_space<vmem>> -> memref<1x128xi32, #tpu.memory_space<vmem>>
        %dma_start3A_26 = tpu.memref_squeeze %dma_start3A_25 : memref<1x128xi32, #tpu.memory_space<vmem>> -> memref<128xi32, #tpu.memory_space<vmem>>
        %dma_start3A_27 = arith.constant 0 : i32
        %dma_start3A_28 = arith.constant 0 : i32
        %dma_start3A_29 = tpu.memref_slice %arg10[%dma_start3A_27, %dma_start3A_28] : memref<10240x128xf32, #tpu.memory_space<vmem_shared>> -> memref<10240x128xf32, #tpu.memory_space<vmem_shared>>
        tpu.enqueue_indirect_dma source(%arg9 : memref<128x128xf32, #tpu.memory_space<vmem>>) target(%dma_start3A_29 : memref<10240x128xf32, #tpu.memory_space<vmem_shared>>) offsets(%dma_start3A_26 : memref<128xi32, #tpu.memory_space<vmem>>) semaphore(%run_scoped3A : memref<!tpu.dma_semaphore, #tpu.memory_space<semaphore_mem>>) {add = true}
        %dma_wait3A_30 = arith.constant 0 : i32
        %dma_wait3A_31 = tpu.memref_slice %arg8[%scan3A_13, %dma_wait3A_30] : memref<81x128xi32, #tpu.memory_space<vmem>> -> memref<1x128xi32, #tpu.memory_space<vmem>>
        %dma_wait3A_32 = tpu.memref_squeeze %dma_wait3A_31 : memref<1x128xi32, #tpu.memory_space<vmem>> -> memref<128xi32, #tpu.memory_space<vmem>>
        %dma_wait3A_33 = arith.constant 0 : i32
        %dma_wait3A_34 = arith.constant 0 : i32
        %dma_wait3A_35 = tpu.memref_slice %arg10[%dma_wait3A_33, %dma_wait3A_34] : memref<10240x128xf32, #tpu.memory_space<vmem_shared>> -> memref<10240x128xf32, #tpu.memory_space<vmem_shared>>
        tpu.wait_indirect_dma semaphore(%run_scoped3A : memref<!tpu.dma_semaphore, #tpu.memory_space<semaphore_mem>>) src(%arg9 : memref<128x128xf32, #tpu.memory_space<vmem>>) dst(%dma_wait3A_35 : memref<10240x128xf32, #tpu.memory_space<vmem_shared>>)
        tpu.yield
      }) : () -> ()
    }
    %scan3A_7 = arith.constant 81 : i32
    %barrier3A_8 = arith.constant 0 : index
    tpu.barrier barrier_id(%barrier3A_8)
    %mul3A_9 = arith.constant 640 : i32
    %mul3A_10 = arith.muli %arg1, %mul3A_9 : i32
    %mul3A_11 = arith.constant 640 : i32
    %mul3A_12 = arith.muli %arg1, %mul3A_11 : i32
    "tpu.region"() ({
      %run_scoped3A = tpu.sem_alloc : memref<!tpu.dma_semaphore, #tpu.memory_space<semaphore_mem>>
      %dma_start3A = arith.constant 0 : i32
      %dma_start3A_13 = tpu.memref_slice %arg6[%arg0, %mul3A_12, %dma_start3A] : memref<2x10240x128xf32, #tpu.memory_space<hbm>> -> memref<1x640x128xf32, #tpu.memory_space<hbm>>
      %dma_start3A_14 = tpu.memref_squeeze %dma_start3A_13 : memref<1x640x128xf32, #tpu.memory_space<hbm>> -> memref<640x128xf32, #tpu.memory_space<hbm>>
      %dma_start3A_15 = arith.constant 0 : i32
      %dma_start3A_16 = tpu.memref_slice %arg10[%mul3A_10, %dma_start3A_15] : memref<10240x128xf32, #tpu.memory_space<vmem_shared>> -> memref<640x128xf32, #tpu.memory_space<vmem_shared>>
      tpu.enqueue_dma source(%dma_start3A_16 : memref<640x128xf32, #tpu.memory_space<vmem_shared>>) target(%dma_start3A_14 : memref<640x128xf32, #tpu.memory_space<hbm>>) target_semaphore(%run_scoped3A : memref<!tpu.dma_semaphore, #tpu.memory_space<semaphore_mem>>)
      %dma_wait3A = arith.constant 0 : i32
      %dma_wait3A_17 = tpu.memref_slice %arg6[%arg0, %mul3A_12, %dma_wait3A] : memref<2x10240x128xf32, #tpu.memory_space<hbm>> -> memref<1x640x128xf32, #tpu.memory_space<hbm>>
      %dma_wait3A_18 = tpu.memref_squeeze %dma_wait3A_17 : memref<1x640x128xf32, #tpu.memory_space<hbm>> -> memref<640x128xf32, #tpu.memory_space<hbm>>
      %dma_wait3A_19 = arith.constant 0 : i32
      %dma_wait3A_20 = tpu.memref_slice %arg10[%mul3A_10, %dma_wait3A_19] : memref<10240x128xf32, #tpu.memory_space<vmem_shared>> -> memref<640x128xf32, #tpu.memory_space<vmem_shared>>
      tpu.wait_dma2 semaphore(%run_scoped3A : memref<!tpu.dma_semaphore, #tpu.memory_space<semaphore_mem>>) src(%dma_wait3A_20 : memref<640x128xf32, #tpu.memory_space<vmem_shared>>) dst(%dma_wait3A_18 : memref<640x128xf32, #tpu.memory_space<hbm>>)
      tpu.yield
    }) : () -> ()
    return
  }
}

#map = affine_map<(d0, d1) -> (0, 0)>
#map1 = affine_map<(d0, d1) -> (0, 0, 0)>
module attributes {stable_mosaic.version = 14 : i64} {
  func.func @agg(%arg0: i32, %arg1: i32, %arg2: memref<10240x128xf32, #tpu.memory_space<hbm>>, %arg3: memref<32x81x128xi32, #tpu.memory_space<hbm>>, %arg4: memref<32x81x128xi32, #tpu.memory_space<hbm>>, %arg5: memref<640x128xf32, #tpu.memory_space<hbm>>, %arg6: memref<2x10240x128xf32, #tpu.memory_space<hbm>>, %arg7: memref<81x128xi32, #tpu.memory_space<vmem>>, %arg8: memref<81x128xi32, #tpu.memory_space<vmem>>, %arg9: memref<128x128xf32, #tpu.memory_space<vmem>>, %arg10: memref<10240x128xf32, #tpu.memory_space<vmem_shared>>, %arg11: memref<!tpu.dma_semaphore, #tpu.memory_space<semaphore_mem>>) attributes {dimension_semantics = [#tpu.dimension_semantics<core_parallel>, #tpu.dimension_semantics<subcore_parallel>], iteration_bounds = array<i64: 2, 16>, scalar_prefetch = 0 : i64, scratch_operands = 5 : i64, tpu.core_type = #tpu.core_type<sc_vector_subcore>, window_params = [{transform_indices = #map}, {transform_indices = #map1}, {transform_indices = #map1}, {transform_indices = #map}, {transform_indices = #map1}]} {
    %mul3A = arith.constant 16 : i32
    %mul3A_0 = arith.muli %arg0, %mul3A : i32
    %add3A = arith.addi %mul3A_0, %arg1 : i32
    %mul3A_1 = arith.constant 640 : i32
    %mul3A_2 = arith.muli %arg1, %mul3A_1 : i32
    "tpu.region"() ({
      %run_scoped3A = tpu.sem_alloc : memref<!tpu.dma_semaphore, #tpu.memory_space<semaphore_mem>>
      %dma_start3A = arith.constant 0 : i32
      %dma_start3A_13 = tpu.memref_slice %arg10[%mul3A_2, %dma_start3A] : memref<10240x128xf32, #tpu.memory_space<vmem_shared>> -> memref<640x128xf32, #tpu.memory_space<vmem_shared>>
      tpu.enqueue_dma source(%arg5 : memref<640x128xf32, #tpu.memory_space<hbm>>) target(%dma_start3A_13 : memref<640x128xf32, #tpu.memory_space<vmem_shared>>) target_semaphore(%run_scoped3A : memref<!tpu.dma_semaphore, #tpu.memory_space<semaphore_mem>>)
      %dma_wait3A = arith.constant 0 : i32
      %dma_wait3A_14 = tpu.memref_slice %arg10[%mul3A_2, %dma_wait3A] : memref<10240x128xf32, #tpu.memory_space<vmem_shared>> -> memref<640x128xf32, #tpu.memory_space<vmem_shared>>
      tpu.wait_dma2 semaphore(%run_scoped3A : memref<!tpu.dma_semaphore, #tpu.memory_space<semaphore_mem>>) src(%arg5 : memref<640x128xf32, #tpu.memory_space<hbm>>) dst(%dma_wait3A_14 : memref<640x128xf32, #tpu.memory_space<vmem_shared>>)
      tpu.yield
    }) : () -> ()
    "tpu.region"() ({
      %run_scoped3A = tpu.sem_alloc : memref<!tpu.dma_semaphore, #tpu.memory_space<semaphore_mem>>
      %dma_start3A = arith.constant 0 : i32
      %dma_start3A_13 = arith.constant 0 : i32
      %dma_start3A_14 = tpu.memref_slice %arg3[%add3A, %dma_start3A, %dma_start3A_13] : memref<32x81x128xi32, #tpu.memory_space<hbm>> -> memref<1x81x128xi32, #tpu.memory_space<hbm>>
      %dma_start3A_15 = tpu.memref_squeeze %dma_start3A_14 : memref<1x81x128xi32, #tpu.memory_space<hbm>> -> memref<81x128xi32, #tpu.memory_space<hbm>>
      %dma_start3A_16 = arith.constant 0 : i32
      %dma_start3A_17 = arith.constant 0 : i32
      %dma_start3A_18 = tpu.memref_slice %arg3[%add3A, %dma_start3A_16, %dma_start3A_17] : memref<32x81x128xi32, #tpu.memory_space<hbm>> -> memref<1x81x128xi32, #tpu.memory_space<hbm>>
      %dma_start3A_19 = tpu.memref_squeeze %dma_start3A_18 : memref<1x81x128xi32, #tpu.memory_space<hbm>> -> memref<81x128xi32, #tpu.memory_space<hbm>>
      tpu.enqueue_dma source(%dma_start3A_19 : memref<81x128xi32, #tpu.memory_space<hbm>>) target(%arg7 : memref<81x128xi32, #tpu.memory_space<vmem>>) target_semaphore(%run_scoped3A : memref<!tpu.dma_semaphore, #tpu.memory_space<semaphore_mem>>)
      %dma_wait3A = arith.constant 0 : i32
      %dma_wait3A_20 = arith.constant 0 : i32
      %dma_wait3A_21 = tpu.memref_slice %arg3[%add3A, %dma_wait3A, %dma_wait3A_20] : memref<32x81x128xi32, #tpu.memory_space<hbm>> -> memref<1x81x128xi32, #tpu.memory_space<hbm>>
      %dma_wait3A_22 = tpu.memref_squeeze %dma_wait3A_21 : memref<1x81x128xi32, #tpu.memory_space<hbm>> -> memref<81x128xi32, #tpu.memory_space<hbm>>
      %dma_wait3A_23 = arith.constant 0 : i32
      %dma_wait3A_24 = arith.constant 0 : i32
      %dma_wait3A_25 = tpu.memref_slice %arg3[%add3A, %dma_wait3A_23, %dma_wait3A_24] : memref<32x81x128xi32, #tpu.memory_space<hbm>> -> memref<1x81x128xi32, #tpu.memory_space<hbm>>
      %dma_wait3A_26 = tpu.memref_squeeze %dma_wait3A_25 : memref<1x81x128xi32, #tpu.memory_space<hbm>> -> memref<81x128xi32, #tpu.memory_space<hbm>>
      tpu.wait_dma2 semaphore(%run_scoped3A : memref<!tpu.dma_semaphore, #tpu.memory_space<semaphore_mem>>) src(%dma_wait3A_26 : memref<81x128xi32, #tpu.memory_space<hbm>>) dst(%arg7 : memref<81x128xi32, #tpu.memory_space<vmem>>)
      tpu.yield
    }) : () -> ()
    "tpu.region"() ({
      %run_scoped3A = tpu.sem_alloc : memref<!tpu.dma_semaphore, #tpu.memory_space<semaphore_mem>>
      %dma_start3A = arith.constant 0 : i32
      %dma_start3A_13 = arith.constant 0 : i32
      %dma_start3A_14 = tpu.memref_slice %arg4[%add3A, %dma_start3A, %dma_start3A_13] : memref<32x81x128xi32, #tpu.memory_space<hbm>> -> memref<1x81x128xi32, #tpu.memory_space<hbm>>
      %dma_start3A_15 = tpu.memref_squeeze %dma_start3A_14 : memref<1x81x128xi32, #tpu.memory_space<hbm>> -> memref<81x128xi32, #tpu.memory_space<hbm>>
      %dma_start3A_16 = arith.constant 0 : i32
      %dma_start3A_17 = arith.constant 0 : i32
      %dma_start3A_18 = tpu.memref_slice %arg4[%add3A, %dma_start3A_16, %dma_start3A_17] : memref<32x81x128xi32, #tpu.memory_space<hbm>> -> memref<1x81x128xi32, #tpu.memory_space<hbm>>
      %dma_start3A_19 = tpu.memref_squeeze %dma_start3A_18 : memref<1x81x128xi32, #tpu.memory_space<hbm>> -> memref<81x128xi32, #tpu.memory_space<hbm>>
      tpu.enqueue_dma source(%dma_start3A_19 : memref<81x128xi32, #tpu.memory_space<hbm>>) target(%arg8 : memref<81x128xi32, #tpu.memory_space<vmem>>) target_semaphore(%run_scoped3A : memref<!tpu.dma_semaphore, #tpu.memory_space<semaphore_mem>>)
      %dma_wait3A = arith.constant 0 : i32
      %dma_wait3A_20 = arith.constant 0 : i32
      %dma_wait3A_21 = tpu.memref_slice %arg4[%add3A, %dma_wait3A, %dma_wait3A_20] : memref<32x81x128xi32, #tpu.memory_space<hbm>> -> memref<1x81x128xi32, #tpu.memory_space<hbm>>
      %dma_wait3A_22 = tpu.memref_squeeze %dma_wait3A_21 : memref<1x81x128xi32, #tpu.memory_space<hbm>> -> memref<81x128xi32, #tpu.memory_space<hbm>>
      %dma_wait3A_23 = arith.constant 0 : i32
      %dma_wait3A_24 = arith.constant 0 : i32
      %dma_wait3A_25 = tpu.memref_slice %arg4[%add3A, %dma_wait3A_23, %dma_wait3A_24] : memref<32x81x128xi32, #tpu.memory_space<hbm>> -> memref<1x81x128xi32, #tpu.memory_space<hbm>>
      %dma_wait3A_26 = tpu.memref_squeeze %dma_wait3A_25 : memref<1x81x128xi32, #tpu.memory_space<hbm>> -> memref<81x128xi32, #tpu.memory_space<hbm>>
      tpu.wait_dma2 semaphore(%run_scoped3A : memref<!tpu.dma_semaphore, #tpu.memory_space<semaphore_mem>>) src(%dma_wait3A_26 : memref<81x128xi32, #tpu.memory_space<hbm>>) dst(%arg8 : memref<81x128xi32, #tpu.memory_space<vmem>>)
      tpu.yield
    }) : () -> ()
    %barrier3A = arith.constant 0 : index
    tpu.barrier barrier_id(%barrier3A)
    %scan3A = arith.constant 0 : i32
    %scan3A_3 = arith.constant 0 : i32
    %scan3A_4 = arith.constant 81 : i32
    %scan3A_5 = arith.addi %scan3A_3, %scan3A_4 : i32
    %scan3A_6 = arith.constant 1 : i32
    scf.for %scan3A_13 = %scan3A_3 to %scan3A_5 step %scan3A_6  : i32 {
      %dma_start3A = arith.constant 0 : i32
      %dma_start3A_14 = tpu.memref_slice %arg7[%scan3A_13, %dma_start3A] : memref<81x128xi32, #tpu.memory_space<vmem>> -> memref<1x128xi32, #tpu.memory_space<vmem>>
      %dma_start3A_15 = tpu.memref_squeeze %dma_start3A_14 : memref<1x128xi32, #tpu.memory_space<vmem>> -> memref<128xi32, #tpu.memory_space<vmem>>
      %dma_start3A_16 = arith.constant 0 : i32
      %dma_start3A_17 = arith.constant 0 : i32
      %dma_start3A_18 = tpu.memref_slice %arg2[%dma_start3A_16, %dma_start3A_17] : memref<10240x128xf32, #tpu.memory_space<hbm>> -> memref<10240x128xf32, #tpu.memory_space<hbm>>
      tpu.enqueue_indirect_dma source(%dma_start3A_18 : memref<10240x128xf32, #tpu.memory_space<hbm>>) target(%arg9 : memref<128x128xf32, #tpu.memory_space<vmem>>) offsets(%dma_start3A_15 : memref<128xi32, #tpu.memory_space<vmem>>) semaphore(%arg11 : memref<!tpu.dma_semaphore, #tpu.memory_space<semaphore_mem>>)
      %dma_wait3A = arith.constant 0 : i32
      %dma_wait3A_19 = tpu.memref_slice %arg7[%scan3A_13, %dma_wait3A] : memref<81x128xi32, #tpu.memory_space<vmem>> -> memref<1x128xi32, #tpu.memory_space<vmem>>
      %dma_wait3A_20 = tpu.memref_squeeze %dma_wait3A_19 : memref<1x128xi32, #tpu.memory_space<vmem>> -> memref<128xi32, #tpu.memory_space<vmem>>
      %dma_wait3A_21 = arith.constant 0 : i32
      %dma_wait3A_22 = arith.constant 0 : i32
      %dma_wait3A_23 = tpu.memref_slice %arg2[%dma_wait3A_21, %dma_wait3A_22] : memref<10240x128xf32, #tpu.memory_space<hbm>> -> memref<10240x128xf32, #tpu.memory_space<hbm>>
      tpu.wait_indirect_dma semaphore(%arg11 : memref<!tpu.dma_semaphore, #tpu.memory_space<semaphore_mem>>) src(%dma_wait3A_23 : memref<10240x128xf32, #tpu.memory_space<hbm>>) dst(%arg9 : memref<128x128xf32, #tpu.memory_space<vmem>>)
      "tpu.region"() ({
        %run_scoped3A = tpu.sem_alloc : memref<!tpu.dma_semaphore, #tpu.memory_space<semaphore_mem>>
        %dma_start3A_24 = arith.constant 0 : i32
        %dma_start3A_25 = tpu.memref_slice %arg8[%scan3A_13, %dma_start3A_24] : memref<81x128xi32, #tpu.memory_space<vmem>> -> memref<1x128xi32, #tpu.memory_space<vmem>>
        %dma_start3A_26 = tpu.memref_squeeze %dma_start3A_25 : memref<1x128xi32, #tpu.memory_space<vmem>> -> memref<128xi32, #tpu.memory_space<vmem>>
        %dma_start3A_27 = arith.constant 0 : i32
        %dma_start3A_28 = arith.constant 0 : i32
        %dma_start3A_29 = tpu.memref_slice %arg10[%dma_start3A_27, %dma_start3A_28] : memref<10240x128xf32, #tpu.memory_space<vmem_shared>> -> memref<10240x128xf32, #tpu.memory_space<vmem_shared>>
        tpu.enqueue_indirect_dma source(%arg9 : memref<128x128xf32, #tpu.memory_space<vmem>>) target(%dma_start3A_29 : memref<10240x128xf32, #tpu.memory_space<vmem_shared>>) offsets(%dma_start3A_26 : memref<128xi32, #tpu.memory_space<vmem>>) semaphore(%run_scoped3A : memref<!tpu.dma_semaphore, #tpu.memory_space<semaphore_mem>>) {add = true}
        %dma_wait3A_30 = arith.constant 0 : i32
        %dma_wait3A_31 = tpu.memref_slice %arg8[%scan3A_13, %dma_wait3A_30] : memref<81x128xi32, #tpu.memory_space<vmem>> -> memref<1x128xi32, #tpu.memory_space<vmem>>
        %dma_wait3A_32 = tpu.memref_squeeze %dma_wait3A_31 : memref<1x128xi32, #tpu.memory_space<vmem>> -> memref<128xi32, #tpu.memory_space<vmem>>
        %dma_wait3A_33 = arith.constant 0 : i32
        %dma_wait3A_34 = arith.constant 0 : i32
        %dma_wait3A_35 = tpu.memref_slice %arg10[%dma_wait3A_33, %dma_wait3A_34] : memref<10240x128xf32, #tpu.memory_space<vmem_shared>> -> memref<10240x128xf32, #tpu.memory_space<vmem_shared>>
        tpu.wait_indirect_dma semaphore(%run_scoped3A : memref<!tpu.dma_semaphore, #tpu.memory_space<semaphore_mem>>) src(%arg9 : memref<128x128xf32, #tpu.memory_space<vmem>>) dst(%dma_wait3A_35 : memref<10240x128xf32, #tpu.memory_space<vmem_shared>>)
        tpu.yield
      }) : () -> ()
    }
    %scan3A_7 = arith.constant 81 : i32
    %barrier3A_8 = arith.constant 0 : index
    tpu.barrier barrier_id(%barrier3A_8)
    %mul3A_9 = arith.constant 640 : i32
    %mul3A_10 = arith.muli %arg1, %mul3A_9 : i32
    %mul3A_11 = arith.constant 640 : i32
    %mul3A_12 = arith.muli %arg1, %mul3A_11 : i32
    "tpu.region"() ({
      %run_scoped3A = tpu.sem_alloc : memref<!tpu.dma_semaphore, #tpu.memory_space<semaphore_mem>>
      %dma_start3A = arith.constant 0 : i32
      %dma_start3A_13 = tpu.memref_slice %arg6[%arg0, %mul3A_12, %dma_start3A] : memref<2x10240x128xf32, #tpu.memory_space<hbm>> -> memref<1x640x128xf32, #tpu.memory_space<hbm>>
      %dma_start3A_14 = tpu.memref_squeeze %dma_start3A_13 : memref<1x640x128xf32, #tpu.memory_space<hbm>> -> memref<640x128xf32, #tpu.memory_space<hbm>>
      %dma_start3A_15 = arith.constant 0 : i32
      %dma_start3A_16 = tpu.memref_slice %arg10[%mul3A_10, %dma_start3A_15] : memref<10240x128xf32, #tpu.memory_space<vmem_shared>> -> memref<640x128xf32, #tpu.memory_space<vmem_shared>>
      tpu.enqueue_dma source(%dma_start3A_16 : memref<640x128xf32, #tpu.memory_space<vmem_shared>>) target(%dma_start3A_14 : memref<640x128xf32, #tpu.memory_space<hbm>>) target_semaphore(%run_scoped3A : memref<!tpu.dma_semaphore, #tpu.memory_space<semaphore_mem>>)
      %dma_wait3A = arith.constant 0 : i32
      %dma_wait3A_17 = tpu.memref_slice %arg6[%arg0, %mul3A_12, %dma_wait3A] : memref<2x10240x128xf32, #tpu.memory_space<hbm>> -> memref<1x640x128xf32, #tpu.memory_space<hbm>>
      %dma_wait3A_18 = tpu.memref_squeeze %dma_wait3A_17 : memref<1x640x128xf32, #tpu.memory_space<hbm>> -> memref<640x128xf32, #tpu.memory_space<hbm>>
      %dma_wait3A_19 = arith.constant 0 : i32
      %dma_wait3A_20 = tpu.memref_slice %arg10[%mul3A_10, %dma_wait3A_19] : memref<10240x128xf32, #tpu.memory_space<vmem_shared>> -> memref<640x128xf32, #tpu.memory_space<vmem_shared>>
      tpu.wait_dma2 semaphore(%run_scoped3A : memref<!tpu.dma_semaphore, #tpu.memory_space<semaphore_mem>>) src(%dma_wait3A_20 : memref<640x128xf32, #tpu.memory_space<vmem_shared>>) dst(%dma_wait3A_18 : memref<640x128xf32, #tpu.memory_space<hbm>>)
      tpu.yield
    }) : () -> ()
    return
  }
}

#map = affine_map<(d0, d1) -> (0, 0)>
#map1 = affine_map<(d0, d1) -> (0, 0, 0)>
module attributes {stable_mosaic.version = 14 : i64} {
  func.func @agg(%arg0: i32, %arg1: i32, %arg2: memref<10240x128xf32, #tpu.memory_space<hbm>>, %arg3: memref<32x81x128xi32, #tpu.memory_space<hbm>>, %arg4: memref<32x81x128xi32, #tpu.memory_space<hbm>>, %arg5: memref<640x128xf32, #tpu.memory_space<hbm>>, %arg6: memref<2x10240x128xf32, #tpu.memory_space<hbm>>, %arg7: memref<81x128xi32, #tpu.memory_space<vmem>>, %arg8: memref<81x128xi32, #tpu.memory_space<vmem>>, %arg9: memref<128x128xf32, #tpu.memory_space<vmem>>, %arg10: memref<10240x128xf32, #tpu.memory_space<vmem_shared>>, %arg11: memref<!tpu.dma_semaphore, #tpu.memory_space<semaphore_mem>>) attributes {dimension_semantics = [#tpu.dimension_semantics<core_parallel>, #tpu.dimension_semantics<subcore_parallel>], iteration_bounds = array<i64: 2, 16>, scalar_prefetch = 0 : i64, scratch_operands = 5 : i64, tpu.core_type = #tpu.core_type<sc_vector_subcore>, window_params = [{transform_indices = #map}, {transform_indices = #map1}, {transform_indices = #map1}, {transform_indices = #map}, {transform_indices = #map1}]} {
    %mul3A = arith.constant 16 : i32
    %mul3A_0 = arith.muli %arg0, %mul3A : i32
    %add3A = arith.addi %mul3A_0, %arg1 : i32
    %mul3A_1 = arith.constant 640 : i32
    %mul3A_2 = arith.muli %arg1, %mul3A_1 : i32
    "tpu.region"() ({
      %run_scoped3A = tpu.sem_alloc : memref<!tpu.dma_semaphore, #tpu.memory_space<semaphore_mem>>
      %dma_start3A = arith.constant 0 : i32
      %dma_start3A_13 = tpu.memref_slice %arg10[%mul3A_2, %dma_start3A] : memref<10240x128xf32, #tpu.memory_space<vmem_shared>> -> memref<640x128xf32, #tpu.memory_space<vmem_shared>>
      tpu.enqueue_dma source(%arg5 : memref<640x128xf32, #tpu.memory_space<hbm>>) target(%dma_start3A_13 : memref<640x128xf32, #tpu.memory_space<vmem_shared>>) target_semaphore(%run_scoped3A : memref<!tpu.dma_semaphore, #tpu.memory_space<semaphore_mem>>)
      %dma_wait3A = arith.constant 0 : i32
      %dma_wait3A_14 = tpu.memref_slice %arg10[%mul3A_2, %dma_wait3A] : memref<10240x128xf32, #tpu.memory_space<vmem_shared>> -> memref<640x128xf32, #tpu.memory_space<vmem_shared>>
      tpu.wait_dma2 semaphore(%run_scoped3A : memref<!tpu.dma_semaphore, #tpu.memory_space<semaphore_mem>>) src(%arg5 : memref<640x128xf32, #tpu.memory_space<hbm>>) dst(%dma_wait3A_14 : memref<640x128xf32, #tpu.memory_space<vmem_shared>>)
      tpu.yield
    }) : () -> ()
    "tpu.region"() ({
      %run_scoped3A = tpu.sem_alloc : memref<!tpu.dma_semaphore, #tpu.memory_space<semaphore_mem>>
      %dma_start3A = arith.constant 0 : i32
      %dma_start3A_13 = arith.constant 0 : i32
      %dma_start3A_14 = tpu.memref_slice %arg3[%add3A, %dma_start3A, %dma_start3A_13] : memref<32x81x128xi32, #tpu.memory_space<hbm>> -> memref<1x81x128xi32, #tpu.memory_space<hbm>>
      %dma_start3A_15 = tpu.memref_squeeze %dma_start3A_14 : memref<1x81x128xi32, #tpu.memory_space<hbm>> -> memref<81x128xi32, #tpu.memory_space<hbm>>
      %dma_start3A_16 = arith.constant 0 : i32
      %dma_start3A_17 = arith.constant 0 : i32
      %dma_start3A_18 = tpu.memref_slice %arg3[%add3A, %dma_start3A_16, %dma_start3A_17] : memref<32x81x128xi32, #tpu.memory_space<hbm>> -> memref<1x81x128xi32, #tpu.memory_space<hbm>>
      %dma_start3A_19 = tpu.memref_squeeze %dma_start3A_18 : memref<1x81x128xi32, #tpu.memory_space<hbm>> -> memref<81x128xi32, #tpu.memory_space<hbm>>
      tpu.enqueue_dma source(%dma_start3A_19 : memref<81x128xi32, #tpu.memory_space<hbm>>) target(%arg7 : memref<81x128xi32, #tpu.memory_space<vmem>>) target_semaphore(%run_scoped3A : memref<!tpu.dma_semaphore, #tpu.memory_space<semaphore_mem>>)
      %dma_wait3A = arith.constant 0 : i32
      %dma_wait3A_20 = arith.constant 0 : i32
      %dma_wait3A_21 = tpu.memref_slice %arg3[%add3A, %dma_wait3A, %dma_wait3A_20] : memref<32x81x128xi32, #tpu.memory_space<hbm>> -> memref<1x81x128xi32, #tpu.memory_space<hbm>>
      %dma_wait3A_22 = tpu.memref_squeeze %dma_wait3A_21 : memref<1x81x128xi32, #tpu.memory_space<hbm>> -> memref<81x128xi32, #tpu.memory_space<hbm>>
      %dma_wait3A_23 = arith.constant 0 : i32
      %dma_wait3A_24 = arith.constant 0 : i32
      %dma_wait3A_25 = tpu.memref_slice %arg3[%add3A, %dma_wait3A_23, %dma_wait3A_24] : memref<32x81x128xi32, #tpu.memory_space<hbm>> -> memref<1x81x128xi32, #tpu.memory_space<hbm>>
      %dma_wait3A_26 = tpu.memref_squeeze %dma_wait3A_25 : memref<1x81x128xi32, #tpu.memory_space<hbm>> -> memref<81x128xi32, #tpu.memory_space<hbm>>
      tpu.wait_dma2 semaphore(%run_scoped3A : memref<!tpu.dma_semaphore, #tpu.memory_space<semaphore_mem>>) src(%dma_wait3A_26 : memref<81x128xi32, #tpu.memory_space<hbm>>) dst(%arg7 : memref<81x128xi32, #tpu.memory_space<vmem>>)
      tpu.yield
    }) : () -> ()
    "tpu.region"() ({
      %run_scoped3A = tpu.sem_alloc : memref<!tpu.dma_semaphore, #tpu.memory_space<semaphore_mem>>
      %dma_start3A = arith.constant 0 : i32
      %dma_start3A_13 = arith.constant 0 : i32
      %dma_start3A_14 = tpu.memref_slice %arg4[%add3A, %dma_start3A, %dma_start3A_13] : memref<32x81x128xi32, #tpu.memory_space<hbm>> -> memref<1x81x128xi32, #tpu.memory_space<hbm>>
      %dma_start3A_15 = tpu.memref_squeeze %dma_start3A_14 : memref<1x81x128xi32, #tpu.memory_space<hbm>> -> memref<81x128xi32, #tpu.memory_space<hbm>>
      %dma_start3A_16 = arith.constant 0 : i32
      %dma_start3A_17 = arith.constant 0 : i32
      %dma_start3A_18 = tpu.memref_slice %arg4[%add3A, %dma_start3A_16, %dma_start3A_17] : memref<32x81x128xi32, #tpu.memory_space<hbm>> -> memref<1x81x128xi32, #tpu.memory_space<hbm>>
      %dma_start3A_19 = tpu.memref_squeeze %dma_start3A_18 : memref<1x81x128xi32, #tpu.memory_space<hbm>> -> memref<81x128xi32, #tpu.memory_space<hbm>>
      tpu.enqueue_dma source(%dma_start3A_19 : memref<81x128xi32, #tpu.memory_space<hbm>>) target(%arg8 : memref<81x128xi32, #tpu.memory_space<vmem>>) target_semaphore(%run_scoped3A : memref<!tpu.dma_semaphore, #tpu.memory_space<semaphore_mem>>)
      %dma_wait3A = arith.constant 0 : i32
      %dma_wait3A_20 = arith.constant 0 : i32
      %dma_wait3A_21 = tpu.memref_slice %arg4[%add3A, %dma_wait3A, %dma_wait3A_20] : memref<32x81x128xi32, #tpu.memory_space<hbm>> -> memref<1x81x128xi32, #tpu.memory_space<hbm>>
      %dma_wait3A_22 = tpu.memref_squeeze %dma_wait3A_21 : memref<1x81x128xi32, #tpu.memory_space<hbm>> -> memref<81x128xi32, #tpu.memory_space<hbm>>
      %dma_wait3A_23 = arith.constant 0 : i32
      %dma_wait3A_24 = arith.constant 0 : i32
      %dma_wait3A_25 = tpu.memref_slice %arg4[%add3A, %dma_wait3A_23, %dma_wait3A_24] : memref<32x81x128xi32, #tpu.memory_space<hbm>> -> memref<1x81x128xi32, #tpu.memory_space<hbm>>
      %dma_wait3A_26 = tpu.memref_squeeze %dma_wait3A_25 : memref<1x81x128xi32, #tpu.memory_space<hbm>> -> memref<81x128xi32, #tpu.memory_space<hbm>>
      tpu.wait_dma2 semaphore(%run_scoped3A : memref<!tpu.dma_semaphore, #tpu.memory_space<semaphore_mem>>) src(%dma_wait3A_26 : memref<81x128xi32, #tpu.memory_space<hbm>>) dst(%arg8 : memref<81x128xi32, #tpu.memory_space<vmem>>)
      tpu.yield
    }) : () -> ()
    %barrier3A = arith.constant 0 : index
    tpu.barrier barrier_id(%barrier3A)
    %scan3A = arith.constant 0 : i32
    %scan3A_3 = arith.constant 0 : i32
    %scan3A_4 = arith.constant 81 : i32
    %scan3A_5 = arith.addi %scan3A_3, %scan3A_4 : i32
    %scan3A_6 = arith.constant 1 : i32
    scf.for %scan3A_13 = %scan3A_3 to %scan3A_5 step %scan3A_6  : i32 {
      %dma_start3A = arith.constant 0 : i32
      %dma_start3A_14 = tpu.memref_slice %arg7[%scan3A_13, %dma_start3A] : memref<81x128xi32, #tpu.memory_space<vmem>> -> memref<1x128xi32, #tpu.memory_space<vmem>>
      %dma_start3A_15 = tpu.memref_squeeze %dma_start3A_14 : memref<1x128xi32, #tpu.memory_space<vmem>> -> memref<128xi32, #tpu.memory_space<vmem>>
      %dma_start3A_16 = arith.constant 0 : i32
      %dma_start3A_17 = arith.constant 0 : i32
      %dma_start3A_18 = tpu.memref_slice %arg2[%dma_start3A_16, %dma_start3A_17] : memref<10240x128xf32, #tpu.memory_space<hbm>> -> memref<10240x128xf32, #tpu.memory_space<hbm>>
      tpu.enqueue_indirect_dma source(%dma_start3A_18 : memref<10240x128xf32, #tpu.memory_space<hbm>>) target(%arg9 : memref<128x128xf32, #tpu.memory_space<vmem>>) offsets(%dma_start3A_15 : memref<128xi32, #tpu.memory_space<vmem>>) semaphore(%arg11 : memref<!tpu.dma_semaphore, #tpu.memory_space<semaphore_mem>>)
      %dma_wait3A = arith.constant 0 : i32
      %dma_wait3A_19 = tpu.memref_slice %arg7[%scan3A_13, %dma_wait3A] : memref<81x128xi32, #tpu.memory_space<vmem>> -> memref<1x128xi32, #tpu.memory_space<vmem>>
      %dma_wait3A_20 = tpu.memref_squeeze %dma_wait3A_19 : memref<1x128xi32, #tpu.memory_space<vmem>> -> memref<128xi32, #tpu.memory_space<vmem>>
      %dma_wait3A_21 = arith.constant 0 : i32
      %dma_wait3A_22 = arith.constant 0 : i32
      %dma_wait3A_23 = tpu.memref_slice %arg2[%dma_wait3A_21, %dma_wait3A_22] : memref<10240x128xf32, #tpu.memory_space<hbm>> -> memref<10240x128xf32, #tpu.memory_space<hbm>>
      tpu.wait_indirect_dma semaphore(%arg11 : memref<!tpu.dma_semaphore, #tpu.memory_space<semaphore_mem>>) src(%dma_wait3A_23 : memref<10240x128xf32, #tpu.memory_space<hbm>>) dst(%arg9 : memref<128x128xf32, #tpu.memory_space<vmem>>)
      "tpu.region"() ({
        %run_scoped3A = tpu.sem_alloc : memref<!tpu.dma_semaphore, #tpu.memory_space<semaphore_mem>>
        %dma_start3A_24 = arith.constant 0 : i32
        %dma_start3A_25 = tpu.memref_slice %arg8[%scan3A_13, %dma_start3A_24] : memref<81x128xi32, #tpu.memory_space<vmem>> -> memref<1x128xi32, #tpu.memory_space<vmem>>
        %dma_start3A_26 = tpu.memref_squeeze %dma_start3A_25 : memref<1x128xi32, #tpu.memory_space<vmem>> -> memref<128xi32, #tpu.memory_space<vmem>>
        %dma_start3A_27 = arith.constant 0 : i32
        %dma_start3A_28 = arith.constant 0 : i32
        %dma_start3A_29 = tpu.memref_slice %arg10[%dma_start3A_27, %dma_start3A_28] : memref<10240x128xf32, #tpu.memory_space<vmem_shared>> -> memref<10240x128xf32, #tpu.memory_space<vmem_shared>>
        tpu.enqueue_indirect_dma source(%arg9 : memref<128x128xf32, #tpu.memory_space<vmem>>) target(%dma_start3A_29 : memref<10240x128xf32, #tpu.memory_space<vmem_shared>>) offsets(%dma_start3A_26 : memref<128xi32, #tpu.memory_space<vmem>>) semaphore(%run_scoped3A : memref<!tpu.dma_semaphore, #tpu.memory_space<semaphore_mem>>) {add = true}
        %dma_wait3A_30 = arith.constant 0 : i32
        %dma_wait3A_31 = tpu.memref_slice %arg8[%scan3A_13, %dma_wait3A_30] : memref<81x128xi32, #tpu.memory_space<vmem>> -> memref<1x128xi32, #tpu.memory_space<vmem>>
        %dma_wait3A_32 = tpu.memref_squeeze %dma_wait3A_31 : memref<1x128xi32, #tpu.memory_space<vmem>> -> memref<128xi32, #tpu.memory_space<vmem>>
        %dma_wait3A_33 = arith.constant 0 : i32
        %dma_wait3A_34 = arith.constant 0 : i32
        %dma_wait3A_35 = tpu.memref_slice %arg10[%dma_wait3A_33, %dma_wait3A_34] : memref<10240x128xf32, #tpu.memory_space<vmem_shared>> -> memref<10240x128xf32, #tpu.memory_space<vmem_shared>>
        tpu.wait_indirect_dma semaphore(%run_scoped3A : memref<!tpu.dma_semaphore, #tpu.memory_space<semaphore_mem>>) src(%arg9 : memref<128x128xf32, #tpu.memory_space<vmem>>) dst(%dma_wait3A_35 : memref<10240x128xf32, #tpu.memory_space<vmem_shared>>)
        tpu.yield
      }) : () -> ()
    }
    %scan3A_7 = arith.constant 81 : i32
    %barrier3A_8 = arith.constant 0 : index
    tpu.barrier barrier_id(%barrier3A_8)
    %mul3A_9 = arith.constant 640 : i32
    %mul3A_10 = arith.muli %arg1, %mul3A_9 : i32
    %mul3A_11 = arith.constant 640 : i32
    %mul3A_12 = arith.muli %arg1, %mul3A_11 : i32
    "tpu.region"() ({
      %run_scoped3A = tpu.sem_alloc : memref<!tpu.dma_semaphore, #tpu.memory_space<semaphore_mem>>
      %dma_start3A = arith.constant 0 : i32
      %dma_start3A_13 = tpu.memref_slice %arg6[%arg0, %mul3A_12, %dma_start3A] : memref<2x10240x128xf32, #tpu.memory_space<hbm>> -> memref<1x640x128xf32, #tpu.memory_space<hbm>>
      %dma_start3A_14 = tpu.memref_squeeze %dma_start3A_13 : memref<1x640x128xf32, #tpu.memory_space<hbm>> -> memref<640x128xf32, #tpu.memory_space<hbm>>
      %dma_start3A_15 = arith.constant 0 : i32
      %dma_start3A_16 = tpu.memref_slice %arg10[%mul3A_10, %dma_start3A_15] : memref<10240x128xf32, #tpu.memory_space<vmem_shared>> -> memref<640x128xf32, #tpu.memory_space<vmem_shared>>
      tpu.enqueue_dma source(%dma_start3A_16 : memref<640x128xf32, #tpu.memory_space<vmem_shared>>) target(%dma_start3A_14 : memref<640x128xf32, #tpu.memory_space<hbm>>) target_semaphore(%run_scoped3A : memref<!tpu.dma_semaphore, #tpu.memory_space<semaphore_mem>>)
      %dma_wait3A = arith.constant 0 : i32
      %dma_wait3A_17 = tpu.memref_slice %arg6[%arg0, %mul3A_12, %dma_wait3A] : memref<2x10240x128xf32, #tpu.memory_space<hbm>> -> memref<1x640x128xf32, #tpu.memory_space<hbm>>
      %dma_wait3A_18 = tpu.memref_squeeze %dma_wait3A_17 : memref<1x640x128xf32, #tpu.memory_space<hbm>> -> memref<640x128xf32, #tpu.memory_space<hbm>>
      %dma_wait3A_19 = arith.constant 0 : i32
      %dma_wait3A_20 = tpu.memref_slice %arg10[%mul3A_10, %dma_wait3A_19] : memref<10240x128xf32, #tpu.memory_space<vmem_shared>> -> memref<640x128xf32, #tpu.memory_space<vmem_shared>>
      tpu.wait_dma2 semaphore(%run_scoped3A : memref<!tpu.dma_semaphore, #tpu.memory_space<semaphore_mem>>) src(%dma_wait3A_20 : memref<640x128xf32, #tpu.memory_space<vmem_shared>>) dst(%dma_wait3A_18 : memref<640x128xf32, #tpu.memory_space<hbm>>)
      tpu.yield
    }) : () -> ()
    return
  }
}

#map = affine_map<(d0, d1) -> (0, 0, 0)>
#map1 = affine_map<(d0, d1) -> (0)>
#map2 = affine_map<(d0, d1) -> (0, 0)>
module attributes {stable_mosaic.version = 14 : i64} {
  func.func @deg(%arg0: i32, %arg1: i32, %arg2: memref<32x81x128xi32, #tpu.memory_space<hbm>>, %arg3: memref<10240xf32, #tpu.memory_space<hbm>>, %arg4: memref<32x10240xf32, #tpu.memory_space<hbm>>, %arg5: memref<81x128xi32, #tpu.memory_space<vmem>>, %arg6: memref<10240xf32, #tpu.memory_space<vmem>>) attributes {dimension_semantics = [#tpu.dimension_semantics<core_parallel>, #tpu.dimension_semantics<subcore_parallel>], iteration_bounds = array<i64: 2, 16>, scalar_prefetch = 0 : i64, scratch_operands = 2 : i64, tpu.core_type = #tpu.core_type<sc_vector_subcore>, window_params = [{transform_indices = #map}, {transform_indices = #map1}, {transform_indices = #map2}]} {
    %mul3A = arith.constant 16 : i32
    %mul3A_0 = arith.muli %arg0, %mul3A : i32
    %add3A = arith.addi %mul3A_0, %arg1 : i32
    "tpu.region"() ({
      %run_scoped3A = tpu.sem_alloc : memref<!tpu.dma_semaphore, #tpu.memory_space<semaphore_mem>>
      tpu.enqueue_dma source(%arg3 : memref<10240xf32, #tpu.memory_space<hbm>>) target(%arg6 : memref<10240xf32, #tpu.memory_space<vmem>>) target_semaphore(%run_scoped3A : memref<!tpu.dma_semaphore, #tpu.memory_space<semaphore_mem>>)
      tpu.wait_dma2 semaphore(%run_scoped3A : memref<!tpu.dma_semaphore, #tpu.memory_space<semaphore_mem>>) src(%arg3 : memref<10240xf32, #tpu.memory_space<hbm>>) dst(%arg6 : memref<10240xf32, #tpu.memory_space<vmem>>)
      tpu.yield
    }) : () -> ()
    "tpu.region"() ({
      %run_scoped3A = tpu.sem_alloc : memref<!tpu.dma_semaphore, #tpu.memory_space<semaphore_mem>>
      %dma_start3A = arith.constant 0 : i32
      %dma_start3A_7 = arith.constant 0 : i32
      %dma_start3A_8 = tpu.memref_slice %arg2[%add3A, %dma_start3A, %dma_start3A_7] : memref<32x81x128xi32, #tpu.memory_space<hbm>> -> memref<1x81x128xi32, #tpu.memory_space<hbm>>
      %dma_start3A_9 = tpu.memref_squeeze %dma_start3A_8 : memref<1x81x128xi32, #tpu.memory_space<hbm>> -> memref<81x128xi32, #tpu.memory_space<hbm>>
      %dma_start3A_10 = arith.constant 0 : i32
      %dma_start3A_11 = arith.constant 0 : i32
      %dma_start3A_12 = tpu.memref_slice %arg2[%add3A, %dma_start3A_10, %dma_start3A_11] : memref<32x81x128xi32, #tpu.memory_space<hbm>> -> memref<1x81x128xi32, #tpu.memory_space<hbm>>
      %dma_start3A_13 = tpu.memref_squeeze %dma_start3A_12 : memref<1x81x128xi32, #tpu.memory_space<hbm>> -> memref<81x128xi32, #tpu.memory_space<hbm>>
      tpu.enqueue_dma source(%dma_start3A_13 : memref<81x128xi32, #tpu.memory_space<hbm>>) target(%arg5 : memref<81x128xi32, #tpu.memory_space<vmem>>) target_semaphore(%run_scoped3A : memref<!tpu.dma_semaphore, #tpu.memory_space<semaphore_mem>>)
      %dma_wait3A = arith.constant 0 : i32
      %dma_wait3A_14 = arith.constant 0 : i32
      %dma_wait3A_15 = tpu.memref_slice %arg2[%add3A, %dma_wait3A, %dma_wait3A_14] : memref<32x81x128xi32, #tpu.memory_space<hbm>> -> memref<1x81x128xi32, #tpu.memory_space<hbm>>
      %dma_wait3A_16 = tpu.memref_squeeze %dma_wait3A_15 : memref<1x81x128xi32, #tpu.memory_space<hbm>> -> memref<81x128xi32, #tpu.memory_space<hbm>>
      %dma_wait3A_17 = arith.constant 0 : i32
      %dma_wait3A_18 = arith.constant 0 : i32
      %dma_wait3A_19 = tpu.memref_slice %arg2[%add3A, %dma_wait3A_17, %dma_wait3A_18] : memref<32x81x128xi32, #tpu.memory_space<hbm>> -> memref<1x81x128xi32, #tpu.memory_space<hbm>>
      %dma_wait3A_20 = tpu.memref_squeeze %dma_wait3A_19 : memref<1x81x128xi32, #tpu.memory_space<hbm>> -> memref<81x128xi32, #tpu.memory_space<hbm>>
      tpu.wait_dma2 semaphore(%run_scoped3A : memref<!tpu.dma_semaphore, #tpu.memory_space<semaphore_mem>>) src(%dma_wait3A_20 : memref<81x128xi32, #tpu.memory_space<hbm>>) dst(%arg5 : memref<81x128xi32, #tpu.memory_space<vmem>>)
      tpu.yield
    }) : () -> ()
    %broadcast_in_dim3A = arith.constant 1.000000e+00 : f32
    %broadcast_in_dim3A_1 = vector.broadcast %broadcast_in_dim3A : f32 to vector<16xf32>
    %scan3A = arith.constant 0 : i32
    %scan3A_2 = arith.constant 0 : i32
    %scan3A_3 = arith.constant 648 : i32
    %scan3A_4 = arith.addi %scan3A_2, %scan3A_3 : i32
    %scan3A_5 = arith.constant 1 : i32
    scf.for %scan3A_7 = %scan3A_2 to %scan3A_4 step %scan3A_5  : i32 {
      %jit3A = arith.constant 8 : i32
      %div3A = arith.divsi %scan3A_7, %jit3A : i32
      %sign3A = arith.constant 0 : i32
      %sign3A_8 = arith.cmpi sgt, %scan3A_7, %sign3A : i32
      %sign3A_9 = arith.extui %sign3A_8 : i1 to i32
      %sign3A_10 = arith.constant 0 : i32
      %sign3A_11 = arith.cmpi slt, %scan3A_7, %sign3A_10 : i32
      %sign3A_12 = arith.extui %sign3A_11 : i1 to i32
      %sign3A_13 = arith.subi %sign3A_9, %sign3A_12 : i32
      %sign3A_14 = arith.constant 0 : i32
      %sign3A_15 = arith.cmpi sgt, %jit3A, %sign3A_14 : i32
      %sign3A_16 = arith.extui %sign3A_15 : i1 to i32
      %sign3A_17 = arith.constant 0 : i32
      %sign3A_18 = arith.cmpi slt, %jit3A, %sign3A_17 : i32
      %sign3A_19 = arith.extui %sign3A_18 : i1 to i32
      %sign3A_20 = arith.subi %sign3A_16, %sign3A_19 : i32
      %ne3A = arith.cmpi ne, %sign3A_13, %sign3A_20 : i32
      %rem3A = arith.remsi %scan3A_7, %jit3A : i32
      %ne3A_21 = arith.constant 0 : i32
      %ne3A_22 = arith.cmpi ne, %rem3A, %ne3A_21 : i32
      %and3A = arith.andi %ne3A, %ne3A_22 : i1
      %sub3A = arith.constant 1 : i32
      %sub3A_23 = arith.subi %div3A, %sub3A : i32
      %select_n3A = arith.select %and3A, %sub3A_23, %div3A : i32
      %jit3A_24 = arith.constant 8 : i32
      %eq3A = arith.constant 0 : i32
      %eq3A_25 = arith.cmpi eq, %jit3A_24, %eq3A : i32
      %jit3A_26 = arith.constant 1 : i32
      %select_n3A_27 = arith.select %eq3A_25, %jit3A_26, %jit3A_24 : i32
      %rem3A_28 = arith.remsi %scan3A_7, %select_n3A_27 : i32
      %ne3A_29 = arith.constant 0 : i32
      %ne3A_30 = arith.cmpi ne, %rem3A_28, %ne3A_29 : i32
      %lt3A = arith.constant 0 : i32
      %lt3A_31 = arith.cmpi slt, %rem3A_28, %lt3A : i32
      %lt3A_32 = arith.constant 0 : i32
      %lt3A_33 = arith.cmpi slt, %select_n3A_27, %lt3A_32 : i32
      %ne3A_34 = arith.xori %lt3A_31, %lt3A_33 : i1
      %and3A_35 = arith.andi %ne3A_34, %ne3A_30 : i1
      %add3A_36 = arith.addi %rem3A_28, %select_n3A_27 : i32
      %select_n3A_37 = arith.select %and3A_35, %add3A_36, %rem3A_28 : i32
      %mul3A_38 = arith.constant 16 : i32
      %mul3A_39 = arith.muli %select_n3A_37, %mul3A_38 : i32
      %get3A = arith.index_cast %select_n3A : i32 to index
      %get3A_40 = arith.index_cast %mul3A_39 : i32 to index
      %get3A_41 = tpu.vector_load %arg5[%get3A, %get3A_40] {strides = array<i32>} : memref<81x128xi32, #tpu.memory_space<vmem>>, vector<16xi32>,
      tpu.vector_store_idx %arg6[%get3A_41], %broadcast_in_dim3A_1 {add = true} : memref<10240xf32, #tpu.memory_space<vmem>>[vector<16xi32>], vector<16xf32>,
    }
    %scan3A_6 = arith.constant 648 : i32
    "tpu.region"() ({
      %run_scoped3A = tpu.sem_alloc : memref<!tpu.dma_semaphore, #tpu.memory_space<semaphore_mem>>
      %dma_start3A = arith.constant 0 : i32
      %dma_start3A_7 = tpu.memref_slice %arg4[%add3A, %dma_start3A] : memref<32x10240xf32, #tpu.memory_space<hbm>> -> memref<1x10240xf32, #tpu.memory_space<hbm>>
      %dma_start3A_8 = tpu.memref_squeeze %dma_start3A_7 : memref<1x10240xf32, #tpu.memory_space<hbm>> -> memref<10240xf32, #tpu.memory_space<hbm>>
      %dma_start3A_9 = arith.constant 0 : i32
      %dma_start3A_10 = tpu.memref_slice %arg4[%add3A, %dma_start3A_9] : memref<32x10240xf32, #tpu.memory_space<hbm>> -> memref<1x10240xf32, #tpu.memory_space<hbm>>
      %dma_start3A_11 = tpu.memref_squeeze %dma_start3A_10 : memref<1x10240xf32, #tpu.memory_space<hbm>> -> memref<10240xf32, #tpu.memory_space<hbm>>
      tpu.enqueue_dma source(%arg6 : memref<10240xf32, #tpu.memory_space<vmem>>) target(%dma_start3A_11 : memref<10240xf32, #tpu.memory_space<hbm>>) target_semaphore(%run_scoped3A : memref<!tpu.dma_semaphore, #tpu.memory_space<semaphore_mem>>)
      %dma_wait3A = arith.constant 0 : i32
      %dma_wait3A_12 = tpu.memref_slice %arg4[%add3A, %dma_wait3A] : memref<32x10240xf32, #tpu.memory_space<hbm>> -> memref<1x10240xf32, #tpu.memory_space<hbm>>
      %dma_wait3A_13 = tpu.memref_squeeze %dma_wait3A_12 : memref<1x10240xf32, #tpu.memory_space<hbm>> -> memref<10240xf32, #tpu.memory_space<hbm>>
      %dma_wait3A_14 = arith.constant 0 : i32
      %dma_wait3A_15 = tpu.memref_slice %arg4[%add3A, %dma_wait3A_14] : memref<32x10240xf32, #tpu.memory_space<hbm>> -> memref<1x10240xf32, #tpu.memory_space<hbm>>
      %dma_wait3A_16 = tpu.memref_squeeze %dma_wait3A_15 : memref<1x10240xf32, #tpu.memory_space<hbm>> -> memref<10240xf32, #tpu.memory_space<hbm>>
      tpu.wait_dma2 semaphore(%run_scoped3A : memref<!tpu.dma_semaphore, #tpu.memory_space<semaphore_mem>>) src(%arg6 : memref<10240xf32, #tpu.memory_space<vmem>>) dst(%dma_wait3A_16 : memref<10240xf32, #tpu.memory_space<hbm>>)
      tpu.yield
    }) : () -> ()
    return
  }
}

#map = affine_map<(d0, d1) -> (0, 0)>
#map1 = affine_map<(d0, d1) -> (0, 0, 0)>
module attributes {stable_mosaic.version = 14 : i64} {
  func.func @agg(%arg0: i32, %arg1: i32, %arg2: memref<10240x128xf32, #tpu.memory_space<hbm>>, %arg3: memref<32x81x128xi32, #tpu.memory_space<hbm>>, %arg4: memref<32x81x128xi32, #tpu.memory_space<hbm>>, %arg5: memref<640x128xf32, #tpu.memory_space<hbm>>, %arg6: memref<2x10240x128xf32, #tpu.memory_space<hbm>>, %arg7: memref<81x128xi32, #tpu.memory_space<vmem>>, %arg8: memref<81x128xi32, #tpu.memory_space<vmem>>, %arg9: memref<128x128xf32, #tpu.memory_space<vmem>>, %arg10: memref<10240x128xf32, #tpu.memory_space<vmem_shared>>, %arg11: memref<!tpu.dma_semaphore, #tpu.memory_space<semaphore_mem>>) attributes {dimension_semantics = [#tpu.dimension_semantics<core_parallel>, #tpu.dimension_semantics<subcore_parallel>], iteration_bounds = array<i64: 2, 16>, scalar_prefetch = 0 : i64, scratch_operands = 5 : i64, tpu.core_type = #tpu.core_type<sc_vector_subcore>, window_params = [{transform_indices = #map}, {transform_indices = #map1}, {transform_indices = #map1}, {transform_indices = #map}, {transform_indices = #map1}]} {
    %mul3A = arith.constant 16 : i32
    %mul3A_0 = arith.muli %arg0, %mul3A : i32
    %add3A = arith.addi %mul3A_0, %arg1 : i32
    %mul3A_1 = arith.constant 640 : i32
    %mul3A_2 = arith.muli %arg1, %mul3A_1 : i32
    "tpu.region"() ({
      %run_scoped3A = tpu.sem_alloc : memref<!tpu.dma_semaphore, #tpu.memory_space<semaphore_mem>>
      %dma_start3A = arith.constant 0 : i32
      %dma_start3A_13 = tpu.memref_slice %arg10[%mul3A_2, %dma_start3A] : memref<10240x128xf32, #tpu.memory_space<vmem_shared>> -> memref<640x128xf32, #tpu.memory_space<vmem_shared>>
      tpu.enqueue_dma source(%arg5 : memref<640x128xf32, #tpu.memory_space<hbm>>) target(%dma_start3A_13 : memref<640x128xf32, #tpu.memory_space<vmem_shared>>) target_semaphore(%run_scoped3A : memref<!tpu.dma_semaphore, #tpu.memory_space<semaphore_mem>>)
      %dma_wait3A = arith.constant 0 : i32
      %dma_wait3A_14 = tpu.memref_slice %arg10[%mul3A_2, %dma_wait3A] : memref<10240x128xf32, #tpu.memory_space<vmem_shared>> -> memref<640x128xf32, #tpu.memory_space<vmem_shared>>
      tpu.wait_dma2 semaphore(%run_scoped3A : memref<!tpu.dma_semaphore, #tpu.memory_space<semaphore_mem>>) src(%arg5 : memref<640x128xf32, #tpu.memory_space<hbm>>) dst(%dma_wait3A_14 : memref<640x128xf32, #tpu.memory_space<vmem_shared>>)
      tpu.yield
    }) : () -> ()
    "tpu.region"() ({
      %run_scoped3A = tpu.sem_alloc : memref<!tpu.dma_semaphore, #tpu.memory_space<semaphore_mem>>
      %dma_start3A = arith.constant 0 : i32
      %dma_start3A_13 = arith.constant 0 : i32
      %dma_start3A_14 = tpu.memref_slice %arg3[%add3A, %dma_start3A, %dma_start3A_13] : memref<32x81x128xi32, #tpu.memory_space<hbm>> -> memref<1x81x128xi32, #tpu.memory_space<hbm>>
      %dma_start3A_15 = tpu.memref_squeeze %dma_start3A_14 : memref<1x81x128xi32, #tpu.memory_space<hbm>> -> memref<81x128xi32, #tpu.memory_space<hbm>>
      %dma_start3A_16 = arith.constant 0 : i32
      %dma_start3A_17 = arith.constant 0 : i32
      %dma_start3A_18 = tpu.memref_slice %arg3[%add3A, %dma_start3A_16, %dma_start3A_17] : memref<32x81x128xi32, #tpu.memory_space<hbm>> -> memref<1x81x128xi32, #tpu.memory_space<hbm>>
      %dma_start3A_19 = tpu.memref_squeeze %dma_start3A_18 : memref<1x81x128xi32, #tpu.memory_space<hbm>> -> memref<81x128xi32, #tpu.memory_space<hbm>>
      tpu.enqueue_dma source(%dma_start3A_19 : memref<81x128xi32, #tpu.memory_space<hbm>>) target(%arg7 : memref<81x128xi32, #tpu.memory_space<vmem>>) target_semaphore(%run_scoped3A : memref<!tpu.dma_semaphore, #tpu.memory_space<semaphore_mem>>)
      %dma_wait3A = arith.constant 0 : i32
      %dma_wait3A_20 = arith.constant 0 : i32
      %dma_wait3A_21 = tpu.memref_slice %arg3[%add3A, %dma_wait3A, %dma_wait3A_20] : memref<32x81x128xi32, #tpu.memory_space<hbm>> -> memref<1x81x128xi32, #tpu.memory_space<hbm>>
      %dma_wait3A_22 = tpu.memref_squeeze %dma_wait3A_21 : memref<1x81x128xi32, #tpu.memory_space<hbm>> -> memref<81x128xi32, #tpu.memory_space<hbm>>
      %dma_wait3A_23 = arith.constant 0 : i32
      %dma_wait3A_24 = arith.constant 0 : i32
      %dma_wait3A_25 = tpu.memref_slice %arg3[%add3A, %dma_wait3A_23, %dma_wait3A_24] : memref<32x81x128xi32, #tpu.memory_space<hbm>> -> memref<1x81x128xi32, #tpu.memory_space<hbm>>
      %dma_wait3A_26 = tpu.memref_squeeze %dma_wait3A_25 : memref<1x81x128xi32, #tpu.memory_space<hbm>> -> memref<81x128xi32, #tpu.memory_space<hbm>>
      tpu.wait_dma2 semaphore(%run_scoped3A : memref<!tpu.dma_semaphore, #tpu.memory_space<semaphore_mem>>) src(%dma_wait3A_26 : memref<81x128xi32, #tpu.memory_space<hbm>>) dst(%arg7 : memref<81x128xi32, #tpu.memory_space<vmem>>)
      tpu.yield
    }) : () -> ()
    "tpu.region"() ({
      %run_scoped3A = tpu.sem_alloc : memref<!tpu.dma_semaphore, #tpu.memory_space<semaphore_mem>>
      %dma_start3A = arith.constant 0 : i32
      %dma_start3A_13 = arith.constant 0 : i32
      %dma_start3A_14 = tpu.memref_slice %arg4[%add3A, %dma_start3A, %dma_start3A_13] : memref<32x81x128xi32, #tpu.memory_space<hbm>> -> memref<1x81x128xi32, #tpu.memory_space<hbm>>
      %dma_start3A_15 = tpu.memref_squeeze %dma_start3A_14 : memref<1x81x128xi32, #tpu.memory_space<hbm>> -> memref<81x128xi32, #tpu.memory_space<hbm>>
      %dma_start3A_16 = arith.constant 0 : i32
      %dma_start3A_17 = arith.constant 0 : i32
      %dma_start3A_18 = tpu.memref_slice %arg4[%add3A, %dma_start3A_16, %dma_start3A_17] : memref<32x81x128xi32, #tpu.memory_space<hbm>> -> memref<1x81x128xi32, #tpu.memory_space<hbm>>
      %dma_start3A_19 = tpu.memref_squeeze %dma_start3A_18 : memref<1x81x128xi32, #tpu.memory_space<hbm>> -> memref<81x128xi32, #tpu.memory_space<hbm>>
      tpu.enqueue_dma source(%dma_start3A_19 : memref<81x128xi32, #tpu.memory_space<hbm>>) target(%arg8 : memref<81x128xi32, #tpu.memory_space<vmem>>) target_semaphore(%run_scoped3A : memref<!tpu.dma_semaphore, #tpu.memory_space<semaphore_mem>>)
      %dma_wait3A = arith.constant 0 : i32
      %dma_wait3A_20 = arith.constant 0 : i32
      %dma_wait3A_21 = tpu.memref_slice %arg4[%add3A, %dma_wait3A, %dma_wait3A_20] : memref<32x81x128xi32, #tpu.memory_space<hbm>> -> memref<1x81x128xi32, #tpu.memory_space<hbm>>
      %dma_wait3A_22 = tpu.memref_squeeze %dma_wait3A_21 : memref<1x81x128xi32, #tpu.memory_space<hbm>> -> memref<81x128xi32, #tpu.memory_space<hbm>>
      %dma_wait3A_23 = arith.constant 0 : i32
      %dma_wait3A_24 = arith.constant 0 : i32
      %dma_wait3A_25 = tpu.memref_slice %arg4[%add3A, %dma_wait3A_23, %dma_wait3A_24] : memref<32x81x128xi32, #tpu.memory_space<hbm>> -> memref<1x81x128xi32, #tpu.memory_space<hbm>>
      %dma_wait3A_26 = tpu.memref_squeeze %dma_wait3A_25 : memref<1x81x128xi32, #tpu.memory_space<hbm>> -> memref<81x128xi32, #tpu.memory_space<hbm>>
      tpu.wait_dma2 semaphore(%run_scoped3A : memref<!tpu.dma_semaphore, #tpu.memory_space<semaphore_mem>>) src(%dma_wait3A_26 : memref<81x128xi32, #tpu.memory_space<hbm>>) dst(%arg8 : memref<81x128xi32, #tpu.memory_space<vmem>>)
      tpu.yield
    }) : () -> ()
    %barrier3A = arith.constant 0 : index
    tpu.barrier barrier_id(%barrier3A)
    %scan3A = arith.constant 0 : i32
    %scan3A_3 = arith.constant 0 : i32
    %scan3A_4 = arith.constant 81 : i32
    %scan3A_5 = arith.addi %scan3A_3, %scan3A_4 : i32
    %scan3A_6 = arith.constant 1 : i32
    scf.for %scan3A_13 = %scan3A_3 to %scan3A_5 step %scan3A_6  : i32 {
      %dma_start3A = arith.constant 0 : i32
      %dma_start3A_14 = tpu.memref_slice %arg7[%scan3A_13, %dma_start3A] : memref<81x128xi32, #tpu.memory_space<vmem>> -> memref<1x128xi32, #tpu.memory_space<vmem>>
      %dma_start3A_15 = tpu.memref_squeeze %dma_start3A_14 : memref<1x128xi32, #tpu.memory_space<vmem>> -> memref<128xi32, #tpu.memory_space<vmem>>
      %dma_start3A_16 = arith.constant 0 : i32
      %dma_start3A_17 = arith.constant 0 : i32
      %dma_start3A_18 = tpu.memref_slice %arg2[%dma_start3A_16, %dma_start3A_17] : memref<10240x128xf32, #tpu.memory_space<hbm>> -> memref<10240x128xf32, #tpu.memory_space<hbm>>
      tpu.enqueue_indirect_dma source(%dma_start3A_18 : memref<10240x128xf32, #tpu.memory_space<hbm>>) target(%arg9 : memref<128x128xf32, #tpu.memory_space<vmem>>) offsets(%dma_start3A_15 : memref<128xi32, #tpu.memory_space<vmem>>) semaphore(%arg11 : memref<!tpu.dma_semaphore, #tpu.memory_space<semaphore_mem>>)
      %dma_wait3A = arith.constant 0 : i32
      %dma_wait3A_19 = tpu.memref_slice %arg7[%scan3A_13, %dma_wait3A] : memref<81x128xi32, #tpu.memory_space<vmem>> -> memref<1x128xi32, #tpu.memory_space<vmem>>
      %dma_wait3A_20 = tpu.memref_squeeze %dma_wait3A_19 : memref<1x128xi32, #tpu.memory_space<vmem>> -> memref<128xi32, #tpu.memory_space<vmem>>
      %dma_wait3A_21 = arith.constant 0 : i32
      %dma_wait3A_22 = arith.constant 0 : i32
      %dma_wait3A_23 = tpu.memref_slice %arg2[%dma_wait3A_21, %dma_wait3A_22] : memref<10240x128xf32, #tpu.memory_space<hbm>> -> memref<10240x128xf32, #tpu.memory_space<hbm>>
      tpu.wait_indirect_dma semaphore(%arg11 : memref<!tpu.dma_semaphore, #tpu.memory_space<semaphore_mem>>) src(%dma_wait3A_23 : memref<10240x128xf32, #tpu.memory_space<hbm>>) dst(%arg9 : memref<128x128xf32, #tpu.memory_space<vmem>>)
      "tpu.region"() ({
        %run_scoped3A = tpu.sem_alloc : memref<!tpu.dma_semaphore, #tpu.memory_space<semaphore_mem>>
        %dma_start3A_24 = arith.constant 0 : i32
        %dma_start3A_25 = tpu.memref_slice %arg8[%scan3A_13, %dma_start3A_24] : memref<81x128xi32, #tpu.memory_space<vmem>> -> memref<1x128xi32, #tpu.memory_space<vmem>>
        %dma_start3A_26 = tpu.memref_squeeze %dma_start3A_25 : memref<1x128xi32, #tpu.memory_space<vmem>> -> memref<128xi32, #tpu.memory_space<vmem>>
        %dma_start3A_27 = arith.constant 0 : i32
        %dma_start3A_28 = arith.constant 0 : i32
        %dma_start3A_29 = tpu.memref_slice %arg10[%dma_start3A_27, %dma_start3A_28] : memref<10240x128xf32, #tpu.memory_space<vmem_shared>> -> memref<10240x128xf32, #tpu.memory_space<vmem_shared>>
        tpu.enqueue_indirect_dma source(%arg9 : memref<128x128xf32, #tpu.memory_space<vmem>>) target(%dma_start3A_29 : memref<10240x128xf32, #tpu.memory_space<vmem_shared>>) offsets(%dma_start3A_26 : memref<128xi32, #tpu.memory_space<vmem>>) semaphore(%run_scoped3A : memref<!tpu.dma_semaphore, #tpu.memory_space<semaphore_mem>>) {add = true}
        %dma_wait3A_30 = arith.constant 0 : i32
        %dma_wait3A_31 = tpu.memref_slice %arg8[%scan3A_13, %dma_wait3A_30] : memref<81x128xi32, #tpu.memory_space<vmem>> -> memref<1x128xi32, #tpu.memory_space<vmem>>
        %dma_wait3A_32 = tpu.memref_squeeze %dma_wait3A_31 : memref<1x128xi32, #tpu.memory_space<vmem>> -> memref<128xi32, #tpu.memory_space<vmem>>
        %dma_wait3A_33 = arith.constant 0 : i32
        %dma_wait3A_34 = arith.constant 0 : i32
        %dma_wait3A_35 = tpu.memref_slice %arg10[%dma_wait3A_33, %dma_wait3A_34] : memref<10240x128xf32, #tpu.memory_space<vmem_shared>> -> memref<10240x128xf32, #tpu.memory_space<vmem_shared>>
        tpu.wait_indirect_dma semaphore(%run_scoped3A : memref<!tpu.dma_semaphore, #tpu.memory_space<semaphore_mem>>) src(%arg9 : memref<128x128xf32, #tpu.memory_space<vmem>>) dst(%dma_wait3A_35 : memref<10240x128xf32, #tpu.memory_space<vmem_shared>>)
        tpu.yield
      }) : () -> ()
    }
    %scan3A_7 = arith.constant 81 : i32
    %barrier3A_8 = arith.constant 0 : index
    tpu.barrier barrier_id(%barrier3A_8)
    %mul3A_9 = arith.constant 640 : i32
    %mul3A_10 = arith.muli %arg1, %mul3A_9 : i32
    %mul3A_11 = arith.constant 640 : i32
    %mul3A_12 = arith.muli %arg1, %mul3A_11 : i32
    "tpu.region"() ({
      %run_scoped3A = tpu.sem_alloc : memref<!tpu.dma_semaphore, #tpu.memory_space<semaphore_mem>>
      %dma_start3A = arith.constant 0 : i32
      %dma_start3A_13 = tpu.memref_slice %arg6[%arg0, %mul3A_12, %dma_start3A] : memref<2x10240x128xf32, #tpu.memory_space<hbm>> -> memref<1x640x128xf32, #tpu.memory_space<hbm>>
      %dma_start3A_14 = tpu.memref_squeeze %dma_start3A_13 : memref<1x640x128xf32, #tpu.memory_space<hbm>> -> memref<640x128xf32, #tpu.memory_space<hbm>>
      %dma_start3A_15 = arith.constant 0 : i32
      %dma_start3A_16 = tpu.memref_slice %arg10[%mul3A_10, %dma_start3A_15] : memref<10240x128xf32, #tpu.memory_space<vmem_shared>> -> memref<640x128xf32, #tpu.memory_space<vmem_shared>>
      tpu.enqueue_dma source(%dma_start3A_16 : memref<640x128xf32, #tpu.memory_space<vmem_shared>>) target(%dma_start3A_14 : memref<640x128xf32, #tpu.memory_space<hbm>>) target_semaphore(%run_scoped3A : memref<!tpu.dma_semaphore, #tpu.memory_space<semaphore_mem>>)
      %dma_wait3A = arith.constant 0 : i32
      %dma_wait3A_17 = tpu.memref_slice %arg6[%arg0, %mul3A_12, %dma_wait3A] : memref<2x10240x128xf32, #tpu.memory_space<hbm>> -> memref<1x640x128xf32, #tpu.memory_space<hbm>>
      %dma_wait3A_18 = tpu.memref_squeeze %dma_wait3A_17 : memref<1x640x128xf32, #tpu.memory_space<hbm>> -> memref<640x128xf32, #tpu.memory_space<hbm>>
      %dma_wait3A_19 = arith.constant 0 : i32
      %dma_wait3A_20 = tpu.memref_slice %arg10[%mul3A_10, %dma_wait3A_19] : memref<10240x128xf32, #tpu.memory_space<vmem_shared>> -> memref<640x128xf32, #tpu.memory_space<vmem_shared>>
      tpu.wait_dma2 semaphore(%run_scoped3A : memref<!tpu.dma_semaphore, #tpu.memory_space<semaphore_mem>>) src(%dma_wait3A_20 : memref<640x128xf32, #tpu.memory_space<vmem_shared>>) dst(%dma_wait3A_18 : memref<640x128xf32, #tpu.memory_space<hbm>>)
      tpu.yield
    }) : () -> ()
    return
  }
}

#map = affine_map<(d0, d1) -> (0, 0)>
#map1 = affine_map<(d0, d1) -> (0, 0, 0)>
module attributes {stable_mosaic.version = 14 : i64} {
  func.func @agg(%arg0: i32, %arg1: i32, %arg2: memref<10240x128xf32, #tpu.memory_space<hbm>>, %arg3: memref<32x81x128xi32, #tpu.memory_space<hbm>>, %arg4: memref<32x81x128xi32, #tpu.memory_space<hbm>>, %arg5: memref<640x128xf32, #tpu.memory_space<hbm>>, %arg6: memref<2x10240x128xf32, #tpu.memory_space<hbm>>, %arg7: memref<81x128xi32, #tpu.memory_space<vmem>>, %arg8: memref<81x128xi32, #tpu.memory_space<vmem>>, %arg9: memref<128x128xf32, #tpu.memory_space<vmem>>, %arg10: memref<10240x128xf32, #tpu.memory_space<vmem_shared>>, %arg11: memref<!tpu.dma_semaphore, #tpu.memory_space<semaphore_mem>>) attributes {dimension_semantics = [#tpu.dimension_semantics<core_parallel>, #tpu.dimension_semantics<subcore_parallel>], iteration_bounds = array<i64: 2, 16>, scalar_prefetch = 0 : i64, scratch_operands = 5 : i64, tpu.core_type = #tpu.core_type<sc_vector_subcore>, window_params = [{transform_indices = #map}, {transform_indices = #map1}, {transform_indices = #map1}, {transform_indices = #map}, {transform_indices = #map1}]} {
    %mul3A = arith.constant 16 : i32
    %mul3A_0 = arith.muli %arg0, %mul3A : i32
    %add3A = arith.addi %mul3A_0, %arg1 : i32
    %mul3A_1 = arith.constant 640 : i32
    %mul3A_2 = arith.muli %arg1, %mul3A_1 : i32
    "tpu.region"() ({
      %run_scoped3A = tpu.sem_alloc : memref<!tpu.dma_semaphore, #tpu.memory_space<semaphore_mem>>
      %dma_start3A = arith.constant 0 : i32
      %dma_start3A_13 = tpu.memref_slice %arg10[%mul3A_2, %dma_start3A] : memref<10240x128xf32, #tpu.memory_space<vmem_shared>> -> memref<640x128xf32, #tpu.memory_space<vmem_shared>>
      tpu.enqueue_dma source(%arg5 : memref<640x128xf32, #tpu.memory_space<hbm>>) target(%dma_start3A_13 : memref<640x128xf32, #tpu.memory_space<vmem_shared>>) target_semaphore(%run_scoped3A : memref<!tpu.dma_semaphore, #tpu.memory_space<semaphore_mem>>)
      %dma_wait3A = arith.constant 0 : i32
      %dma_wait3A_14 = tpu.memref_slice %arg10[%mul3A_2, %dma_wait3A] : memref<10240x128xf32, #tpu.memory_space<vmem_shared>> -> memref<640x128xf32, #tpu.memory_space<vmem_shared>>
      tpu.wait_dma2 semaphore(%run_scoped3A : memref<!tpu.dma_semaphore, #tpu.memory_space<semaphore_mem>>) src(%arg5 : memref<640x128xf32, #tpu.memory_space<hbm>>) dst(%dma_wait3A_14 : memref<640x128xf32, #tpu.memory_space<vmem_shared>>)
      tpu.yield
    }) : () -> ()
    "tpu.region"() ({
      %run_scoped3A = tpu.sem_alloc : memref<!tpu.dma_semaphore, #tpu.memory_space<semaphore_mem>>
      %dma_start3A = arith.constant 0 : i32
      %dma_start3A_13 = arith.constant 0 : i32
      %dma_start3A_14 = tpu.memref_slice %arg3[%add3A, %dma_start3A, %dma_start3A_13] : memref<32x81x128xi32, #tpu.memory_space<hbm>> -> memref<1x81x128xi32, #tpu.memory_space<hbm>>
      %dma_start3A_15 = tpu.memref_squeeze %dma_start3A_14 : memref<1x81x128xi32, #tpu.memory_space<hbm>> -> memref<81x128xi32, #tpu.memory_space<hbm>>
      %dma_start3A_16 = arith.constant 0 : i32
      %dma_start3A_17 = arith.constant 0 : i32
      %dma_start3A_18 = tpu.memref_slice %arg3[%add3A, %dma_start3A_16, %dma_start3A_17] : memref<32x81x128xi32, #tpu.memory_space<hbm>> -> memref<1x81x128xi32, #tpu.memory_space<hbm>>
      %dma_start3A_19 = tpu.memref_squeeze %dma_start3A_18 : memref<1x81x128xi32, #tpu.memory_space<hbm>> -> memref<81x128xi32, #tpu.memory_space<hbm>>
      tpu.enqueue_dma source(%dma_start3A_19 : memref<81x128xi32, #tpu.memory_space<hbm>>) target(%arg7 : memref<81x128xi32, #tpu.memory_space<vmem>>) target_semaphore(%run_scoped3A : memref<!tpu.dma_semaphore, #tpu.memory_space<semaphore_mem>>)
      %dma_wait3A = arith.constant 0 : i32
      %dma_wait3A_20 = arith.constant 0 : i32
      %dma_wait3A_21 = tpu.memref_slice %arg3[%add3A, %dma_wait3A, %dma_wait3A_20] : memref<32x81x128xi32, #tpu.memory_space<hbm>> -> memref<1x81x128xi32, #tpu.memory_space<hbm>>
      %dma_wait3A_22 = tpu.memref_squeeze %dma_wait3A_21 : memref<1x81x128xi32, #tpu.memory_space<hbm>> -> memref<81x128xi32, #tpu.memory_space<hbm>>
      %dma_wait3A_23 = arith.constant 0 : i32
      %dma_wait3A_24 = arith.constant 0 : i32
      %dma_wait3A_25 = tpu.memref_slice %arg3[%add3A, %dma_wait3A_23, %dma_wait3A_24] : memref<32x81x128xi32, #tpu.memory_space<hbm>> -> memref<1x81x128xi32, #tpu.memory_space<hbm>>
      %dma_wait3A_26 = tpu.memref_squeeze %dma_wait3A_25 : memref<1x81x128xi32, #tpu.memory_space<hbm>> -> memref<81x128xi32, #tpu.memory_space<hbm>>
      tpu.wait_dma2 semaphore(%run_scoped3A : memref<!tpu.dma_semaphore, #tpu.memory_space<semaphore_mem>>) src(%dma_wait3A_26 : memref<81x128xi32, #tpu.memory_space<hbm>>) dst(%arg7 : memref<81x128xi32, #tpu.memory_space<vmem>>)
      tpu.yield
    }) : () -> ()
    "tpu.region"() ({
      %run_scoped3A = tpu.sem_alloc : memref<!tpu.dma_semaphore, #tpu.memory_space<semaphore_mem>>
      %dma_start3A = arith.constant 0 : i32
      %dma_start3A_13 = arith.constant 0 : i32
      %dma_start3A_14 = tpu.memref_slice %arg4[%add3A, %dma_start3A, %dma_start3A_13] : memref<32x81x128xi32, #tpu.memory_space<hbm>> -> memref<1x81x128xi32, #tpu.memory_space<hbm>>
      %dma_start3A_15 = tpu.memref_squeeze %dma_start3A_14 : memref<1x81x128xi32, #tpu.memory_space<hbm>> -> memref<81x128xi32, #tpu.memory_space<hbm>>
      %dma_start3A_16 = arith.constant 0 : i32
      %dma_start3A_17 = arith.constant 0 : i32
      %dma_start3A_18 = tpu.memref_slice %arg4[%add3A, %dma_start3A_16, %dma_start3A_17] : memref<32x81x128xi32, #tpu.memory_space<hbm>> -> memref<1x81x128xi32, #tpu.memory_space<hbm>>
      %dma_start3A_19 = tpu.memref_squeeze %dma_start3A_18 : memref<1x81x128xi32, #tpu.memory_space<hbm>> -> memref<81x128xi32, #tpu.memory_space<hbm>>
      tpu.enqueue_dma source(%dma_start3A_19 : memref<81x128xi32, #tpu.memory_space<hbm>>) target(%arg8 : memref<81x128xi32, #tpu.memory_space<vmem>>) target_semaphore(%run_scoped3A : memref<!tpu.dma_semaphore, #tpu.memory_space<semaphore_mem>>)
      %dma_wait3A = arith.constant 0 : i32
      %dma_wait3A_20 = arith.constant 0 : i32
      %dma_wait3A_21 = tpu.memref_slice %arg4[%add3A, %dma_wait3A, %dma_wait3A_20] : memref<32x81x128xi32, #tpu.memory_space<hbm>> -> memref<1x81x128xi32, #tpu.memory_space<hbm>>
      %dma_wait3A_22 = tpu.memref_squeeze %dma_wait3A_21 : memref<1x81x128xi32, #tpu.memory_space<hbm>> -> memref<81x128xi32, #tpu.memory_space<hbm>>
      %dma_wait3A_23 = arith.constant 0 : i32
      %dma_wait3A_24 = arith.constant 0 : i32
      %dma_wait3A_25 = tpu.memref_slice %arg4[%add3A, %dma_wait3A_23, %dma_wait3A_24] : memref<32x81x128xi32, #tpu.memory_space<hbm>> -> memref<1x81x128xi32, #tpu.memory_space<hbm>>
      %dma_wait3A_26 = tpu.memref_squeeze %dma_wait3A_25 : memref<1x81x128xi32, #tpu.memory_space<hbm>> -> memref<81x128xi32, #tpu.memory_space<hbm>>
      tpu.wait_dma2 semaphore(%run_scoped3A : memref<!tpu.dma_semaphore, #tpu.memory_space<semaphore_mem>>) src(%dma_wait3A_26 : memref<81x128xi32, #tpu.memory_space<hbm>>) dst(%arg8 : memref<81x128xi32, #tpu.memory_space<vmem>>)
      tpu.yield
    }) : () -> ()
    %barrier3A = arith.constant 0 : index
    tpu.barrier barrier_id(%barrier3A)
    %scan3A = arith.constant 0 : i32
    %scan3A_3 = arith.constant 0 : i32
    %scan3A_4 = arith.constant 81 : i32
    %scan3A_5 = arith.addi %scan3A_3, %scan3A_4 : i32
    %scan3A_6 = arith.constant 1 : i32
    scf.for %scan3A_13 = %scan3A_3 to %scan3A_5 step %scan3A_6  : i32 {
      %dma_start3A = arith.constant 0 : i32
      %dma_start3A_14 = tpu.memref_slice %arg7[%scan3A_13, %dma_start3A] : memref<81x128xi32, #tpu.memory_space<vmem>> -> memref<1x128xi32, #tpu.memory_space<vmem>>
      %dma_start3A_15 = tpu.memref_squeeze %dma_start3A_14 : memref<1x128xi32, #tpu.memory_space<vmem>> -> memref<128xi32, #tpu.memory_space<vmem>>
      %dma_start3A_16 = arith.constant 0 : i32
      %dma_start3A_17 = arith.constant 0 : i32
      %dma_start3A_18 = tpu.memref_slice %arg2[%dma_start3A_16, %dma_start3A_17] : memref<10240x128xf32, #tpu.memory_space<hbm>> -> memref<10240x128xf32, #tpu.memory_space<hbm>>
      tpu.enqueue_indirect_dma source(%dma_start3A_18 : memref<10240x128xf32, #tpu.memory_space<hbm>>) target(%arg9 : memref<128x128xf32, #tpu.memory_space<vmem>>) offsets(%dma_start3A_15 : memref<128xi32, #tpu.memory_space<vmem>>) semaphore(%arg11 : memref<!tpu.dma_semaphore, #tpu.memory_space<semaphore_mem>>)
      %dma_wait3A = arith.constant 0 : i32
      %dma_wait3A_19 = tpu.memref_slice %arg7[%scan3A_13, %dma_wait3A] : memref<81x128xi32, #tpu.memory_space<vmem>> -> memref<1x128xi32, #tpu.memory_space<vmem>>
      %dma_wait3A_20 = tpu.memref_squeeze %dma_wait3A_19 : memref<1x128xi32, #tpu.memory_space<vmem>> -> memref<128xi32, #tpu.memory_space<vmem>>
      %dma_wait3A_21 = arith.constant 0 : i32
      %dma_wait3A_22 = arith.constant 0 : i32
      %dma_wait3A_23 = tpu.memref_slice %arg2[%dma_wait3A_21, %dma_wait3A_22] : memref<10240x128xf32, #tpu.memory_space<hbm>> -> memref<10240x128xf32, #tpu.memory_space<hbm>>
      tpu.wait_indirect_dma semaphore(%arg11 : memref<!tpu.dma_semaphore, #tpu.memory_space<semaphore_mem>>) src(%dma_wait3A_23 : memref<10240x128xf32, #tpu.memory_space<hbm>>) dst(%arg9 : memref<128x128xf32, #tpu.memory_space<vmem>>)
      "tpu.region"() ({
        %run_scoped3A = tpu.sem_alloc : memref<!tpu.dma_semaphore, #tpu.memory_space<semaphore_mem>>
        %dma_start3A_24 = arith.constant 0 : i32
        %dma_start3A_25 = tpu.memref_slice %arg8[%scan3A_13, %dma_start3A_24] : memref<81x128xi32, #tpu.memory_space<vmem>> -> memref<1x128xi32, #tpu.memory_space<vmem>>
        %dma_start3A_26 = tpu.memref_squeeze %dma_start3A_25 : memref<1x128xi32, #tpu.memory_space<vmem>> -> memref<128xi32, #tpu.memory_space<vmem>>
        %dma_start3A_27 = arith.constant 0 : i32
        %dma_start3A_28 = arith.constant 0 : i32
        %dma_start3A_29 = tpu.memref_slice %arg10[%dma_start3A_27, %dma_start3A_28] : memref<10240x128xf32, #tpu.memory_space<vmem_shared>> -> memref<10240x128xf32, #tpu.memory_space<vmem_shared>>
        tpu.enqueue_indirect_dma source(%arg9 : memref<128x128xf32, #tpu.memory_space<vmem>>) target(%dma_start3A_29 : memref<10240x128xf32, #tpu.memory_space<vmem_shared>>) offsets(%dma_start3A_26 : memref<128xi32, #tpu.memory_space<vmem>>) semaphore(%run_scoped3A : memref<!tpu.dma_semaphore, #tpu.memory_space<semaphore_mem>>) {add = true}
        %dma_wait3A_30 = arith.constant 0 : i32
        %dma_wait3A_31 = tpu.memref_slice %arg8[%scan3A_13, %dma_wait3A_30] : memref<81x128xi32, #tpu.memory_space<vmem>> -> memref<1x128xi32, #tpu.memory_space<vmem>>
        %dma_wait3A_32 = tpu.memref_squeeze %dma_wait3A_31 : memref<1x128xi32, #tpu.memory_space<vmem>> -> memref<128xi32, #tpu.memory_space<vmem>>
        %dma_wait3A_33 = arith.constant 0 : i32
        %dma_wait3A_34 = arith.constant 0 : i32
        %dma_wait3A_35 = tpu.memref_slice %arg10[%dma_wait3A_33, %dma_wait3A_34] : memref<10240x128xf32, #tpu.memory_space<vmem_shared>> -> memref<10240x128xf32, #tpu.memory_space<vmem_shared>>
        tpu.wait_indirect_dma semaphore(%run_scoped3A : memref<!tpu.dma_semaphore, #tpu.memory_space<semaphore_mem>>) src(%arg9 : memref<128x128xf32, #tpu.memory_space<vmem>>) dst(%dma_wait3A_35 : memref<10240x128xf32, #tpu.memory_space<vmem_shared>>)
        tpu.yield
      }) : () -> ()
    }
    %scan3A_7 = arith.constant 81 : i32
    %barrier3A_8 = arith.constant 0 : index
    tpu.barrier barrier_id(%barrier3A_8)
    %mul3A_9 = arith.constant 640 : i32
    %mul3A_10 = arith.muli %arg1, %mul3A_9 : i32
    %mul3A_11 = arith.constant 640 : i32
    %mul3A_12 = arith.muli %arg1, %mul3A_11 : i32
    "tpu.region"() ({
      %run_scoped3A = tpu.sem_alloc : memref<!tpu.dma_semaphore, #tpu.memory_space<semaphore_mem>>
      %dma_start3A = arith.constant 0 : i32
      %dma_start3A_13 = tpu.memref_slice %arg6[%arg0, %mul3A_12, %dma_start3A] : memref<2x10240x128xf32, #tpu.memory_space<hbm>> -> memref<1x640x128xf32, #tpu.memory_space<hbm>>
      %dma_start3A_14 = tpu.memref_squeeze %dma_start3A_13 : memref<1x640x128xf32, #tpu.memory_space<hbm>> -> memref<640x128xf32, #tpu.memory_space<hbm>>
      %dma_start3A_15 = arith.constant 0 : i32
      %dma_start3A_16 = tpu.memref_slice %arg10[%mul3A_10, %dma_start3A_15] : memref<10240x128xf32, #tpu.memory_space<vmem_shared>> -> memref<640x128xf32, #tpu.memory_space<vmem_shared>>
      tpu.enqueue_dma source(%dma_start3A_16 : memref<640x128xf32, #tpu.memory_space<vmem_shared>>) target(%dma_start3A_14 : memref<640x128xf32, #tpu.memory_space<hbm>>) target_semaphore(%run_scoped3A : memref<!tpu.dma_semaphore, #tpu.memory_space<semaphore_mem>>)
      %dma_wait3A = arith.constant 0 : i32
      %dma_wait3A_17 = tpu.memref_slice %arg6[%arg0, %mul3A_12, %dma_wait3A] : memref<2x10240x128xf32, #tpu.memory_space<hbm>> -> memref<1x640x128xf32, #tpu.memory_space<hbm>>
      %dma_wait3A_18 = tpu.memref_squeeze %dma_wait3A_17 : memref<1x640x128xf32, #tpu.memory_space<hbm>> -> memref<640x128xf32, #tpu.memory_space<hbm>>
      %dma_wait3A_19 = arith.constant 0 : i32
      %dma_wait3A_20 = tpu.memref_slice %arg10[%mul3A_10, %dma_wait3A_19] : memref<10240x128xf32, #tpu.memory_space<vmem_shared>> -> memref<640x128xf32, #tpu.memory_space<vmem_shared>>
      tpu.wait_dma2 semaphore(%run_scoped3A : memref<!tpu.dma_semaphore, #tpu.memory_space<semaphore_mem>>) src(%dma_wait3A_20 : memref<640x128xf32, #tpu.memory_space<vmem_shared>>) dst(%dma_wait3A_18 : memref<640x128xf32, #tpu.memory_space<hbm>>)
      tpu.yield
    }) : () -> ()
    return
  }
}

#map = affine_map<(d0, d1) -> (0, 0)>
#map1 = affine_map<(d0, d1) -> (0, 0, 0)>
module attributes {stable_mosaic.version = 14 : i64} {
  func.func @agg(%arg0: i32, %arg1: i32, %arg2: memref<10240x128xf32, #tpu.memory_space<hbm>>, %arg3: memref<32x81x128xi32, #tpu.memory_space<hbm>>, %arg4: memref<32x81x128xi32, #tpu.memory_space<hbm>>, %arg5: memref<640x128xf32, #tpu.memory_space<hbm>>, %arg6: memref<2x10240x128xf32, #tpu.memory_space<hbm>>, %arg7: memref<81x128xi32, #tpu.memory_space<vmem>>, %arg8: memref<81x128xi32, #tpu.memory_space<vmem>>, %arg9: memref<128x128xf32, #tpu.memory_space<vmem>>, %arg10: memref<10240x128xf32, #tpu.memory_space<vmem_shared>>, %arg11: memref<!tpu.dma_semaphore, #tpu.memory_space<semaphore_mem>>) attributes {dimension_semantics = [#tpu.dimension_semantics<core_parallel>, #tpu.dimension_semantics<subcore_parallel>], iteration_bounds = array<i64: 2, 16>, scalar_prefetch = 0 : i64, scratch_operands = 5 : i64, tpu.core_type = #tpu.core_type<sc_vector_subcore>, window_params = [{transform_indices = #map}, {transform_indices = #map1}, {transform_indices = #map1}, {transform_indices = #map}, {transform_indices = #map1}]} {
    %mul3A = arith.constant 16 : i32
    %mul3A_0 = arith.muli %arg0, %mul3A : i32
    %add3A = arith.addi %mul3A_0, %arg1 : i32
    %mul3A_1 = arith.constant 640 : i32
    %mul3A_2 = arith.muli %arg1, %mul3A_1 : i32
    "tpu.region"() ({
      %run_scoped3A = tpu.sem_alloc : memref<!tpu.dma_semaphore, #tpu.memory_space<semaphore_mem>>
      %dma_start3A = arith.constant 0 : i32
      %dma_start3A_13 = tpu.memref_slice %arg10[%mul3A_2, %dma_start3A] : memref<10240x128xf32, #tpu.memory_space<vmem_shared>> -> memref<640x128xf32, #tpu.memory_space<vmem_shared>>
      tpu.enqueue_dma source(%arg5 : memref<640x128xf32, #tpu.memory_space<hbm>>) target(%dma_start3A_13 : memref<640x128xf32, #tpu.memory_space<vmem_shared>>) target_semaphore(%run_scoped3A : memref<!tpu.dma_semaphore, #tpu.memory_space<semaphore_mem>>)
      %dma_wait3A = arith.constant 0 : i32
      %dma_wait3A_14 = tpu.memref_slice %arg10[%mul3A_2, %dma_wait3A] : memref<10240x128xf32, #tpu.memory_space<vmem_shared>> -> memref<640x128xf32, #tpu.memory_space<vmem_shared>>
      tpu.wait_dma2 semaphore(%run_scoped3A : memref<!tpu.dma_semaphore, #tpu.memory_space<semaphore_mem>>) src(%arg5 : memref<640x128xf32, #tpu.memory_space<hbm>>) dst(%dma_wait3A_14 : memref<640x128xf32, #tpu.memory_space<vmem_shared>>)
      tpu.yield
    }) : () -> ()
    "tpu.region"() ({
      %run_scoped3A = tpu.sem_alloc : memref<!tpu.dma_semaphore, #tpu.memory_space<semaphore_mem>>
      %dma_start3A = arith.constant 0 : i32
      %dma_start3A_13 = arith.constant 0 : i32
      %dma_start3A_14 = tpu.memref_slice %arg3[%add3A, %dma_start3A, %dma_start3A_13] : memref<32x81x128xi32, #tpu.memory_space<hbm>> -> memref<1x81x128xi32, #tpu.memory_space<hbm>>
      %dma_start3A_15 = tpu.memref_squeeze %dma_start3A_14 : memref<1x81x128xi32, #tpu.memory_space<hbm>> -> memref<81x128xi32, #tpu.memory_space<hbm>>
      %dma_start3A_16 = arith.constant 0 : i32
      %dma_start3A_17 = arith.constant 0 : i32
      %dma_start3A_18 = tpu.memref_slice %arg3[%add3A, %dma_start3A_16, %dma_start3A_17] : memref<32x81x128xi32, #tpu.memory_space<hbm>> -> memref<1x81x128xi32, #tpu.memory_space<hbm>>
      %dma_start3A_19 = tpu.memref_squeeze %dma_start3A_18 : memref<1x81x128xi32, #tpu.memory_space<hbm>> -> memref<81x128xi32, #tpu.memory_space<hbm>>
      tpu.enqueue_dma source(%dma_start3A_19 : memref<81x128xi32, #tpu.memory_space<hbm>>) target(%arg7 : memref<81x128xi32, #tpu.memory_space<vmem>>) target_semaphore(%run_scoped3A : memref<!tpu.dma_semaphore, #tpu.memory_space<semaphore_mem>>)
      %dma_wait3A = arith.constant 0 : i32
      %dma_wait3A_20 = arith.constant 0 : i32
      %dma_wait3A_21 = tpu.memref_slice %arg3[%add3A, %dma_wait3A, %dma_wait3A_20] : memref<32x81x128xi32, #tpu.memory_space<hbm>> -> memref<1x81x128xi32, #tpu.memory_space<hbm>>
      %dma_wait3A_22 = tpu.memref_squeeze %dma_wait3A_21 : memref<1x81x128xi32, #tpu.memory_space<hbm>> -> memref<81x128xi32, #tpu.memory_space<hbm>>
      %dma_wait3A_23 = arith.constant 0 : i32
      %dma_wait3A_24 = arith.constant 0 : i32
      %dma_wait3A_25 = tpu.memref_slice %arg3[%add3A, %dma_wait3A_23, %dma_wait3A_24] : memref<32x81x128xi32, #tpu.memory_space<hbm>> -> memref<1x81x128xi32, #tpu.memory_space<hbm>>
      %dma_wait3A_26 = tpu.memref_squeeze %dma_wait3A_25 : memref<1x81x128xi32, #tpu.memory_space<hbm>> -> memref<81x128xi32, #tpu.memory_space<hbm>>
      tpu.wait_dma2 semaphore(%run_scoped3A : memref<!tpu.dma_semaphore, #tpu.memory_space<semaphore_mem>>) src(%dma_wait3A_26 : memref<81x128xi32, #tpu.memory_space<hbm>>) dst(%arg7 : memref<81x128xi32, #tpu.memory_space<vmem>>)
      tpu.yield
    }) : () -> ()
    "tpu.region"() ({
      %run_scoped3A = tpu.sem_alloc : memref<!tpu.dma_semaphore, #tpu.memory_space<semaphore_mem>>
      %dma_start3A = arith.constant 0 : i32
      %dma_start3A_13 = arith.constant 0 : i32
      %dma_start3A_14 = tpu.memref_slice %arg4[%add3A, %dma_start3A, %dma_start3A_13] : memref<32x81x128xi32, #tpu.memory_space<hbm>> -> memref<1x81x128xi32, #tpu.memory_space<hbm>>
      %dma_start3A_15 = tpu.memref_squeeze %dma_start3A_14 : memref<1x81x128xi32, #tpu.memory_space<hbm>> -> memref<81x128xi32, #tpu.memory_space<hbm>>
      %dma_start3A_16 = arith.constant 0 : i32
      %dma_start3A_17 = arith.constant 0 : i32
      %dma_start3A_18 = tpu.memref_slice %arg4[%add3A, %dma_start3A_16, %dma_start3A_17] : memref<32x81x128xi32, #tpu.memory_space<hbm>> -> memref<1x81x128xi32, #tpu.memory_space<hbm>>
      %dma_start3A_19 = tpu.memref_squeeze %dma_start3A_18 : memref<1x81x128xi32, #tpu.memory_space<hbm>> -> memref<81x128xi32, #tpu.memory_space<hbm>>
      tpu.enqueue_dma source(%dma_start3A_19 : memref<81x128xi32, #tpu.memory_space<hbm>>) target(%arg8 : memref<81x128xi32, #tpu.memory_space<vmem>>) target_semaphore(%run_scoped3A : memref<!tpu.dma_semaphore, #tpu.memory_space<semaphore_mem>>)
      %dma_wait3A = arith.constant 0 : i32
      %dma_wait3A_20 = arith.constant 0 : i32
      %dma_wait3A_21 = tpu.memref_slice %arg4[%add3A, %dma_wait3A, %dma_wait3A_20] : memref<32x81x128xi32, #tpu.memory_space<hbm>> -> memref<1x81x128xi32, #tpu.memory_space<hbm>>
      %dma_wait3A_22 = tpu.memref_squeeze %dma_wait3A_21 : memref<1x81x128xi32, #tpu.memory_space<hbm>> -> memref<81x128xi32, #tpu.memory_space<hbm>>
      %dma_wait3A_23 = arith.constant 0 : i32
      %dma_wait3A_24 = arith.constant 0 : i32
      %dma_wait3A_25 = tpu.memref_slice %arg4[%add3A, %dma_wait3A_23, %dma_wait3A_24] : memref<32x81x128xi32, #tpu.memory_space<hbm>> -> memref<1x81x128xi32, #tpu.memory_space<hbm>>
      %dma_wait3A_26 = tpu.memref_squeeze %dma_wait3A_25 : memref<1x81x128xi32, #tpu.memory_space<hbm>> -> memref<81x128xi32, #tpu.memory_space<hbm>>
      tpu.wait_dma2 semaphore(%run_scoped3A : memref<!tpu.dma_semaphore, #tpu.memory_space<semaphore_mem>>) src(%dma_wait3A_26 : memref<81x128xi32, #tpu.memory_space<hbm>>) dst(%arg8 : memref<81x128xi32, #tpu.memory_space<vmem>>)
      tpu.yield
    }) : () -> ()
    %barrier3A = arith.constant 0 : index
    tpu.barrier barrier_id(%barrier3A)
    %scan3A = arith.constant 0 : i32
    %scan3A_3 = arith.constant 0 : i32
    %scan3A_4 = arith.constant 81 : i32
    %scan3A_5 = arith.addi %scan3A_3, %scan3A_4 : i32
    %scan3A_6 = arith.constant 1 : i32
    scf.for %scan3A_13 = %scan3A_3 to %scan3A_5 step %scan3A_6  : i32 {
      %dma_start3A = arith.constant 0 : i32
      %dma_start3A_14 = tpu.memref_slice %arg7[%scan3A_13, %dma_start3A] : memref<81x128xi32, #tpu.memory_space<vmem>> -> memref<1x128xi32, #tpu.memory_space<vmem>>
      %dma_start3A_15 = tpu.memref_squeeze %dma_start3A_14 : memref<1x128xi32, #tpu.memory_space<vmem>> -> memref<128xi32, #tpu.memory_space<vmem>>
      %dma_start3A_16 = arith.constant 0 : i32
      %dma_start3A_17 = arith.constant 0 : i32
      %dma_start3A_18 = tpu.memref_slice %arg2[%dma_start3A_16, %dma_start3A_17] : memref<10240x128xf32, #tpu.memory_space<hbm>> -> memref<10240x128xf32, #tpu.memory_space<hbm>>
      tpu.enqueue_indirect_dma source(%dma_start3A_18 : memref<10240x128xf32, #tpu.memory_space<hbm>>) target(%arg9 : memref<128x128xf32, #tpu.memory_space<vmem>>) offsets(%dma_start3A_15 : memref<128xi32, #tpu.memory_space<vmem>>) semaphore(%arg11 : memref<!tpu.dma_semaphore, #tpu.memory_space<semaphore_mem>>)
      %dma_wait3A = arith.constant 0 : i32
      %dma_wait3A_19 = tpu.memref_slice %arg7[%scan3A_13, %dma_wait3A] : memref<81x128xi32, #tpu.memory_space<vmem>> -> memref<1x128xi32, #tpu.memory_space<vmem>>
      %dma_wait3A_20 = tpu.memref_squeeze %dma_wait3A_19 : memref<1x128xi32, #tpu.memory_space<vmem>> -> memref<128xi32, #tpu.memory_space<vmem>>
      %dma_wait3A_21 = arith.constant 0 : i32
      %dma_wait3A_22 = arith.constant 0 : i32
      %dma_wait3A_23 = tpu.memref_slice %arg2[%dma_wait3A_21, %dma_wait3A_22] : memref<10240x128xf32, #tpu.memory_space<hbm>> -> memref<10240x128xf32, #tpu.memory_space<hbm>>
      tpu.wait_indirect_dma semaphore(%arg11 : memref<!tpu.dma_semaphore, #tpu.memory_space<semaphore_mem>>) src(%dma_wait3A_23 : memref<10240x128xf32, #tpu.memory_space<hbm>>) dst(%arg9 : memref<128x128xf32, #tpu.memory_space<vmem>>)
      "tpu.region"() ({
        %run_scoped3A = tpu.sem_alloc : memref<!tpu.dma_semaphore, #tpu.memory_space<semaphore_mem>>
        %dma_start3A_24 = arith.constant 0 : i32
        %dma_start3A_25 = tpu.memref_slice %arg8[%scan3A_13, %dma_start3A_24] : memref<81x128xi32, #tpu.memory_space<vmem>> -> memref<1x128xi32, #tpu.memory_space<vmem>>
        %dma_start3A_26 = tpu.memref_squeeze %dma_start3A_25 : memref<1x128xi32, #tpu.memory_space<vmem>> -> memref<128xi32, #tpu.memory_space<vmem>>
        %dma_start3A_27 = arith.constant 0 : i32
        %dma_start3A_28 = arith.constant 0 : i32
        %dma_start3A_29 = tpu.memref_slice %arg10[%dma_start3A_27, %dma_start3A_28] : memref<10240x128xf32, #tpu.memory_space<vmem_shared>> -> memref<10240x128xf32, #tpu.memory_space<vmem_shared>>
        tpu.enqueue_indirect_dma source(%arg9 : memref<128x128xf32, #tpu.memory_space<vmem>>) target(%dma_start3A_29 : memref<10240x128xf32, #tpu.memory_space<vmem_shared>>) offsets(%dma_start3A_26 : memref<128xi32, #tpu.memory_space<vmem>>) semaphore(%run_scoped3A : memref<!tpu.dma_semaphore, #tpu.memory_space<semaphore_mem>>) {add = true}
        %dma_wait3A_30 = arith.constant 0 : i32
        %dma_wait3A_31 = tpu.memref_slice %arg8[%scan3A_13, %dma_wait3A_30] : memref<81x128xi32, #tpu.memory_space<vmem>> -> memref<1x128xi32, #tpu.memory_space<vmem>>
        %dma_wait3A_32 = tpu.memref_squeeze %dma_wait3A_31 : memref<1x128xi32, #tpu.memory_space<vmem>> -> memref<128xi32, #tpu.memory_space<vmem>>
        %dma_wait3A_33 = arith.constant 0 : i32
        %dma_wait3A_34 = arith.constant 0 : i32
        %dma_wait3A_35 = tpu.memref_slice %arg10[%dma_wait3A_33, %dma_wait3A_34] : memref<10240x128xf32, #tpu.memory_space<vmem_shared>> -> memref<10240x128xf32, #tpu.memory_space<vmem_shared>>
        tpu.wait_indirect_dma semaphore(%run_scoped3A : memref<!tpu.dma_semaphore, #tpu.memory_space<semaphore_mem>>) src(%arg9 : memref<128x128xf32, #tpu.memory_space<vmem>>) dst(%dma_wait3A_35 : memref<10240x128xf32, #tpu.memory_space<vmem_shared>>)
        tpu.yield
      }) : () -> ()
    }
    %scan3A_7 = arith.constant 81 : i32
    %barrier3A_8 = arith.constant 0 : index
    tpu.barrier barrier_id(%barrier3A_8)
    %mul3A_9 = arith.constant 640 : i32
    %mul3A_10 = arith.muli %arg1, %mul3A_9 : i32
    %mul3A_11 = arith.constant 640 : i32
    %mul3A_12 = arith.muli %arg1, %mul3A_11 : i32
    "tpu.region"() ({
      %run_scoped3A = tpu.sem_alloc : memref<!tpu.dma_semaphore, #tpu.memory_space<semaphore_mem>>
      %dma_start3A = arith.constant 0 : i32
      %dma_start3A_13 = tpu.memref_slice %arg6[%arg0, %mul3A_12, %dma_start3A] : memref<2x10240x128xf32, #tpu.memory_space<hbm>> -> memref<1x640x128xf32, #tpu.memory_space<hbm>>
      %dma_start3A_14 = tpu.memref_squeeze %dma_start3A_13 : memref<1x640x128xf32, #tpu.memory_space<hbm>> -> memref<640x128xf32, #tpu.memory_space<hbm>>
      %dma_start3A_15 = arith.constant 0 : i32
      %dma_start3A_16 = tpu.memref_slice %arg10[%mul3A_10, %dma_start3A_15] : memref<10240x128xf32, #tpu.memory_space<vmem_shared>> -> memref<640x128xf32, #tpu.memory_space<vmem_shared>>
      tpu.enqueue_dma source(%dma_start3A_16 : memref<640x128xf32, #tpu.memory_space<vmem_shared>>) target(%dma_start3A_14 : memref<640x128xf32, #tpu.memory_space<hbm>>) target_semaphore(%run_scoped3A : memref<!tpu.dma_semaphore, #tpu.memory_space<semaphore_mem>>)
      %dma_wait3A = arith.constant 0 : i32
      %dma_wait3A_17 = tpu.memref_slice %arg6[%arg0, %mul3A_12, %dma_wait3A] : memref<2x10240x128xf32, #tpu.memory_space<hbm>> -> memref<1x640x128xf32, #tpu.memory_space<hbm>>
      %dma_wait3A_18 = tpu.memref_squeeze %dma_wait3A_17 : memref<1x640x128xf32, #tpu.memory_space<hbm>> -> memref<640x128xf32, #tpu.memory_space<hbm>>
      %dma_wait3A_19 = arith.constant 0 : i32
      %dma_wait3A_20 = tpu.memref_slice %arg10[%mul3A_10, %dma_wait3A_19] : memref<10240x128xf32, #tpu.memory_space<vmem_shared>> -> memref<640x128xf32, #tpu.memory_space<vmem_shared>>
      tpu.wait_dma2 semaphore(%run_scoped3A : memref<!tpu.dma_semaphore, #tpu.memory_space<semaphore_mem>>) src(%dma_wait3A_20 : memref<640x128xf32, #tpu.memory_space<vmem_shared>>) dst(%dma_wait3A_18 : memref<640x128xf32, #tpu.memory_space<hbm>>)
      tpu.yield
    }) : () -> ()
    return
  }
}

#map = affine_map<(d0, d1) -> (0, 0)>
#map1 = affine_map<(d0, d1) -> (0, 0, 0)>
module attributes {stable_mosaic.version = 14 : i64} {
  func.func @agg(%arg0: i32, %arg1: i32, %arg2: memref<10240x128xf32, #tpu.memory_space<hbm>>, %arg3: memref<32x81x128xi32, #tpu.memory_space<hbm>>, %arg4: memref<32x81x128xi32, #tpu.memory_space<hbm>>, %arg5: memref<640x128xf32, #tpu.memory_space<hbm>>, %arg6: memref<2x10240x128xf32, #tpu.memory_space<hbm>>, %arg7: memref<81x128xi32, #tpu.memory_space<vmem>>, %arg8: memref<81x128xi32, #tpu.memory_space<vmem>>, %arg9: memref<128x128xf32, #tpu.memory_space<vmem>>, %arg10: memref<10240x128xf32, #tpu.memory_space<vmem_shared>>, %arg11: memref<!tpu.dma_semaphore, #tpu.memory_space<semaphore_mem>>) attributes {dimension_semantics = [#tpu.dimension_semantics<core_parallel>, #tpu.dimension_semantics<subcore_parallel>], iteration_bounds = array<i64: 2, 16>, scalar_prefetch = 0 : i64, scratch_operands = 5 : i64, tpu.core_type = #tpu.core_type<sc_vector_subcore>, window_params = [{transform_indices = #map}, {transform_indices = #map1}, {transform_indices = #map1}, {transform_indices = #map}, {transform_indices = #map1}]} {
    %mul3A = arith.constant 16 : i32
    %mul3A_0 = arith.muli %arg0, %mul3A : i32
    %add3A = arith.addi %mul3A_0, %arg1 : i32
    %mul3A_1 = arith.constant 640 : i32
    %mul3A_2 = arith.muli %arg1, %mul3A_1 : i32
    "tpu.region"() ({
      %run_scoped3A = tpu.sem_alloc : memref<!tpu.dma_semaphore, #tpu.memory_space<semaphore_mem>>
      %dma_start3A = arith.constant 0 : i32
      %dma_start3A_13 = tpu.memref_slice %arg10[%mul3A_2, %dma_start3A] : memref<10240x128xf32, #tpu.memory_space<vmem_shared>> -> memref<640x128xf32, #tpu.memory_space<vmem_shared>>
      tpu.enqueue_dma source(%arg5 : memref<640x128xf32, #tpu.memory_space<hbm>>) target(%dma_start3A_13 : memref<640x128xf32, #tpu.memory_space<vmem_shared>>) target_semaphore(%run_scoped3A : memref<!tpu.dma_semaphore, #tpu.memory_space<semaphore_mem>>)
      %dma_wait3A = arith.constant 0 : i32
      %dma_wait3A_14 = tpu.memref_slice %arg10[%mul3A_2, %dma_wait3A] : memref<10240x128xf32, #tpu.memory_space<vmem_shared>> -> memref<640x128xf32, #tpu.memory_space<vmem_shared>>
      tpu.wait_dma2 semaphore(%run_scoped3A : memref<!tpu.dma_semaphore, #tpu.memory_space<semaphore_mem>>) src(%arg5 : memref<640x128xf32, #tpu.memory_space<hbm>>) dst(%dma_wait3A_14 : memref<640x128xf32, #tpu.memory_space<vmem_shared>>)
      tpu.yield
    }) : () -> ()
    "tpu.region"() ({
      %run_scoped3A = tpu.sem_alloc : memref<!tpu.dma_semaphore, #tpu.memory_space<semaphore_mem>>
      %dma_start3A = arith.constant 0 : i32
      %dma_start3A_13 = arith.constant 0 : i32
      %dma_start3A_14 = tpu.memref_slice %arg3[%add3A, %dma_start3A, %dma_start3A_13] : memref<32x81x128xi32, #tpu.memory_space<hbm>> -> memref<1x81x128xi32, #tpu.memory_space<hbm>>
      %dma_start3A_15 = tpu.memref_squeeze %dma_start3A_14 : memref<1x81x128xi32, #tpu.memory_space<hbm>> -> memref<81x128xi32, #tpu.memory_space<hbm>>
      %dma_start3A_16 = arith.constant 0 : i32
      %dma_start3A_17 = arith.constant 0 : i32
      %dma_start3A_18 = tpu.memref_slice %arg3[%add3A, %dma_start3A_16, %dma_start3A_17] : memref<32x81x128xi32, #tpu.memory_space<hbm>> -> memref<1x81x128xi32, #tpu.memory_space<hbm>>
      %dma_start3A_19 = tpu.memref_squeeze %dma_start3A_18 : memref<1x81x128xi32, #tpu.memory_space<hbm>> -> memref<81x128xi32, #tpu.memory_space<hbm>>
      tpu.enqueue_dma source(%dma_start3A_19 : memref<81x128xi32, #tpu.memory_space<hbm>>) target(%arg7 : memref<81x128xi32, #tpu.memory_space<vmem>>) target_semaphore(%run_scoped3A : memref<!tpu.dma_semaphore, #tpu.memory_space<semaphore_mem>>)
      %dma_wait3A = arith.constant 0 : i32
      %dma_wait3A_20 = arith.constant 0 : i32
      %dma_wait3A_21 = tpu.memref_slice %arg3[%add3A, %dma_wait3A, %dma_wait3A_20] : memref<32x81x128xi32, #tpu.memory_space<hbm>> -> memref<1x81x128xi32, #tpu.memory_space<hbm>>
      %dma_wait3A_22 = tpu.memref_squeeze %dma_wait3A_21 : memref<1x81x128xi32, #tpu.memory_space<hbm>> -> memref<81x128xi32, #tpu.memory_space<hbm>>
      %dma_wait3A_23 = arith.constant 0 : i32
      %dma_wait3A_24 = arith.constant 0 : i32
      %dma_wait3A_25 = tpu.memref_slice %arg3[%add3A, %dma_wait3A_23, %dma_wait3A_24] : memref<32x81x128xi32, #tpu.memory_space<hbm>> -> memref<1x81x128xi32, #tpu.memory_space<hbm>>
      %dma_wait3A_26 = tpu.memref_squeeze %dma_wait3A_25 : memref<1x81x128xi32, #tpu.memory_space<hbm>> -> memref<81x128xi32, #tpu.memory_space<hbm>>
      tpu.wait_dma2 semaphore(%run_scoped3A : memref<!tpu.dma_semaphore, #tpu.memory_space<semaphore_mem>>) src(%dma_wait3A_26 : memref<81x128xi32, #tpu.memory_space<hbm>>) dst(%arg7 : memref<81x128xi32, #tpu.memory_space<vmem>>)
      tpu.yield
    }) : () -> ()
    "tpu.region"() ({
      %run_scoped3A = tpu.sem_alloc : memref<!tpu.dma_semaphore, #tpu.memory_space<semaphore_mem>>
      %dma_start3A = arith.constant 0 : i32
      %dma_start3A_13 = arith.constant 0 : i32
      %dma_start3A_14 = tpu.memref_slice %arg4[%add3A, %dma_start3A, %dma_start3A_13] : memref<32x81x128xi32, #tpu.memory_space<hbm>> -> memref<1x81x128xi32, #tpu.memory_space<hbm>>
      %dma_start3A_15 = tpu.memref_squeeze %dma_start3A_14 : memref<1x81x128xi32, #tpu.memory_space<hbm>> -> memref<81x128xi32, #tpu.memory_space<hbm>>
      %dma_start3A_16 = arith.constant 0 : i32
      %dma_start3A_17 = arith.constant 0 : i32
      %dma_start3A_18 = tpu.memref_slice %arg4[%add3A, %dma_start3A_16, %dma_start3A_17] : memref<32x81x128xi32, #tpu.memory_space<hbm>> -> memref<1x81x128xi32, #tpu.memory_space<hbm>>
      %dma_start3A_19 = tpu.memref_squeeze %dma_start3A_18 : memref<1x81x128xi32, #tpu.memory_space<hbm>> -> memref<81x128xi32, #tpu.memory_space<hbm>>
      tpu.enqueue_dma source(%dma_start3A_19 : memref<81x128xi32, #tpu.memory_space<hbm>>) target(%arg8 : memref<81x128xi32, #tpu.memory_space<vmem>>) target_semaphore(%run_scoped3A : memref<!tpu.dma_semaphore, #tpu.memory_space<semaphore_mem>>)
      %dma_wait3A = arith.constant 0 : i32
      %dma_wait3A_20 = arith.constant 0 : i32
      %dma_wait3A_21 = tpu.memref_slice %arg4[%add3A, %dma_wait3A, %dma_wait3A_20] : memref<32x81x128xi32, #tpu.memory_space<hbm>> -> memref<1x81x128xi32, #tpu.memory_space<hbm>>
      %dma_wait3A_22 = tpu.memref_squeeze %dma_wait3A_21 : memref<1x81x128xi32, #tpu.memory_space<hbm>> -> memref<81x128xi32, #tpu.memory_space<hbm>>
      %dma_wait3A_23 = arith.constant 0 : i32
      %dma_wait3A_24 = arith.constant 0 : i32
      %dma_wait3A_25 = tpu.memref_slice %arg4[%add3A, %dma_wait3A_23, %dma_wait3A_24] : memref<32x81x128xi32, #tpu.memory_space<hbm>> -> memref<1x81x128xi32, #tpu.memory_space<hbm>>
      %dma_wait3A_26 = tpu.memref_squeeze %dma_wait3A_25 : memref<1x81x128xi32, #tpu.memory_space<hbm>> -> memref<81x128xi32, #tpu.memory_space<hbm>>
      tpu.wait_dma2 semaphore(%run_scoped3A : memref<!tpu.dma_semaphore, #tpu.memory_space<semaphore_mem>>) src(%dma_wait3A_26 : memref<81x128xi32, #tpu.memory_space<hbm>>) dst(%arg8 : memref<81x128xi32, #tpu.memory_space<vmem>>)
      tpu.yield
    }) : () -> ()
    %barrier3A = arith.constant 0 : index
    tpu.barrier barrier_id(%barrier3A)
    %scan3A = arith.constant 0 : i32
    %scan3A_3 = arith.constant 0 : i32
    %scan3A_4 = arith.constant 81 : i32
    %scan3A_5 = arith.addi %scan3A_3, %scan3A_4 : i32
    %scan3A_6 = arith.constant 1 : i32
    scf.for %scan3A_13 = %scan3A_3 to %scan3A_5 step %scan3A_6  : i32 {
      %dma_start3A = arith.constant 0 : i32
      %dma_start3A_14 = tpu.memref_slice %arg7[%scan3A_13, %dma_start3A] : memref<81x128xi32, #tpu.memory_space<vmem>> -> memref<1x128xi32, #tpu.memory_space<vmem>>
      %dma_start3A_15 = tpu.memref_squeeze %dma_start3A_14 : memref<1x128xi32, #tpu.memory_space<vmem>> -> memref<128xi32, #tpu.memory_space<vmem>>
      %dma_start3A_16 = arith.constant 0 : i32
      %dma_start3A_17 = arith.constant 0 : i32
      %dma_start3A_18 = tpu.memref_slice %arg2[%dma_start3A_16, %dma_start3A_17] : memref<10240x128xf32, #tpu.memory_space<hbm>> -> memref<10240x128xf32, #tpu.memory_space<hbm>>
      tpu.enqueue_indirect_dma source(%dma_start3A_18 : memref<10240x128xf32, #tpu.memory_space<hbm>>) target(%arg9 : memref<128x128xf32, #tpu.memory_space<vmem>>) offsets(%dma_start3A_15 : memref<128xi32, #tpu.memory_space<vmem>>) semaphore(%arg11 : memref<!tpu.dma_semaphore, #tpu.memory_space<semaphore_mem>>)
      %dma_wait3A = arith.constant 0 : i32
      %dma_wait3A_19 = tpu.memref_slice %arg7[%scan3A_13, %dma_wait3A] : memref<81x128xi32, #tpu.memory_space<vmem>> -> memref<1x128xi32, #tpu.memory_space<vmem>>
      %dma_wait3A_20 = tpu.memref_squeeze %dma_wait3A_19 : memref<1x128xi32, #tpu.memory_space<vmem>> -> memref<128xi32, #tpu.memory_space<vmem>>
      %dma_wait3A_21 = arith.constant 0 : i32
      %dma_wait3A_22 = arith.constant 0 : i32
      %dma_wait3A_23 = tpu.memref_slice %arg2[%dma_wait3A_21, %dma_wait3A_22] : memref<10240x128xf32, #tpu.memory_space<hbm>> -> memref<10240x128xf32, #tpu.memory_space<hbm>>
      tpu.wait_indirect_dma semaphore(%arg11 : memref<!tpu.dma_semaphore, #tpu.memory_space<semaphore_mem>>) src(%dma_wait3A_23 : memref<10240x128xf32, #tpu.memory_space<hbm>>) dst(%arg9 : memref<128x128xf32, #tpu.memory_space<vmem>>)
      "tpu.region"() ({
        %run_scoped3A = tpu.sem_alloc : memref<!tpu.dma_semaphore, #tpu.memory_space<semaphore_mem>>
        %dma_start3A_24 = arith.constant 0 : i32
        %dma_start3A_25 = tpu.memref_slice %arg8[%scan3A_13, %dma_start3A_24] : memref<81x128xi32, #tpu.memory_space<vmem>> -> memref<1x128xi32, #tpu.memory_space<vmem>>
        %dma_start3A_26 = tpu.memref_squeeze %dma_start3A_25 : memref<1x128xi32, #tpu.memory_space<vmem>> -> memref<128xi32, #tpu.memory_space<vmem>>
        %dma_start3A_27 = arith.constant 0 : i32
        %dma_start3A_28 = arith.constant 0 : i32
        %dma_start3A_29 = tpu.memref_slice %arg10[%dma_start3A_27, %dma_start3A_28] : memref<10240x128xf32, #tpu.memory_space<vmem_shared>> -> memref<10240x128xf32, #tpu.memory_space<vmem_shared>>
        tpu.enqueue_indirect_dma source(%arg9 : memref<128x128xf32, #tpu.memory_space<vmem>>) target(%dma_start3A_29 : memref<10240x128xf32, #tpu.memory_space<vmem_shared>>) offsets(%dma_start3A_26 : memref<128xi32, #tpu.memory_space<vmem>>) semaphore(%run_scoped3A : memref<!tpu.dma_semaphore, #tpu.memory_space<semaphore_mem>>) {add = true}
        %dma_wait3A_30 = arith.constant 0 : i32
        %dma_wait3A_31 = tpu.memref_slice %arg8[%scan3A_13, %dma_wait3A_30] : memref<81x128xi32, #tpu.memory_space<vmem>> -> memref<1x128xi32, #tpu.memory_space<vmem>>
        %dma_wait3A_32 = tpu.memref_squeeze %dma_wait3A_31 : memref<1x128xi32, #tpu.memory_space<vmem>> -> memref<128xi32, #tpu.memory_space<vmem>>
        %dma_wait3A_33 = arith.constant 0 : i32
        %dma_wait3A_34 = arith.constant 0 : i32
        %dma_wait3A_35 = tpu.memref_slice %arg10[%dma_wait3A_33, %dma_wait3A_34] : memref<10240x128xf32, #tpu.memory_space<vmem_shared>> -> memref<10240x128xf32, #tpu.memory_space<vmem_shared>>
        tpu.wait_indirect_dma semaphore(%run_scoped3A : memref<!tpu.dma_semaphore, #tpu.memory_space<semaphore_mem>>) src(%arg9 : memref<128x128xf32, #tpu.memory_space<vmem>>) dst(%dma_wait3A_35 : memref<10240x128xf32, #tpu.memory_space<vmem_shared>>)
        tpu.yield
      }) : () -> ()
    }
    %scan3A_7 = arith.constant 81 : i32
    %barrier3A_8 = arith.constant 0 : index
    tpu.barrier barrier_id(%barrier3A_8)
    %mul3A_9 = arith.constant 640 : i32
    %mul3A_10 = arith.muli %arg1, %mul3A_9 : i32
    %mul3A_11 = arith.constant 640 : i32
    %mul3A_12 = arith.muli %arg1, %mul3A_11 : i32
    "tpu.region"() ({
      %run_scoped3A = tpu.sem_alloc : memref<!tpu.dma_semaphore, #tpu.memory_space<semaphore_mem>>
      %dma_start3A = arith.constant 0 : i32
      %dma_start3A_13 = tpu.memref_slice %arg6[%arg0, %mul3A_12, %dma_start3A] : memref<2x10240x128xf32, #tpu.memory_space<hbm>> -> memref<1x640x128xf32, #tpu.memory_space<hbm>>
      %dma_start3A_14 = tpu.memref_squeeze %dma_start3A_13 : memref<1x640x128xf32, #tpu.memory_space<hbm>> -> memref<640x128xf32, #tpu.memory_space<hbm>>
      %dma_start3A_15 = arith.constant 0 : i32
      %dma_start3A_16 = tpu.memref_slice %arg10[%mul3A_10, %dma_start3A_15] : memref<10240x128xf32, #tpu.memory_space<vmem_shared>> -> memref<640x128xf32, #tpu.memory_space<vmem_shared>>
      tpu.enqueue_dma source(%dma_start3A_16 : memref<640x128xf32, #tpu.memory_space<vmem_shared>>) target(%dma_start3A_14 : memref<640x128xf32, #tpu.memory_space<hbm>>) target_semaphore(%run_scoped3A : memref<!tpu.dma_semaphore, #tpu.memory_space<semaphore_mem>>)
      %dma_wait3A = arith.constant 0 : i32
      %dma_wait3A_17 = tpu.memref_slice %arg6[%arg0, %mul3A_12, %dma_wait3A] : memref<2x10240x128xf32, #tpu.memory_space<hbm>> -> memref<1x640x128xf32, #tpu.memory_space<hbm>>
      %dma_wait3A_18 = tpu.memref_squeeze %dma_wait3A_17 : memref<1x640x128xf32, #tpu.memory_space<hbm>> -> memref<640x128xf32, #tpu.memory_space<hbm>>
      %dma_wait3A_19 = arith.constant 0 : i32
      %dma_wait3A_20 = tpu.memref_slice %arg10[%mul3A_10, %dma_wait3A_19] : memref<10240x128xf32, #tpu.memory_space<vmem_shared>> -> memref<640x128xf32, #tpu.memory_space<vmem_shared>>
      tpu.wait_dma2 semaphore(%run_scoped3A : memref<!tpu.dma_semaphore, #tpu.memory_space<semaphore_mem>>) src(%dma_wait3A_20 : memref<640x128xf32, #tpu.memory_space<vmem_shared>>) dst(%dma_wait3A_18 : memref<640x128xf32, #tpu.memory_space<hbm>>)
      tpu.yield
    }) : () -> ()
    return
  }
}

module attributes {stable_mosaic.version = 14 : i64} {
  func.func @body(%arg0: i32, %arg1: memref<2x1280x128xf32, #tpu.memory_space<vmem>>, %arg2: memref<32x1280xf32, #tpu.memory_space<vmem>>, %arg3: memref<1x128xf32, #tpu.memory_space<vmem>>, %arg4: memref<128x128xf32, #tpu.memory_space<vmem>>, %arg5: memref<1280x128xf32, #tpu.memory_space<vmem>>) attributes {dimension_semantics = [#tpu.dimension_semantics<arbitrary>], iteration_bounds = array<i64: 8>, scalar_prefetch = 0 : i64, scratch_operands = 0 : i64, tpu.core_type = #tpu.core_type<tc>, window_params = [{transform_indices = @transform_0, window_bounds = array<i64: 2, 1280, 128>}, {transform_indices = @transform_1, window_bounds = array<i64: 32, 1280>}, {pipeline_mode = #tpu.pipeline_mode<synchronous>, transform_indices = @transform_2, window_bounds = array<i64: 1, 128>}, {pipeline_mode = #tpu.pipeline_mode<synchronous>, transform_indices = @transform_3, window_bounds = array<i64: 128, 128>}, {transform_indices = @transform_4, window_bounds = array<i64: 1280, 128>}]} {
    %get3A = arith.constant 0 : index
    %get3A_0 = arith.constant 0 : index
    %get3A_1 = vector.load %arg2[%get3A, %get3A_0] : memref<32x1280xf32, #tpu.memory_space<vmem>>, vector<32x1280xf32>
    %reduce_sum3A = arith.constant dense<0.000000e+00> : vector<1280xf32>
    %reduce_sum3A_2 = vector.multi_reduction <add>, %get3A_1, %reduce_sum3A [0] : vector<32x1280xf32> to vector<1280xf32>
    %max3A = arith.constant 1.000000e+00 : f32
    %max3A_3 = vector.broadcast %max3A : f32 to vector<1280xf32>
    %max3A_4 = arith.maximumf %reduce_sum3A_2, %max3A_3 : vector<1280xf32>
    %rsqrt3A = math.rsqrt %max3A_4 : vector<1280xf32>
    %broadcast_in_dim3A = vector.shape_cast %rsqrt3A : vector<1280xf32> to vector<1280x1xf32>
    %get3A_5 = arith.constant 0 : index
    %get3A_6 = arith.constant 0 : index
    %get3A_7 = arith.constant 0 : index
    %get3A_8 = vector.load %arg1[%get3A_5, %get3A_6, %get3A_7] : memref<2x1280x128xf32, #tpu.memory_space<vmem>>, vector<1x1280x128xf32>
    %get3A_9 = vector.shape_cast %get3A_8 : vector<1x1280x128xf32> to vector<1280x128xf32>
    %get3A_10 = arith.constant 1 : index
    %get3A_11 = arith.constant 0 : index
    %get3A_12 = arith.constant 0 : index
    %get3A_13 = vector.load %arg1[%get3A_10, %get3A_11, %get3A_12] : memref<2x1280x128xf32, #tpu.memory_space<vmem>>, vector<1x1280x128xf32>
    %get3A_14 = vector.shape_cast %get3A_13 : vector<1x1280x128xf32> to vector<1280x128xf32>
    %add3A = arith.addf %get3A_9, %get3A_14 : vector<1280x128xf32>
    %mul3A = vector.broadcast %broadcast_in_dim3A : vector<1280x1xf32> to vector<1280x128xf32>
    %mul3A_15 = arith.mulf %add3A, %mul3A : vector<1280x128xf32>
    %get3A_16 = arith.constant 0 : index
    %get3A_17 = arith.constant 0 : index
    %get3A_18 = vector.load %arg3[%get3A_16, %get3A_17] : memref<1x128xf32, #tpu.memory_space<vmem>>, vector<1x128xf32>
    %add3A_19 = vector.broadcast %get3A_18 : vector<1x128xf32> to vector<1280x128xf32>
    %add3A_20 = arith.addf %mul3A_15, %add3A_19 : vector<1280x128xf32>
    %max3A_21 = arith.constant 0.000000e+00 : f32
    %max3A_22 = vector.broadcast %max3A_21 : f32 to vector<1280x128xf32>
    %max3A_23 = arith.maximumf %add3A_20, %max3A_22 : vector<1280x128xf32>
    %mul3A_24 = vector.broadcast %broadcast_in_dim3A : vector<1280x1xf32> to vector<1280x128xf32>
    %mul3A_25 = arith.mulf %max3A_23, %mul3A_24 : vector<1280x128xf32>
    %get3A_26 = arith.constant 0 : index
    %get3A_27 = arith.constant 0 : index
    %get3A_28 = vector.load %arg4[%get3A_26, %get3A_27] : memref<128x128xf32, #tpu.memory_space<vmem>>, vector<128x128xf32>
    %dot_general3A = arith.constant dense<0.000000e+00> : vector<1280x128xf32>
    %dot_general3A_29 = tpu.matmul %mul3A_25, %get3A_28, %dot_general3A {dimension_numbers = #tpu.dot_dimension_numbers<[1], [0], [0], [1], [0, 0, 1, 1], [], []>, transpose_lhs_hint = false} : vector<1280x128xf32>, vector<128x128xf32>, vector<1280x128xf32> -> vector<1280x128xf32>
    %swap3A = arith.constant 0 : index
    %swap3A_30 = arith.constant 0 : index
    %swap3A_31 = vector.load %arg5[%swap3A, %swap3A_30] : memref<1280x128xf32, #tpu.memory_space<vmem>>, vector<1280x128xf32>
    tpu.vector_store %arg5[%swap3A, %swap3A_30], %dot_general3A_29 {strides = array<i32>} : memref<1280x128xf32, #tpu.memory_space<vmem>>, vector<1280x128xf32>,
    return
  }
  func.func @transform_0(%arg0: i32) -> (i32, i32, i32) {
    %c0_i32 = arith.constant 0 : i32
    %c0_i32_0 = arith.constant 0 : i32
    %c0_i32_1 = arith.constant 0 : i32
    return %c0_i32, %arg0, %c0_i32_0 : i32, i32, i32
  }
  func.func @transform_1(%arg0: i32) -> (i32, i32) {
    %c0_i32 = arith.constant 0 : i32
    %c0_i32_0 = arith.constant 0 : i32
    return %c0_i32, %arg0 : i32, i32
  }
  func.func @transform_2(%arg0: i32) -> (i32, i32) {
    %c0_i32 = arith.constant 0 : i32
    %c0_i32_0 = arith.constant 0 : i32
    %c0_i32_1 = arith.constant 0 : i32
    return %c0_i32, %c0_i32_0 : i32, i32
  }
  func.func @transform_3(%arg0: i32) -> (i32, i32) {
    %c0_i32 = arith.constant 0 : i32
    %c0_i32_0 = arith.constant 0 : i32
    %c0_i32_1 = arith.constant 0 : i32
    return %c0_i32, %c0_i32_0 : i32, i32
  }
  func.func @transform_4(%arg0: i32) -> (i32, i32) {
    %c0_i32 = arith.constant 0 : i32
    %c0_i32_0 = arith.constant 0 : i32
    return %arg0, %c0_i32 : i32, i32
  }
}

module attributes {stable_mosaic.version = 14 : i64} {
  func.func @body(%arg0: i32, %arg1: memref<1280x128xf32, #tpu.memory_space<vmem>>, %arg2: memref<128x128xf32, #tpu.memory_space<vmem>>, %arg3: memref<32x1280xf32, #tpu.memory_space<vmem>>, %arg4: memref<1280x128xf32, #tpu.memory_space<vmem>>) attributes {dimension_semantics = [#tpu.dimension_semantics<arbitrary>], iteration_bounds = array<i64: 8>, scalar_prefetch = 0 : i64, scratch_operands = 0 : i64, tpu.core_type = #tpu.core_type<tc>, window_params = [{transform_indices = @transform_0, window_bounds = array<i64: 1280, 128>}, {pipeline_mode = #tpu.pipeline_mode<synchronous>, transform_indices = @transform_1, window_bounds = array<i64: 128, 128>}, {transform_indices = @transform_2, window_bounds = array<i64: 32, 1280>}, {transform_indices = @transform_3, window_bounds = array<i64: 1280, 128>}]} {
    %get3A = arith.constant 0 : index
    %get3A_0 = arith.constant 0 : index
    %get3A_1 = vector.load %arg3[%get3A, %get3A_0] : memref<32x1280xf32, #tpu.memory_space<vmem>>, vector<32x1280xf32>
    %reduce_sum3A = arith.constant dense<0.000000e+00> : vector<1280xf32>
    %reduce_sum3A_2 = vector.multi_reduction <add>, %get3A_1, %reduce_sum3A [0] : vector<32x1280xf32> to vector<1280xf32>
    %max3A = arith.constant 1.000000e+00 : f32
    %max3A_3 = vector.broadcast %max3A : f32 to vector<1280xf32>
    %max3A_4 = arith.maximumf %reduce_sum3A_2, %max3A_3 : vector<1280xf32>
    %rsqrt3A = math.rsqrt %max3A_4 : vector<1280xf32>
    %broadcast_in_dim3A = vector.shape_cast %rsqrt3A : vector<1280xf32> to vector<1280x1xf32>
    %get3A_5 = arith.constant 0 : index
    %get3A_6 = arith.constant 0 : index
    %get3A_7 = vector.load %arg1[%get3A_5, %get3A_6] : memref<1280x128xf32, #tpu.memory_space<vmem>>, vector<1280x128xf32>
    %mul3A = vector.broadcast %broadcast_in_dim3A : vector<1280x1xf32> to vector<1280x128xf32>
    %mul3A_8 = arith.mulf %get3A_7, %mul3A : vector<1280x128xf32>
    %get3A_9 = arith.constant 0 : index
    %get3A_10 = arith.constant 0 : index
    %get3A_11 = vector.load %arg2[%get3A_9, %get3A_10] : memref<128x128xf32, #tpu.memory_space<vmem>>, vector<128x128xf32>
    %dot_general3A = arith.constant dense<0.000000e+00> : vector<1280x128xf32>
    %dot_general3A_12 = tpu.matmul %mul3A_8, %get3A_11, %dot_general3A {dimension_numbers = #tpu.dot_dimension_numbers<[1], [0], [0], [1], [0, 0, 1, 1], [], []>, transpose_lhs_hint = false} : vector<1280x128xf32>, vector<128x128xf32>, vector<1280x128xf32> -> vector<1280x128xf32>
    %swap3A = arith.constant 0 : index
    %swap3A_13 = arith.constant 0 : index
    %swap3A_14 = vector.load %arg4[%swap3A, %swap3A_13] : memref<1280x128xf32, #tpu.memory_space<vmem>>, vector<1280x128xf32>
    tpu.vector_store %arg4[%swap3A, %swap3A_13], %dot_general3A_12 {strides = array<i32>} : memref<1280x128xf32, #tpu.memory_space<vmem>>, vector<1280x128xf32>,
    return
  }
  func.func @transform_0(%arg0: i32) -> (i32, i32) {
    %c0_i32 = arith.constant 0 : i32
    %c0_i32_0 = arith.constant 0 : i32
    return %arg0, %c0_i32 : i32, i32
  }
  func.func @transform_1(%arg0: i32) -> (i32, i32) {
    %c0_i32 = arith.constant 0 : i32
    %c0_i32_0 = arith.constant 0 : i32
    %c0_i32_1 = arith.constant 0 : i32
    return %c0_i32, %c0_i32_0 : i32, i32
  }
  func.func @transform_2(%arg0: i32) -> (i32, i32) {
    %c0_i32 = arith.constant 0 : i32
    %c0_i32_0 = arith.constant 0 : i32
    return %c0_i32, %arg0 : i32, i32
  }
  func.func @transform_3(%arg0: i32) -> (i32, i32) {
    %c0_i32 = arith.constant 0 : i32
    %c0_i32_0 = arith.constant 0 : i32
    return %arg0, %c0_i32 : i32, i32
  }
}

module attributes {stable_mosaic.version = 14 : i64} {
  func.func @body(%arg0: i32, %arg1: memref<2x1280x128xf32, #tpu.memory_space<vmem>>, %arg2: memref<32x1280xf32, #tpu.memory_space<vmem>>, %arg3: memref<1x128xf32, #tpu.memory_space<vmem>>, %arg4: memref<2x1280x128xf32, #tpu.memory_space<vmem>>, %arg5: memref<32x1280xf32, #tpu.memory_space<vmem>>, %arg6: memref<1x128xf32, #tpu.memory_space<vmem>>, %arg7: memref<1280x16xf32, #tpu.memory_space<vmem>>) attributes {dimension_semantics = [#tpu.dimension_semantics<arbitrary>], iteration_bounds = array<i64: 8>, scalar_prefetch = 0 : i64, scratch_operands = 0 : i64, tpu.core_type = #tpu.core_type<tc>, window_params = [{transform_indices = @transform_0, window_bounds = array<i64: 2, 1280, 128>}, {transform_indices = @transform_1, window_bounds = array<i64: 32, 1280>}, {pipeline_mode = #tpu.pipeline_mode<synchronous>, transform_indices = @transform_2, window_bounds = array<i64: 1, 128>}, {transform_indices = @transform_3, window_bounds = array<i64: 2, 1280, 128>}, {transform_indices = @transform_4, window_bounds = array<i64: 32, 1280>}, {pipeline_mode = #tpu.pipeline_mode<synchronous>, transform_indices = @transform_5, window_bounds = array<i64: 1, 128>}, {transform_indices = @transform_6, window_bounds = array<i64: 1280, 16>}]} {
    %get3A = arith.constant 0 : index
    %get3A_0 = arith.constant 0 : index
    %get3A_1 = arith.constant 0 : index
    %get3A_2 = vector.load %arg1[%get3A, %get3A_0, %get3A_1] : memref<2x1280x128xf32, #tpu.memory_space<vmem>>, vector<1x1280x128xf32>
    %get3A_3 = vector.shape_cast %get3A_2 : vector<1x1280x128xf32> to vector<1280x128xf32>
    %get3A_4 = arith.constant 1 : index
    %get3A_5 = arith.constant 0 : index
    %get3A_6 = arith.constant 0 : index
    %get3A_7 = vector.load %arg1[%get3A_4, %get3A_5, %get3A_6] : memref<2x1280x128xf32, #tpu.memory_space<vmem>>, vector<1x1280x128xf32>
    %get3A_8 = vector.shape_cast %get3A_7 : vector<1x1280x128xf32> to vector<1280x128xf32>
    %add3A = arith.addf %get3A_3, %get3A_8 : vector<1280x128xf32>
    %get3A_9 = arith.constant 0 : index
    %get3A_10 = arith.constant 0 : index
    %get3A_11 = vector.load %arg2[%get3A_9, %get3A_10] : memref<32x1280xf32, #tpu.memory_space<vmem>>, vector<32x1280xf32>
    %reduce_sum3A = arith.constant dense<0.000000e+00> : vector<1280xf32>
    %reduce_sum3A_12 = vector.multi_reduction <add>, %get3A_11, %reduce_sum3A [0] : vector<32x1280xf32> to vector<1280xf32>
    %max3A = arith.constant 1.000000e+00 : f32
    %max3A_13 = vector.broadcast %max3A : f32 to vector<1280xf32>
    %max3A_14 = arith.maximumf %reduce_sum3A_12, %max3A_13 : vector<1280xf32>
    %rsqrt3A = math.rsqrt %max3A_14 : vector<1280xf32>
    %broadcast_in_dim3A = vector.shape_cast %rsqrt3A : vector<1280xf32> to vector<1280x1xf32>
    %mul3A = vector.broadcast %broadcast_in_dim3A : vector<1280x1xf32> to vector<1280x128xf32>
    %mul3A_15 = arith.mulf %add3A, %mul3A : vector<1280x128xf32>
    %get3A_16 = arith.constant 0 : index
    %get3A_17 = arith.constant 0 : index
    %get3A_18 = vector.load %arg3[%get3A_16, %get3A_17] : memref<1x128xf32, #tpu.memory_space<vmem>>, vector<1x128xf32>
    %add3A_19 = vector.broadcast %get3A_18 : vector<1x128xf32> to vector<1280x128xf32>
    %add3A_20 = arith.addf %mul3A_15, %add3A_19 : vector<1280x128xf32>
    %get3A_21 = arith.constant 0 : index
    %get3A_22 = arith.constant 0 : index
    %get3A_23 = arith.constant 0 : index
    %get3A_24 = vector.load %arg4[%get3A_21, %get3A_22, %get3A_23] : memref<2x1280x128xf32, #tpu.memory_space<vmem>>, vector<1x1280x128xf32>
    %get3A_25 = vector.shape_cast %get3A_24 : vector<1x1280x128xf32> to vector<1280x128xf32>
    %get3A_26 = arith.constant 1 : index
    %get3A_27 = arith.constant 0 : index
    %get3A_28 = arith.constant 0 : index
    %get3A_29 = vector.load %arg4[%get3A_26, %get3A_27, %get3A_28] : memref<2x1280x128xf32, #tpu.memory_space<vmem>>, vector<1x1280x128xf32>
    %get3A_30 = vector.shape_cast %get3A_29 : vector<1x1280x128xf32> to vector<1280x128xf32>
    %add3A_31 = arith.addf %get3A_25, %get3A_30 : vector<1280x128xf32>
    %get3A_32 = arith.constant 0 : index
    %get3A_33 = arith.constant 0 : index
    %get3A_34 = vector.load %arg5[%get3A_32, %get3A_33] : memref<32x1280xf32, #tpu.memory_space<vmem>>, vector<32x1280xf32>
    %reduce_sum3A_35 = arith.constant dense<0.000000e+00> : vector<1280xf32>
    %reduce_sum3A_36 = vector.multi_reduction <add>, %get3A_34, %reduce_sum3A_35 [0] : vector<32x1280xf32> to vector<1280xf32>
    %max3A_37 = arith.constant 1.000000e+00 : f32
    %max3A_38 = vector.broadcast %max3A_37 : f32 to vector<1280xf32>
    %max3A_39 = arith.maximumf %reduce_sum3A_36, %max3A_38 : vector<1280xf32>
    %rsqrt3A_40 = math.rsqrt %max3A_39 : vector<1280xf32>
    %broadcast_in_dim3A_41 = vector.shape_cast %rsqrt3A_40 : vector<1280xf32> to vector<1280x1xf32>
    %mul3A_42 = vector.broadcast %broadcast_in_dim3A_41 : vector<1280x1xf32> to vector<1280x128xf32>
    %mul3A_43 = arith.mulf %add3A_31, %mul3A_42 : vector<1280x128xf32>
    %get3A_44 = arith.constant 0 : index
    %get3A_45 = arith.constant 0 : index
    %get3A_46 = vector.load %arg6[%get3A_44, %get3A_45] : memref<1x128xf32, #tpu.memory_space<vmem>>, vector<1x128xf32>
    %add3A_47 = vector.broadcast %get3A_46 : vector<1x128xf32> to vector<1280x128xf32>
    %add3A_48 = arith.addf %mul3A_43, %add3A_47 : vector<1280x128xf32>
    %neg3A = arith.constant 0.000000e+00 : f32
    %neg3A_49 = vector.broadcast %neg3A : f32 to vector<1280x128xf32>
    %neg3A_50 = arith.subf %neg3A_49, %add3A_20 : vector<1280x128xf32>
    %exp3A = math.exp %neg3A_50 : vector<1280x128xf32>
    %add3A_51 = arith.constant 1.000000e+00 : f32
    %add3A_52 = vector.broadcast %add3A_51 : f32 to vector<1280x128xf32>
    %add3A_53 = arith.addf %add3A_52, %exp3A : vector<1280x128xf32>
    %div3A = arith.constant 1.000000e+00 : f32
    %div3A_54 = vector.broadcast %div3A : f32 to vector<1280x128xf32>
    %div3A_55 = arith.divf %div3A_54, %add3A_53 : vector<1280x128xf32>
    %neg3A_56 = arith.constant 0.000000e+00 : f32
    %neg3A_57 = vector.broadcast %neg3A_56 : f32 to vector<1280x128xf32>
    %neg3A_58 = arith.subf %neg3A_57, %add3A_48 : vector<1280x128xf32>
    %exp3A_59 = math.exp %neg3A_58 : vector<1280x128xf32>
    %add3A_60 = arith.constant 1.000000e+00 : f32
    %add3A_61 = vector.broadcast %add3A_60 : f32 to vector<1280x128xf32>
    %add3A_62 = arith.addf %add3A_61, %exp3A_59 : vector<1280x128xf32>
    %div3A_63 = arith.constant 1.000000e+00 : f32
    %div3A_64 = vector.broadcast %div3A_63 : f32 to vector<1280x128xf32>
    %div3A_65 = arith.divf %div3A_64, %add3A_62 : vector<1280x128xf32>
    %add3A_66 = arith.addf %div3A_55, %div3A_65 : vector<1280x128xf32>
    %mul3A_67 = arith.constant 5.000000e-01 : f32
    %mul3A_68 = vector.broadcast %mul3A_67 : f32 to vector<1280x128xf32>
    %mul3A_69 = arith.mulf %add3A_66, %mul3A_68 : vector<1280x128xf32>
    %slice3A = vector.extract_strided_slice %mul3A_69 {offsets = [0, 0], sizes = [1280, 16], strides = [1, 1]} : vector<1280x128xf32> to vector<1280x16xf32>
    %swap3A = arith.constant 0 : index
    %swap3A_70 = arith.constant 0 : index
    %swap3A_71 = vector.load %arg7[%swap3A, %swap3A_70] : memref<1280x16xf32, #tpu.memory_space<vmem>>, vector<1280x16xf32>
    tpu.vector_store %arg7[%swap3A, %swap3A_70], %slice3A {strides = array<i32>} : memref<1280x16xf32, #tpu.memory_space<vmem>>, vector<1280x16xf32>,
    return
  }
  func.func @transform_0(%arg0: i32) -> (i32, i32, i32) {
    %c0_i32 = arith.constant 0 : i32
    %c0_i32_0 = arith.constant 0 : i32
    %c0_i32_1 = arith.constant 0 : i32
    return %c0_i32, %arg0, %c0_i32_0 : i32, i32, i32
  }
  func.func @transform_1(%arg0: i32) -> (i32, i32) {
    %c0_i32 = arith.constant 0 : i32
    %c0_i32_0 = arith.constant 0 : i32
    return %c0_i32, %arg0 : i32, i32
  }
  func.func @transform_2(%arg0: i32) -> (i32, i32) {
    %c0_i32 = arith.constant 0 : i32
    %c0_i32_0 = arith.constant 0 : i32
    %c0_i32_1 = arith.constant 0 : i32
    return %c0_i32, %c0_i32_0 : i32, i32
  }
  func.func @transform_3(%arg0: i32) -> (i32, i32, i32) {
    %c0_i32 = arith.constant 0 : i32
    %c0_i32_0 = arith.constant 0 : i32
    %c0_i32_1 = arith.constant 0 : i32
    return %c0_i32, %arg0, %c0_i32_0 : i32, i32, i32
  }
  func.func @transform_4(%arg0: i32) -> (i32, i32) {
    %c0_i32 = arith.constant 0 : i32
    %c0_i32_0 = arith.constant 0 : i32
    return %c0_i32, %arg0 : i32, i32
  }
  func.func @transform_5(%arg0: i32) -> (i32, i32) {
    %c0_i32 = arith.constant 0 : i32
    %c0_i32_0 = arith.constant 0 : i32
    %c0_i32_1 = arith.constant 0 : i32
    return %c0_i32, %c0_i32_0 : i32, i32
  }
  func.func @transform_6(%arg0: i32) -> (i32, i32) {
    %c0_i32 = arith.constant 0 : i32
    %c0_i32_0 = arith.constant 0 : i32
    return %arg0, %c0_i32 : i32, i32
  }
}

</mosaic_0001>

<sc_bundles>
// kernel: kernel.21.cloned.1.call-start
scs
__scs_entry_jumppad:
0x0: {  	(pc) =	sbr.rel $0x88, $3  }
0x1: {  	(tag) =	ssettag $0x0;
	lr =	simm.s32 $0x1  }
0x2: {  	[smem:$0x3F8D] =	sst lr;
	_ =	strace $0xD0000000  }
0x3: {  	_ = 	snop  }
0x4: {  	_ = 	snop  }
0x5: {  	_ = 	snop  }
0x6: {  	_ = 	snop  }
0x7: {  	_ = 	snop  }
__scs_overlays_trampoline_lowered:
0x8: {  	[smem:$0x3F9C] =	sst s0  }
0x9: {  	[smem:$0x3F9D] =	sst s1  }
0xa: {  	[smem:$0x3F9E] =	sst s2  }
0xb: {  	[smem:$0x3F9F] =	sst s3  }
0xc: {  	[smem:$0x3FA0] =	sst s4  }
0xd: {  	[smem:$0x3FA1] =	sst s5  }
0xe: {  	[smem:$0x3FA2] =	sst s6  }
0xf: {  	[smem:$0x3FA3] =	sst s7  }
0x10: {  	[smem:$0x3FA4] =	sst s8  }
0x11: {  	[smem:$0x3FA5] =	sst s9;
	s0 =	simm.s32 @!p0 $0x0  }
0x12: {  	s1 =	sld [smem:$0x3F8B];
	s0 =	simm.s32 @p0 $0x1  }
0x13: {  	[smem:$0x3FA6] =	sst s0;
	s0 =	simm.s32 @!p1 $0x0  }
0x14: {  	s2 =	sld [smem:$0x3F8A];
	s0 =	simm.s32 @p1 $0x1  }
0x15: {  	[smem:$0x3FA7] =	sst s0;
	s0 =	simm.s32 @!p2 $0x0  }
0x16: {  	s3 =	sld [smem:$0x3FDB];
	s0 =	simm.s32 @p2 $0x1  }
0x17: {  	s4 =	simm.s32 $0x1BF5;
	[smem:$0x3FA9] =	sst s0  }
0x18: {  	s0 =	sld [smem:$0x3F8C];
	_ =	swait.ge [sflag:s4], $0x0  }
0x19: {  	s7 =	sld [smem:$0x3F8D]  }
0x1a: {  	s8 =	sadd.s32 $0xFFFFE003, lr  }
0x1b: {  	s9 =	sadd.s32 $0xFFFFFEF7, lr;
	s5 =	simm.s32 $0xFFFFFFFF;
	p2 =	slt.u32 s8, $0xFFFFF086  }
0x1c: {  	p1 =	slt.u32 s9, $0xF7A;
	s5 =	simm.s32 @!p2 $0x0  }
0x1d: {  	s5 =	simm.s32 @p1 $0x1;
	p0 =	seq.s32 s7, s2  }
0x1e: {  	s7 =	smul.u32 @!p0 $0xF7A, s2;
	p2 =	seq.s32 @!p0 s5, $0x0  }
0x1f: {  	s9 =	smul.u32 $0xF7A, s1;
	s8 =	simm.s32 @!p0 $0x1BF5;
	p2 =	por !p2, p0  }
0x20: {  	[sflag:s8] =	ssyncset.s32 @!p0 $0xFFFFF086;
	s6 =	sadd.s32 @!p0 s3, s7;
	s7 =	simm.s32 @!p0 $0x108  }
0x21: {  	s3 =	sadd.s32 s3, s9;
	s6 =	sadd.s32 @!p0 $0x88, s6;
	s7 =	simm.s32 @p2 $0x1082  }
0x22: {  	[simem:s7], [sflag:s8] =	dma.local @!p0 [hbm:s6], $0xF7A  }
0x23: {  	s9 =	sor.u32 $0xD0000000, s2;
	s6 =	simm.s32 $0x108;
	_ =	swait.ge @!p0 [sflag:s8], $0x0  }
0x24: {  	s3 =	sadd.s32 $0x88, s3;
	s6 =	simm.s32 @!p1 $0x1082;
	[sflag:s4] =	ssyncset.s32 $0xFFFFF086  }
0x25: {  	[simem:s6], [sflag:s4] =	dma.local [hbm:s3], $0xF7A  }
0x26: {  	[smem:$0x3F8D] =	sst s1;
	(tag) =	ssettag s2;
	_ =	strace s9  }
0x27: {  	s1 =	sld [smem:$0x3F9D]  }
0x28: {  	s2 =	sld [smem:$0x3F9E]  }
0x29: {  	s4 =	sld [smem:$0x3FA0]  }
0x2a: {  	p0 =	seq.s32 s5, $0x0;
	s5 =	sld [smem:$0x3FA1]  }
0x2b: {  	s6 =	sld [smem:$0x3FA2]  }
0x2c: {  	s7 =	sld [smem:$0x3FA3]  }
0x2d: {  	s3 =	simm.s32 $0x108;
	s8 =	sld [smem:$0x3FA4]  }
0x2e: {  	s3 =	simm.s32 @!p0 $0x1082;
	s9 =	sld [smem:$0x3FA5]  }
0x2f: {  	lr =	sadd.s32 s0, s3;
	s0 =	sld [smem:$0x3F9C]  }
0x30: {  	s3 =	sld [smem:$0x3F9F]  }
0x31: {  	[smem:$0x3FA8] =	sst s10  }
0x32: {  	s10 =	sld [smem:$0x3FA6];
	_ =	sdelay $0x3  }
0x33: {  	p0 =	seq.s32 s10, $0x1;
	s10 =	sld [smem:$0x3FA8];
	_ =	sdelay $0x3  }
0x34: {  	[smem:$0x3FA8] =	sst s10  }
0x35: {  	s10 =	sld [smem:$0x3FA7];
	_ =	sdelay $0x3  }
0x36: {  	p1 =	seq.s32 s10, $0x1;
	s10 =	sld [smem:$0x3FA8];
	_ =	sdelay $0x3  }
0x37: {  	[smem:$0x3FA8] =	sst s10  }
0x38: {  	s10 =	sld [smem:$0x3FA9]  }
0x39: {  	_ = 	snop;
	(pc) =	sbr.ind lr, $3  }
0x3a: {  	_ = 	snop  }
0x3b: {  	_ = 	snop  }
0x3c: {  	p2 =	seq.s32 s10, $0x1;
	s10 =	sld [smem:$0x3FA8]  }
0x3d: {  	_ =	shalt  }
0x3e: {  	_ =	shalt  }
0x3f: {  	_ =	shalt  }
0x40: {  	_ =	shalt  }
0x41: {  	_ =	shalt  }
0x42: {  	_ =	shalt  }
0x43: {  	_ =	shalt  }
0x44: {  	_ =	shalt  }
0x45: {  	_ =	shalt  }
0x46: {  	_ =	shalt  }
0x47: {  	_ =	shalt  }
0x48: {  	_ =	shalt  }
0x49: {  	_ =	shalt  }
0x4a: {  	_ =	shalt  }
0x4b: {  	_ =	shalt  }
0x4c: {  	_ =	shalt  }
0x4d: {  	_ =	shalt  }
0x4e: {  	_ =	shalt  }
0x4f: {  	_ =	shalt  }
0x50: {  	_ =	shalt  }
0x51: {  	_ =	shalt  }
0x52: {  	_ =	shalt  }
0x53: {  	_ =	shalt  }
0x54: {  	_ =	shalt  }
0x55: {  	_ =	shalt  }
0x56: {  	_ =	shalt  }
0x57: {  	_ =	shalt  }
0x58: {  	_ =	shalt  }
0x59: {  	_ =	shalt  }
0x5a: {  	_ =	shalt  }
0x5b: {  	_ =	shalt  }
0x5c: {  	_ =	shalt  }
0x5d: {  	_ =	shalt  }
0x5e: {  	_ =	shalt  }
0x5f: {  	_ =	shalt  }
0x60: {  	_ =	shalt  }
0x61: {  	_ =	shalt  }
0x62: {  	_ =	shalt  }
0x63: {  	_ =	shalt  }
0x64: {  	_ =	shalt  }
0x65: {  	_ =	shalt  }
0x66: {  	_ =	shalt  }
0x67: {  	_ =	shalt  }
0x68: {  	_ =	shalt  }
0x69: {  	_ =	shalt  }
0x6a: {  	_ =	shalt  }
0x6b: {  	_ =	shalt  }
0x6c: {  	_ =	shalt  }
0x6d: {  	_ =	shalt  }
0x6e: {  	_ =	shalt  }
0x6f: {  	_ =	shalt  }
0x70: {  	_ =	shalt  }
0x71: {  	_ =	shalt  }
0x72: {  	_ =	shalt  }
0x73: {  	_ =	shalt  }
0x74: {  	_ =	shalt  }
0x75: {  	_ =	shalt  }
0x76: {  	_ =	shalt  }
0x77: {  	_ =	shalt  }
0x78: {  	_ =	shalt  }
0x79: {  	_ =	shalt  }
0x7a: {  	_ =	shalt  }
0x7b: {  	_ =	shalt  }
0x7c: {  	_ =	shalt  }
0x7d: {  	_ =	shalt  }
0x7e: {  	_ =	shalt  }
0x7f: {  	_ =	shalt  }
0x80: {  	_ =	shalt  }
0x81: {  	_ =	shalt  }
0x82: {  	_ =	shalt  }
0x83: {  	_ =	shalt  }
0x84: {  	_ =	shalt  }
0x85: {  	_ =	shalt  }
0x86: {  	_ =	shalt  }
0x87: {  	_ =	shalt  }
.Lfunc_end0:
.L_simem_size_0:
called_computation_lowered:
.L_overlay_start_0:
0x88: {  	s2 =	sld [smem:$0x3FD9]  }
0x89: {  	s3 =	sld [smem:$0x3FFE];
	_ =	sdelay $0x1  }
0x8a: {  	s1 =	srdreg.scid  }
0x8b: {  	s0 =	sand.u32 $0x1, s1  }
0x8c: {  	s16 =	sshll.u32 s0, $0xA;
	s2 =	sadd.s32 s3, s2  }
0x8d: {  	s2 =	sadd.s32 s2, s16  }
0x8e: {  	[smem:$0x3FB4] =	sst s2  }
0x8f: {  	_ = 	snop  }
0x90: {  	(tm) =	ssettm $0x1  }
0x91: {  	s17 =	sld [smem:$0x3FFB];
	_ =	sdelay $0x3  }
0x92: {  	_ =	strace s17  }
0x93: {  	s2 =	sld [smem:$0x3FFC];
	_ =	sdelay $0x3  }
0x94: {  	_ =	strace s2  }
0x95: {  	s2 =	sld [smem:$0x3FFD];
	_ =	sdelay $0x3  }
0x96: {  	_ =	strace s2  }
0x97: {  	_ =	strace $0x8FFFFFFF  }
0x98: {  	s18 =	sld [smem:$0x3FDB];
	_ =	sdelay $0x1  }
0x99: {  	s19 =	simm.s32 $_scs_section_size  }
0x9a: {  	s4 =	simm.s32 $_size__tile_overlayer_lowered;
	s5 =	simm.s32 $_tile_overlayer_lowered  }
0x9b: {  	s22 =	simm.s32 $0x1BFF;
	s21 =	sshll.u32 s5, $0x1;
	s2 =	sadd.s32 s19, s18  }
0x9c: {  	s6 =	simm.s32 $0x0;
	s20 =	sshll.u32 s4, $0x1;
	s4 =	sadd.s32 s21, s2  }
0x9d: {  	[timem:s6], [sflag:s22] =	dma.local [hbm:s4], s20  }
0x9e: {  	_ =	swait.ge [sflag:s22], s20  }
0x9f: {  	s3 =	ssub.s32 $0x0, s20;
	[sflag:s22] =	ssyncset.done $0x0  }
0xa0: {  	[sflag:s22] =	ssyncadd.s32 s3;
	_ =	sdelay $0x1  }
0xa1: {  	s23 =	simm.s32 $0x1B8B  }
0xa2: {  	_ =	swait.ge [sflag:s23], $0x1  }
0xa3: {  	[sflag:s23] =	ssyncset.done $0x0  }
0xa4: {  	s25 =	simm.s32 $0x1B8E;
	s24 =	sld [smem:$0x3FFE];
	[sflag:s23] =	ssyncadd.s32 $0xFFFFFFFF  }
0xa5: {  	s26 =	simm.s32 $execute0_lowered;
	[smem:$0x3FD2] =	sst s25  }
0xa6: {  	s4 =	sshll.u32 s26, $0x1;
	_ =	strace $0x80000046;
	[dreg:$0x1] =	wrdreg $0xFFFFFFFF  }
0xa7: {  	s28 =	simm.s32 $_size_execute0_lowered;
	s2 =	sadd.s32 s2, s4;
	[dreg:$0x0] =	wrdreg $0x0  }
0xa8: {  	s4 =	sshll.u32 s28, $0x1;
	[dreg:$0x2] =	wrdreg s2  }
0xa9: {  	[dreg:$0x3] =	wrdreg s4  }
0xaa: {  	[dreg:$0x4] =	wrdreg $0xC0  }
0xab: {  	_ =	task [dreg:s6], $0x5FFFF  }
0xac: {  	[dreg:$0x1] =	wrdreg $0xFFFFFFFF  }
0xad: {  	[dreg:$0x0] =	wrdreg $0x60  }
0xae: {  	[dreg:$0x2] =	wrdreg s24  }
0xaf: {  	[dreg:$0x3] =	wrdreg $0x9  }
0xb0: {  	_ =	task.clear_ibuf [dreg:s6], $0x4FFFF;
	_ =	strace $0x90000046  }
0xb1: {  	s29 =	simm.s32 $0x9;
	_ =	strace $0x80000048  }
0xb2: {  	_ =	swait.ge [sflag:s29], $0x1  }
0xb3: {  	[sflag:s29] =	ssyncadd.s32 $0xFFFFFFFF  }
0xb4: {  	_ =	strace $0x90000048  }
0xb5: {  	_ =	sfence  }
0xb6: {  	s30 =	sld [smem:$0x0];
	_ =	sdelay $0x2  }
0xb7: {  	s31 =	sshll.u32 s1, $0xD;
	s1 =	sshrl.u32 s1, $0x2  }
0xb8: {  	s3 =	sand.u32 $0x4000, s31;
	s1 =	sadd.s32 s1, s30  }
0xb9: {  	s0 =	sor.u32 s3, s0;
	s1 =	sshll.u32 s1, $0x11  }
0xba: {  	s0 =	sor.u32 s1, s0  }
0xbb: {  	s0 =	sadd.s32 $0x8F2B, s0  }
0xbc: {  	[sflag:s0] =	ssyncadd.remote.s32 $0x1  }
0xbd: {  	_ =	sfence.sel $0xFFFF  }
0xbe: {  	[dreg:$0x0] =	wrdreg $0xFFFFFFFF;
	(pc) =	sbr.abs _section_cstart, $3  }
0xbf: {  	[dreg:$0x1] =	wrdreg $0xFFFFFFFF  }
0xc0: {  	_ =	task.clear_ibuf [dreg:s6], $0x2FFFF;
	_ =	strace $0x9FFFFFFF  }
0xc1: {  	(tm) =	ssettm $0x7FFFFFFF  }
tec
execute0_lowered:
.L_overlay_start_1:
0x0: {  	(tag) =	ssettag $0x1  }
0x1: {  	s0 =	srdreg.scid  }
0x2: {  	s4 =	rddreg [dreg:$0x0];
	s2 =	simm.s32 $0x0;
	s3 =	sand.u32 $0x1, s0  }
0x3: {  	s8 =	simm.s32 $0x1;
	s0 =	stileid.u32;
	s1 =	sshll.u32 s3, $0x4  }
0x4: {  	s9 =	simm.s32 $0x80;
	s10 =	simm.s32 $0x400;
	s5 =	sor.u32 s0, s1  }
0x5: {  	s11 =	simm.s32 $0x0;
	[smem:$0x7FF] =	sst s2;
	s6 =	sshrl.u32 s5, $0x3  }
0x6: {  	s7 =	sshll.u32 s0, $0x7;
	s30 =	ssub.s32 $0x2, s3;
	s6 =	smul.u32 $0x14000, s6  }
0x7: {  	s3 =	sadd.s32 $0x12600, s4;
	s7 =	sand.u32 $0x380, s7;
	s5 =	smul.u32 $0x580, s5  }
0x8: {  	s1 =	rddreg [dreg:$0x1];
	_ =	strace $0x80000047;
	s6 =	sor.u32 s7, s6  }
0x9: {  	s31 =	sshrl.u32 s30, $0x1;
	s5 =	sadd.s32 s5, s4;
	s6 =	sshrl.u32 s6, $0x3  }
0xa: {  	s7 =	ssub.s32 s30, s31;
	s6 =	sadd.s32 s6, s4;
	s4 =	sadd.s32 $0x7600, s5  }
0xb: {  	v0 =	vimm.f32 $1.000000000e+00;
	s5 =	sadd.s32 $0x12C00, s6;
	s6 =	smax.u32 s7, $0x1;
	s7 =	simm.s32 $0x2C00  }
.LBB2_1:
0xc: {  	[tilespmem:s7], [sflag:$0x1] =	stream.linear.gather [hbm4b:s3+s2], $0x2800, $0x38;
	[tilespmem:$0x5400] =	vst v63  }
0xd: {  	_ =	swait.ge [sflag:s8], $0x2800  }
0xe: {  	[sflag:s8] =	ssyncset.done $0x0  }
0xf: {  	[sflag:s8] =	ssyncadd.s32 $0xFFFFD800  }
0x10: {  	[tilespmem:s2], [sflag:$0x1] =	stream.linear.gather [hbm4b:s4+s2], $0x2880, $0x38;
	[tilespmem:$0x5400] =	vst v63  }
0x11: {  	s12 =	sand.u32 $0xFE00, s2;
	_ =	swait.ge [sflag:s8], $0x2880  }
0x12: {  	s13 =	sand.u32 $0x70, s2;
	s12 =	sshrl.u32 s12, $0x2;
	[sflag:s8] =	ssyncset.done $0x0  }
0x13: {  	s12 =	sor.u32 s13, s12;
	[sflag:s8] =	ssyncadd.s32 $0xFFFFD780  }
0x14: {  	v1 =	vld [tilespmem:s12+$0x0];
	_ =	sdelay $0x4  }
0x15: {  	s14 =	simm.s32 $0x40  }
0x16: {  	s14 =	sand.u32 $0xFE00, s14;
	s13 =	simm.s32 $0x80;
	s12 =	simm.s32 $0x10  }
.LBB2_2:
0x17: {  	p0 =	sne.s32 s13, $0xA1C0;
	s15 =	sand.u32 $0x70, s12;
	s14 =	sshrl.u32 s14, $0x2  }
0x18: {  	s14 =	sor.u32 s15, s14;
	[tilespmem:v1+s7+$0x0] =	vst.idx.add.f32.msk $0xffff, v0  }
0x19: {  	v1 =	vld [tilespmem:s14+$0x0];
	_ =	sdelay $0x1  }
.Ltmp0:
0x1a: {  	(pc) =	sbr.rel @p0 .LBB2_2-.Ltmp0, $2  }
0x1b: {  	_ =	sdelay $0x2  }
0x1c: {  	s12 =	sadd.s32 $0x10, s12;
	s14 =	sand.u32 $0xFE00, s13;
	s13 =	sadd.s32 $0x40, s13  }
0x1d: {  	_ =	sdelay $0x2  }
0x1e: {  	s12 =	sand.u32 $0x70, s12;
	s13 =	sshrl.u32 s14, $0x2  }
0x1f: {  	[tilespmem:v1+s7+$0x0] =	vst.idx.add.f32.msk $0xffff, v0;
	s12 =	sor.u32 s12, s13  }
0x20: {  	v1 =	vld [tilespmem:s12+$0x0];
	_ =	sdelay $0x5  }
0x21: {  	s11 =	sadd.s32 $0x1, s11  }
0x22: {  	p0 =	sne.s32 s11, s6  }
.Ltmp1:
0x23: {  	[tilespmem:v1+s7+$0x0] =	vst.idx.add.f32.msk $0xffff, v0;
	(pc) =	sbr.rel @p0 .LBB2_1-.Ltmp1, $4  }
0x24: {  	[hbm4b:s5+s9] =	stream.strided.scatter [tilespmem:s7], [sflag:$0x1], $0x2800, s10, s9, $0x38;
	[tilespmem:$0x5400] =	vst v63  }
0x25: {  	_ =	swait.ge [sflag:s8], $0x2800  }
0x26: {  	[sflag:s8] =	ssyncset.done $0x0  }
0x27: {  	[sflag:s8] =	ssyncadd.s32 $0xFFFFD800  }
0x28: {  	_ =	sfence.sel $0x180000  }
0x29: {  	[bflag:$0x0] =	sbarrier.arrive $0xFFFF  }
0x2a: {  	p0 =	sne.s32 s0, $0x0;
	_ =	strace $0x90000047  }
0x2b: {  	s0 =	sadd.s32 @!p0 $0x100000, s1;
	[bflag:$0x2] =	sbarrier.arrive $0xFFFF  }
0x2c: {  	[sflag:s0] =	ssyncadd.tile.s32 @!p0 $0x1;
	_ =	shalt  }
.Lfunc_end2:
_tile_overlayer_lowered:
.L_overlay_start_2:
0x2d: {  	(tag) =	ssettag $0x2  }
0x2e: {  	s0 =	rddreg [dreg:$0x0];
	s2 =	stileid.u32  }
0x2f: {  	s1 =	rddreg [dreg:$0x1];
	p0 =	sne.s32 s2, $0x0  }
0x30: {  	s3 =	rddreg [dreg:$0x2];
	[bflag:$0x3] =	sbarrier.arrive $0xFFFF;
	s2 =	simm.s32 @!p0 $0x1C01  }
0x31: {  	[timem:s3], [sflag:s2] =	dma.local @!p0 [hbm:s0], s1  }
0x32: {  	s0 =	simm.s32 @!p0 $0x1  }
0x33: {  	_ =	swait.ge @!p0 [sflag:s0], s1  }
0x34: {  	s1 =	ssub.s32 @!p0 $0x0, s1;
	[sflag:s0] =	ssyncset.done @!p0 $0x0  }
0x35: {  	[sflag:s0] =	ssyncadd.s32 @!p0 s1  }
0x36: {  	[bflag:$0x3] =	sbarrier.arrive $0xFFFF  }
0x37: {  	_ =	shalt  }

// kernel: kernel.24.cloned.1.call-start
scs
__scs_entry_jumppad:
0x0: {  	(pc) =	sbr.rel $0x88, $3  }
0x1: {  	(tag) =	ssettag $0x0;
	lr =	simm.s32 $0x1  }
0x2: {  	[smem:$0x3F8D] =	sst lr;
	_ =	strace $0xD0000000  }
0x3: {  	_ = 	snop  }
0x4: {  	_ = 	snop  }
0x5: {  	_ = 	snop  }
0x6: {  	_ = 	snop  }
0x7: {  	_ = 	snop  }
__scs_overlays_trampoline_lowered:
0x8: {  	[smem:$0x3F9C] =	sst s0  }
0x9: {  	[smem:$0x3F9D] =	sst s1  }
0xa: {  	[smem:$0x3F9E] =	sst s2  }
0xb: {  	[smem:$0x3F9F] =	sst s3  }
0xc: {  	[smem:$0x3FA0] =	sst s4  }
0xd: {  	[smem:$0x3FA1] =	sst s5  }
0xe: {  	[smem:$0x3FA2] =	sst s6  }
0xf: {  	[smem:$0x3FA3] =	sst s7  }
0x10: {  	[smem:$0x3FA4] =	sst s8  }
0x11: {  	[smem:$0x3FA5] =	sst s9;
	s0 =	simm.s32 @!p0 $0x0  }
0x12: {  	s1 =	sld [smem:$0x3F8B];
	s0 =	simm.s32 @p0 $0x1  }
0x13: {  	[smem:$0x3FA6] =	sst s0;
	s0 =	simm.s32 @!p1 $0x0  }
0x14: {  	s2 =	sld [smem:$0x3F8A];
	s0 =	simm.s32 @p1 $0x1  }
0x15: {  	[smem:$0x3FA7] =	sst s0;
	s0 =	simm.s32 @!p2 $0x0  }
0x16: {  	s3 =	sld [smem:$0x3FDB];
	s0 =	simm.s32 @p2 $0x1  }
0x17: {  	s4 =	simm.s32 $0x1BF5;
	[smem:$0x3FA9] =	sst s0  }
0x18: {  	s0 =	sld [smem:$0x3F8C];
	_ =	swait.ge [sflag:s4], $0x0  }
0x19: {  	s7 =	sld [smem:$0x3F8D]  }
0x1a: {  	s8 =	sadd.s32 $0xFFFFE003, lr  }
0x1b: {  	s9 =	sadd.s32 $0xFFFFFEF7, lr;
	s5 =	simm.s32 $0xFFFFFFFF;
	p2 =	slt.u32 s8, $0xFFFFF086  }
0x1c: {  	p1 =	slt.u32 s9, $0xF7A;
	s5 =	simm.s32 @!p2 $0x0  }
0x1d: {  	s5 =	simm.s32 @p1 $0x1;
	p0 =	seq.s32 s7, s2  }
0x1e: {  	s7 =	smul.u32 @!p0 $0xF7A, s2;
	p2 =	seq.s32 @!p0 s5, $0x0  }
0x1f: {  	s9 =	smul.u32 $0xF7A, s1;
	s8 =	simm.s32 @!p0 $0x1BF5;
	p2 =	por !p2, p0  }
0x20: {  	[sflag:s8] =	ssyncset.s32 @!p0 $0xFFFFF086;
	s6 =	sadd.s32 @!p0 s3, s7;
	s7 =	simm.s32 @!p0 $0x108  }
0x21: {  	s3 =	sadd.s32 s3, s9;
	s6 =	sadd.s32 @!p0 $0x88, s6;
	s7 =	simm.s32 @p2 $0x1082  }
0x22: {  	[simem:s7], [sflag:s8] =	dma.local @!p0 [hbm:s6], $0xF7A  }
0x23: {  	s9 =	sor.u32 $0xD0000000, s2;
	s6 =	simm.s32 $0x108;
	_ =	swait.ge @!p0 [sflag:s8], $0x0  }
0x24: {  	s3 =	sadd.s32 $0x88, s3;
	s6 =	simm.s32 @!p1 $0x1082;
	[sflag:s4] =	ssyncset.s32 $0xFFFFF086  }
0x25: {  	[simem:s6], [sflag:s4] =	dma.local [hbm:s3], $0xF7A  }
0x26: {  	[smem:$0x3F8D] =	sst s1;
	(tag) =	ssettag s2;
	_ =	strace s9  }
0x27: {  	s1 =	sld [smem:$0x3F9D]  }
0x28: {  	s2 =	sld [smem:$0x3F9E]  }
0x29: {  	s4 =	sld [smem:$0x3FA0]  }
0x2a: {  	p0 =	seq.s32 s5, $0x0;
	s5 =	sld [smem:$0x3FA1]  }
0x2b: {  	s6 =	sld [smem:$0x3FA2]  }
0x2c: {  	s7 =	sld [smem:$0x3FA3]  }
0x2d: {  	s3 =	simm.s32 $0x108;
	s8 =	sld [smem:$0x3FA4]  }
0x2e: {  	s3 =	simm.s32 @!p0 $0x1082;
	s9 =	sld [smem:$0x3FA5]  }
0x2f: {  	lr =	sadd.s32 s0, s3;
	s0 =	sld [smem:$0x3F9C]  }
0x30: {  	s3 =	sld [smem:$0x3F9F]  }
0x31: {  	[smem:$0x3FA8] =	sst s10  }
0x32: {  	s10 =	sld [smem:$0x3FA6];
	_ =	sdelay $0x3  }
0x33: {  	p0 =	seq.s32 s10, $0x1;
	s10 =	sld [smem:$0x3FA8];
	_ =	sdelay $0x3  }
0x34: {  	[smem:$0x3FA8] =	sst s10  }
0x35: {  	s10 =	sld [smem:$0x3FA7];
	_ =	sdelay $0x3  }
0x36: {  	p1 =	seq.s32 s10, $0x1;
	s10 =	sld [smem:$0x3FA8];
	_ =	sdelay $0x3  }
0x37: {  	[smem:$0x3FA8] =	sst s10  }
0x38: {  	s10 =	sld [smem:$0x3FA9]  }
0x39: {  	_ = 	snop;
	(pc) =	sbr.ind lr, $3  }
0x3a: {  	_ = 	snop  }
0x3b: {  	_ = 	snop  }
0x3c: {  	p2 =	seq.s32 s10, $0x1;
	s10 =	sld [smem:$0x3FA8]  }
0x3d: {  	_ =	shalt  }
0x3e: {  	_ =	shalt  }
0x3f: {  	_ =	shalt  }
0x40: {  	_ =	shalt  }
0x41: {  	_ =	shalt  }
0x42: {  	_ =	shalt  }
0x43: {  	_ =	shalt  }
0x44: {  	_ =	shalt  }
0x45: {  	_ =	shalt  }
0x46: {  	_ =	shalt  }
0x47: {  	_ =	shalt  }
0x48: {  	_ =	shalt  }
0x49: {  	_ =	shalt  }
0x4a: {  	_ =	shalt  }
0x4b: {  	_ =	shalt  }
0x4c: {  	_ =	shalt  }
0x4d: {  	_ =	shalt  }
0x4e: {  	_ =	shalt  }
0x4f: {  	_ =	shalt  }
0x50: {  	_ =	shalt  }
0x51: {  	_ =	shalt  }
0x52: {  	_ =	shalt  }
0x53: {  	_ =	shalt  }
0x54: {  	_ =	shalt  }
0x55: {  	_ =	shalt  }
0x56: {  	_ =	shalt  }
0x57: {  	_ =	shalt  }
0x58: {  	_ =	shalt  }
0x59: {  	_ =	shalt  }
0x5a: {  	_ =	shalt  }
0x5b: {  	_ =	shalt  }
0x5c: {  	_ =	shalt  }
0x5d: {  	_ =	shalt  }
0x5e: {  	_ =	shalt  }
0x5f: {  	_ =	shalt  }
0x60: {  	_ =	shalt  }
0x61: {  	_ =	shalt  }
0x62: {  	_ =	shalt  }
0x63: {  	_ =	shalt  }
0x64: {  	_ =	shalt  }
0x65: {  	_ =	shalt  }
0x66: {  	_ =	shalt  }
0x67: {  	_ =	shalt  }
0x68: {  	_ =	shalt  }
0x69: {  	_ =	shalt  }
0x6a: {  	_ =	shalt  }
0x6b: {  	_ =	shalt  }
0x6c: {  	_ =	shalt  }
0x6d: {  	_ =	shalt  }
0x6e: {  	_ =	shalt  }
0x6f: {  	_ =	shalt  }
0x70: {  	_ =	shalt  }
0x71: {  	_ =	shalt  }
0x72: {  	_ =	shalt  }
0x73: {  	_ =	shalt  }
0x74: {  	_ =	shalt  }
0x75: {  	_ =	shalt  }
0x76: {  	_ =	shalt  }
0x77: {  	_ =	shalt  }
0x78: {  	_ =	shalt  }
0x79: {  	_ =	shalt  }
0x7a: {  	_ =	shalt  }
0x7b: {  	_ =	shalt  }
0x7c: {  	_ =	shalt  }
0x7d: {  	_ =	shalt  }
0x7e: {  	_ =	shalt  }
0x7f: {  	_ =	shalt  }
0x80: {  	_ =	shalt  }
0x81: {  	_ =	shalt  }
0x82: {  	_ =	shalt  }
0x83: {  	_ =	shalt  }
0x84: {  	_ =	shalt  }
0x85: {  	_ =	shalt  }
0x86: {  	_ =	shalt  }
0x87: {  	_ =	shalt  }
.Lfunc_end0:
.L_simem_size_0:
called_computation.1_lowered:
.L_overlay_start_0:
0x88: {  	s2 =	sld [smem:$0x3FD9]  }
0x89: {  	s3 =	sld [smem:$0x3FFE];
	_ =	sdelay $0x1  }
0x8a: {  	s1 =	srdreg.scid  }
0x8b: {  	s0 =	sand.u32 $0x1, s1  }
0x8c: {  	s17 =	sshll.u32 s0, $0xA;
	s2 =	sadd.s32 s3, s2  }
0x8d: {  	s2 =	sadd.s32 s2, s17  }
0x8e: {  	[smem:$0x3FB4] =	sst s2  }
0x8f: {  	_ = 	snop  }
0x90: {  	s2 =	sld [smem:$0x3FD0];
	(tm) =	ssettm $0x1  }
0x91: {  	s18 =	sld [smem:$0x3FFB];
	_ =	sdelay $0x3  }
0x92: {  	_ =	strace s18  }
0x93: {  	s3 =	sld [smem:$0x3FFC];
	_ =	sdelay $0x3  }
0x94: {  	_ =	strace s3  }
0x95: {  	s3 =	sld [smem:$0x3FFD];
	_ =	sdelay $0x3  }
0x96: {  	_ =	strace s3  }
0x97: {  	_ =	strace $0x8FFFFFFF  }
0x98: {  	s19 =	sld [smem:$0x3FDB];
	_ =	sdelay $0x1  }
0x99: {  	s4 =	simm.s32 $_scs_section_size  }
0x9a: {  	s5 =	simm.s32 $_size__tile_overlayer_lowered;
	s6 =	simm.s32 $_tile_overlayer_lowered  }
0x9b: {  	s22 =	simm.s32 $0x1BFF;
	s21 =	sshll.u32 s6, $0x1;
	s3 =	sadd.s32 s4, s19  }
0x9c: {  	s7 =	simm.s32 $0x0;
	s20 =	sshll.u32 s5, $0x1;
	s5 =	sadd.s32 s21, s3  }
0x9d: {  	[timem:s7], [sflag:s22] =	dma.local [hbm:s5], s20  }
0x9e: {  	_ =	swait.ge [sflag:s22], s20  }
0x9f: {  	s4 =	ssub.s32 $0x0, s20;
	[sflag:s22] =	ssyncset.done $0x0  }
0xa0: {  	[sflag:s22] =	ssyncadd.s32 s4;
	_ =	sdelay $0x1  }
0xa1: {  	s23 =	simm.s32 $0x1B8B  }
0xa2: {  	_ =	swait.ge [sflag:s23], $0x1  }
0xa3: {  	[sflag:s23] =	ssyncset.done $0x0  }
0xa4: {  	s25 =	simm.s32 $0x1B8E;
	s24 =	sld [smem:$0x3FFE];
	[sflag:s23] =	ssyncadd.s32 $0xFFFFFFFF  }
0xa5: {  	s26 =	simm.s32 $execute0_lowered;
	[smem:$0x3FD2] =	sst s25  }
0xa6: {  	s5 =	sshll.u32 s26, $0x1;
	_ =	strace $0x80000049;
	[dreg:$0x1] =	wrdreg $0xFFFFFFFF  }
0xa7: {  	s28 =	simm.s32 $_size_execute0_lowered;
	s3 =	sadd.s32 s3, s5;
	[dreg:$0x0] =	wrdreg $0x0  }
0xa8: {  	s5 =	sshll.u32 s28, $0x1;
	[dreg:$0x2] =	wrdreg s3  }
0xa9: {  	[dreg:$0x3] =	wrdreg s5  }
0xaa: {  	[dreg:$0x4] =	wrdreg $0xC0  }
0xab: {  	_ =	task [dreg:s7], $0x5FFFF  }
0xac: {  	[dreg:$0x1] =	wrdreg $0xFFFFFFFF  }
0xad: {  	[dreg:$0x0] =	wrdreg $0x60  }
0xae: {  	[dreg:$0x2] =	wrdreg s24  }
0xaf: {  	[dreg:$0x3] =	wrdreg s2  }
0xb0: {  	[dreg:$0x4] =	wrdreg $0x98000  }
0xb1: {  	[dreg:$0x5] =	wrdreg $0x9  }
0xb2: {  	_ =	task.clear_ibuf [dreg:s7], $0x6FFFF;
	_ =	strace $0x90000049  }
0xb3: {  	s29 =	simm.s32 $0x9;
	_ =	strace $0x8000004B  }
0xb4: {  	_ =	swait.ge [sflag:s29], $0x1  }
0xb5: {  	[sflag:s29] =	ssyncadd.s32 $0xFFFFFFFF  }
0xb6: {  	_ =	strace $0x9000004B  }
0xb7: {  	_ =	sfence  }
0xb8: {  	s30 =	sld [smem:$0x0];
	_ =	sdelay $0x2  }
0xb9: {  	s31 =	sshll.u32 s1, $0xD;
	s1 =	sshrl.u32 s1, $0x2  }
0xba: {  	s3 =	sand.u32 $0x4000, s31;
	s1 =	sadd.s32 s1, s30  }
0xbb: {  	s0 =	sor.u32 s3, s0;
	s1 =	sshll.u32 s1, $0x11  }
0xbc: {  	s0 =	sor.u32 s1, s0  }
0xbd: {  	s0 =	sadd.s32 $0x8F2B, s0  }
0xbe: {  	[sflag:s0] =	ssyncadd.remote.s32 $0x1  }
0xbf: {  	_ =	sfence.sel $0xFFFF  }
0xc0: {  	[dreg:$0x0] =	wrdreg $0xFFFFFFFF;
	(pc) =	sbr.abs _section_cstart, $3  }
0xc1: {  	[dreg:$0x1] =	wrdreg $0xFFFFFFFF  }
0xc2: {  	_ =	task.clear_ibuf [dreg:s7], $0x2FFFF;
	_ =	strace $0x9FFFFFFF  }
0xc3: {  	(tm) =	ssettm $0x7FFFFFFF  }
tec
execute0_lowered:
.L_overlay_start_1:
0x0: {  	(tag) =	ssettag $0x1  }
0x1: {  	s6 =	rddreg [dreg:$0x0]  }
0x2: {  	s1 =	rddreg [dreg:$0x1]  }
0x3: {  	s2 =	rddreg [dreg:$0x2]  }
0x4: {  	s3 =	srdreg.scid;
	s0 =	rddreg [dreg:$0x3];
	s4 =	simm.s32 $0x0  }
0x5: {  	s14 =	simm.s32 $0x80;
	s15 =	simm.s32 $0x5800;
	s7 =	sand.u32 $0x1, s3  }
0x6: {  	s16 =	simm.s32 $0x1;
	s3 =	stileid.u32;
	s8 =	smul.u32 $0x140000, s7  }
0x7: {  	s17 =	simm.s32 $0x0;
	[smem:$0x7FF] =	sst s4;
	s9 =	smul.u32 $0x14000, s3  }
0x8: {  	s5 =	sshll.u32 s7, $0x4;
	_ =	strace $0x8000004A;
	s28 =	smul.u32 $0x50000, s3  }
0x9: {  	s7 =	ssub.s32 $0x2, s7;
	s31 =	sshll.u32 s3, $0x6;
	s5 =	sor.u32 s3, s5  }
0xa: {  	s29 =	sshrl.u32 s7, $0x1;
	s10 =	smul.u32 $0x580, s5;
	s5 =	sadd.s32 $0x27C00, s6  }
0xb: {  	s8 =	sadd.s32 s9, s8;
	s30 =	sshrl.u32 s28, $0x2;
	s12 =	ssub.s32 s7, s29  }
0xc: {  	s8 =	sshrl.u32 s8, $0x3;
	s13 =	sadd.s32 s30, s2;
	s10 =	sadd.s32 s10, s6  }
0xd: {  	s11 =	sadd.s32 s8, s6;
	s6 =	sor.u32 $0x1C02, s31;
	s7 =	sadd.s32 $0x1CC00, s10  }
0xe: {  	s8 =	sadd.s32 $0x7600, s10;
	s9 =	sadd.s32 $0x4FC00, s11;
	s10 =	smax.u32 s12, $0x1  }
0xf: {  	s11 =	sshrl.u32 s13, $0x3;
	s12 =	simm.s32 $0x2;
	s13 =	simm.s32 $0x2C00  }
.LBB2_1:
0x10: {  	[spmem:s11], [sflag:s6] =	dma.local [hbm:s1], $0x2800  }
0x11: {  	_ =	swait.ge [sflag:s12], $0x2800  }
0x12: {  	[sflag:s12] =	ssyncset.done $0x0  }
0x13: {  	[sflag:s12] =	ssyncadd.s32 $0xFFFFD800  }
0x14: {  	[tilespmem:s4], [sflag:$0x2] =	stream.linear.gather [hbm4b:s7+s4], $0x2880, $0x38;
	[tilespmem:$0x1D800] =	vst v63  }
0x15: {  	_ =	swait.ge [sflag:s12], $0x2880  }
0x16: {  	[sflag:s12] =	ssyncset.done $0x0  }
0x17: {  	[sflag:s12] =	ssyncadd.s32 $0xFFFFD780  }
0x18: {  	[tilespmem:s13], [sflag:$0x2] =	stream.linear.gather [hbm4b:s8+s4], $0x2880, $0x38;
	[tilespmem:$0x1D800] =	vst v63  }
0x19: {  	_ =	swait.ge [sflag:s12], $0x2880  }
0x1a: {  	[sflag:s12] =	ssyncset.done $0x0  }
0x1b: {  	[sflag:s12] =	ssyncadd.s32 $0xFFFFD780  }
0x1c: {  	s18 =	simm.s32 $0x0;
	[bflag:$0x0] =	sbarrier.arrive $0xFFFF  }
0x1d: {  	[tilespmem:s15], [sflag:$0x1] =	stream.indirect.gather [hbm4b:s5+s14], $0x80, s18, s14, $0xb8;
	[tilespmem:$0x1D800] =	vst v63  }
0x1e: {  	_ =	swait.ge [sflag:s16], $0x4000  }
0x1f: {  	[sflag:s16] =	ssyncset.done $0x0  }
0x20: {  	s31 =	simm.s32 $0x2C00;
	[sflag:s16] =	ssyncadd.s32 $0xFFFFC000  }
0x21: {  	[spmem:s2] =	stream.indirect.scatter.add.f32 [tilespmem:s15], [sflag:$0x2], $0x80, s31, s14, $0xb8;
	[tilespmem:$0x1D800] =	vst v63  }
0x22: {  	_ =	swait.ge [sflag:s12], $0x4000  }
0x23: {  	s19 =	simm.s32 $0x400;
	s18 =	simm.s32 $0x200;
	[sflag:s12] =	ssyncset.done $0x0  }
.LBB2_2:
0x24: {  	s20 =	sshra.s32 s18, $0x2  }
0x25: {  	[sflag:s12] =	ssyncadd.s32 $0xFFFFC000;
	s18 =	smov.u32 s19;
	s21 =	sadd.s32 $0x200, s19  }
0x26: {  	[tilespmem:s15], [sflag:$0x1] =	stream.indirect.gather [hbm4b:s5+s14], $0x80, s20, s14, $0xb8;
	[tilespmem:$0x1D800] =	vst v63  }
0x27: {  	p0 =	sne.s32 s19, $0xA000;
	_ =	swait.ge [sflag:s16], $0x4000  }
.Ltmp0:
0x28: {  	[sflag:s16] =	ssyncset.done $0x0;
	(pc) =	sbr.rel @p0 .LBB2_2-.Ltmp0, $4  }
0x29: {  	s19 =	sadd.s32 $0x2C00, s20;
	[sflag:s16] =	ssyncadd.s32 $0xFFFFC000  }
0x2a: {  	[spmem:s2] =	stream.indirect.scatter.add.f32 [tilespmem:s15], [sflag:$0x2], $0x80, s19, s14, $0xb8;
	[tilespmem:$0x1D800] =	vst v63  }
0x2b: {  	_ =	swait.ge [sflag:s12], $0x4000  }
0x2c: {  	s19 =	smov.u32 s21;
	[sflag:s12] =	ssyncset.done $0x0  }
0x2d: {  	s18 =	sshra.s32 s18, $0x2;
	[sflag:s12] =	ssyncadd.s32 $0xFFFFC000  }
0x2e: {  	[tilespmem:s15], [sflag:$0x1] =	stream.indirect.gather [hbm4b:s5+s14], $0x80, s18, s14, $0xb8;
	[tilespmem:$0x1D800] =	vst v63  }
0x2f: {  	_ =	swait.ge [sflag:s16], $0x4000  }
0x30: {  	[sflag:s16] =	ssyncset.done $0x0  }
0x31: {  	s18 =	sadd.s32 $0x2C00, s18;
	[sflag:s16] =	ssyncadd.s32 $0xFFFFC000  }
0x32: {  	[spmem:s2] =	stream.indirect.scatter.add.f32 [tilespmem:s15], [sflag:$0x2], $0x80, s18, s14, $0xb8;
	[tilespmem:$0x1D800] =	vst v63  }
0x33: {  	_ =	swait.ge [sflag:s12], $0x4000  }
0x34: {  	s17 =	sadd.s32 $0x1, s17;
	[sflag:s12] =	ssyncset.done $0x0  }
0x35: {  	p0 =	sne.s32 s17, s10;
	[sflag:s12] =	ssyncadd.s32 $0xFFFFC000  }
.Ltmp1:
0x36: {  	[bflag:$0x0] =	sbarrier.arrive $0xFFFF;
	(pc) =	sbr.rel @p0 .LBB2_1-.Ltmp1, $4  }
0x37: {  	[hbm:s9], [sflag:s6] =	dma.local [spmem:s11], $0x2800  }
0x38: {  	_ =	swait.ge [sflag:s12], $0x2800  }
0x39: {  	[sflag:s12] =	ssyncset.done $0x0  }
0x3a: {  	[sflag:s12] =	ssyncadd.s32 $0xFFFFD800  }
0x3b: {  	_ =	sfence.sel $0x180000  }
0x3c: {  	[bflag:$0x0] =	sbarrier.arrive $0xFFFF  }
0x3d: {  	p0 =	sne.s32 s3, $0x0;
	_ =	strace $0x9000004A  }
0x3e: {  	s0 =	sadd.s32 @!p0 $0x100000, s0;
	[bflag:$0x2] =	sbarrier.arrive $0xFFFF  }
0x3f: {  	[sflag:s0] =	ssyncadd.tile.s32 @!p0 $0x1;
	_ =	shalt  }
.Lfunc_end2:
_tile_overlayer_lowered:
.L_overlay_start_2:
0x40: {  	(tag) =	ssettag $0x2  }
0x41: {  	s0 =	rddreg [dreg:$0x0];
	s2 =	stileid.u32  }
0x42: {  	s1 =	rddreg [dreg:$0x1];
	p0 =	sne.s32 s2, $0x0  }
0x43: {  	s3 =	rddreg [dreg:$0x2];
	[bflag:$0x3] =	sbarrier.arrive $0xFFFF;
	s2 =	simm.s32 @!p0 $0x1C02  }
0x44: {  	[timem:s3], [sflag:s2] =	dma.local @!p0 [hbm:s0], s1  }
0x45: {  	s0 =	simm.s32 @!p0 $0x2  }
0x46: {  	_ =	swait.ge @!p0 [sflag:s0], s1  }
0x47: {  	s1 =	ssub.s32 @!p0 $0x0, s1;
	[sflag:s0] =	ssyncset.done @!p0 $0x0  }
0x48: {  	[sflag:s0] =	ssyncadd.s32 @!p0 s1  }
0x49: {  	[bflag:$0x3] =	sbarrier.arrive $0xFFFF  }
0x4a: {  	_ =	shalt  }

// kernel: kernel.27.cloned.1.call-start
scs
__scs_entry_jumppad:
0x0: {  	(pc) =	sbr.rel $0x88, $3  }
0x1: {  	(tag) =	ssettag $0x0;
	lr =	simm.s32 $0x1  }
0x2: {  	[smem:$0x3F8D] =	sst lr;
	_ =	strace $0xD0000000  }
0x3: {  	_ = 	snop  }
0x4: {  	_ = 	snop  }
0x5: {  	_ = 	snop  }
0x6: {  	_ = 	snop  }
0x7: {  	_ = 	snop  }
__scs_overlays_trampoline_lowered:
0x8: {  	[smem:$0x3F9C] =	sst s0  }
0x9: {  	[smem:$0x3F9D] =	sst s1  }
0xa: {  	[smem:$0x3F9E] =	sst s2  }
0xb: {  	[smem:$0x3F9F] =	sst s3  }
0xc: {  	[smem:$0x3FA0] =	sst s4  }
0xd: {  	[smem:$0x3FA1] =	sst s5  }
0xe: {  	[smem:$0x3FA2] =	sst s6  }
0xf: {  	[smem:$0x3FA3] =	sst s7  }
0x10: {  	[smem:$0x3FA4] =	sst s8  }
0x11: {  	[smem:$0x3FA5] =	sst s9;
	s0 =	simm.s32 @!p0 $0x0  }
0x12: {  	s1 =	sld [smem:$0x3F8B];
	s0 =	simm.s32 @p0 $0x1  }
0x13: {  	[smem:$0x3FA6] =	sst s0;
	s0 =	simm.s32 @!p1 $0x0  }
0x14: {  	s2 =	sld [smem:$0x3F8A];
	s0 =	simm.s32 @p1 $0x1  }
0x15: {  	[smem:$0x3FA7] =	sst s0;
	s0 =	simm.s32 @!p2 $0x0  }
0x16: {  	s3 =	sld [smem:$0x3FDB];
	s0 =	simm.s32 @p2 $0x1  }
0x17: {  	s4 =	simm.s32 $0x1BF5;
	[smem:$0x3FA9] =	sst s0  }
0x18: {  	s0 =	sld [smem:$0x3F8C];
	_ =	swait.ge [sflag:s4], $0x0  }
0x19: {  	s7 =	sld [smem:$0x3F8D]  }
0x1a: {  	s8 =	sadd.s32 $0xFFFFE003, lr  }
0x1b: {  	s9 =	sadd.s32 $0xFFFFFEF7, lr;
	s5 =	simm.s32 $0xFFFFFFFF;
	p2 =	slt.u32 s8, $0xFFFFF086  }
0x1c: {  	p1 =	slt.u32 s9, $0xF7A;
	s5 =	simm.s32 @!p2 $0x0  }
0x1d: {  	s5 =	simm.s32 @p1 $0x1;
	p0 =	seq.s32 s7, s2  }
0x1e: {  	s7 =	smul.u32 @!p0 $0xF7A, s2;
	p2 =	seq.s32 @!p0 s5, $0x0  }
0x1f: {  	s9 =	smul.u32 $0xF7A, s1;
	s8 =	simm.s32 @!p0 $0x1BF5;
	p2 =	por !p2, p0  }
0x20: {  	[sflag:s8] =	ssyncset.s32 @!p0 $0xFFFFF086;
	s6 =	sadd.s32 @!p0 s3, s7;
	s7 =	simm.s32 @!p0 $0x108  }
0x21: {  	s3 =	sadd.s32 s3, s9;
	s6 =	sadd.s32 @!p0 $0x88, s6;
	s7 =	simm.s32 @p2 $0x1082  }
0x22: {  	[simem:s7], [sflag:s8] =	dma.local @!p0 [hbm:s6], $0xF7A  }
0x23: {  	s9 =	sor.u32 $0xD0000000, s2;
	s6 =	simm.s32 $0x108;
	_ =	swait.ge @!p0 [sflag:s8], $0x0  }
0x24: {  	s3 =	sadd.s32 $0x88, s3;
	s6 =	simm.s32 @!p1 $0x1082;
	[sflag:s4] =	ssyncset.s32 $0xFFFFF086  }
0x25: {  	[simem:s6], [sflag:s4] =	dma.local [hbm:s3], $0xF7A  }
0x26: {  	[smem:$0x3F8D] =	sst s1;
	(tag) =	ssettag s2;
	_ =	strace s9  }
0x27: {  	s1 =	sld [smem:$0x3F9D]  }
0x28: {  	s2 =	sld [smem:$0x3F9E]  }
0x29: {  	s4 =	sld [smem:$0x3FA0]  }
0x2a: {  	p0 =	seq.s32 s5, $0x0;
	s5 =	sld [smem:$0x3FA1]  }
0x2b: {  	s6 =	sld [smem:$0x3FA2]  }
0x2c: {  	s7 =	sld [smem:$0x3FA3]  }
0x2d: {  	s3 =	simm.s32 $0x108;
	s8 =	sld [smem:$0x3FA4]  }
0x2e: {  	s3 =	simm.s32 @!p0 $0x1082;
	s9 =	sld [smem:$0x3FA5]  }
0x2f: {  	lr =	sadd.s32 s0, s3;
	s0 =	sld [smem:$0x3F9C]  }
0x30: {  	s3 =	sld [smem:$0x3F9F]  }
0x31: {  	[smem:$0x3FA8] =	sst s10  }
0x32: {  	s10 =	sld [smem:$0x3FA6];
	_ =	sdelay $0x3  }
0x33: {  	p0 =	seq.s32 s10, $0x1;
	s10 =	sld [smem:$0x3FA8];
	_ =	sdelay $0x3  }
0x34: {  	[smem:$0x3FA8] =	sst s10  }
0x35: {  	s10 =	sld [smem:$0x3FA7];
	_ =	sdelay $0x3  }
0x36: {  	p1 =	seq.s32 s10, $0x1;
	s10 =	sld [smem:$0x3FA8];
	_ =	sdelay $0x3  }
0x37: {  	[smem:$0x3FA8] =	sst s10  }
0x38: {  	s10 =	sld [smem:$0x3FA9]  }
0x39: {  	_ = 	snop;
	(pc) =	sbr.ind lr, $3  }
0x3a: {  	_ = 	snop  }
0x3b: {  	_ = 	snop  }
0x3c: {  	p2 =	seq.s32 s10, $0x1;
	s10 =	sld [smem:$0x3FA8]  }
0x3d: {  	_ =	shalt  }
0x3e: {  	_ =	shalt  }
0x3f: {  	_ =	shalt  }
0x40: {  	_ =	shalt  }
0x41: {  	_ =	shalt  }
0x42: {  	_ =	shalt  }
0x43: {  	_ =	shalt  }
0x44: {  	_ =	shalt  }
0x45: {  	_ =	shalt  }
0x46: {  	_ =	shalt  }
0x47: {  	_ =	shalt  }
0x48: {  	_ =	shalt  }
0x49: {  	_ =	shalt  }
0x4a: {  	_ =	shalt  }
0x4b: {  	_ =	shalt  }
0x4c: {  	_ =	shalt  }
0x4d: {  	_ =	shalt  }
0x4e: {  	_ =	shalt  }
0x4f: {  	_ =	shalt  }
0x50: {  	_ =	shalt  }
0x51: {  	_ =	shalt  }
0x52: {  	_ =	shalt  }
0x53: {  	_ =	shalt  }
0x54: {  	_ =	shalt  }
0x55: {  	_ =	shalt  }
0x56: {  	_ =	shalt  }
0x57: {  	_ =	shalt  }
0x58: {  	_ =	shalt  }
0x59: {  	_ =	shalt  }
0x5a: {  	_ =	shalt  }
0x5b: {  	_ =	shalt  }
0x5c: {  	_ =	shalt  }
0x5d: {  	_ =	shalt  }
0x5e: {  	_ =	shalt  }
0x5f: {  	_ =	shalt  }
0x60: {  	_ =	shalt  }
0x61: {  	_ =	shalt  }
0x62: {  	_ =	shalt  }
0x63: {  	_ =	shalt  }
0x64: {  	_ =	shalt  }
0x65: {  	_ =	shalt  }
0x66: {  	_ =	shalt  }
0x67: {  	_ =	shalt  }
0x68: {  	_ =	shalt  }
0x69: {  	_ =	shalt  }
0x6a: {  	_ =	shalt  }
0x6b: {  	_ =	shalt  }
0x6c: {  	_ =	shalt  }
0x6d: {  	_ =	shalt  }
0x6e: {  	_ =	shalt  }
0x6f: {  	_ =	shalt  }
0x70: {  	_ =	shalt  }
0x71: {  	_ =	shalt  }
0x72: {  	_ =	shalt  }
0x73: {  	_ =	shalt  }
0x74: {  	_ =	shalt  }
0x75: {  	_ =	shalt  }
0x76: {  	_ =	shalt  }
0x77: {  	_ =	shalt  }
0x78: {  	_ =	shalt  }
0x79: {  	_ =	shalt  }
0x7a: {  	_ =	shalt  }
0x7b: {  	_ =	shalt  }
0x7c: {  	_ =	shalt  }
0x7d: {  	_ =	shalt  }
0x7e: {  	_ =	shalt  }
0x7f: {  	_ =	shalt  }
0x80: {  	_ =	shalt  }
0x81: {  	_ =	shalt  }
0x82: {  	_ =	shalt  }
0x83: {  	_ =	shalt  }
0x84: {  	_ =	shalt  }
0x85: {  	_ =	shalt  }
0x86: {  	_ =	shalt  }
0x87: {  	_ =	shalt  }
.Lfunc_end0:
.L_simem_size_0:
called_computation.2_lowered:
.L_overlay_start_0:
0x88: {  	s2 =	sld [smem:$0x3FD9]  }
0x89: {  	s3 =	sld [smem:$0x3FFE];
	_ =	sdelay $0x1  }
0x8a: {  	s1 =	srdreg.scid  }
0x8b: {  	s0 =	sand.u32 $0x1, s1  }
0x8c: {  	s17 =	sshll.u32 s0, $0xA;
	s2 =	sadd.s32 s3, s2  }
0x8d: {  	s2 =	sadd.s32 s2, s17  }
0x8e: {  	[smem:$0x3FB4] =	sst s2  }
0x8f: {  	_ = 	snop  }
0x90: {  	s2 =	sld [smem:$0x3FD0];
	(tm) =	ssettm $0x1  }
0x91: {  	s18 =	sld [smem:$0x3FFB];
	_ =	sdelay $0x3  }
0x92: {  	_ =	strace s18  }
0x93: {  	s3 =	sld [smem:$0x3FFC];
	_ =	sdelay $0x3  }
0x94: {  	_ =	strace s3  }
0x95: {  	s3 =	sld [smem:$0x3FFD];
	_ =	sdelay $0x3  }
0x96: {  	_ =	strace s3  }
0x97: {  	_ =	strace $0x8FFFFFFF  }
0x98: {  	s19 =	sld [smem:$0x3FDB];
	_ =	sdelay $0x1  }
0x99: {  	s4 =	simm.s32 $_scs_section_size  }
0x9a: {  	s5 =	simm.s32 $_size__tile_overlayer_lowered;
	s6 =	simm.s32 $_tile_overlayer_lowered  }
0x9b: {  	s22 =	simm.s32 $0x1BFF;
	s21 =	sshll.u32 s6, $0x1;
	s3 =	sadd.s32 s4, s19  }
0x9c: {  	s7 =	simm.s32 $0x0;
	s20 =	sshll.u32 s5, $0x1;
	s5 =	sadd.s32 s21, s3  }
0x9d: {  	[timem:s7], [sflag:s22] =	dma.local [hbm:s5], s20  }
0x9e: {  	_ =	swait.ge [sflag:s22], s20  }
0x9f: {  	s4 =	ssub.s32 $0x0, s20;
	[sflag:s22] =	ssyncset.done $0x0  }
0xa0: {  	[sflag:s22] =	ssyncadd.s32 s4;
	_ =	sdelay $0x1  }
0xa1: {  	s23 =	simm.s32 $0x1B8B  }
0xa2: {  	_ =	swait.ge [sflag:s23], $0x1  }
0xa3: {  	[sflag:s23] =	ssyncset.done $0x0  }
0xa4: {  	s25 =	simm.s32 $0x1B8E;
	s24 =	sld [smem:$0x3FFE];
	[sflag:s23] =	ssyncadd.s32 $0xFFFFFFFF  }
0xa5: {  	s26 =	simm.s32 $execute0_lowered;
	[smem:$0x3FD2] =	sst s25  }
0xa6: {  	s5 =	sshll.u32 s26, $0x1;
	_ =	strace $0x8000004C;
	[dreg:$0x1] =	wrdreg $0xFFFFFFFF  }
0xa7: {  	s28 =	simm.s32 $_size_execute0_lowered;
	s3 =	sadd.s32 s3, s5;
	[dreg:$0x0] =	wrdreg $0x0  }
0xa8: {  	s5 =	sshll.u32 s28, $0x1;
	[dreg:$0x2] =	wrdreg s3  }
0xa9: {  	[dreg:$0x3] =	wrdreg s5  }
0xaa: {  	[dreg:$0x4] =	wrdreg $0xC0  }
0xab: {  	_ =	task [dreg:s7], $0x5FFFF  }
0xac: {  	[dreg:$0x1] =	wrdreg $0xFFFFFFFF  }
0xad: {  	[dreg:$0x0] =	wrdreg $0x60  }
0xae: {  	[dreg:$0x2] =	wrdreg s24  }
0xaf: {  	[dreg:$0x3] =	wrdreg s2  }
0xb0: {  	[dreg:$0x4] =	wrdreg $0x98000  }
0xb1: {  	[dreg:$0x5] =	wrdreg $0x9  }
0xb2: {  	_ =	task.clear_ibuf [dreg:s7], $0x6FFFF;
	_ =	strace $0x9000004C  }
0xb3: {  	s29 =	simm.s32 $0x9;
	_ =	strace $0x8000004E  }
0xb4: {  	_ =	swait.ge [sflag:s29], $0x1  }
0xb5: {  	[sflag:s29] =	ssyncadd.s32 $0xFFFFFFFF  }
0xb6: {  	_ =	strace $0x9000004E  }
0xb7: {  	_ =	sfence  }
0xb8: {  	s30 =	sld [smem:$0x0];
	_ =	sdelay $0x2  }
0xb9: {  	s31 =	sshll.u32 s1, $0xD;
	s1 =	sshrl.u32 s1, $0x2  }
0xba: {  	s3 =	sand.u32 $0x4000, s31;
	s1 =	sadd.s32 s1, s30  }
0xbb: {  	s0 =	sor.u32 s3, s0;
	s1 =	sshll.u32 s1, $0x11  }
0xbc: {  	s0 =	sor.u32 s1, s0  }
0xbd: {  	s0 =	sadd.s32 $0x8F2B, s0  }
0xbe: {  	[sflag:s0] =	ssyncadd.remote.s32 $0x1  }
0xbf: {  	_ =	sfence.sel $0xFFFF  }
0xc0: {  	[dreg:$0x0] =	wrdreg $0xFFFFFFFF;
	(pc) =	sbr.abs _section_cstart, $3  }
0xc1: {  	[dreg:$0x1] =	wrdreg $0xFFFFFFFF  }
0xc2: {  	_ =	task.clear_ibuf [dreg:s7], $0x2FFFF;
	_ =	strace $0x9FFFFFFF  }
0xc3: {  	(tm) =	ssettm $0x7FFFFFFF  }
tec
execute0_lowered:
.L_overlay_start_1:
0x0: {  	(tag) =	ssettag $0x1  }
0x1: {  	s6 =	rddreg [dreg:$0x0]  }
0x2: {  	s1 =	rddreg [dreg:$0x1]  }
0x3: {  	s2 =	rddreg [dreg:$0x2]  }
0x4: {  	s3 =	srdreg.scid;
	s0 =	rddreg [dreg:$0x3];
	s4 =	simm.s32 $0x0  }
0x5: {  	s14 =	simm.s32 $0x80;
	s15 =	simm.s32 $0x5800;
	s7 =	sand.u32 $0x1, s3  }
0x6: {  	s16 =	simm.s32 $0x1;
	s3 =	stileid.u32;
	s8 =	smul.u32 $0x140000, s7  }
0x7: {  	s17 =	simm.s32 $0x0;
	[smem:$0x7FF] =	sst s4;
	s9 =	smul.u32 $0x14000, s3  }
0x8: {  	s5 =	sshll.u32 s7, $0x4;
	_ =	strace $0x8000004D;
	s28 =	smul.u32 $0x50000, s3  }
0x9: {  	s7 =	ssub.s32 $0x2, s7;
	s31 =	sshll.u32 s3, $0x6;
	s5 =	sor.u32 s3, s5  }
0xa: {  	s29 =	sshrl.u32 s7, $0x1;
	s10 =	smul.u32 $0x580, s5;
	s5 =	sadd.s32 $0x27C00, s6  }
0xb: {  	s8 =	sadd.s32 s9, s8;
	s30 =	sshrl.u32 s28, $0x2;
	s12 =	ssub.s32 s7, s29  }
0xc: {  	s8 =	sshrl.u32 s8, $0x3;
	s13 =	sadd.s32 s30, s2;
	s10 =	sadd.s32 s10, s6  }
0xd: {  	s11 =	sadd.s32 s8, s6;
	s6 =	sor.u32 $0x1C02, s31;
	s7 =	sadd.s32 $0x1CC00, s10  }
0xe: {  	s8 =	sadd.s32 $0x7600, s10;
	s9 =	sadd.s32 $0x4FC00, s11;
	s10 =	smax.u32 s12, $0x1  }
0xf: {  	s11 =	sshrl.u32 s13, $0x3;
	s12 =	simm.s32 $0x2;
	s13 =	simm.s32 $0x2C00  }
.LBB2_1:
0x10: {  	[spmem:s11], [sflag:s6] =	dma.local [hbm:s1], $0x2800  }
0x11: {  	_ =	swait.ge [sflag:s12], $0x2800  }
0x12: {  	[sflag:s12] =	ssyncset.done $0x0  }
0x13: {  	[sflag:s12] =	ssyncadd.s32 $0xFFFFD800  }
0x14: {  	[tilespmem:s4], [sflag:$0x2] =	stream.linear.gather [hbm4b:s7+s4], $0x2880, $0x38;
	[tilespmem:$0x1D800] =	vst v63  }
0x15: {  	_ =	swait.ge [sflag:s12], $0x2880  }
0x16: {  	[sflag:s12] =	ssyncset.done $0x0  }
0x17: {  	[sflag:s12] =	ssyncadd.s32 $0xFFFFD780  }
0x18: {  	[tilespmem:s13], [sflag:$0x2] =	stream.linear.gather [hbm4b:s8+s4], $0x2880, $0x38;
	[tilespmem:$0x1D800] =	vst v63  }
0x19: {  	_ =	swait.ge [sflag:s12], $0x2880  }
0x1a: {  	[sflag:s12] =	ssyncset.done $0x0  }
0x1b: {  	[sflag:s12] =	ssyncadd.s32 $0xFFFFD780  }
0x1c: {  	s18 =	simm.s32 $0x0;
	[bflag:$0x0] =	sbarrier.arrive $0xFFFF  }
0x1d: {  	[tilespmem:s15], [sflag:$0x1] =	stream.indirect.gather [hbm4b:s5+s14], $0x80, s18, s14, $0xb8;
	[tilespmem:$0x1D800] =	vst v63  }
0x1e: {  	_ =	swait.ge [sflag:s16], $0x4000  }
0x1f: {  	[sflag:s16] =	ssyncset.done $0x0  }
0x20: {  	s31 =	simm.s32 $0x2C00;
	[sflag:s16] =	ssyncadd.s32 $0xFFFFC000  }
0x21: {  	[spmem:s2] =	stream.indirect.scatter.add.f32 [tilespmem:s15], [sflag:$0x2], $0x80, s31, s14, $0xb8;
	[tilespmem:$0x1D800] =	vst v63  }
0x22: {  	_ =	swait.ge [sflag:s12], $0x4000  }
0x23: {  	s19 =	simm.s32 $0x400;
	s18 =	simm.s32 $0x200;
	[sflag:s12] =	ssyncset.done $0x0  }
.LBB2_2:
0x24: {  	s20 =	sshra.s32 s18, $0x2  }
0x25: {  	[sflag:s12] =	ssyncadd.s32 $0xFFFFC000;
	s18 =	smov.u32 s19;
	s21 =	sadd.s32 $0x200, s19  }
0x26: {  	[tilespmem:s15], [sflag:$0x1] =	stream.indirect.gather [hbm4b:s5+s14], $0x80, s20, s14, $0xb8;
	[tilespmem:$0x1D800] =	vst v63  }
0x27: {  	p0 =	sne.s32 s19, $0xA000;
	_ =	swait.ge [sflag:s16], $0x4000  }
.Ltmp0:
0x28: {  	[sflag:s16] =	ssyncset.done $0x0;
	(pc) =	sbr.rel @p0 .LBB2_2-.Ltmp0, $4  }
0x29: {  	s19 =	sadd.s32 $0x2C00, s20;
	[sflag:s16] =	ssyncadd.s32 $0xFFFFC000  }
0x2a: {  	[spmem:s2] =	stream.indirect.scatter.add.f32 [tilespmem:s15], [sflag:$0x2], $0x80, s19, s14, $0xb8;
	[tilespmem:$0x1D800] =	vst v63  }
0x2b: {  	_ =	swait.ge [sflag:s12], $0x4000  }
0x2c: {  	s19 =	smov.u32 s21;
	[sflag:s12] =	ssyncset.done $0x0  }
0x2d: {  	s18 =	sshra.s32 s18, $0x2;
	[sflag:s12] =	ssyncadd.s32 $0xFFFFC000  }
0x2e: {  	[tilespmem:s15], [sflag:$0x1] =	stream.indirect.gather [hbm4b:s5+s14], $0x80, s18, s14, $0xb8;
	[tilespmem:$0x1D800] =	vst v63  }
0x2f: {  	_ =	swait.ge [sflag:s16], $0x4000  }
0x30: {  	[sflag:s16] =	ssyncset.done $0x0  }
0x31: {  	s18 =	sadd.s32 $0x2C00, s18;
	[sflag:s16] =	ssyncadd.s32 $0xFFFFC000  }
0x32: {  	[spmem:s2] =	stream.indirect.scatter.add.f32 [tilespmem:s15], [sflag:$0x2], $0x80, s18, s14, $0xb8;
	[tilespmem:$0x1D800] =	vst v63  }
0x33: {  	_ =	swait.ge [sflag:s12], $0x4000  }
0x34: {  	s17 =	sadd.s32 $0x1, s17;
	[sflag:s12] =	ssyncset.done $0x0  }
0x35: {  	p0 =	sne.s32 s17, s10;
	[sflag:s12] =	ssyncadd.s32 $0xFFFFC000  }
.Ltmp1:
0x36: {  	[bflag:$0x0] =	sbarrier.arrive $0xFFFF;
	(pc) =	sbr.rel @p0 .LBB2_1-.Ltmp1, $4  }
0x37: {  	[hbm:s9], [sflag:s6] =	dma.local [spmem:s11], $0x2800  }
0x38: {  	_ =	swait.ge [sflag:s12], $0x2800  }
0x39: {  	[sflag:s12] =	ssyncset.done $0x0  }
0x3a: {  	[sflag:s12] =	ssyncadd.s32 $0xFFFFD800  }
0x3b: {  	_ =	sfence.sel $0x180000  }
0x3c: {  	[bflag:$0x0] =	sbarrier.arrive $0xFFFF  }
0x3d: {  	p0 =	sne.s32 s3, $0x0;
	_ =	strace $0x9000004D  }
0x3e: {  	s0 =	sadd.s32 @!p0 $0x100000, s0;
	[bflag:$0x2] =	sbarrier.arrive $0xFFFF  }
0x3f: {  	[sflag:s0] =	ssyncadd.tile.s32 @!p0 $0x1;
	_ =	shalt  }
.Lfunc_end2:
_tile_overlayer_lowered:
.L_overlay_start_2:
0x40: {  	(tag) =	ssettag $0x2  }
0x41: {  	s0 =	rddreg [dreg:$0x0];
	s2 =	stileid.u32  }
0x42: {  	s1 =	rddreg [dreg:$0x1];
	p0 =	sne.s32 s2, $0x0  }
0x43: {  	s3 =	rddreg [dreg:$0x2];
	[bflag:$0x3] =	sbarrier.arrive $0xFFFF;
	s2 =	simm.s32 @!p0 $0x1C02  }
0x44: {  	[timem:s3], [sflag:s2] =	dma.local @!p0 [hbm:s0], s1  }
0x45: {  	s0 =	simm.s32 @!p0 $0x2  }
0x46: {  	_ =	swait.ge @!p0 [sflag:s0], s1  }
0x47: {  	s1 =	ssub.s32 @!p0 $0x0, s1;
	[sflag:s0] =	ssyncset.done @!p0 $0x0  }
0x48: {  	[sflag:s0] =	ssyncadd.s32 @!p0 s1  }
0x49: {  	[bflag:$0x3] =	sbarrier.arrive $0xFFFF  }
0x4a: {  	_ =	shalt  }

// kernel: kernel.30.cloned.1.call-start
scs
__scs_entry_jumppad:
0x0: {  	(pc) =	sbr.rel $0x88, $3  }
0x1: {  	(tag) =	ssettag $0x0;
	lr =	simm.s32 $0x1  }
0x2: {  	[smem:$0x3F8D] =	sst lr;
	_ =	strace $0xD0000000  }
0x3: {  	_ = 	snop  }
0x4: {  	_ = 	snop  }
0x5: {  	_ = 	snop  }
0x6: {  	_ = 	snop  }
0x7: {  	_ = 	snop  }
__scs_overlays_trampoline_lowered:
0x8: {  	[smem:$0x3F9C] =	sst s0  }
0x9: {  	[smem:$0x3F9D] =	sst s1  }
0xa: {  	[smem:$0x3F9E] =	sst s2  }
0xb: {  	[smem:$0x3F9F] =	sst s3  }
0xc: {  	[smem:$0x3FA0] =	sst s4  }
0xd: {  	[smem:$0x3FA1] =	sst s5  }
0xe: {  	[smem:$0x3FA2] =	sst s6  }
0xf: {  	[smem:$0x3FA3] =	sst s7  }
0x10: {  	[smem:$0x3FA4] =	sst s8  }
0x11: {  	[smem:$0x3FA5] =	sst s9;
	s0 =	simm.s32 @!p0 $0x0  }
0x12: {  	s1 =	sld [smem:$0x3F8B];
	s0 =	simm.s32 @p0 $0x1  }
0x13: {  	[smem:$0x3FA6] =	sst s0;
	s0 =	simm.s32 @!p1 $0x0  }
0x14: {  	s2 =	sld [smem:$0x3F8A];
	s0 =	simm.s32 @p1 $0x1  }
0x15: {  	[smem:$0x3FA7] =	sst s0;
	s0 =	simm.s32 @!p2 $0x0  }
0x16: {  	s3 =	sld [smem:$0x3FDB];
	s0 =	simm.s32 @p2 $0x1  }
0x17: {  	s4 =	simm.s32 $0x1BF5;
	[smem:$0x3FA9] =	sst s0  }
0x18: {  	s0 =	sld [smem:$0x3F8C];
	_ =	swait.ge [sflag:s4], $0x0  }
0x19: {  	s7 =	sld [smem:$0x3F8D]  }
0x1a: {  	s8 =	sadd.s32 $0xFFFFE003, lr  }
0x1b: {  	s9 =	sadd.s32 $0xFFFFFEF7, lr;
	s5 =	simm.s32 $0xFFFFFFFF;
	p2 =	slt.u32 s8, $0xFFFFF086  }
0x1c: {  	p1 =	slt.u32 s9, $0xF7A;
	s5 =	simm.s32 @!p2 $0x0  }
0x1d: {  	s5 =	simm.s32 @p1 $0x1;
	p0 =	seq.s32 s7, s2  }
0x1e: {  	s7 =	smul.u32 @!p0 $0xF7A, s2;
	p2 =	seq.s32 @!p0 s5, $0x0  }
0x1f: {  	s9 =	smul.u32 $0xF7A, s1;
	s8 =	simm.s32 @!p0 $0x1BF5;
	p2 =	por !p2, p0  }
0x20: {  	[sflag:s8] =	ssyncset.s32 @!p0 $0xFFFFF086;
	s6 =	sadd.s32 @!p0 s3, s7;
	s7 =	simm.s32 @!p0 $0x108  }
0x21: {  	s3 =	sadd.s32 s3, s9;
	s6 =	sadd.s32 @!p0 $0x88, s6;
	s7 =	simm.s32 @p2 $0x1082  }
0x22: {  	[simem:s7], [sflag:s8] =	dma.local @!p0 [hbm:s6], $0xF7A  }
0x23: {  	s9 =	sor.u32 $0xD0000000, s2;
	s6 =	simm.s32 $0x108;
	_ =	swait.ge @!p0 [sflag:s8], $0x0  }
0x24: {  	s3 =	sadd.s32 $0x88, s3;
	s6 =	simm.s32 @!p1 $0x1082;
	[sflag:s4] =	ssyncset.s32 $0xFFFFF086  }
0x25: {  	[simem:s6], [sflag:s4] =	dma.local [hbm:s3], $0xF7A  }
0x26: {  	[smem:$0x3F8D] =	sst s1;
	(tag) =	ssettag s2;
	_ =	strace s9  }
0x27: {  	s1 =	sld [smem:$0x3F9D]  }
0x28: {  	s2 =	sld [smem:$0x3F9E]  }
0x29: {  	s4 =	sld [smem:$0x3FA0]  }
0x2a: {  	p0 =	seq.s32 s5, $0x0;
	s5 =	sld [smem:$0x3FA1]  }
0x2b: {  	s6 =	sld [smem:$0x3FA2]  }
0x2c: {  	s7 =	sld [smem:$0x3FA3]  }
0x2d: {  	s3 =	simm.s32 $0x108;
	s8 =	sld [smem:$0x3FA4]  }
0x2e: {  	s3 =	simm.s32 @!p0 $0x1082;
	s9 =	sld [smem:$0x3FA5]  }
0x2f: {  	lr =	sadd.s32 s0, s3;
	s0 =	sld [smem:$0x3F9C]  }
0x30: {  	s3 =	sld [smem:$0x3F9F]  }
0x31: {  	[smem:$0x3FA8] =	sst s10  }
0x32: {  	s10 =	sld [smem:$0x3FA6];
	_ =	sdelay $0x3  }
0x33: {  	p0 =	seq.s32 s10, $0x1;
	s10 =	sld [smem:$0x3FA8];
	_ =	sdelay $0x3  }
0x34: {  	[smem:$0x3FA8] =	sst s10  }
0x35: {  	s10 =	sld [smem:$0x3FA7];
	_ =	sdelay $0x3  }
0x36: {  	p1 =	seq.s32 s10, $0x1;
	s10 =	sld [smem:$0x3FA8];
	_ =	sdelay $0x3  }
0x37: {  	[smem:$0x3FA8] =	sst s10  }
0x38: {  	s10 =	sld [smem:$0x3FA9]  }
0x39: {  	_ = 	snop;
	(pc) =	sbr.ind lr, $3  }
0x3a: {  	_ = 	snop  }
0x3b: {  	_ = 	snop  }
0x3c: {  	p2 =	seq.s32 s10, $0x1;
	s10 =	sld [smem:$0x3FA8]  }
0x3d: {  	_ =	shalt  }
0x3e: {  	_ =	shalt  }
0x3f: {  	_ =	shalt  }
0x40: {  	_ =	shalt  }
0x41: {  	_ =	shalt  }
0x42: {  	_ =	shalt  }
0x43: {  	_ =	shalt  }
0x44: {  	_ =	shalt  }
0x45: {  	_ =	shalt  }
0x46: {  	_ =	shalt  }
0x47: {  	_ =	shalt  }
0x48: {  	_ =	shalt  }
0x49: {  	_ =	shalt  }
0x4a: {  	_ =	shalt  }
0x4b: {  	_ =	shalt  }
0x4c: {  	_ =	shalt  }
0x4d: {  	_ =	shalt  }
0x4e: {  	_ =	shalt  }
0x4f: {  	_ =	shalt  }
0x50: {  	_ =	shalt  }
0x51: {  	_ =	shalt  }
0x52: {  	_ =	shalt  }
0x53: {  	_ =	shalt  }
0x54: {  	_ =	shalt  }
0x55: {  	_ =	shalt  }
0x56: {  	_ =	shalt  }
0x57: {  	_ =	shalt  }
0x58: {  	_ =	shalt  }
0x59: {  	_ =	shalt  }
0x5a: {  	_ =	shalt  }
0x5b: {  	_ =	shalt  }
0x5c: {  	_ =	shalt  }
0x5d: {  	_ =	shalt  }
0x5e: {  	_ =	shalt  }
0x5f: {  	_ =	shalt  }
0x60: {  	_ =	shalt  }
0x61: {  	_ =	shalt  }
0x62: {  	_ =	shalt  }
0x63: {  	_ =	shalt  }
0x64: {  	_ =	shalt  }
0x65: {  	_ =	shalt  }
0x66: {  	_ =	shalt  }
0x67: {  	_ =	shalt  }
0x68: {  	_ =	shalt  }
0x69: {  	_ =	shalt  }
0x6a: {  	_ =	shalt  }
0x6b: {  	_ =	shalt  }
0x6c: {  	_ =	shalt  }
0x6d: {  	_ =	shalt  }
0x6e: {  	_ =	shalt  }
0x6f: {  	_ =	shalt  }
0x70: {  	_ =	shalt  }
0x71: {  	_ =	shalt  }
0x72: {  	_ =	shalt  }
0x73: {  	_ =	shalt  }
0x74: {  	_ =	shalt  }
0x75: {  	_ =	shalt  }
0x76: {  	_ =	shalt  }
0x77: {  	_ =	shalt  }
0x78: {  	_ =	shalt  }
0x79: {  	_ =	shalt  }
0x7a: {  	_ =	shalt  }
0x7b: {  	_ =	shalt  }
0x7c: {  	_ =	shalt  }
0x7d: {  	_ =	shalt  }
0x7e: {  	_ =	shalt  }
0x7f: {  	_ =	shalt  }
0x80: {  	_ =	shalt  }
0x81: {  	_ =	shalt  }
0x82: {  	_ =	shalt  }
0x83: {  	_ =	shalt  }
0x84: {  	_ =	shalt  }
0x85: {  	_ =	shalt  }
0x86: {  	_ =	shalt  }
0x87: {  	_ =	shalt  }
.Lfunc_end0:
.L_simem_size_0:
called_computation.3_lowered:
.L_overlay_start_0:
0x88: {  	s2 =	sld [smem:$0x3FD9]  }
0x89: {  	s3 =	sld [smem:$0x3FFE];
	_ =	sdelay $0x1  }
0x8a: {  	s1 =	srdreg.scid  }
0x8b: {  	s0 =	sand.u32 $0x1, s1  }
0x8c: {  	s17 =	sshll.u32 s0, $0xA;
	s2 =	sadd.s32 s3, s2  }
0x8d: {  	s2 =	sadd.s32 s2, s17  }
0x8e: {  	[smem:$0x3FB4] =	sst s2  }
0x8f: {  	_ = 	snop  }
0x90: {  	s2 =	sld [smem:$0x3FD0];
	(tm) =	ssettm $0x1  }
0x91: {  	s18 =	sld [smem:$0x3FFB];
	_ =	sdelay $0x3  }
0x92: {  	_ =	strace s18  }
0x93: {  	s3 =	sld [smem:$0x3FFC];
	_ =	sdelay $0x3  }
0x94: {  	_ =	strace s3  }
0x95: {  	s3 =	sld [smem:$0x3FFD];
	_ =	sdelay $0x3  }
0x96: {  	_ =	strace s3  }
0x97: {  	_ =	strace $0x8FFFFFFF  }
0x98: {  	s19 =	sld [smem:$0x3FDB];
	_ =	sdelay $0x1  }
0x99: {  	s4 =	simm.s32 $_scs_section_size  }
0x9a: {  	s5 =	simm.s32 $_size__tile_overlayer_lowered;
	s6 =	simm.s32 $_tile_overlayer_lowered  }
0x9b: {  	s22 =	simm.s32 $0x1BFF;
	s21 =	sshll.u32 s6, $0x1;
	s3 =	sadd.s32 s4, s19  }
0x9c: {  	s7 =	simm.s32 $0x0;
	s20 =	sshll.u32 s5, $0x1;
	s5 =	sadd.s32 s21, s3  }
0x9d: {  	[timem:s7], [sflag:s22] =	dma.local [hbm:s5], s20  }
0x9e: {  	_ =	swait.ge [sflag:s22], s20  }
0x9f: {  	s4 =	ssub.s32 $0x0, s20;
	[sflag:s22] =	ssyncset.done $0x0  }
0xa0: {  	[sflag:s22] =	ssyncadd.s32 s4;
	_ =	sdelay $0x1  }
0xa1: {  	s23 =	simm.s32 $0x1B8B  }
0xa2: {  	_ =	swait.ge [sflag:s23], $0x1  }
0xa3: {  	[sflag:s23] =	ssyncset.done $0x0  }
0xa4: {  	s25 =	simm.s32 $0x1B8E;
	s24 =	sld [smem:$0x3FFE];
	[sflag:s23] =	ssyncadd.s32 $0xFFFFFFFF  }
0xa5: {  	s26 =	simm.s32 $execute0_lowered;
	[smem:$0x3FD2] =	sst s25  }
0xa6: {  	s5 =	sshll.u32 s26, $0x1;
	_ =	strace $0x8000004F;
	[dreg:$0x1] =	wrdreg $0xFFFFFFFF  }
0xa7: {  	s28 =	simm.s32 $_size_execute0_lowered;
	s3 =	sadd.s32 s3, s5;
	[dreg:$0x0] =	wrdreg $0x0  }
0xa8: {  	s5 =	sshll.u32 s28, $0x1;
	[dreg:$0x2] =	wrdreg s3  }
0xa9: {  	[dreg:$0x3] =	wrdreg s5  }
0xaa: {  	[dreg:$0x4] =	wrdreg $0xC0  }
0xab: {  	_ =	task [dreg:s7], $0x5FFFF  }
0xac: {  	[dreg:$0x1] =	wrdreg $0xFFFFFFFF  }
0xad: {  	[dreg:$0x0] =	wrdreg $0x60  }
0xae: {  	[dreg:$0x2] =	wrdreg s24  }
0xaf: {  	[dreg:$0x3] =	wrdreg s2  }
0xb0: {  	[dreg:$0x4] =	wrdreg $0x98000  }
0xb1: {  	[dreg:$0x5] =	wrdreg $0x9  }
0xb2: {  	_ =	task.clear_ibuf [dreg:s7], $0x6FFFF;
	_ =	strace $0x9000004F  }
0xb3: {  	s29 =	simm.s32 $0x9;
	_ =	strace $0x80000051  }
0xb4: {  	_ =	swait.ge [sflag:s29], $0x1  }
0xb5: {  	[sflag:s29] =	ssyncadd.s32 $0xFFFFFFFF  }
0xb6: {  	_ =	strace $0x90000051  }
0xb7: {  	_ =	sfence  }
0xb8: {  	s30 =	sld [smem:$0x0];
	_ =	sdelay $0x2  }
0xb9: {  	s31 =	sshll.u32 s1, $0xD;
	s1 =	sshrl.u32 s1, $0x2  }
0xba: {  	s3 =	sand.u32 $0x4000, s31;
	s1 =	sadd.s32 s1, s30  }
0xbb: {  	s0 =	sor.u32 s3, s0;
	s1 =	sshll.u32 s1, $0x11  }
0xbc: {  	s0 =	sor.u32 s1, s0  }
0xbd: {  	s0 =	sadd.s32 $0x8F2B, s0  }
0xbe: {  	[sflag:s0] =	ssyncadd.remote.s32 $0x1  }
0xbf: {  	_ =	sfence.sel $0xFFFF  }
0xc0: {  	[dreg:$0x0] =	wrdreg $0xFFFFFFFF;
	(pc) =	sbr.abs _section_cstart, $3  }
0xc1: {  	[dreg:$0x1] =	wrdreg $0xFFFFFFFF  }
0xc2: {  	_ =	task.clear_ibuf [dreg:s7], $0x2FFFF;
	_ =	strace $0x9FFFFFFF  }
0xc3: {  	(tm) =	ssettm $0x7FFFFFFF  }
tec
execute0_lowered:
.L_overlay_start_1:
0x0: {  	(tag) =	ssettag $0x1  }
0x1: {  	s6 =	rddreg [dreg:$0x0]  }
0x2: {  	s1 =	rddreg [dreg:$0x1]  }
0x3: {  	s2 =	rddreg [dreg:$0x2]  }
0x4: {  	s3 =	srdreg.scid;
	s0 =	rddreg [dreg:$0x3];
	s4 =	simm.s32 $0x0  }
0x5: {  	s14 =	simm.s32 $0x80;
	s15 =	simm.s32 $0x5800;
	s7 =	sand.u32 $0x1, s3  }
0x6: {  	s16 =	simm.s32 $0x1;
	s3 =	stileid.u32;
	s8 =	smul.u32 $0x140000, s7  }
0x7: {  	s17 =	simm.s32 $0x0;
	[smem:$0x7FF] =	sst s4;
	s9 =	smul.u32 $0x14000, s3  }
0x8: {  	s5 =	sshll.u32 s7, $0x4;
	_ =	strace $0x80000050;
	s28 =	smul.u32 $0x50000, s3  }
0x9: {  	s7 =	ssub.s32 $0x2, s7;
	s31 =	sshll.u32 s3, $0x6;
	s5 =	sor.u32 s3, s5  }
0xa: {  	s29 =	sshrl.u32 s7, $0x1;
	s10 =	smul.u32 $0x580, s5;
	s5 =	sadd.s32 $0x27C00, s6  }
0xb: {  	s8 =	sadd.s32 s9, s8;
	s30 =	sshrl.u32 s28, $0x2;
	s12 =	ssub.s32 s7, s29  }
0xc: {  	s8 =	sshrl.u32 s8, $0x3;
	s13 =	sadd.s32 s30, s2;
	s10 =	sadd.s32 s10, s6  }
0xd: {  	s11 =	sadd.s32 s8, s6;
	s6 =	sor.u32 $0x1C02, s31;
	s7 =	sadd.s32 $0x1CC00, s10  }
0xe: {  	s8 =	sadd.s32 $0x7600, s10;
	s9 =	sadd.s32 $0x4FC00, s11;
	s10 =	smax.u32 s12, $0x1  }
0xf: {  	s11 =	sshrl.u32 s13, $0x3;
	s12 =	simm.s32 $0x2;
	s13 =	simm.s32 $0x2C00  }
.LBB2_1:
0x10: {  	[spmem:s11], [sflag:s6] =	dma.local [hbm:s1], $0x2800  }
0x11: {  	_ =	swait.ge [sflag:s12], $0x2800  }
0x12: {  	[sflag:s12] =	ssyncset.done $0x0  }
0x13: {  	[sflag:s12] =	ssyncadd.s32 $0xFFFFD800  }
0x14: {  	[tilespmem:s4], [sflag:$0x2] =	stream.linear.gather [hbm4b:s7+s4], $0x2880, $0x38;
	[tilespmem:$0x1D800] =	vst v63  }
0x15: {  	_ =	swait.ge [sflag:s12], $0x2880  }
0x16: {  	[sflag:s12] =	ssyncset.done $0x0  }
0x17: {  	[sflag:s12] =	ssyncadd.s32 $0xFFFFD780  }
0x18: {  	[tilespmem:s13], [sflag:$0x2] =	stream.linear.gather [hbm4b:s8+s4], $0x2880, $0x38;
	[tilespmem:$0x1D800] =	vst v63  }
0x19: {  	_ =	swait.ge [sflag:s12], $0x2880  }
0x1a: {  	[sflag:s12] =	ssyncset.done $0x0  }
0x1b: {  	[sflag:s12] =	ssyncadd.s32 $0xFFFFD780  }
0x1c: {  	s18 =	simm.s32 $0x0;
	[bflag:$0x0] =	sbarrier.arrive $0xFFFF  }
0x1d: {  	[tilespmem:s15], [sflag:$0x1] =	stream.indirect.gather [hbm4b:s5+s14], $0x80, s18, s14, $0xb8;
	[tilespmem:$0x1D800] =	vst v63  }
0x1e: {  	_ =	swait.ge [sflag:s16], $0x4000  }
0x1f: {  	[sflag:s16] =	ssyncset.done $0x0  }
0x20: {  	s31 =	simm.s32 $0x2C00;
	[sflag:s16] =	ssyncadd.s32 $0xFFFFC000  }
0x21: {  	[spmem:s2] =	stream.indirect.scatter.add.f32 [tilespmem:s15], [sflag:$0x2], $0x80, s31, s14, $0xb8;
	[tilespmem:$0x1D800] =	vst v63  }
0x22: {  	_ =	swait.ge [sflag:s12], $0x4000  }
0x23: {  	s19 =	simm.s32 $0x400;
	s18 =	simm.s32 $0x200;
	[sflag:s12] =	ssyncset.done $0x0  }
.LBB2_2:
0x24: {  	s20 =	sshra.s32 s18, $0x2  }
0x25: {  	[sflag:s12] =	ssyncadd.s32 $0xFFFFC000;
	s18 =	smov.u32 s19;
	s21 =	sadd.s32 $0x200, s19  }
0x26: {  	[tilespmem:s15], [sflag:$0x1] =	stream.indirect.gather [hbm4b:s5+s14], $0x80, s20, s14, $0xb8;
	[tilespmem:$0x1D800] =	vst v63  }
0x27: {  	p0 =	sne.s32 s19, $0xA000;
	_ =	swait.ge [sflag:s16], $0x4000  }
.Ltmp0:
0x28: {  	[sflag:s16] =	ssyncset.done $0x0;
	(pc) =	sbr.rel @p0 .LBB2_2-.Ltmp0, $4  }
0x29: {  	s19 =	sadd.s32 $0x2C00, s20;
	[sflag:s16] =	ssyncadd.s32 $0xFFFFC000  }
0x2a: {  	[spmem:s2] =	stream.indirect.scatter.add.f32 [tilespmem:s15], [sflag:$0x2], $0x80, s19, s14, $0xb8;
	[tilespmem:$0x1D800] =	vst v63  }
0x2b: {  	_ =	swait.ge [sflag:s12], $0x4000  }
0x2c: {  	s19 =	smov.u32 s21;
	[sflag:s12] =	ssyncset.done $0x0  }
0x2d: {  	s18 =	sshra.s32 s18, $0x2;
	[sflag:s12] =	ssyncadd.s32 $0xFFFFC000  }
0x2e: {  	[tilespmem:s15], [sflag:$0x1] =	stream.indirect.gather [hbm4b:s5+s14], $0x80, s18, s14, $0xb8;
	[tilespmem:$0x1D800] =	vst v63  }
0x2f: {  	_ =	swait.ge [sflag:s16], $0x4000  }
0x30: {  	[sflag:s16] =	ssyncset.done $0x0  }
0x31: {  	s18 =	sadd.s32 $0x2C00, s18;
	[sflag:s16] =	ssyncadd.s32 $0xFFFFC000  }
0x32: {  	[spmem:s2] =	stream.indirect.scatter.add.f32 [tilespmem:s15], [sflag:$0x2], $0x80, s18, s14, $0xb8;
	[tilespmem:$0x1D800] =	vst v63  }
0x33: {  	_ =	swait.ge [sflag:s12], $0x4000  }
0x34: {  	s17 =	sadd.s32 $0x1, s17;
	[sflag:s12] =	ssyncset.done $0x0  }
0x35: {  	p0 =	sne.s32 s17, s10;
	[sflag:s12] =	ssyncadd.s32 $0xFFFFC000  }
.Ltmp1:
0x36: {  	[bflag:$0x0] =	sbarrier.arrive $0xFFFF;
	(pc) =	sbr.rel @p0 .LBB2_1-.Ltmp1, $4  }
0x37: {  	[hbm:s9], [sflag:s6] =	dma.local [spmem:s11], $0x2800  }
0x38: {  	_ =	swait.ge [sflag:s12], $0x2800  }
0x39: {  	[sflag:s12] =	ssyncset.done $0x0  }
0x3a: {  	[sflag:s12] =	ssyncadd.s32 $0xFFFFD800  }
0x3b: {  	_ =	sfence.sel $0x180000  }
0x3c: {  	[bflag:$0x0] =	sbarrier.arrive $0xFFFF  }
0x3d: {  	p0 =	sne.s32 s3, $0x0;
	_ =	strace $0x90000050  }
0x3e: {  	s0 =	sadd.s32 @!p0 $0x100000, s0;
	[bflag:$0x2] =	sbarrier.arrive $0xFFFF  }
0x3f: {  	[sflag:s0] =	ssyncadd.tile.s32 @!p0 $0x1;
	_ =	shalt  }
.Lfunc_end2:
_tile_overlayer_lowered:
.L_overlay_start_2:
0x40: {  	(tag) =	ssettag $0x2  }
0x41: {  	s0 =	rddreg [dreg:$0x0];
	s2 =	stileid.u32  }
0x42: {  	s1 =	rddreg [dreg:$0x1];
	p0 =	sne.s32 s2, $0x0  }
0x43: {  	s3 =	rddreg [dreg:$0x2];
	[bflag:$0x3] =	sbarrier.arrive $0xFFFF;
	s2 =	simm.s32 @!p0 $0x1C02  }
0x44: {  	[timem:s3], [sflag:s2] =	dma.local @!p0 [hbm:s0], s1  }
0x45: {  	s0 =	simm.s32 @!p0 $0x2  }
0x46: {  	_ =	swait.ge @!p0 [sflag:s0], s1  }
0x47: {  	s1 =	ssub.s32 @!p0 $0x0, s1;
	[sflag:s0] =	ssyncset.done @!p0 $0x0  }
0x48: {  	[sflag:s0] =	ssyncadd.s32 @!p0 s1  }
0x49: {  	[bflag:$0x3] =	sbarrier.arrive $0xFFFF  }
0x4a: {  	_ =	shalt  }

// kernel: kernel.33.cloned.1.call-start
scs
__scs_entry_jumppad:
0x0: {  	(pc) =	sbr.rel $0x88, $3  }
0x1: {  	(tag) =	ssettag $0x0;
	lr =	simm.s32 $0x1  }
0x2: {  	[smem:$0x3F8D] =	sst lr;
	_ =	strace $0xD0000000  }
0x3: {  	_ = 	snop  }
0x4: {  	_ = 	snop  }
0x5: {  	_ = 	snop  }
0x6: {  	_ = 	snop  }
0x7: {  	_ = 	snop  }
__scs_overlays_trampoline_lowered:
0x8: {  	[smem:$0x3F9C] =	sst s0  }
0x9: {  	[smem:$0x3F9D] =	sst s1  }
0xa: {  	[smem:$0x3F9E] =	sst s2  }
0xb: {  	[smem:$0x3F9F] =	sst s3  }
0xc: {  	[smem:$0x3FA0] =	sst s4  }
0xd: {  	[smem:$0x3FA1] =	sst s5  }
0xe: {  	[smem:$0x3FA2] =	sst s6  }
0xf: {  	[smem:$0x3FA3] =	sst s7  }
0x10: {  	[smem:$0x3FA4] =	sst s8  }
0x11: {  	[smem:$0x3FA5] =	sst s9;
	s0 =	simm.s32 @!p0 $0x0  }
0x12: {  	s1 =	sld [smem:$0x3F8B];
	s0 =	simm.s32 @p0 $0x1  }
0x13: {  	[smem:$0x3FA6] =	sst s0;
	s0 =	simm.s32 @!p1 $0x0  }
0x14: {  	s2 =	sld [smem:$0x3F8A];
	s0 =	simm.s32 @p1 $0x1  }
0x15: {  	[smem:$0x3FA7] =	sst s0;
	s0 =	simm.s32 @!p2 $0x0  }
0x16: {  	s3 =	sld [smem:$0x3FDB];
	s0 =	simm.s32 @p2 $0x1  }
0x17: {  	s4 =	simm.s32 $0x1BF5;
	[smem:$0x3FA9] =	sst s0  }
0x18: {  	s0 =	sld [smem:$0x3F8C];
	_ =	swait.ge [sflag:s4], $0x0  }
0x19: {  	s7 =	sld [smem:$0x3F8D]  }
0x1a: {  	s8 =	sadd.s32 $0xFFFFE003, lr  }
0x1b: {  	s9 =	sadd.s32 $0xFFFFFEF7, lr;
	s5 =	simm.s32 $0xFFFFFFFF;
	p2 =	slt.u32 s8, $0xFFFFF086  }
0x1c: {  	p1 =	slt.u32 s9, $0xF7A;
	s5 =	simm.s32 @!p2 $0x0  }
0x1d: {  	s5 =	simm.s32 @p1 $0x1;
	p0 =	seq.s32 s7, s2  }
0x1e: {  	s7 =	smul.u32 @!p0 $0xF7A, s2;
	p2 =	seq.s32 @!p0 s5, $0x0  }
0x1f: {  	s9 =	smul.u32 $0xF7A, s1;
	s8 =	simm.s32 @!p0 $0x1BF5;
	p2 =	por !p2, p0  }
0x20: {  	[sflag:s8] =	ssyncset.s32 @!p0 $0xFFFFF086;
	s6 =	sadd.s32 @!p0 s3, s7;
	s7 =	simm.s32 @!p0 $0x108  }
0x21: {  	s3 =	sadd.s32 s3, s9;
	s6 =	sadd.s32 @!p0 $0x88, s6;
	s7 =	simm.s32 @p2 $0x1082  }
0x22: {  	[simem:s7], [sflag:s8] =	dma.local @!p0 [hbm:s6], $0xF7A  }
0x23: {  	s9 =	sor.u32 $0xD0000000, s2;
	s6 =	simm.s32 $0x108;
	_ =	swait.ge @!p0 [sflag:s8], $0x0  }
0x24: {  	s3 =	sadd.s32 $0x88, s3;
	s6 =	simm.s32 @!p1 $0x1082;
	[sflag:s4] =	ssyncset.s32 $0xFFFFF086  }
0x25: {  	[simem:s6], [sflag:s4] =	dma.local [hbm:s3], $0xF7A  }
0x26: {  	[smem:$0x3F8D] =	sst s1;
	(tag) =	ssettag s2;
	_ =	strace s9  }
0x27: {  	s1 =	sld [smem:$0x3F9D]  }
0x28: {  	s2 =	sld [smem:$0x3F9E]  }
0x29: {  	s4 =	sld [smem:$0x3FA0]  }
0x2a: {  	p0 =	seq.s32 s5, $0x0;
	s5 =	sld [smem:$0x3FA1]  }
0x2b: {  	s6 =	sld [smem:$0x3FA2]  }
0x2c: {  	s7 =	sld [smem:$0x3FA3]  }
0x2d: {  	s3 =	simm.s32 $0x108;
	s8 =	sld [smem:$0x3FA4]  }
0x2e: {  	s3 =	simm.s32 @!p0 $0x1082;
	s9 =	sld [smem:$0x3FA5]  }
0x2f: {  	lr =	sadd.s32 s0, s3;
	s0 =	sld [smem:$0x3F9C]  }
0x30: {  	s3 =	sld [smem:$0x3F9F]  }
0x31: {  	[smem:$0x3FA8] =	sst s10  }
0x32: {  	s10 =	sld [smem:$0x3FA6];
	_ =	sdelay $0x3  }
0x33: {  	p0 =	seq.s32 s10, $0x1;
	s10 =	sld [smem:$0x3FA8];
	_ =	sdelay $0x3  }
0x34: {  	[smem:$0x3FA8] =	sst s10  }
0x35: {  	s10 =	sld [smem:$0x3FA7];
	_ =	sdelay $0x3  }
0x36: {  	p1 =	seq.s32 s10, $0x1;
	s10 =	sld [smem:$0x3FA8];
	_ =	sdelay $0x3  }
0x37: {  	[smem:$0x3FA8] =	sst s10  }
0x38: {  	s10 =	sld [smem:$0x3FA9]  }
0x39: {  	_ = 	snop;
	(pc) =	sbr.ind lr, $3  }
0x3a: {  	_ = 	snop  }
0x3b: {  	_ = 	snop  }
0x3c: {  	p2 =	seq.s32 s10, $0x1;
	s10 =	sld [smem:$0x3FA8]  }
0x3d: {  	_ =	shalt  }
0x3e: {  	_ =	shalt  }
0x3f: {  	_ =	shalt  }
0x40: {  	_ =	shalt  }
0x41: {  	_ =	shalt  }
0x42: {  	_ =	shalt  }
0x43: {  	_ =	shalt  }
0x44: {  	_ =	shalt  }
0x45: {  	_ =	shalt  }
0x46: {  	_ =	shalt  }
0x47: {  	_ =	shalt  }
0x48: {  	_ =	shalt  }
0x49: {  	_ =	shalt  }
0x4a: {  	_ =	shalt  }
0x4b: {  	_ =	shalt  }
0x4c: {  	_ =	shalt  }
0x4d: {  	_ =	shalt  }
0x4e: {  	_ =	shalt  }
0x4f: {  	_ =	shalt  }
0x50: {  	_ =	shalt  }
0x51: {  	_ =	shalt  }
0x52: {  	_ =	shalt  }
0x53: {  	_ =	shalt  }
0x54: {  	_ =	shalt  }
0x55: {  	_ =	shalt  }
0x56: {  	_ =	shalt  }
0x57: {  	_ =	shalt  }
0x58: {  	_ =	shalt  }
0x59: {  	_ =	shalt  }
0x5a: {  	_ =	shalt  }
0x5b: {  	_ =	shalt  }
0x5c: {  	_ =	shalt  }
0x5d: {  	_ =	shalt  }
0x5e: {  	_ =	shalt  }
0x5f: {  	_ =	shalt  }
0x60: {  	_ =	shalt  }
0x61: {  	_ =	shalt  }
0x62: {  	_ =	shalt  }
0x63: {  	_ =	shalt  }
0x64: {  	_ =	shalt  }
0x65: {  	_ =	shalt  }
0x66: {  	_ =	shalt  }
0x67: {  	_ =	shalt  }
0x68: {  	_ =	shalt  }
0x69: {  	_ =	shalt  }
0x6a: {  	_ =	shalt  }
0x6b: {  	_ =	shalt  }
0x6c: {  	_ =	shalt  }
0x6d: {  	_ =	shalt  }
0x6e: {  	_ =	shalt  }
0x6f: {  	_ =	shalt  }
0x70: {  	_ =	shalt  }
0x71: {  	_ =	shalt  }
0x72: {  	_ =	shalt  }
0x73: {  	_ =	shalt  }
0x74: {  	_ =	shalt  }
0x75: {  	_ =	shalt  }
0x76: {  	_ =	shalt  }
0x77: {  	_ =	shalt  }
0x78: {  	_ =	shalt  }
0x79: {  	_ =	shalt  }
0x7a: {  	_ =	shalt  }
0x7b: {  	_ =	shalt  }
0x7c: {  	_ =	shalt  }
0x7d: {  	_ =	shalt  }
0x7e: {  	_ =	shalt  }
0x7f: {  	_ =	shalt  }
0x80: {  	_ =	shalt  }
0x81: {  	_ =	shalt  }
0x82: {  	_ =	shalt  }
0x83: {  	_ =	shalt  }
0x84: {  	_ =	shalt  }
0x85: {  	_ =	shalt  }
0x86: {  	_ =	shalt  }
0x87: {  	_ =	shalt  }
.Lfunc_end0:
.L_simem_size_0:
called_computation.4_lowered:
.L_overlay_start_0:
0x88: {  	s2 =	sld [smem:$0x3FD9]  }
0x89: {  	s3 =	sld [smem:$0x3FFE];
	_ =	sdelay $0x1  }
0x8a: {  	s1 =	srdreg.scid  }
0x8b: {  	s0 =	sand.u32 $0x1, s1  }
0x8c: {  	s17 =	sshll.u32 s0, $0xA;
	s2 =	sadd.s32 s3, s2  }
0x8d: {  	s2 =	sadd.s32 s2, s17  }
0x8e: {  	[smem:$0x3FB4] =	sst s2  }
0x8f: {  	_ = 	snop  }
0x90: {  	s2 =	sld [smem:$0x3FD0];
	(tm) =	ssettm $0x1  }
0x91: {  	s18 =	sld [smem:$0x3FFB];
	_ =	sdelay $0x3  }
0x92: {  	_ =	strace s18  }
0x93: {  	s3 =	sld [smem:$0x3FFC];
	_ =	sdelay $0x3  }
0x94: {  	_ =	strace s3  }
0x95: {  	s3 =	sld [smem:$0x3FFD];
	_ =	sdelay $0x3  }
0x96: {  	_ =	strace s3  }
0x97: {  	_ =	strace $0x8FFFFFFF  }
0x98: {  	s19 =	sld [smem:$0x3FDB];
	_ =	sdelay $0x1  }
0x99: {  	s4 =	simm.s32 $_scs_section_size  }
0x9a: {  	s5 =	simm.s32 $_size__tile_overlayer_lowered;
	s6 =	simm.s32 $_tile_overlayer_lowered  }
0x9b: {  	s22 =	simm.s32 $0x1BFF;
	s21 =	sshll.u32 s6, $0x1;
	s3 =	sadd.s32 s4, s19  }
0x9c: {  	s7 =	simm.s32 $0x0;
	s20 =	sshll.u32 s5, $0x1;
	s5 =	sadd.s32 s21, s3  }
0x9d: {  	[timem:s7], [sflag:s22] =	dma.local [hbm:s5], s20  }
0x9e: {  	_ =	swait.ge [sflag:s22], s20  }
0x9f: {  	s4 =	ssub.s32 $0x0, s20;
	[sflag:s22] =	ssyncset.done $0x0  }
0xa0: {  	[sflag:s22] =	ssyncadd.s32 s4;
	_ =	sdelay $0x1  }
0xa1: {  	s23 =	simm.s32 $0x1B8B  }
0xa2: {  	_ =	swait.ge [sflag:s23], $0x1  }
0xa3: {  	[sflag:s23] =	ssyncset.done $0x0  }
0xa4: {  	s25 =	simm.s32 $0x1B8E;
	s24 =	sld [smem:$0x3FFE];
	[sflag:s23] =	ssyncadd.s32 $0xFFFFFFFF  }
0xa5: {  	s26 =	simm.s32 $execute0_lowered;
	[smem:$0x3FD2] =	sst s25  }
0xa6: {  	s5 =	sshll.u32 s26, $0x1;
	_ =	strace $0x80000052;
	[dreg:$0x1] =	wrdreg $0xFFFFFFFF  }
0xa7: {  	s28 =	simm.s32 $_size_execute0_lowered;
	s3 =	sadd.s32 s3, s5;
	[dreg:$0x0] =	wrdreg $0x0  }
0xa8: {  	s5 =	sshll.u32 s28, $0x1;
	[dreg:$0x2] =	wrdreg s3  }
0xa9: {  	[dreg:$0x3] =	wrdreg s5  }
0xaa: {  	[dreg:$0x4] =	wrdreg $0xC0  }
0xab: {  	_ =	task [dreg:s7], $0x5FFFF  }
0xac: {  	[dreg:$0x1] =	wrdreg $0xFFFFFFFF  }
0xad: {  	[dreg:$0x0] =	wrdreg $0x60  }
0xae: {  	[dreg:$0x2] =	wrdreg s24  }
0xaf: {  	[dreg:$0x3] =	wrdreg s2  }
0xb0: {  	[dreg:$0x4] =	wrdreg $0x98000  }
0xb1: {  	[dreg:$0x5] =	wrdreg $0x9  }
0xb2: {  	_ =	task.clear_ibuf [dreg:s7], $0x6FFFF;
	_ =	strace $0x90000052  }
0xb3: {  	s29 =	simm.s32 $0x9;
	_ =	strace $0x80000054  }
0xb4: {  	_ =	swait.ge [sflag:s29], $0x1  }
0xb5: {  	[sflag:s29] =	ssyncadd.s32 $0xFFFFFFFF  }
0xb6: {  	_ =	strace $0x90000054  }
0xb7: {  	_ =	sfence  }
0xb8: {  	s30 =	sld [smem:$0x0];
	_ =	sdelay $0x2  }
0xb9: {  	s31 =	sshll.u32 s1, $0xD;
	s1 =	sshrl.u32 s1, $0x2  }
0xba: {  	s3 =	sand.u32 $0x4000, s31;
	s1 =	sadd.s32 s1, s30  }
0xbb: {  	s0 =	sor.u32 s3, s0;
	s1 =	sshll.u32 s1, $0x11  }
0xbc: {  	s0 =	sor.u32 s1, s0  }
0xbd: {  	s0 =	sadd.s32 $0x8F2B, s0  }
0xbe: {  	[sflag:s0] =	ssyncadd.remote.s32 $0x1  }
0xbf: {  	_ =	sfence.sel $0xFFFF  }
0xc0: {  	[dreg:$0x0] =	wrdreg $0xFFFFFFFF;
	(pc) =	sbr.abs _section_cstart, $3  }
0xc1: {  	[dreg:$0x1] =	wrdreg $0xFFFFFFFF  }
0xc2: {  	_ =	task.clear_ibuf [dreg:s7], $0x2FFFF;
	_ =	strace $0x9FFFFFFF  }
0xc3: {  	(tm) =	ssettm $0x7FFFFFFF  }
tec
execute0_lowered:
.L_overlay_start_1:
0x0: {  	(tag) =	ssettag $0x1  }
0x1: {  	s6 =	rddreg [dreg:$0x0]  }
0x2: {  	s1 =	rddreg [dreg:$0x1]  }
0x3: {  	s2 =	rddreg [dreg:$0x2]  }
0x4: {  	s3 =	srdreg.scid;
	s0 =	rddreg [dreg:$0x3];
	s4 =	simm.s32 $0x0  }
0x5: {  	s14 =	simm.s32 $0x80;
	s15 =	simm.s32 $0x5800;
	s7 =	sand.u32 $0x1, s3  }
0x6: {  	s16 =	simm.s32 $0x1;
	s3 =	stileid.u32;
	s8 =	smul.u32 $0x140000, s7  }
0x7: {  	s17 =	simm.s32 $0x0;
	[smem:$0x7FF] =	sst s4;
	s9 =	smul.u32 $0x14000, s3  }
0x8: {  	s5 =	sshll.u32 s7, $0x4;
	_ =	strace $0x80000053;
	s28 =	smul.u32 $0x50000, s3  }
0x9: {  	s7 =	ssub.s32 $0x2, s7;
	s31 =	sshll.u32 s3, $0x6;
	s5 =	sor.u32 s3, s5  }
0xa: {  	s29 =	sshrl.u32 s7, $0x1;
	s10 =	smul.u32 $0x580, s5;
	s5 =	sadd.s32 $0x27C00, s6  }
0xb: {  	s8 =	sadd.s32 s9, s8;
	s30 =	sshrl.u32 s28, $0x2;
	s12 =	ssub.s32 s7, s29  }
0xc: {  	s8 =	sshrl.u32 s8, $0x3;
	s13 =	sadd.s32 s30, s2;
	s10 =	sadd.s32 s10, s6  }
0xd: {  	s11 =	sadd.s32 s8, s6;
	s6 =	sor.u32 $0x1C02, s31;
	s7 =	sadd.s32 $0x1CC00, s10  }
0xe: {  	s8 =	sadd.s32 $0x7600, s10;
	s9 =	sadd.s32 $0x4FC00, s11;
	s10 =	smax.u32 s12, $0x1  }
0xf: {  	s11 =	sshrl.u32 s13, $0x3;
	s12 =	simm.s32 $0x2;
	s13 =	simm.s32 $0x2C00  }
.LBB2_1:
0x10: {  	[spmem:s11], [sflag:s6] =	dma.local [hbm:s1], $0x2800  }
0x11: {  	_ =	swait.ge [sflag:s12], $0x2800  }
0x12: {  	[sflag:s12] =	ssyncset.done $0x0  }
0x13: {  	[sflag:s12] =	ssyncadd.s32 $0xFFFFD800  }
0x14: {  	[tilespmem:s4], [sflag:$0x2] =	stream.linear.gather [hbm4b:s7+s4], $0x2880, $0x38;
	[tilespmem:$0x1D800] =	vst v63  }
0x15: {  	_ =	swait.ge [sflag:s12], $0x2880  }
0x16: {  	[sflag:s12] =	ssyncset.done $0x0  }
0x17: {  	[sflag:s12] =	ssyncadd.s32 $0xFFFFD780  }
0x18: {  	[tilespmem:s13], [sflag:$0x2] =	stream.linear.gather [hbm4b:s8+s4], $0x2880, $0x38;
	[tilespmem:$0x1D800] =	vst v63  }
0x19: {  	_ =	swait.ge [sflag:s12], $0x2880  }
0x1a: {  	[sflag:s12] =	ssyncset.done $0x0  }
0x1b: {  	[sflag:s12] =	ssyncadd.s32 $0xFFFFD780  }
0x1c: {  	s18 =	simm.s32 $0x0;
	[bflag:$0x0] =	sbarrier.arrive $0xFFFF  }
0x1d: {  	[tilespmem:s15], [sflag:$0x1] =	stream.indirect.gather [hbm4b:s5+s14], $0x80, s18, s14, $0xb8;
	[tilespmem:$0x1D800] =	vst v63  }
0x1e: {  	_ =	swait.ge [sflag:s16], $0x4000  }
0x1f: {  	[sflag:s16] =	ssyncset.done $0x0  }
0x20: {  	s31 =	simm.s32 $0x2C00;
	[sflag:s16] =	ssyncadd.s32 $0xFFFFC000  }
0x21: {  	[spmem:s2] =	stream.indirect.scatter.add.f32 [tilespmem:s15], [sflag:$0x2], $0x80, s31, s14, $0xb8;
	[tilespmem:$0x1D800] =	vst v63  }
0x22: {  	_ =	swait.ge [sflag:s12], $0x4000  }
0x23: {  	s19 =	simm.s32 $0x400;
	s18 =	simm.s32 $0x200;
	[sflag:s12] =	ssyncset.done $0x0  }
.LBB2_2:
0x24: {  	s20 =	sshra.s32 s18, $0x2  }
0x25: {  	[sflag:s12] =	ssyncadd.s32 $0xFFFFC000;
	s18 =	smov.u32 s19;
	s21 =	sadd.s32 $0x200, s19  }
0x26: {  	[tilespmem:s15], [sflag:$0x1] =	stream.indirect.gather [hbm4b:s5+s14], $0x80, s20, s14, $0xb8;
	[tilespmem:$0x1D800] =	vst v63  }
0x27: {  	p0 =	sne.s32 s19, $0xA000;
	_ =	swait.ge [sflag:s16], $0x4000  }
.Ltmp0:
0x28: {  	[sflag:s16] =	ssyncset.done $0x0;
	(pc) =	sbr.rel @p0 .LBB2_2-.Ltmp0, $4  }
0x29: {  	s19 =	sadd.s32 $0x2C00, s20;
	[sflag:s16] =	ssyncadd.s32 $0xFFFFC000  }
0x2a: {  	[spmem:s2] =	stream.indirect.scatter.add.f32 [tilespmem:s15], [sflag:$0x2], $0x80, s19, s14, $0xb8;
	[tilespmem:$0x1D800] =	vst v63  }
0x2b: {  	_ =	swait.ge [sflag:s12], $0x4000  }
0x2c: {  	s19 =	smov.u32 s21;
	[sflag:s12] =	ssyncset.done $0x0  }
0x2d: {  	s18 =	sshra.s32 s18, $0x2;
	[sflag:s12] =	ssyncadd.s32 $0xFFFFC000  }
0x2e: {  	[tilespmem:s15], [sflag:$0x1] =	stream.indirect.gather [hbm4b:s5+s14], $0x80, s18, s14, $0xb8;
	[tilespmem:$0x1D800] =	vst v63  }
0x2f: {  	_ =	swait.ge [sflag:s16], $0x4000  }
0x30: {  	[sflag:s16] =	ssyncset.done $0x0  }
0x31: {  	s18 =	sadd.s32 $0x2C00, s18;
	[sflag:s16] =	ssyncadd.s32 $0xFFFFC000  }
0x32: {  	[spmem:s2] =	stream.indirect.scatter.add.f32 [tilespmem:s15], [sflag:$0x2], $0x80, s18, s14, $0xb8;
	[tilespmem:$0x1D800] =	vst v63  }
0x33: {  	_ =	swait.ge [sflag:s12], $0x4000  }
0x34: {  	s17 =	sadd.s32 $0x1, s17;
	[sflag:s12] =	ssyncset.done $0x0  }
0x35: {  	p0 =	sne.s32 s17, s10;
	[sflag:s12] =	ssyncadd.s32 $0xFFFFC000  }
.Ltmp1:
0x36: {  	[bflag:$0x0] =	sbarrier.arrive $0xFFFF;
	(pc) =	sbr.rel @p0 .LBB2_1-.Ltmp1, $4  }
0x37: {  	[hbm:s9], [sflag:s6] =	dma.local [spmem:s11], $0x2800  }
0x38: {  	_ =	swait.ge [sflag:s12], $0x2800  }
0x39: {  	[sflag:s12] =	ssyncset.done $0x0  }
0x3a: {  	[sflag:s12] =	ssyncadd.s32 $0xFFFFD800  }
0x3b: {  	_ =	sfence.sel $0x180000  }
0x3c: {  	[bflag:$0x0] =	sbarrier.arrive $0xFFFF  }
0x3d: {  	p0 =	sne.s32 s3, $0x0;
	_ =	strace $0x90000053  }
0x3e: {  	s0 =	sadd.s32 @!p0 $0x100000, s0;
	[bflag:$0x2] =	sbarrier.arrive $0xFFFF  }
0x3f: {  	[sflag:s0] =	ssyncadd.tile.s32 @!p0 $0x1;
	_ =	shalt  }
.Lfunc_end2:
_tile_overlayer_lowered:
.L_overlay_start_2:
0x40: {  	(tag) =	ssettag $0x2  }
0x41: {  	s0 =	rddreg [dreg:$0x0];
	s2 =	stileid.u32  }
0x42: {  	s1 =	rddreg [dreg:$0x1];
	p0 =	sne.s32 s2, $0x0  }
0x43: {  	s3 =	rddreg [dreg:$0x2];
	[bflag:$0x3] =	sbarrier.arrive $0xFFFF;
	s2 =	simm.s32 @!p0 $0x1C02  }
0x44: {  	[timem:s3], [sflag:s2] =	dma.local @!p0 [hbm:s0], s1  }
0x45: {  	s0 =	simm.s32 @!p0 $0x2  }
0x46: {  	_ =	swait.ge @!p0 [sflag:s0], s1  }
0x47: {  	s1 =	ssub.s32 @!p0 $0x0, s1;
	[sflag:s0] =	ssyncset.done @!p0 $0x0  }
0x48: {  	[sflag:s0] =	ssyncadd.s32 @!p0 s1  }
0x49: {  	[bflag:$0x3] =	sbarrier.arrive $0xFFFF  }
0x4a: {  	_ =	shalt  }

// kernel: kernel.36.cloned.1.call-start
scs
__scs_entry_jumppad:
0x0: {  	(pc) =	sbr.rel $0x88, $3  }
0x1: {  	(tag) =	ssettag $0x0;
	lr =	simm.s32 $0x1  }
0x2: {  	[smem:$0x3F8D] =	sst lr;
	_ =	strace $0xD0000000  }
0x3: {  	_ = 	snop  }
0x4: {  	_ = 	snop  }
0x5: {  	_ = 	snop  }
0x6: {  	_ = 	snop  }
0x7: {  	_ = 	snop  }
__scs_overlays_trampoline_lowered:
0x8: {  	[smem:$0x3F9C] =	sst s0  }
0x9: {  	[smem:$0x3F9D] =	sst s1  }
0xa: {  	[smem:$0x3F9E] =	sst s2  }
0xb: {  	[smem:$0x3F9F] =	sst s3  }
0xc: {  	[smem:$0x3FA0] =	sst s4  }
0xd: {  	[smem:$0x3FA1] =	sst s5  }
0xe: {  	[smem:$0x3FA2] =	sst s6  }
0xf: {  	[smem:$0x3FA3] =	sst s7  }
0x10: {  	[smem:$0x3FA4] =	sst s8  }
0x11: {  	[smem:$0x3FA5] =	sst s9;
	s0 =	simm.s32 @!p0 $0x0  }
0x12: {  	s1 =	sld [smem:$0x3F8B];
	s0 =	simm.s32 @p0 $0x1  }
0x13: {  	[smem:$0x3FA6] =	sst s0;
	s0 =	simm.s32 @!p1 $0x0  }
0x14: {  	s2 =	sld [smem:$0x3F8A];
	s0 =	simm.s32 @p1 $0x1  }
0x15: {  	[smem:$0x3FA7] =	sst s0;
	s0 =	simm.s32 @!p2 $0x0  }
0x16: {  	s3 =	sld [smem:$0x3FDB];
	s0 =	simm.s32 @p2 $0x1  }
0x17: {  	s4 =	simm.s32 $0x1BF5;
	[smem:$0x3FA9] =	sst s0  }
0x18: {  	s0 =	sld [smem:$0x3F8C];
	_ =	swait.ge [sflag:s4], $0x0  }
0x19: {  	s7 =	sld [smem:$0x3F8D]  }
0x1a: {  	s8 =	sadd.s32 $0xFFFFE003, lr  }
0x1b: {  	s9 =	sadd.s32 $0xFFFFFEF7, lr;
	s5 =	simm.s32 $0xFFFFFFFF;
	p2 =	slt.u32 s8, $0xFFFFF086  }
0x1c: {  	p1 =	slt.u32 s9, $0xF7A;
	s5 =	simm.s32 @!p2 $0x0  }
0x1d: {  	s5 =	simm.s32 @p1 $0x1;
	p0 =	seq.s32 s7, s2  }
0x1e: {  	s7 =	smul.u32 @!p0 $0xF7A, s2;
	p2 =	seq.s32 @!p0 s5, $0x0  }
0x1f: {  	s9 =	smul.u32 $0xF7A, s1;
	s8 =	simm.s32 @!p0 $0x1BF5;
	p2 =	por !p2, p0  }
0x20: {  	[sflag:s8] =	ssyncset.s32 @!p0 $0xFFFFF086;
	s6 =	sadd.s32 @!p0 s3, s7;
	s7 =	simm.s32 @!p0 $0x108  }
0x21: {  	s3 =	sadd.s32 s3, s9;
	s6 =	sadd.s32 @!p0 $0x88, s6;
	s7 =	simm.s32 @p2 $0x1082  }
0x22: {  	[simem:s7], [sflag:s8] =	dma.local @!p0 [hbm:s6], $0xF7A  }
0x23: {  	s9 =	sor.u32 $0xD0000000, s2;
	s6 =	simm.s32 $0x108;
	_ =	swait.ge @!p0 [sflag:s8], $0x0  }
0x24: {  	s3 =	sadd.s32 $0x88, s3;
	s6 =	simm.s32 @!p1 $0x1082;
	[sflag:s4] =	ssyncset.s32 $0xFFFFF086  }
0x25: {  	[simem:s6], [sflag:s4] =	dma.local [hbm:s3], $0xF7A  }
0x26: {  	[smem:$0x3F8D] =	sst s1;
	(tag) =	ssettag s2;
	_ =	strace s9  }
0x27: {  	s1 =	sld [smem:$0x3F9D]  }
0x28: {  	s2 =	sld [smem:$0x3F9E]  }
0x29: {  	s4 =	sld [smem:$0x3FA0]  }
0x2a: {  	p0 =	seq.s32 s5, $0x0;
	s5 =	sld [smem:$0x3FA1]  }
0x2b: {  	s6 =	sld [smem:$0x3FA2]  }
0x2c: {  	s7 =	sld [smem:$0x3FA3]  }
0x2d: {  	s3 =	simm.s32 $0x108;
	s8 =	sld [smem:$0x3FA4]  }
0x2e: {  	s3 =	simm.s32 @!p0 $0x1082;
	s9 =	sld [smem:$0x3FA5]  }
0x2f: {  	lr =	sadd.s32 s0, s3;
	s0 =	sld [smem:$0x3F9C]  }
0x30: {  	s3 =	sld [smem:$0x3F9F]  }
0x31: {  	[smem:$0x3FA8] =	sst s10  }
0x32: {  	s10 =	sld [smem:$0x3FA6];
	_ =	sdelay $0x3  }
0x33: {  	p0 =	seq.s32 s10, $0x1;
	s10 =	sld [smem:$0x3FA8];
	_ =	sdelay $0x3  }
0x34: {  	[smem:$0x3FA8] =	sst s10  }
0x35: {  	s10 =	sld [smem:$0x3FA7];
	_ =	sdelay $0x3  }
0x36: {  	p1 =	seq.s32 s10, $0x1;
	s10 =	sld [smem:$0x3FA8];
	_ =	sdelay $0x3  }
0x37: {  	[smem:$0x3FA8] =	sst s10  }
0x38: {  	s10 =	sld [smem:$0x3FA9]  }
0x39: {  	_ = 	snop;
	(pc) =	sbr.ind lr, $3  }
0x3a: {  	_ = 	snop  }
0x3b: {  	_ = 	snop  }
0x3c: {  	p2 =	seq.s32 s10, $0x1;
	s10 =	sld [smem:$0x3FA8]  }
0x3d: {  	_ =	shalt  }
0x3e: {  	_ =	shalt  }
0x3f: {  	_ =	shalt  }
0x40: {  	_ =	shalt  }
0x41: {  	_ =	shalt  }
0x42: {  	_ =	shalt  }
0x43: {  	_ =	shalt  }
0x44: {  	_ =	shalt  }
0x45: {  	_ =	shalt  }
0x46: {  	_ =	shalt  }
0x47: {  	_ =	shalt  }
0x48: {  	_ =	shalt  }
0x49: {  	_ =	shalt  }
0x4a: {  	_ =	shalt  }
0x4b: {  	_ =	shalt  }
0x4c: {  	_ =	shalt  }
0x4d: {  	_ =	shalt  }
0x4e: {  	_ =	shalt  }
0x4f: {  	_ =	shalt  }
0x50: {  	_ =	shalt  }
0x51: {  	_ =	shalt  }
0x52: {  	_ =	shalt  }
0x53: {  	_ =	shalt  }
0x54: {  	_ =	shalt  }
0x55: {  	_ =	shalt  }
0x56: {  	_ =	shalt  }
0x57: {  	_ =	shalt  }
0x58: {  	_ =	shalt  }
0x59: {  	_ =	shalt  }
0x5a: {  	_ =	shalt  }
0x5b: {  	_ =	shalt  }
0x5c: {  	_ =	shalt  }
0x5d: {  	_ =	shalt  }
0x5e: {  	_ =	shalt  }
0x5f: {  	_ =	shalt  }
0x60: {  	_ =	shalt  }
0x61: {  	_ =	shalt  }
0x62: {  	_ =	shalt  }
0x63: {  	_ =	shalt  }
0x64: {  	_ =	shalt  }
0x65: {  	_ =	shalt  }
0x66: {  	_ =	shalt  }
0x67: {  	_ =	shalt  }
0x68: {  	_ =	shalt  }
0x69: {  	_ =	shalt  }
0x6a: {  	_ =	shalt  }
0x6b: {  	_ =	shalt  }
0x6c: {  	_ =	shalt  }
0x6d: {  	_ =	shalt  }
0x6e: {  	_ =	shalt  }
0x6f: {  	_ =	shalt  }
0x70: {  	_ =	shalt  }
0x71: {  	_ =	shalt  }
0x72: {  	_ =	shalt  }
0x73: {  	_ =	shalt  }
0x74: {  	_ =	shalt  }
0x75: {  	_ =	shalt  }
0x76: {  	_ =	shalt  }
0x77: {  	_ =	shalt  }
0x78: {  	_ =	shalt  }
0x79: {  	_ =	shalt  }
0x7a: {  	_ =	shalt  }
0x7b: {  	_ =	shalt  }
0x7c: {  	_ =	shalt  }
0x7d: {  	_ =	shalt  }
0x7e: {  	_ =	shalt  }
0x7f: {  	_ =	shalt  }
0x80: {  	_ =	shalt  }
0x81: {  	_ =	shalt  }
0x82: {  	_ =	shalt  }
0x83: {  	_ =	shalt  }
0x84: {  	_ =	shalt  }
0x85: {  	_ =	shalt  }
0x86: {  	_ =	shalt  }
0x87: {  	_ =	shalt  }
.Lfunc_end0:
.L_simem_size_0:
called_computation.5_lowered:
.L_overlay_start_0:
0x88: {  	s2 =	sld [smem:$0x3FD9]  }
0x89: {  	s3 =	sld [smem:$0x3FFE];
	_ =	sdelay $0x1  }
0x8a: {  	s1 =	srdreg.scid  }
0x8b: {  	s0 =	sand.u32 $0x1, s1  }
0x8c: {  	s17 =	sshll.u32 s0, $0xA;
	s2 =	sadd.s32 s3, s2  }
0x8d: {  	s2 =	sadd.s32 s2, s17  }
0x8e: {  	[smem:$0x3FB4] =	sst s2  }
0x8f: {  	_ = 	snop  }
0x90: {  	(tm) =	ssettm $0x1  }
0x91: {  	s18 =	sld [smem:$0x3FFB];
	_ =	sdelay $0x3  }
0x92: {  	_ =	strace s18  }
0x93: {  	s2 =	sld [smem:$0x3FFC];
	_ =	sdelay $0x3  }
0x94: {  	_ =	strace s2  }
0x95: {  	s2 =	sld [smem:$0x3FFD];
	_ =	sdelay $0x3  }
0x96: {  	_ =	strace s2  }
0x97: {  	_ =	strace $0x8FFFFFFF  }
0x98: {  	s19 =	sld [smem:$0x3FDB];
	_ =	sdelay $0x1  }
0x99: {  	s20 =	simm.s32 $_scs_section_size  }
0x9a: {  	s4 =	simm.s32 $_size__tile_overlayer_lowered;
	s5 =	simm.s32 $_tile_overlayer_lowered  }
0x9b: {  	s6 =	simm.s32 $0x1BFF;
	s21 =	sshll.u32 s5, $0x1;
	s3 =	sadd.s32 s20, s19  }
0x9c: {  	s22 =	simm.s32 $0x0;
	s4 =	sshll.u32 s4, $0x1;
	s5 =	sadd.s32 s21, s3  }
0x9d: {  	[timem:s22], [sflag:s6] =	dma.local [hbm:s5], s4  }
0x9e: {  	_ =	swait.ge [sflag:s6], s4  }
0x9f: {  	s4 =	ssub.s32 $0x0, s4;
	[sflag:s6] =	ssyncset.done $0x0  }
0xa0: {  	[sflag:s6] =	ssyncadd.s32 s4;
	_ =	sdelay $0x1  }
0xa1: {  	s23 =	simm.s32 $0x1B8B  }
0xa2: {  	_ =	swait.ge [sflag:s23], $0x1  }
0xa3: {  	[sflag:s23] =	ssyncset.done $0x0  }
0xa4: {  	[sflag:s23] =	ssyncadd.s32 $0xFFFFFFFF  }
0xa5: {  	s4 =	sld [smem:$0x0]  }
0xa6: {  	s5 =	sand.u32 $0xFFFFFFFE, s1  }
0xa7: {  	p0 =	sne.s32 s1, s5  }
0xa8: {  	s5 =	sshll.u32 @p0 s5, $0xE  }
0xa9: {  	s5 =	sadd.s32 @p0 $0x11B8D, s5;
	s6 =	sshll.u32 @p0 s4, $0x11  }
0xaa: {  	s5 =	sor.u32 @p0 s6, s5  }
0xab: {  	[sflag:s5] =	ssyncadd.remote.s32 @p0 $0x1;
	_ =	sdelay $0x1  }
0xac: {  	s5 =	simm.s32 @p0 $0x1B8D  }
0xad: {  	_ =	swait.eq @p0 [sflag:s5], $0x1  }
0xae: {  	[sflag:s5] =	ssyncadd.s32 @p0 $0xFFFFFFFF  }
0xaf: {  	s6 =	sshll.u32 @!p0 s1, $0xE  }
0xb0: {  	s6 =	sor.u32 @!p0 $0x4000, s6;
	s5 =	simm.s32 @!p0 $0x1B8D  }
0xb1: {  	s4 =	sshll.u32 @!p0 s4, $0x11;
	s6 =	sadd.s32 @!p0 $0x11B8D, s6;
	_ =	swait.eq @!p0 [sflag:s5], $0x1  }
0xb2: {  	s4 =	sor.u32 @!p0 s4, s6;
	[sflag:s5] =	ssyncadd.s32 @!p0 $0xFFFFFFFF  }
0xb3: {  	s25 =	simm.s32 $0x1B8E;
	s24 =	sld [smem:$0x3FFE];
	[sflag:s4] =	ssyncadd.remote.s32 @!p0 $0x1  }
0xb4: {  	s26 =	simm.s32 $execute0_lowered;
	[smem:$0x3FD2] =	sst s25  }
0xb5: {  	s5 =	sshll.u32 s26, $0x1;
	_ =	strace $0x80000055;
	[dreg:$0x1] =	wrdreg $0xFFFFFFFF  }
0xb6: {  	s28 =	simm.s32 $_size_execute0_lowered;
	s3 =	sadd.s32 s3, s5;
	[dreg:$0x0] =	wrdreg $0x0  }
0xb7: {  	s5 =	sshll.u32 s28, $0x1;
	[dreg:$0x2] =	wrdreg s3  }
0xb8: {  	[dreg:$0x3] =	wrdreg s5  }
0xb9: {  	[dreg:$0x4] =	wrdreg $0xC0  }
0xba: {  	_ =	task [dreg:s22], $0x5FFFF  }
0xbb: {  	[dreg:$0x1] =	wrdreg $0xFFFFFFFF  }
0xbc: {  	[dreg:$0x0] =	wrdreg $0x60  }
0xbd: {  	[dreg:$0x2] =	wrdreg s24  }
0xbe: {  	[dreg:$0x3] =	wrdreg $0xA  }
0xbf: {  	_ =	task.clear_ibuf [dreg:s22], $0x4FFFF;
	_ =	strace $0x90000055  }
0xc0: {  	s29 =	simm.s32 $0xA;
	_ =	strace $0x80000057  }
0xc1: {  	_ =	swait.ge [sflag:s29], $0x1  }
0xc2: {  	[sflag:s29] =	ssyncadd.s32 $0xFFFFFFFF  }
0xc3: {  	_ =	strace $0x90000057  }
0xc4: {  	_ =	sfence  }
0xc5: {  	s30 =	sld [smem:$0x0];
	_ =	sdelay $0x2  }
0xc6: {  	s31 =	sshll.u32 s1, $0xD;
	s1 =	sshrl.u32 s1, $0x2  }
0xc7: {  	s4 =	sand.u32 $0x4000, s31;
	s1 =	sadd.s32 s1, s30  }
0xc8: {  	s0 =	sor.u32 s4, s0;
	s1 =	sshll.u32 s1, $0x11  }
0xc9: {  	s0 =	sor.u32 s1, s0  }
0xca: {  	s0 =	sadd.s32 $0x8F2B, s0  }
0xcb: {  	[sflag:s0] =	ssyncadd.remote.s32 $0x1  }
0xcc: {  	_ =	sfence.sel $0xFFFF  }
0xcd: {  	[dreg:$0x0] =	wrdreg $0xFFFFFFFF;
	(pc) =	sbr.abs _section_cstart, $3  }
0xce: {  	[dreg:$0x1] =	wrdreg $0xFFFFFFFF  }
0xcf: {  	_ =	task.clear_ibuf [dreg:s22], $0x2FFFF;
	_ =	strace $0x9FFFFFFF  }
0xd0: {  	(tm) =	ssettm $0x7FFFFFFF  }
0xd1: {  	_ =	shalt  }
tec
execute0_lowered:
.L_overlay_start_1:
0x0: {  	(tag) =	ssettag $0x1  }
0x1: {  	s0 =	srdreg.scid  }
0x2: {  	s4 =	rddreg [dreg:$0x0];
	s2 =	simm.s32 $0x0;
	s3 =	sand.u32 $0x1, s0  }
0x3: {  	s8 =	simm.s32 $0x1;
	s0 =	stileid.u32;
	s1 =	sshll.u32 s3, $0x4  }
0x4: {  	s9 =	simm.s32 $0x80;
	s10 =	simm.s32 $0x400;
	s5 =	sor.u32 s0, s1  }
0x5: {  	s11 =	simm.s32 $0x0;
	[smem:$0x7FF] =	sst s2;
	s6 =	sshrl.u32 s5, $0x3  }
0x6: {  	s7 =	sshll.u32 s0, $0x7;
	s30 =	ssub.s32 $0x2, s3;
	s6 =	smul.u32 $0x14000, s6  }
0x7: {  	s3 =	sadd.s32 $0x12600, s4;
	s7 =	sand.u32 $0x380, s7;
	s5 =	smul.u32 $0x580, s5  }
0x8: {  	s1 =	rddreg [dreg:$0x1];
	_ =	strace $0x80000056;
	s6 =	sor.u32 s7, s6  }
0x9: {  	s31 =	sshrl.u32 s30, $0x1;
	s5 =	sadd.s32 s5, s4;
	s6 =	sshrl.u32 s6, $0x3  }
0xa: {  	s7 =	ssub.s32 s30, s31;
	s6 =	sadd.s32 s6, s4;
	s4 =	sadd.s32 $0x9FE00, s5  }
0xb: {  	v0 =	vimm.f32 $1.000000000e+00;
	s5 =	sadd.s32 $0xAAE00, s6;
	s6 =	smax.u32 s7, $0x1;
	s7 =	simm.s32 $0x2C00  }
.LBB2_1:
0xc: {  	[tilespmem:s7], [sflag:$0x1] =	stream.linear.gather [hbm4b:s3+s2], $0x2800, $0x38;
	[tilespmem:$0x5400] =	vst v63  }
0xd: {  	_ =	swait.ge [sflag:s8], $0x2800  }
0xe: {  	[sflag:s8] =	ssyncset.done $0x0  }
0xf: {  	[sflag:s8] =	ssyncadd.s32 $0xFFFFD800  }
0x10: {  	[tilespmem:s2], [sflag:$0x1] =	stream.linear.gather [hbm4b:s4+s2], $0x2880, $0x38;
	[tilespmem:$0x5400] =	vst v63  }
0x11: {  	s12 =	sand.u32 $0xFE00, s2;
	_ =	swait.ge [sflag:s8], $0x2880  }
0x12: {  	s13 =	sand.u32 $0x70, s2;
	s12 =	sshrl.u32 s12, $0x2;
	[sflag:s8] =	ssyncset.done $0x0  }
0x13: {  	s12 =	sor.u32 s13, s12;
	[sflag:s8] =	ssyncadd.s32 $0xFFFFD780  }
0x14: {  	v1 =	vld [tilespmem:s12+$0x0];
	_ =	sdelay $0x4  }
0x15: {  	s14 =	simm.s32 $0x40  }
0x16: {  	s14 =	sand.u32 $0xFE00, s14;
	s13 =	simm.s32 $0x80;
	s12 =	simm.s32 $0x10  }
.LBB2_2:
0x17: {  	p0 =	sne.s32 s13, $0xA1C0;
	s15 =	sand.u32 $0x70, s12;
	s14 =	sshrl.u32 s14, $0x2  }
0x18: {  	s14 =	sor.u32 s15, s14;
	[tilespmem:v1+s7+$0x0] =	vst.idx.add.f32.msk $0xffff, v0  }
0x19: {  	v1 =	vld [tilespmem:s14+$0x0];
	_ =	sdelay $0x1  }
.Ltmp0:
0x1a: {  	(pc) =	sbr.rel @p0 .LBB2_2-.Ltmp0, $2  }
0x1b: {  	_ =	sdelay $0x2  }
0x1c: {  	s12 =	sadd.s32 $0x10, s12;
	s14 =	sand.u32 $0xFE00, s13;
	s13 =	sadd.s32 $0x40, s13  }
0x1d: {  	_ =	sdelay $0x2  }
0x1e: {  	s12 =	sand.u32 $0x70, s12;
	s13 =	sshrl.u32 s14, $0x2  }
0x1f: {  	[tilespmem:v1+s7+$0x0] =	vst.idx.add.f32.msk $0xffff, v0;
	s12 =	sor.u32 s12, s13  }
0x20: {  	v1 =	vld [tilespmem:s12+$0x0];
	_ =	sdelay $0x5  }
0x21: {  	s11 =	sadd.s32 $0x1, s11  }
0x22: {  	p0 =	sne.s32 s11, s6  }
.Ltmp1:
0x23: {  	[tilespmem:v1+s7+$0x0] =	vst.idx.add.f32.msk $0xffff, v0;
	(pc) =	sbr.rel @p0 .LBB2_1-.Ltmp1, $4  }
0x24: {  	[hbm4b:s5+s9] =	stream.strided.scatter [tilespmem:s7], [sflag:$0x1], $0x2800, s10, s9, $0x38;
	[tilespmem:$0x5400] =	vst v63  }
0x25: {  	_ =	swait.ge [sflag:s8], $0x2800  }
0x26: {  	[sflag:s8] =	ssyncset.done $0x0  }
0x27: {  	[sflag:s8] =	ssyncadd.s32 $0xFFFFD800  }
0x28: {  	_ =	sfence.sel $0x180000  }
0x29: {  	[bflag:$0x0] =	sbarrier.arrive $0xFFFF  }
0x2a: {  	p0 =	sne.s32 s0, $0x0;
	_ =	strace $0x90000056  }
0x2b: {  	s0 =	sadd.s32 @!p0 $0x100000, s1;
	[bflag:$0x2] =	sbarrier.arrive $0xFFFF  }
0x2c: {  	[sflag:s0] =	ssyncadd.tile.s32 @!p0 $0x1;
	_ =	shalt  }
.Lfunc_end2:
_tile_overlayer_lowered:
.L_overlay_start_2:
0x2d: {  	(tag) =	ssettag $0x2  }
0x2e: {  	s0 =	rddreg [dreg:$0x0];
	s2 =	stileid.u32  }
0x2f: {  	s1 =	rddreg [dreg:$0x1];
	p0 =	sne.s32 s2, $0x0  }
0x30: {  	s3 =	rddreg [dreg:$0x2];
	[bflag:$0x3] =	sbarrier.arrive $0xFFFF;
	s2 =	simm.s32 @!p0 $0x1C01  }
0x31: {  	[timem:s3], [sflag:s2] =	dma.local @!p0 [hbm:s0], s1  }
0x32: {  	s0 =	simm.s32 @!p0 $0x1  }
0x33: {  	_ =	swait.ge @!p0 [sflag:s0], s1  }
0x34: {  	s1 =	ssub.s32 @!p0 $0x0, s1;
	[sflag:s0] =	ssyncset.done @!p0 $0x0  }
0x35: {  	[sflag:s0] =	ssyncadd.s32 @!p0 s1  }
0x36: {  	[bflag:$0x3] =	sbarrier.arrive $0xFFFF  }
0x37: {  	_ =	shalt  }

// kernel: kernel.39.cloned.1.call-start
scs
__scs_entry_jumppad:
0x0: {  	(pc) =	sbr.rel $0x88, $3  }
0x1: {  	(tag) =	ssettag $0x0;
	lr =	simm.s32 $0x1  }
0x2: {  	[smem:$0x3F8D] =	sst lr;
	_ =	strace $0xD0000000  }
0x3: {  	_ = 	snop  }
0x4: {  	_ = 	snop  }
0x5: {  	_ = 	snop  }
0x6: {  	_ = 	snop  }
0x7: {  	_ = 	snop  }
__scs_overlays_trampoline_lowered:
0x8: {  	[smem:$0x3F9C] =	sst s0  }
0x9: {  	[smem:$0x3F9D] =	sst s1  }
0xa: {  	[smem:$0x3F9E] =	sst s2  }
0xb: {  	[smem:$0x3F9F] =	sst s3  }
0xc: {  	[smem:$0x3FA0] =	sst s4  }
0xd: {  	[smem:$0x3FA1] =	sst s5  }
0xe: {  	[smem:$0x3FA2] =	sst s6  }
0xf: {  	[smem:$0x3FA3] =	sst s7  }
0x10: {  	[smem:$0x3FA4] =	sst s8  }
0x11: {  	[smem:$0x3FA5] =	sst s9;
	s0 =	simm.s32 @!p0 $0x0  }
0x12: {  	s1 =	sld [smem:$0x3F8B];
	s0 =	simm.s32 @p0 $0x1  }
0x13: {  	[smem:$0x3FA6] =	sst s0;
	s0 =	simm.s32 @!p1 $0x0  }
0x14: {  	s2 =	sld [smem:$0x3F8A];
	s0 =	simm.s32 @p1 $0x1  }
0x15: {  	[smem:$0x3FA7] =	sst s0;
	s0 =	simm.s32 @!p2 $0x0  }
0x16: {  	s3 =	sld [smem:$0x3FDB];
	s0 =	simm.s32 @p2 $0x1  }
0x17: {  	s4 =	simm.s32 $0x1BF5;
	[smem:$0x3FA9] =	sst s0  }
0x18: {  	s0 =	sld [smem:$0x3F8C];
	_ =	swait.ge [sflag:s4], $0x0  }
0x19: {  	s7 =	sld [smem:$0x3F8D]  }
0x1a: {  	s8 =	sadd.s32 $0xFFFFE003, lr  }
0x1b: {  	s9 =	sadd.s32 $0xFFFFFEF7, lr;
	s5 =	simm.s32 $0xFFFFFFFF;
	p2 =	slt.u32 s8, $0xFFFFF086  }
0x1c: {  	p1 =	slt.u32 s9, $0xF7A;
	s5 =	simm.s32 @!p2 $0x0  }
0x1d: {  	s5 =	simm.s32 @p1 $0x1;
	p0 =	seq.s32 s7, s2  }
0x1e: {  	s7 =	smul.u32 @!p0 $0xF7A, s2;
	p2 =	seq.s32 @!p0 s5, $0x0  }
0x1f: {  	s9 =	smul.u32 $0xF7A, s1;
	s8 =	simm.s32 @!p0 $0x1BF5;
	p2 =	por !p2, p0  }
0x20: {  	[sflag:s8] =	ssyncset.s32 @!p0 $0xFFFFF086;
	s6 =	sadd.s32 @!p0 s3, s7;
	s7 =	simm.s32 @!p0 $0x108  }
0x21: {  	s3 =	sadd.s32 s3, s9;
	s6 =	sadd.s32 @!p0 $0x88, s6;
	s7 =	simm.s32 @p2 $0x1082  }
0x22: {  	[simem:s7], [sflag:s8] =	dma.local @!p0 [hbm:s6], $0xF7A  }
0x23: {  	s9 =	sor.u32 $0xD0000000, s2;
	s6 =	simm.s32 $0x108;
	_ =	swait.ge @!p0 [sflag:s8], $0x0  }
0x24: {  	s3 =	sadd.s32 $0x88, s3;
	s6 =	simm.s32 @!p1 $0x1082;
	[sflag:s4] =	ssyncset.s32 $0xFFFFF086  }
0x25: {  	[simem:s6], [sflag:s4] =	dma.local [hbm:s3], $0xF7A  }
0x26: {  	[smem:$0x3F8D] =	sst s1;
	(tag) =	ssettag s2;
	_ =	strace s9  }
0x27: {  	s1 =	sld [smem:$0x3F9D]  }
0x28: {  	s2 =	sld [smem:$0x3F9E]  }
0x29: {  	s4 =	sld [smem:$0x3FA0]  }
0x2a: {  	p0 =	seq.s32 s5, $0x0;
	s5 =	sld [smem:$0x3FA1]  }
0x2b: {  	s6 =	sld [smem:$0x3FA2]  }
0x2c: {  	s7 =	sld [smem:$0x3FA3]  }
0x2d: {  	s3 =	simm.s32 $0x108;
	s8 =	sld [smem:$0x3FA4]  }
0x2e: {  	s3 =	simm.s32 @!p0 $0x1082;
	s9 =	sld [smem:$0x3FA5]  }
0x2f: {  	lr =	sadd.s32 s0, s3;
	s0 =	sld [smem:$0x3F9C]  }
0x30: {  	s3 =	sld [smem:$0x3F9F]  }
0x31: {  	[smem:$0x3FA8] =	sst s10  }
0x32: {  	s10 =	sld [smem:$0x3FA6];
	_ =	sdelay $0x3  }
0x33: {  	p0 =	seq.s32 s10, $0x1;
	s10 =	sld [smem:$0x3FA8];
	_ =	sdelay $0x3  }
0x34: {  	[smem:$0x3FA8] =	sst s10  }
0x35: {  	s10 =	sld [smem:$0x3FA7];
	_ =	sdelay $0x3  }
0x36: {  	p1 =	seq.s32 s10, $0x1;
	s10 =	sld [smem:$0x3FA8];
	_ =	sdelay $0x3  }
0x37: {  	[smem:$0x3FA8] =	sst s10  }
0x38: {  	s10 =	sld [smem:$0x3FA9]  }
0x39: {  	_ = 	snop;
	(pc) =	sbr.ind lr, $3  }
0x3a: {  	_ = 	snop  }
0x3b: {  	_ = 	snop  }
0x3c: {  	p2 =	seq.s32 s10, $0x1;
	s10 =	sld [smem:$0x3FA8]  }
0x3d: {  	_ =	shalt  }
0x3e: {  	_ =	shalt  }
0x3f: {  	_ =	shalt  }
0x40: {  	_ =	shalt  }
0x41: {  	_ =	shalt  }
0x42: {  	_ =	shalt  }
0x43: {  	_ =	shalt  }
0x44: {  	_ =	shalt  }
0x45: {  	_ =	shalt  }
0x46: {  	_ =	shalt  }
0x47: {  	_ =	shalt  }
0x48: {  	_ =	shalt  }
0x49: {  	_ =	shalt  }
0x4a: {  	_ =	shalt  }
0x4b: {  	_ =	shalt  }
0x4c: {  	_ =	shalt  }
0x4d: {  	_ =	shalt  }
0x4e: {  	_ =	shalt  }
0x4f: {  	_ =	shalt  }
0x50: {  	_ =	shalt  }
0x51: {  	_ =	shalt  }
0x52: {  	_ =	shalt  }
0x53: {  	_ =	shalt  }
0x54: {  	_ =	shalt  }
0x55: {  	_ =	shalt  }
0x56: {  	_ =	shalt  }
0x57: {  	_ =	shalt  }
0x58: {  	_ =	shalt  }
0x59: {  	_ =	shalt  }
0x5a: {  	_ =	shalt  }
0x5b: {  	_ =	shalt  }
0x5c: {  	_ =	shalt  }
0x5d: {  	_ =	shalt  }
0x5e: {  	_ =	shalt  }
0x5f: {  	_ =	shalt  }
0x60: {  	_ =	shalt  }
0x61: {  	_ =	shalt  }
0x62: {  	_ =	shalt  }
0x63: {  	_ =	shalt  }
0x64: {  	_ =	shalt  }
0x65: {  	_ =	shalt  }
0x66: {  	_ =	shalt  }
0x67: {  	_ =	shalt  }
0x68: {  	_ =	shalt  }
0x69: {  	_ =	shalt  }
0x6a: {  	_ =	shalt  }
0x6b: {  	_ =	shalt  }
0x6c: {  	_ =	shalt  }
0x6d: {  	_ =	shalt  }
0x6e: {  	_ =	shalt  }
0x6f: {  	_ =	shalt  }
0x70: {  	_ =	shalt  }
0x71: {  	_ =	shalt  }
0x72: {  	_ =	shalt  }
0x73: {  	_ =	shalt  }
0x74: {  	_ =	shalt  }
0x75: {  	_ =	shalt  }
0x76: {  	_ =	shalt  }
0x77: {  	_ =	shalt  }
0x78: {  	_ =	shalt  }
0x79: {  	_ =	shalt  }
0x7a: {  	_ =	shalt  }
0x7b: {  	_ =	shalt  }
0x7c: {  	_ =	shalt  }
0x7d: {  	_ =	shalt  }
0x7e: {  	_ =	shalt  }
0x7f: {  	_ =	shalt  }
0x80: {  	_ =	shalt  }
0x81: {  	_ =	shalt  }
0x82: {  	_ =	shalt  }
0x83: {  	_ =	shalt  }
0x84: {  	_ =	shalt  }
0x85: {  	_ =	shalt  }
0x86: {  	_ =	shalt  }
0x87: {  	_ =	shalt  }
.Lfunc_end0:
.L_simem_size_0:
called_computation.6_lowered:
.L_overlay_start_0:
0x88: {  	s2 =	sld [smem:$0x3FD9]  }
0x89: {  	s3 =	sld [smem:$0x3FFE];
	_ =	sdelay $0x1  }
0x8a: {  	s1 =	srdreg.scid  }
0x8b: {  	s0 =	sand.u32 $0x1, s1  }
0x8c: {  	s17 =	sshll.u32 s0, $0xA;
	s2 =	sadd.s32 s3, s2  }
0x8d: {  	s2 =	sadd.s32 s2, s17  }
0x8e: {  	[smem:$0x3FB4] =	sst s2  }
0x8f: {  	_ = 	snop  }
0x90: {  	s2 =	sld [smem:$0x3FD0];
	(tm) =	ssettm $0x1  }
0x91: {  	s18 =	sld [smem:$0x3FFB];
	_ =	sdelay $0x3  }
0x92: {  	_ =	strace s18  }
0x93: {  	s3 =	sld [smem:$0x3FFC];
	_ =	sdelay $0x3  }
0x94: {  	_ =	strace s3  }
0x95: {  	s3 =	sld [smem:$0x3FFD];
	_ =	sdelay $0x3  }
0x96: {  	_ =	strace s3  }
0x97: {  	_ =	strace $0x8FFFFFFF  }
0x98: {  	s19 =	sld [smem:$0x3FDB];
	_ =	sdelay $0x1  }
0x99: {  	s4 =	simm.s32 $_scs_section_size  }
0x9a: {  	s5 =	simm.s32 $_size__tile_overlayer_lowered;
	s6 =	simm.s32 $_tile_overlayer_lowered  }
0x9b: {  	s22 =	simm.s32 $0x1BFF;
	s21 =	sshll.u32 s6, $0x1;
	s3 =	sadd.s32 s4, s19  }
0x9c: {  	s7 =	simm.s32 $0x0;
	s20 =	sshll.u32 s5, $0x1;
	s5 =	sadd.s32 s21, s3  }
0x9d: {  	[timem:s7], [sflag:s22] =	dma.local [hbm:s5], s20  }
0x9e: {  	_ =	swait.ge [sflag:s22], s20  }
0x9f: {  	s4 =	ssub.s32 $0x0, s20;
	[sflag:s22] =	ssyncset.done $0x0  }
0xa0: {  	[sflag:s22] =	ssyncadd.s32 s4;
	_ =	sdelay $0x1  }
0xa1: {  	s23 =	simm.s32 $0x1B8B  }
0xa2: {  	_ =	swait.ge [sflag:s23], $0x1  }
0xa3: {  	[sflag:s23] =	ssyncset.done $0x0  }
0xa4: {  	s25 =	simm.s32 $0x1B8E;
	s24 =	sld [smem:$0x3FFE];
	[sflag:s23] =	ssyncadd.s32 $0xFFFFFFFF  }
0xa5: {  	s26 =	simm.s32 $execute0_lowered;
	[smem:$0x3FD2] =	sst s25  }
0xa6: {  	s5 =	sshll.u32 s26, $0x1;
	_ =	strace $0x80000058;
	[dreg:$0x1] =	wrdreg $0xFFFFFFFF  }
0xa7: {  	s28 =	simm.s32 $_size_execute0_lowered;
	s3 =	sadd.s32 s3, s5;
	[dreg:$0x0] =	wrdreg $0x0  }
0xa8: {  	s5 =	sshll.u32 s28, $0x1;
	[dreg:$0x2] =	wrdreg s3  }
0xa9: {  	[dreg:$0x3] =	wrdreg s5  }
0xaa: {  	[dreg:$0x4] =	wrdreg $0xC0  }
0xab: {  	_ =	task [dreg:s7], $0x5FFFF  }
0xac: {  	[dreg:$0x1] =	wrdreg $0xFFFFFFFF  }
0xad: {  	[dreg:$0x0] =	wrdreg $0x60  }
0xae: {  	[dreg:$0x2] =	wrdreg s24  }
0xaf: {  	[dreg:$0x3] =	wrdreg s2  }
0xb0: {  	[dreg:$0x4] =	wrdreg $0x98000  }
0xb1: {  	[dreg:$0x5] =	wrdreg $0x9  }
0xb2: {  	_ =	task.clear_ibuf [dreg:s7], $0x6FFFF;
	_ =	strace $0x90000058  }
0xb3: {  	s29 =	simm.s32 $0x9;
	_ =	strace $0x8000005A  }
0xb4: {  	_ =	swait.ge [sflag:s29], $0x1  }
0xb5: {  	[sflag:s29] =	ssyncadd.s32 $0xFFFFFFFF  }
0xb6: {  	_ =	strace $0x9000005A  }
0xb7: {  	_ =	sfence  }
0xb8: {  	s30 =	sld [smem:$0x0];
	_ =	sdelay $0x2  }
0xb9: {  	s31 =	sshll.u32 s1, $0xD;
	s1 =	sshrl.u32 s1, $0x2  }
0xba: {  	s3 =	sand.u32 $0x4000, s31;
	s1 =	sadd.s32 s1, s30  }
0xbb: {  	s0 =	sor.u32 s3, s0;
	s1 =	sshll.u32 s1, $0x11  }
0xbc: {  	s0 =	sor.u32 s1, s0  }
0xbd: {  	s0 =	sadd.s32 $0x8F2B, s0  }
0xbe: {  	[sflag:s0] =	ssyncadd.remote.s32 $0x1  }
0xbf: {  	_ =	sfence.sel $0xFFFF  }
0xc0: {  	[dreg:$0x0] =	wrdreg $0xFFFFFFFF;
	(pc) =	sbr.abs _section_cstart, $3  }
0xc1: {  	[dreg:$0x1] =	wrdreg $0xFFFFFFFF  }
0xc2: {  	_ =	task.clear_ibuf [dreg:s7], $0x2FFFF;
	_ =	strace $0x9FFFFFFF  }
0xc3: {  	(tm) =	ssettm $0x7FFFFFFF  }
tec
execute0_lowered:
.L_overlay_start_1:
0x0: {  	(tag) =	ssettag $0x1  }
0x1: {  	s6 =	rddreg [dreg:$0x0]  }
0x2: {  	s1 =	rddreg [dreg:$0x1]  }
0x3: {  	s2 =	rddreg [dreg:$0x2]  }
0x4: {  	s3 =	srdreg.scid;
	s0 =	rddreg [dreg:$0x3];
	s4 =	simm.s32 $0x0  }
0x5: {  	s14 =	simm.s32 $0x80;
	s15 =	simm.s32 $0x5800;
	s7 =	sand.u32 $0x1, s3  }
0x6: {  	s16 =	simm.s32 $0x1;
	s3 =	stileid.u32;
	s8 =	smul.u32 $0x140000, s7  }
0x7: {  	s17 =	simm.s32 $0x0;
	[smem:$0x7FF] =	sst s4;
	s9 =	smul.u32 $0x14000, s3  }
0x8: {  	s5 =	sshll.u32 s7, $0x4;
	_ =	strace $0x80000059;
	s28 =	smul.u32 $0x50000, s3  }
0x9: {  	s7 =	ssub.s32 $0x2, s7;
	s31 =	sshll.u32 s3, $0x6;
	s5 =	sor.u32 s3, s5  }
0xa: {  	s29 =	sshrl.u32 s7, $0x1;
	s10 =	smul.u32 $0x580, s5;
	s5 =	sadd.s32 $0x1CC00, s6  }
0xb: {  	s8 =	sadd.s32 s9, s8;
	s30 =	sshrl.u32 s28, $0x2;
	s12 =	ssub.s32 s7, s29  }
0xc: {  	s8 =	sshrl.u32 s8, $0x3;
	s13 =	sadd.s32 s30, s2;
	s10 =	sadd.s32 s10, s6  }
0xd: {  	s11 =	sadd.s32 s8, s6;
	s6 =	sor.u32 $0x1C02, s31;
	s7 =	sadd.s32 $0xB4E00, s10  }
0xe: {  	s8 =	sadd.s32 $0x9FE00, s10;
	s9 =	sadd.s32 $0xBFE00, s11;
	s10 =	smax.u32 s12, $0x1  }
0xf: {  	s11 =	sshrl.u32 s13, $0x3;
	s12 =	simm.s32 $0x2;
	s13 =	simm.s32 $0x2C00  }
.LBB2_1:
0x10: {  	[spmem:s11], [sflag:s6] =	dma.local [hbm:s1], $0x2800  }
0x11: {  	_ =	swait.ge [sflag:s12], $0x2800  }
0x12: {  	[sflag:s12] =	ssyncset.done $0x0  }
0x13: {  	[sflag:s12] =	ssyncadd.s32 $0xFFFFD800  }
0x14: {  	[tilespmem:s4], [sflag:$0x2] =	stream.linear.gather [hbm4b:s7+s4], $0x2880, $0x38;
	[tilespmem:$0x1D800] =	vst v63  }
0x15: {  	_ =	swait.ge [sflag:s12], $0x2880  }
0x16: {  	[sflag:s12] =	ssyncset.done $0x0  }
0x17: {  	[sflag:s12] =	ssyncadd.s32 $0xFFFFD780  }
0x18: {  	[tilespmem:s13], [sflag:$0x2] =	stream.linear.gather [hbm4b:s8+s4], $0x2880, $0x38;
	[tilespmem:$0x1D800] =	vst v63  }
0x19: {  	_ =	swait.ge [sflag:s12], $0x2880  }
0x1a: {  	[sflag:s12] =	ssyncset.done $0x0  }
0x1b: {  	[sflag:s12] =	ssyncadd.s32 $0xFFFFD780  }
0x1c: {  	s18 =	simm.s32 $0x0;
	[bflag:$0x0] =	sbarrier.arrive $0xFFFF  }
0x1d: {  	[tilespmem:s15], [sflag:$0x1] =	stream.indirect.gather [hbm4b:s5+s14], $0x80, s18, s14, $0xb8;
	[tilespmem:$0x1D800] =	vst v63  }
0x1e: {  	_ =	swait.ge [sflag:s16], $0x4000  }
0x1f: {  	[sflag:s16] =	ssyncset.done $0x0  }
0x20: {  	s31 =	simm.s32 $0x2C00;
	[sflag:s16] =	ssyncadd.s32 $0xFFFFC000  }
0x21: {  	[spmem:s2] =	stream.indirect.scatter.add.f32 [tilespmem:s15], [sflag:$0x2], $0x80, s31, s14, $0xb8;
	[tilespmem:$0x1D800] =	vst v63  }
0x22: {  	_ =	swait.ge [sflag:s12], $0x4000  }
0x23: {  	s19 =	simm.s32 $0x400;
	s18 =	simm.s32 $0x200;
	[sflag:s12] =	ssyncset.done $0x0  }
.LBB2_2:
0x24: {  	s20 =	sshra.s32 s18, $0x2  }
0x25: {  	[sflag:s12] =	ssyncadd.s32 $0xFFFFC000;
	s18 =	smov.u32 s19;
	s21 =	sadd.s32 $0x200, s19  }
0x26: {  	[tilespmem:s15], [sflag:$0x1] =	stream.indirect.gather [hbm4b:s5+s14], $0x80, s20, s14, $0xb8;
	[tilespmem:$0x1D800] =	vst v63  }
0x27: {  	p0 =	sne.s32 s19, $0xA000;
	_ =	swait.ge [sflag:s16], $0x4000  }
.Ltmp0:
0x28: {  	[sflag:s16] =	ssyncset.done $0x0;
	(pc) =	sbr.rel @p0 .LBB2_2-.Ltmp0, $4  }
0x29: {  	s19 =	sadd.s32 $0x2C00, s20;
	[sflag:s16] =	ssyncadd.s32 $0xFFFFC000  }
0x2a: {  	[spmem:s2] =	stream.indirect.scatter.add.f32 [tilespmem:s15], [sflag:$0x2], $0x80, s19, s14, $0xb8;
	[tilespmem:$0x1D800] =	vst v63  }
0x2b: {  	_ =	swait.ge [sflag:s12], $0x4000  }
0x2c: {  	s19 =	smov.u32 s21;
	[sflag:s12] =	ssyncset.done $0x0  }
0x2d: {  	s18 =	sshra.s32 s18, $0x2;
	[sflag:s12] =	ssyncadd.s32 $0xFFFFC000  }
0x2e: {  	[tilespmem:s15], [sflag:$0x1] =	stream.indirect.gather [hbm4b:s5+s14], $0x80, s18, s14, $0xb8;
	[tilespmem:$0x1D800] =	vst v63  }
0x2f: {  	_ =	swait.ge [sflag:s16], $0x4000  }
0x30: {  	[sflag:s16] =	ssyncset.done $0x0  }
0x31: {  	s18 =	sadd.s32 $0x2C00, s18;
	[sflag:s16] =	ssyncadd.s32 $0xFFFFC000  }
0x32: {  	[spmem:s2] =	stream.indirect.scatter.add.f32 [tilespmem:s15], [sflag:$0x2], $0x80, s18, s14, $0xb8;
	[tilespmem:$0x1D800] =	vst v63  }
0x33: {  	_ =	swait.ge [sflag:s12], $0x4000  }
0x34: {  	s17 =	sadd.s32 $0x1, s17;
	[sflag:s12] =	ssyncset.done $0x0  }
0x35: {  	p0 =	sne.s32 s17, s10;
	[sflag:s12] =	ssyncadd.s32 $0xFFFFC000  }
.Ltmp1:
0x36: {  	[bflag:$0x0] =	sbarrier.arrive $0xFFFF;
	(pc) =	sbr.rel @p0 .LBB2_1-.Ltmp1, $4  }
0x37: {  	[hbm:s9], [sflag:s6] =	dma.local [spmem:s11], $0x2800  }
0x38: {  	_ =	swait.ge [sflag:s12], $0x2800  }
0x39: {  	[sflag:s12] =	ssyncset.done $0x0  }
0x3a: {  	[sflag:s12] =	ssyncadd.s32 $0xFFFFD800  }
0x3b: {  	_ =	sfence.sel $0x180000  }
0x3c: {  	[bflag:$0x0] =	sbarrier.arrive $0xFFFF  }
0x3d: {  	p0 =	sne.s32 s3, $0x0;
	_ =	strace $0x90000059  }
0x3e: {  	s0 =	sadd.s32 @!p0 $0x100000, s0;
	[bflag:$0x2] =	sbarrier.arrive $0xFFFF  }
0x3f: {  	[sflag:s0] =	ssyncadd.tile.s32 @!p0 $0x1;
	_ =	shalt  }
.Lfunc_end2:
_tile_overlayer_lowered:
.L_overlay_start_2:
0x40: {  	(tag) =	ssettag $0x2  }
0x41: {  	s0 =	rddreg [dreg:$0x0];
	s2 =	stileid.u32  }
0x42: {  	s1 =	rddreg [dreg:$0x1];
	p0 =	sne.s32 s2, $0x0  }
0x43: {  	s3 =	rddreg [dreg:$0x2];
	[bflag:$0x3] =	sbarrier.arrive $0xFFFF;
	s2 =	simm.s32 @!p0 $0x1C02  }
0x44: {  	[timem:s3], [sflag:s2] =	dma.local @!p0 [hbm:s0], s1  }
0x45: {  	s0 =	simm.s32 @!p0 $0x2  }
0x46: {  	_ =	swait.ge @!p0 [sflag:s0], s1  }
0x47: {  	s1 =	ssub.s32 @!p0 $0x0, s1;
	[sflag:s0] =	ssyncset.done @!p0 $0x0  }
0x48: {  	[sflag:s0] =	ssyncadd.s32 @!p0 s1  }
0x49: {  	[bflag:$0x3] =	sbarrier.arrive $0xFFFF  }
0x4a: {  	_ =	shalt  }

// kernel: kernel.42.cloned.1.call-start
scs
__scs_entry_jumppad:
0x0: {  	(pc) =	sbr.rel $0x88, $3  }
0x1: {  	(tag) =	ssettag $0x0;
	lr =	simm.s32 $0x1  }
0x2: {  	[smem:$0x3F8D] =	sst lr;
	_ =	strace $0xD0000000  }
0x3: {  	_ = 	snop  }
0x4: {  	_ = 	snop  }
0x5: {  	_ = 	snop  }
0x6: {  	_ = 	snop  }
0x7: {  	_ = 	snop  }
__scs_overlays_trampoline_lowered:
0x8: {  	[smem:$0x3F9C] =	sst s0  }
0x9: {  	[smem:$0x3F9D] =	sst s1  }
0xa: {  	[smem:$0x3F9E] =	sst s2  }
0xb: {  	[smem:$0x3F9F] =	sst s3  }
0xc: {  	[smem:$0x3FA0] =	sst s4  }
0xd: {  	[smem:$0x3FA1] =	sst s5  }
0xe: {  	[smem:$0x3FA2] =	sst s6  }
0xf: {  	[smem:$0x3FA3] =	sst s7  }
0x10: {  	[smem:$0x3FA4] =	sst s8  }
0x11: {  	[smem:$0x3FA5] =	sst s9;
	s0 =	simm.s32 @!p0 $0x0  }
0x12: {  	s1 =	sld [smem:$0x3F8B];
	s0 =	simm.s32 @p0 $0x1  }
0x13: {  	[smem:$0x3FA6] =	sst s0;
	s0 =	simm.s32 @!p1 $0x0  }
0x14: {  	s2 =	sld [smem:$0x3F8A];
	s0 =	simm.s32 @p1 $0x1  }
0x15: {  	[smem:$0x3FA7] =	sst s0;
	s0 =	simm.s32 @!p2 $0x0  }
0x16: {  	s3 =	sld [smem:$0x3FDB];
	s0 =	simm.s32 @p2 $0x1  }
0x17: {  	s4 =	simm.s32 $0x1BF5;
	[smem:$0x3FA9] =	sst s0  }
0x18: {  	s0 =	sld [smem:$0x3F8C];
	_ =	swait.ge [sflag:s4], $0x0  }
0x19: {  	s7 =	sld [smem:$0x3F8D]  }
0x1a: {  	s8 =	sadd.s32 $0xFFFFE003, lr  }
0x1b: {  	s9 =	sadd.s32 $0xFFFFFEF7, lr;
	s5 =	simm.s32 $0xFFFFFFFF;
	p2 =	slt.u32 s8, $0xFFFFF086  }
0x1c: {  	p1 =	slt.u32 s9, $0xF7A;
	s5 =	simm.s32 @!p2 $0x0  }
0x1d: {  	s5 =	simm.s32 @p1 $0x1;
	p0 =	seq.s32 s7, s2  }
0x1e: {  	s7 =	smul.u32 @!p0 $0xF7A, s2;
	p2 =	seq.s32 @!p0 s5, $0x0  }
0x1f: {  	s9 =	smul.u32 $0xF7A, s1;
	s8 =	simm.s32 @!p0 $0x1BF5;
	p2 =	por !p2, p0  }
0x20: {  	[sflag:s8] =	ssyncset.s32 @!p0 $0xFFFFF086;
	s6 =	sadd.s32 @!p0 s3, s7;
	s7 =	simm.s32 @!p0 $0x108  }
0x21: {  	s3 =	sadd.s32 s3, s9;
	s6 =	sadd.s32 @!p0 $0x88, s6;
	s7 =	simm.s32 @p2 $0x1082  }
0x22: {  	[simem:s7], [sflag:s8] =	dma.local @!p0 [hbm:s6], $0xF7A  }
0x23: {  	s9 =	sor.u32 $0xD0000000, s2;
	s6 =	simm.s32 $0x108;
	_ =	swait.ge @!p0 [sflag:s8], $0x0  }
0x24: {  	s3 =	sadd.s32 $0x88, s3;
	s6 =	simm.s32 @!p1 $0x1082;
	[sflag:s4] =	ssyncset.s32 $0xFFFFF086  }
0x25: {  	[simem:s6], [sflag:s4] =	dma.local [hbm:s3], $0xF7A  }
0x26: {  	[smem:$0x3F8D] =	sst s1;
	(tag) =	ssettag s2;
	_ =	strace s9  }
0x27: {  	s1 =	sld [smem:$0x3F9D]  }
0x28: {  	s2 =	sld [smem:$0x3F9E]  }
0x29: {  	s4 =	sld [smem:$0x3FA0]  }
0x2a: {  	p0 =	seq.s32 s5, $0x0;
	s5 =	sld [smem:$0x3FA1]  }
0x2b: {  	s6 =	sld [smem:$0x3FA2]  }
0x2c: {  	s7 =	sld [smem:$0x3FA3]  }
0x2d: {  	s3 =	simm.s32 $0x108;
	s8 =	sld [smem:$0x3FA4]  }
0x2e: {  	s3 =	simm.s32 @!p0 $0x1082;
	s9 =	sld [smem:$0x3FA5]  }
0x2f: {  	lr =	sadd.s32 s0, s3;
	s0 =	sld [smem:$0x3F9C]  }
0x30: {  	s3 =	sld [smem:$0x3F9F]  }
0x31: {  	[smem:$0x3FA8] =	sst s10  }
0x32: {  	s10 =	sld [smem:$0x3FA6];
	_ =	sdelay $0x3  }
0x33: {  	p0 =	seq.s32 s10, $0x1;
	s10 =	sld [smem:$0x3FA8];
	_ =	sdelay $0x3  }
0x34: {  	[smem:$0x3FA8] =	sst s10  }
0x35: {  	s10 =	sld [smem:$0x3FA7];
	_ =	sdelay $0x3  }
0x36: {  	p1 =	seq.s32 s10, $0x1;
	s10 =	sld [smem:$0x3FA8];
	_ =	sdelay $0x3  }
0x37: {  	[smem:$0x3FA8] =	sst s10  }
0x38: {  	s10 =	sld [smem:$0x3FA9]  }
0x39: {  	_ = 	snop;
	(pc) =	sbr.ind lr, $3  }
0x3a: {  	_ = 	snop  }
0x3b: {  	_ = 	snop  }
0x3c: {  	p2 =	seq.s32 s10, $0x1;
	s10 =	sld [smem:$0x3FA8]  }
0x3d: {  	_ =	shalt  }
0x3e: {  	_ =	shalt  }
0x3f: {  	_ =	shalt  }
0x40: {  	_ =	shalt  }
0x41: {  	_ =	shalt  }
0x42: {  	_ =	shalt  }
0x43: {  	_ =	shalt  }
0x44: {  	_ =	shalt  }
0x45: {  	_ =	shalt  }
0x46: {  	_ =	shalt  }
0x47: {  	_ =	shalt  }
0x48: {  	_ =	shalt  }
0x49: {  	_ =	shalt  }
0x4a: {  	_ =	shalt  }
0x4b: {  	_ =	shalt  }
0x4c: {  	_ =	shalt  }
0x4d: {  	_ =	shalt  }
0x4e: {  	_ =	shalt  }
0x4f: {  	_ =	shalt  }
0x50: {  	_ =	shalt  }
0x51: {  	_ =	shalt  }
0x52: {  	_ =	shalt  }
0x53: {  	_ =	shalt  }
0x54: {  	_ =	shalt  }
0x55: {  	_ =	shalt  }
0x56: {  	_ =	shalt  }
0x57: {  	_ =	shalt  }
0x58: {  	_ =	shalt  }
0x59: {  	_ =	shalt  }
0x5a: {  	_ =	shalt  }
0x5b: {  	_ =	shalt  }
0x5c: {  	_ =	shalt  }
0x5d: {  	_ =	shalt  }
0x5e: {  	_ =	shalt  }
0x5f: {  	_ =	shalt  }
0x60: {  	_ =	shalt  }
0x61: {  	_ =	shalt  }
0x62: {  	_ =	shalt  }
0x63: {  	_ =	shalt  }
0x64: {  	_ =	shalt  }
0x65: {  	_ =	shalt  }
0x66: {  	_ =	shalt  }
0x67: {  	_ =	shalt  }
0x68: {  	_ =	shalt  }
0x69: {  	_ =	shalt  }
0x6a: {  	_ =	shalt  }
0x6b: {  	_ =	shalt  }
0x6c: {  	_ =	shalt  }
0x6d: {  	_ =	shalt  }
0x6e: {  	_ =	shalt  }
0x6f: {  	_ =	shalt  }
0x70: {  	_ =	shalt  }
0x71: {  	_ =	shalt  }
0x72: {  	_ =	shalt  }
0x73: {  	_ =	shalt  }
0x74: {  	_ =	shalt  }
0x75: {  	_ =	shalt  }
0x76: {  	_ =	shalt  }
0x77: {  	_ =	shalt  }
0x78: {  	_ =	shalt  }
0x79: {  	_ =	shalt  }
0x7a: {  	_ =	shalt  }
0x7b: {  	_ =	shalt  }
0x7c: {  	_ =	shalt  }
0x7d: {  	_ =	shalt  }
0x7e: {  	_ =	shalt  }
0x7f: {  	_ =	shalt  }
0x80: {  	_ =	shalt  }
0x81: {  	_ =	shalt  }
0x82: {  	_ =	shalt  }
0x83: {  	_ =	shalt  }
0x84: {  	_ =	shalt  }
0x85: {  	_ =	shalt  }
0x86: {  	_ =	shalt  }
0x87: {  	_ =	shalt  }
.Lfunc_end0:
.L_simem_size_0:
called_computation.7_lowered:
.L_overlay_start_0:
0x88: {  	s2 =	sld [smem:$0x3FD9]  }
0x89: {  	s3 =	sld [smem:$0x3FFE];
	_ =	sdelay $0x1  }
0x8a: {  	s1 =	srdreg.scid  }
0x8b: {  	s0 =	sand.u32 $0x1, s1  }
0x8c: {  	s17 =	sshll.u32 s0, $0xA;
	s2 =	sadd.s32 s3, s2  }
0x8d: {  	s2 =	sadd.s32 s2, s17  }
0x8e: {  	[smem:$0x3FB4] =	sst s2  }
0x8f: {  	_ = 	snop  }
0x90: {  	s2 =	sld [smem:$0x3FD0];
	(tm) =	ssettm $0x1  }
0x91: {  	s18 =	sld [smem:$0x3FFB];
	_ =	sdelay $0x3  }
0x92: {  	_ =	strace s18  }
0x93: {  	s3 =	sld [smem:$0x3FFC];
	_ =	sdelay $0x3  }
0x94: {  	_ =	strace s3  }
0x95: {  	s3 =	sld [smem:$0x3FFD];
	_ =	sdelay $0x3  }
0x96: {  	_ =	strace s3  }
0x97: {  	_ =	strace $0x8FFFFFFF  }
0x98: {  	s19 =	sld [smem:$0x3FDB];
	_ =	sdelay $0x1  }
0x99: {  	s4 =	simm.s32 $_scs_section_size  }
0x9a: {  	s5 =	simm.s32 $_size__tile_overlayer_lowered;
	s6 =	simm.s32 $_tile_overlayer_lowered  }
0x9b: {  	s22 =	simm.s32 $0x1BFF;
	s21 =	sshll.u32 s6, $0x1;
	s3 =	sadd.s32 s4, s19  }
0x9c: {  	s7 =	simm.s32 $0x0;
	s20 =	sshll.u32 s5, $0x1;
	s5 =	sadd.s32 s21, s3  }
0x9d: {  	[timem:s7], [sflag:s22] =	dma.local [hbm:s5], s20  }
0x9e: {  	_ =	swait.ge [sflag:s22], s20  }
0x9f: {  	s4 =	ssub.s32 $0x0, s20;
	[sflag:s22] =	ssyncset.done $0x0  }
0xa0: {  	[sflag:s22] =	ssyncadd.s32 s4;
	_ =	sdelay $0x1  }
0xa1: {  	s23 =	simm.s32 $0x1B8B  }
0xa2: {  	_ =	swait.ge [sflag:s23], $0x1  }
0xa3: {  	[sflag:s23] =	ssyncset.done $0x0  }
0xa4: {  	s25 =	simm.s32 $0x1B8E;
	s24 =	sld [smem:$0x3FFE];
	[sflag:s23] =	ssyncadd.s32 $0xFFFFFFFF  }
0xa5: {  	s26 =	simm.s32 $execute0_lowered;
	[smem:$0x3FD2] =	sst s25  }
0xa6: {  	s5 =	sshll.u32 s26, $0x1;
	_ =	strace $0x8000005B;
	[dreg:$0x1] =	wrdreg $0xFFFFFFFF  }
0xa7: {  	s28 =	simm.s32 $_size_execute0_lowered;
	s3 =	sadd.s32 s3, s5;
	[dreg:$0x0] =	wrdreg $0x0  }
0xa8: {  	s5 =	sshll.u32 s28, $0x1;
	[dreg:$0x2] =	wrdreg s3  }
0xa9: {  	[dreg:$0x3] =	wrdreg s5  }
0xaa: {  	[dreg:$0x4] =	wrdreg $0xC0  }
0xab: {  	_ =	task [dreg:s7], $0x5FFFF  }
0xac: {  	[dreg:$0x1] =	wrdreg $0xFFFFFFFF  }
0xad: {  	[dreg:$0x0] =	wrdreg $0x60  }
0xae: {  	[dreg:$0x2] =	wrdreg s24  }
0xaf: {  	[dreg:$0x3] =	wrdreg s2  }
0xb0: {  	[dreg:$0x4] =	wrdreg $0x98000  }
0xb1: {  	[dreg:$0x5] =	wrdreg $0x9  }
0xb2: {  	_ =	task.clear_ibuf [dreg:s7], $0x6FFFF;
	_ =	strace $0x9000005B  }
0xb3: {  	s29 =	simm.s32 $0x9;
	_ =	strace $0x8000005D  }
0xb4: {  	_ =	swait.ge [sflag:s29], $0x1  }
0xb5: {  	[sflag:s29] =	ssyncadd.s32 $0xFFFFFFFF  }
0xb6: {  	_ =	strace $0x9000005D  }
0xb7: {  	_ =	sfence  }
0xb8: {  	s30 =	sld [smem:$0x0];
	_ =	sdelay $0x2  }
0xb9: {  	s31 =	sshll.u32 s1, $0xD;
	s1 =	sshrl.u32 s1, $0x2  }
0xba: {  	s3 =	sand.u32 $0x4000, s31;
	s1 =	sadd.s32 s1, s30  }
0xbb: {  	s0 =	sor.u32 s3, s0;
	s1 =	sshll.u32 s1, $0x11  }
0xbc: {  	s0 =	sor.u32 s1, s0  }
0xbd: {  	s0 =	sadd.s32 $0x8F2B, s0  }
0xbe: {  	[sflag:s0] =	ssyncadd.remote.s32 $0x1  }
0xbf: {  	_ =	sfence.sel $0xFFFF  }
0xc0: {  	[dreg:$0x0] =	wrdreg $0xFFFFFFFF;
	(pc) =	sbr.abs _section_cstart, $3  }
0xc1: {  	[dreg:$0x1] =	wrdreg $0xFFFFFFFF  }
0xc2: {  	_ =	task.clear_ibuf [dreg:s7], $0x2FFFF;
	_ =	strace $0x9FFFFFFF  }
0xc3: {  	(tm) =	ssettm $0x7FFFFFFF  }
tec
execute0_lowered:
.L_overlay_start_1:
0x0: {  	(tag) =	ssettag $0x1  }
0x1: {  	s6 =	rddreg [dreg:$0x0]  }
0x2: {  	s1 =	rddreg [dreg:$0x1]  }
0x3: {  	s2 =	rddreg [dreg:$0x2]  }
0x4: {  	s3 =	srdreg.scid;
	s0 =	rddreg [dreg:$0x3];
	s4 =	simm.s32 $0x0  }
0x5: {  	s14 =	simm.s32 $0x80;
	s15 =	simm.s32 $0x5800;
	s7 =	sand.u32 $0x1, s3  }
0x6: {  	s16 =	simm.s32 $0x1;
	s3 =	stileid.u32;
	s8 =	smul.u32 $0x140000, s7  }
0x7: {  	s17 =	simm.s32 $0x0;
	[smem:$0x7FF] =	sst s4;
	s9 =	smul.u32 $0x14000, s3  }
0x8: {  	s5 =	sshll.u32 s7, $0x4;
	_ =	strace $0x8000005C;
	s28 =	smul.u32 $0x50000, s3  }
0x9: {  	s7 =	ssub.s32 $0x2, s7;
	s31 =	sshll.u32 s3, $0x6;
	s5 =	sor.u32 s3, s5  }
0xa: {  	s29 =	sshrl.u32 s7, $0x1;
	s10 =	smul.u32 $0x580, s5;
	s5 =	sadd.s32 $0x1CC00, s6  }
0xb: {  	s8 =	sadd.s32 s9, s8;
	s30 =	sshrl.u32 s28, $0x2;
	s12 =	ssub.s32 s7, s29  }
0xc: {  	s8 =	sshrl.u32 s8, $0x3;
	s13 =	sadd.s32 s30, s2;
	s10 =	sadd.s32 s10, s6  }
0xd: {  	s11 =	sadd.s32 s8, s6;
	s6 =	sor.u32 $0x1C02, s31;
	s7 =	sadd.s32 $0xB4E00, s10  }
0xe: {  	s8 =	sadd.s32 $0x9FE00, s10;
	s9 =	sadd.s32 $0xBFE00, s11;
	s10 =	smax.u32 s12, $0x1  }
0xf: {  	s11 =	sshrl.u32 s13, $0x3;
	s12 =	simm.s32 $0x2;
	s13 =	simm.s32 $0x2C00  }
.LBB2_1:
0x10: {  	[spmem:s11], [sflag:s6] =	dma.local [hbm:s1], $0x2800  }
0x11: {  	_ =	swait.ge [sflag:s12], $0x2800  }
0x12: {  	[sflag:s12] =	ssyncset.done $0x0  }
0x13: {  	[sflag:s12] =	ssyncadd.s32 $0xFFFFD800  }
0x14: {  	[tilespmem:s4], [sflag:$0x2] =	stream.linear.gather [hbm4b:s7+s4], $0x2880, $0x38;
	[tilespmem:$0x1D800] =	vst v63  }
0x15: {  	_ =	swait.ge [sflag:s12], $0x2880  }
0x16: {  	[sflag:s12] =	ssyncset.done $0x0  }
0x17: {  	[sflag:s12] =	ssyncadd.s32 $0xFFFFD780  }
0x18: {  	[tilespmem:s13], [sflag:$0x2] =	stream.linear.gather [hbm4b:s8+s4], $0x2880, $0x38;
	[tilespmem:$0x1D800] =	vst v63  }
0x19: {  	_ =	swait.ge [sflag:s12], $0x2880  }
0x1a: {  	[sflag:s12] =	ssyncset.done $0x0  }
0x1b: {  	[sflag:s12] =	ssyncadd.s32 $0xFFFFD780  }
0x1c: {  	s18 =	simm.s32 $0x0;
	[bflag:$0x0] =	sbarrier.arrive $0xFFFF  }
0x1d: {  	[tilespmem:s15], [sflag:$0x1] =	stream.indirect.gather [hbm4b:s5+s14], $0x80, s18, s14, $0xb8;
	[tilespmem:$0x1D800] =	vst v63  }
0x1e: {  	_ =	swait.ge [sflag:s16], $0x4000  }
0x1f: {  	[sflag:s16] =	ssyncset.done $0x0  }
0x20: {  	s31 =	simm.s32 $0x2C00;
	[sflag:s16] =	ssyncadd.s32 $0xFFFFC000  }
0x21: {  	[spmem:s2] =	stream.indirect.scatter.add.f32 [tilespmem:s15], [sflag:$0x2], $0x80, s31, s14, $0xb8;
	[tilespmem:$0x1D800] =	vst v63  }
0x22: {  	_ =	swait.ge [sflag:s12], $0x4000  }
0x23: {  	s19 =	simm.s32 $0x400;
	s18 =	simm.s32 $0x200;
	[sflag:s12] =	ssyncset.done $0x0  }
.LBB2_2:
0x24: {  	s20 =	sshra.s32 s18, $0x2  }
0x25: {  	[sflag:s12] =	ssyncadd.s32 $0xFFFFC000;
	s18 =	smov.u32 s19;
	s21 =	sadd.s32 $0x200, s19  }
0x26: {  	[tilespmem:s15], [sflag:$0x1] =	stream.indirect.gather [hbm4b:s5+s14], $0x80, s20, s14, $0xb8;
	[tilespmem:$0x1D800] =	vst v63  }
0x27: {  	p0 =	sne.s32 s19, $0xA000;
	_ =	swait.ge [sflag:s16], $0x4000  }
.Ltmp0:
0x28: {  	[sflag:s16] =	ssyncset.done $0x0;
	(pc) =	sbr.rel @p0 .LBB2_2-.Ltmp0, $4  }
0x29: {  	s19 =	sadd.s32 $0x2C00, s20;
	[sflag:s16] =	ssyncadd.s32 $0xFFFFC000  }
0x2a: {  	[spmem:s2] =	stream.indirect.scatter.add.f32 [tilespmem:s15], [sflag:$0x2], $0x80, s19, s14, $0xb8;
	[tilespmem:$0x1D800] =	vst v63  }
0x2b: {  	_ =	swait.ge [sflag:s12], $0x4000  }
0x2c: {  	s19 =	smov.u32 s21;
	[sflag:s12] =	ssyncset.done $0x0  }
0x2d: {  	s18 =	sshra.s32 s18, $0x2;
	[sflag:s12] =	ssyncadd.s32 $0xFFFFC000  }
0x2e: {  	[tilespmem:s15], [sflag:$0x1] =	stream.indirect.gather [hbm4b:s5+s14], $0x80, s18, s14, $0xb8;
	[tilespmem:$0x1D800] =	vst v63  }
0x2f: {  	_ =	swait.ge [sflag:s16], $0x4000  }
0x30: {  	[sflag:s16] =	ssyncset.done $0x0  }
0x31: {  	s18 =	sadd.s32 $0x2C00, s18;
	[sflag:s16] =	ssyncadd.s32 $0xFFFFC000  }
0x32: {  	[spmem:s2] =	stream.indirect.scatter.add.f32 [tilespmem:s15], [sflag:$0x2], $0x80, s18, s14, $0xb8;
	[tilespmem:$0x1D800] =	vst v63  }
0x33: {  	_ =	swait.ge [sflag:s12], $0x4000  }
0x34: {  	s17 =	sadd.s32 $0x1, s17;
	[sflag:s12] =	ssyncset.done $0x0  }
0x35: {  	p0 =	sne.s32 s17, s10;
	[sflag:s12] =	ssyncadd.s32 $0xFFFFC000  }
.Ltmp1:
0x36: {  	[bflag:$0x0] =	sbarrier.arrive $0xFFFF;
	(pc) =	sbr.rel @p0 .LBB2_1-.Ltmp1, $4  }
0x37: {  	[hbm:s9], [sflag:s6] =	dma.local [spmem:s11], $0x2800  }
0x38: {  	_ =	swait.ge [sflag:s12], $0x2800  }
0x39: {  	[sflag:s12] =	ssyncset.done $0x0  }
0x3a: {  	[sflag:s12] =	ssyncadd.s32 $0xFFFFD800  }
0x3b: {  	_ =	sfence.sel $0x180000  }
0x3c: {  	[bflag:$0x0] =	sbarrier.arrive $0xFFFF  }
0x3d: {  	p0 =	sne.s32 s3, $0x0;
	_ =	strace $0x9000005C  }
0x3e: {  	s0 =	sadd.s32 @!p0 $0x100000, s0;
	[bflag:$0x2] =	sbarrier.arrive $0xFFFF  }
0x3f: {  	[sflag:s0] =	ssyncadd.tile.s32 @!p0 $0x1;
	_ =	shalt  }
.Lfunc_end2:
_tile_overlayer_lowered:
.L_overlay_start_2:
0x40: {  	(tag) =	ssettag $0x2  }
0x41: {  	s0 =	rddreg [dreg:$0x0];
	s2 =	stileid.u32  }
0x42: {  	s1 =	rddreg [dreg:$0x1];
	p0 =	sne.s32 s2, $0x0  }
0x43: {  	s3 =	rddreg [dreg:$0x2];
	[bflag:$0x3] =	sbarrier.arrive $0xFFFF;
	s2 =	simm.s32 @!p0 $0x1C02  }
0x44: {  	[timem:s3], [sflag:s2] =	dma.local @!p0 [hbm:s0], s1  }
0x45: {  	s0 =	simm.s32 @!p0 $0x2  }
0x46: {  	_ =	swait.ge @!p0 [sflag:s0], s1  }
0x47: {  	s1 =	ssub.s32 @!p0 $0x0, s1;
	[sflag:s0] =	ssyncset.done @!p0 $0x0  }
0x48: {  	[sflag:s0] =	ssyncadd.s32 @!p0 s1  }
0x49: {  	[bflag:$0x3] =	sbarrier.arrive $0xFFFF  }
0x4a: {  	_ =	shalt  }

// kernel: kernel.45.cloned.1.call-start
scs
__scs_entry_jumppad:
0x0: {  	(pc) =	sbr.rel $0x88, $3  }
0x1: {  	(tag) =	ssettag $0x0;
	lr =	simm.s32 $0x1  }
0x2: {  	[smem:$0x3F8D] =	sst lr;
	_ =	strace $0xD0000000  }
0x3: {  	_ = 	snop  }
0x4: {  	_ = 	snop  }
0x5: {  	_ = 	snop  }
0x6: {  	_ = 	snop  }
0x7: {  	_ = 	snop  }
__scs_overlays_trampoline_lowered:
0x8: {  	[smem:$0x3F9C] =	sst s0  }
0x9: {  	[smem:$0x3F9D] =	sst s1  }
0xa: {  	[smem:$0x3F9E] =	sst s2  }
0xb: {  	[smem:$0x3F9F] =	sst s3  }
0xc: {  	[smem:$0x3FA0] =	sst s4  }
0xd: {  	[smem:$0x3FA1] =	sst s5  }
0xe: {  	[smem:$0x3FA2] =	sst s6  }
0xf: {  	[smem:$0x3FA3] =	sst s7  }
0x10: {  	[smem:$0x3FA4] =	sst s8  }
0x11: {  	[smem:$0x3FA5] =	sst s9;
	s0 =	simm.s32 @!p0 $0x0  }
0x12: {  	s1 =	sld [smem:$0x3F8B];
	s0 =	simm.s32 @p0 $0x1  }
0x13: {  	[smem:$0x3FA6] =	sst s0;
	s0 =	simm.s32 @!p1 $0x0  }
0x14: {  	s2 =	sld [smem:$0x3F8A];
	s0 =	simm.s32 @p1 $0x1  }
0x15: {  	[smem:$0x3FA7] =	sst s0;
	s0 =	simm.s32 @!p2 $0x0  }
0x16: {  	s3 =	sld [smem:$0x3FDB];
	s0 =	simm.s32 @p2 $0x1  }
0x17: {  	s4 =	simm.s32 $0x1BF5;
	[smem:$0x3FA9] =	sst s0  }
0x18: {  	s0 =	sld [smem:$0x3F8C];
	_ =	swait.ge [sflag:s4], $0x0  }
0x19: {  	s7 =	sld [smem:$0x3F8D]  }
0x1a: {  	s8 =	sadd.s32 $0xFFFFE003, lr  }
0x1b: {  	s9 =	sadd.s32 $0xFFFFFEF7, lr;
	s5 =	simm.s32 $0xFFFFFFFF;
	p2 =	slt.u32 s8, $0xFFFFF086  }
0x1c: {  	p1 =	slt.u32 s9, $0xF7A;
	s5 =	simm.s32 @!p2 $0x0  }
0x1d: {  	s5 =	simm.s32 @p1 $0x1;
	p0 =	seq.s32 s7, s2  }
0x1e: {  	s7 =	smul.u32 @!p0 $0xF7A, s2;
	p2 =	seq.s32 @!p0 s5, $0x0  }
0x1f: {  	s9 =	smul.u32 $0xF7A, s1;
	s8 =	simm.s32 @!p0 $0x1BF5;
	p2 =	por !p2, p0  }
0x20: {  	[sflag:s8] =	ssyncset.s32 @!p0 $0xFFFFF086;
	s6 =	sadd.s32 @!p0 s3, s7;
	s7 =	simm.s32 @!p0 $0x108  }
0x21: {  	s3 =	sadd.s32 s3, s9;
	s6 =	sadd.s32 @!p0 $0x88, s6;
	s7 =	simm.s32 @p2 $0x1082  }
0x22: {  	[simem:s7], [sflag:s8] =	dma.local @!p0 [hbm:s6], $0xF7A  }
0x23: {  	s9 =	sor.u32 $0xD0000000, s2;
	s6 =	simm.s32 $0x108;
	_ =	swait.ge @!p0 [sflag:s8], $0x0  }
0x24: {  	s3 =	sadd.s32 $0x88, s3;
	s6 =	simm.s32 @!p1 $0x1082;
	[sflag:s4] =	ssyncset.s32 $0xFFFFF086  }
0x25: {  	[simem:s6], [sflag:s4] =	dma.local [hbm:s3], $0xF7A  }
0x26: {  	[smem:$0x3F8D] =	sst s1;
	(tag) =	ssettag s2;
	_ =	strace s9  }
0x27: {  	s1 =	sld [smem:$0x3F9D]  }
0x28: {  	s2 =	sld [smem:$0x3F9E]  }
0x29: {  	s4 =	sld [smem:$0x3FA0]  }
0x2a: {  	p0 =	seq.s32 s5, $0x0;
	s5 =	sld [smem:$0x3FA1]  }
0x2b: {  	s6 =	sld [smem:$0x3FA2]  }
0x2c: {  	s7 =	sld [smem:$0x3FA3]  }
0x2d: {  	s3 =	simm.s32 $0x108;
	s8 =	sld [smem:$0x3FA4]  }
0x2e: {  	s3 =	simm.s32 @!p0 $0x1082;
	s9 =	sld [smem:$0x3FA5]  }
0x2f: {  	lr =	sadd.s32 s0, s3;
	s0 =	sld [smem:$0x3F9C]  }
0x30: {  	s3 =	sld [smem:$0x3F9F]  }
0x31: {  	[smem:$0x3FA8] =	sst s10  }
0x32: {  	s10 =	sld [smem:$0x3FA6];
	_ =	sdelay $0x3  }
0x33: {  	p0 =	seq.s32 s10, $0x1;
	s10 =	sld [smem:$0x3FA8];
	_ =	sdelay $0x3  }
0x34: {  	[smem:$0x3FA8] =	sst s10  }
0x35: {  	s10 =	sld [smem:$0x3FA7];
	_ =	sdelay $0x3  }
0x36: {  	p1 =	seq.s32 s10, $0x1;
	s10 =	sld [smem:$0x3FA8];
	_ =	sdelay $0x3  }
0x37: {  	[smem:$0x3FA8] =	sst s10  }
0x38: {  	s10 =	sld [smem:$0x3FA9]  }
0x39: {  	_ = 	snop;
	(pc) =	sbr.ind lr, $3  }
0x3a: {  	_ = 	snop  }
0x3b: {  	_ = 	snop  }
0x3c: {  	p2 =	seq.s32 s10, $0x1;
	s10 =	sld [smem:$0x3FA8]  }
0x3d: {  	_ =	shalt  }
0x3e: {  	_ =	shalt  }
0x3f: {  	_ =	shalt  }
0x40: {  	_ =	shalt  }
0x41: {  	_ =	shalt  }
0x42: {  	_ =	shalt  }
0x43: {  	_ =	shalt  }
0x44: {  	_ =	shalt  }
0x45: {  	_ =	shalt  }
0x46: {  	_ =	shalt  }
0x47: {  	_ =	shalt  }
0x48: {  	_ =	shalt  }
0x49: {  	_ =	shalt  }
0x4a: {  	_ =	shalt  }
0x4b: {  	_ =	shalt  }
0x4c: {  	_ =	shalt  }
0x4d: {  	_ =	shalt  }
0x4e: {  	_ =	shalt  }
0x4f: {  	_ =	shalt  }
0x50: {  	_ =	shalt  }
0x51: {  	_ =	shalt  }
0x52: {  	_ =	shalt  }
0x53: {  	_ =	shalt  }
0x54: {  	_ =	shalt  }
0x55: {  	_ =	shalt  }
0x56: {  	_ =	shalt  }
0x57: {  	_ =	shalt  }
0x58: {  	_ =	shalt  }
0x59: {  	_ =	shalt  }
0x5a: {  	_ =	shalt  }
0x5b: {  	_ =	shalt  }
0x5c: {  	_ =	shalt  }
0x5d: {  	_ =	shalt  }
0x5e: {  	_ =	shalt  }
0x5f: {  	_ =	shalt  }
0x60: {  	_ =	shalt  }
0x61: {  	_ =	shalt  }
0x62: {  	_ =	shalt  }
0x63: {  	_ =	shalt  }
0x64: {  	_ =	shalt  }
0x65: {  	_ =	shalt  }
0x66: {  	_ =	shalt  }
0x67: {  	_ =	shalt  }
0x68: {  	_ =	shalt  }
0x69: {  	_ =	shalt  }
0x6a: {  	_ =	shalt  }
0x6b: {  	_ =	shalt  }
0x6c: {  	_ =	shalt  }
0x6d: {  	_ =	shalt  }
0x6e: {  	_ =	shalt  }
0x6f: {  	_ =	shalt  }
0x70: {  	_ =	shalt  }
0x71: {  	_ =	shalt  }
0x72: {  	_ =	shalt  }
0x73: {  	_ =	shalt  }
0x74: {  	_ =	shalt  }
0x75: {  	_ =	shalt  }
0x76: {  	_ =	shalt  }
0x77: {  	_ =	shalt  }
0x78: {  	_ =	shalt  }
0x79: {  	_ =	shalt  }
0x7a: {  	_ =	shalt  }
0x7b: {  	_ =	shalt  }
0x7c: {  	_ =	shalt  }
0x7d: {  	_ =	shalt  }
0x7e: {  	_ =	shalt  }
0x7f: {  	_ =	shalt  }
0x80: {  	_ =	shalt  }
0x81: {  	_ =	shalt  }
0x82: {  	_ =	shalt  }
0x83: {  	_ =	shalt  }
0x84: {  	_ =	shalt  }
0x85: {  	_ =	shalt  }
0x86: {  	_ =	shalt  }
0x87: {  	_ =	shalt  }
.Lfunc_end0:
.L_simem_size_0:
called_computation.8_lowered:
.L_overlay_start_0:
0x88: {  	s2 =	sld [smem:$0x3FD9]  }
0x89: {  	s3 =	sld [smem:$0x3FFE];
	_ =	sdelay $0x1  }
0x8a: {  	s1 =	srdreg.scid  }
0x8b: {  	s0 =	sand.u32 $0x1, s1  }
0x8c: {  	s17 =	sshll.u32 s0, $0xA;
	s2 =	sadd.s32 s3, s2  }
0x8d: {  	s2 =	sadd.s32 s2, s17  }
0x8e: {  	[smem:$0x3FB4] =	sst s2  }
0x8f: {  	_ = 	snop  }
0x90: {  	s2 =	sld [smem:$0x3FD0];
	(tm) =	ssettm $0x1  }
0x91: {  	s18 =	sld [smem:$0x3FFB];
	_ =	sdelay $0x3  }
0x92: {  	_ =	strace s18  }
0x93: {  	s3 =	sld [smem:$0x3FFC];
	_ =	sdelay $0x3  }
0x94: {  	_ =	strace s3  }
0x95: {  	s3 =	sld [smem:$0x3FFD];
	_ =	sdelay $0x3  }
0x96: {  	_ =	strace s3  }
0x97: {  	_ =	strace $0x8FFFFFFF  }
0x98: {  	s19 =	sld [smem:$0x3FDB];
	_ =	sdelay $0x1  }
0x99: {  	s4 =	simm.s32 $_scs_section_size  }
0x9a: {  	s5 =	simm.s32 $_size__tile_overlayer_lowered;
	s6 =	simm.s32 $_tile_overlayer_lowered  }
0x9b: {  	s22 =	simm.s32 $0x1BFF;
	s21 =	sshll.u32 s6, $0x1;
	s3 =	sadd.s32 s4, s19  }
0x9c: {  	s7 =	simm.s32 $0x0;
	s20 =	sshll.u32 s5, $0x1;
	s5 =	sadd.s32 s21, s3  }
0x9d: {  	[timem:s7], [sflag:s22] =	dma.local [hbm:s5], s20  }
0x9e: {  	_ =	swait.ge [sflag:s22], s20  }
0x9f: {  	s4 =	ssub.s32 $0x0, s20;
	[sflag:s22] =	ssyncset.done $0x0  }
0xa0: {  	[sflag:s22] =	ssyncadd.s32 s4;
	_ =	sdelay $0x1  }
0xa1: {  	s23 =	simm.s32 $0x1B8B  }
0xa2: {  	_ =	swait.ge [sflag:s23], $0x1  }
0xa3: {  	[sflag:s23] =	ssyncset.done $0x0  }
0xa4: {  	s25 =	simm.s32 $0x1B8E;
	s24 =	sld [smem:$0x3FFE];
	[sflag:s23] =	ssyncadd.s32 $0xFFFFFFFF  }
0xa5: {  	s26 =	simm.s32 $execute0_lowered;
	[smem:$0x3FD2] =	sst s25  }
0xa6: {  	s5 =	sshll.u32 s26, $0x1;
	_ =	strace $0x8000005E;
	[dreg:$0x1] =	wrdreg $0xFFFFFFFF  }
0xa7: {  	s28 =	simm.s32 $_size_execute0_lowered;
	s3 =	sadd.s32 s3, s5;
	[dreg:$0x0] =	wrdreg $0x0  }
0xa8: {  	s5 =	sshll.u32 s28, $0x1;
	[dreg:$0x2] =	wrdreg s3  }
0xa9: {  	[dreg:$0x3] =	wrdreg s5  }
0xaa: {  	[dreg:$0x4] =	wrdreg $0xC0  }
0xab: {  	_ =	task [dreg:s7], $0x5FFFF  }
0xac: {  	[dreg:$0x1] =	wrdreg $0xFFFFFFFF  }
0xad: {  	[dreg:$0x0] =	wrdreg $0x60  }
0xae: {  	[dreg:$0x2] =	wrdreg s24  }
0xaf: {  	[dreg:$0x3] =	wrdreg s2  }
0xb0: {  	[dreg:$0x4] =	wrdreg $0x98000  }
0xb1: {  	[dreg:$0x5] =	wrdreg $0x9  }
0xb2: {  	_ =	task.clear_ibuf [dreg:s7], $0x6FFFF;
	_ =	strace $0x9000005E  }
0xb3: {  	s29 =	simm.s32 $0x9;
	_ =	strace $0x80000060  }
0xb4: {  	_ =	swait.ge [sflag:s29], $0x1  }
0xb5: {  	[sflag:s29] =	ssyncadd.s32 $0xFFFFFFFF  }
0xb6: {  	_ =	strace $0x90000060  }
0xb7: {  	_ =	sfence  }
0xb8: {  	s30 =	sld [smem:$0x0];
	_ =	sdelay $0x2  }
0xb9: {  	s31 =	sshll.u32 s1, $0xD;
	s1 =	sshrl.u32 s1, $0x2  }
0xba: {  	s3 =	sand.u32 $0x4000, s31;
	s1 =	sadd.s32 s1, s30  }
0xbb: {  	s0 =	sor.u32 s3, s0;
	s1 =	sshll.u32 s1, $0x11  }
0xbc: {  	s0 =	sor.u32 s1, s0  }
0xbd: {  	s0 =	sadd.s32 $0x8F2B, s0  }
0xbe: {  	[sflag:s0] =	ssyncadd.remote.s32 $0x1  }
0xbf: {  	_ =	sfence.sel $0xFFFF  }
0xc0: {  	[dreg:$0x0] =	wrdreg $0xFFFFFFFF;
	(pc) =	sbr.abs _section_cstart, $3  }
0xc1: {  	[dreg:$0x1] =	wrdreg $0xFFFFFFFF  }
0xc2: {  	_ =	task.clear_ibuf [dreg:s7], $0x2FFFF;
	_ =	strace $0x9FFFFFFF  }
0xc3: {  	(tm) =	ssettm $0x7FFFFFFF  }
tec
execute0_lowered:
.L_overlay_start_1:
0x0: {  	(tag) =	ssettag $0x1  }
0x1: {  	s6 =	rddreg [dreg:$0x0]  }
0x2: {  	s1 =	rddreg [dreg:$0x1]  }
0x3: {  	s2 =	rddreg [dreg:$0x2]  }
0x4: {  	s3 =	srdreg.scid;
	s0 =	rddreg [dreg:$0x3];
	s4 =	simm.s32 $0x0  }
0x5: {  	s14 =	simm.s32 $0x80;
	s15 =	simm.s32 $0x5800;
	s7 =	sand.u32 $0x1, s3  }
0x6: {  	s16 =	simm.s32 $0x1;
	s3 =	stileid.u32;
	s8 =	smul.u32 $0x140000, s7  }
0x7: {  	s17 =	simm.s32 $0x0;
	[smem:$0x7FF] =	sst s4;
	s9 =	smul.u32 $0x14000, s3  }
0x8: {  	s5 =	sshll.u32 s7, $0x4;
	_ =	strace $0x8000005F;
	s28 =	smul.u32 $0x50000, s3  }
0x9: {  	s7 =	ssub.s32 $0x2, s7;
	s31 =	sshll.u32 s3, $0x6;
	s5 =	sor.u32 s3, s5  }
0xa: {  	s29 =	sshrl.u32 s7, $0x1;
	s10 =	smul.u32 $0x580, s5;
	s5 =	sadd.s32 $0x1CC00, s6  }
0xb: {  	s8 =	sadd.s32 s9, s8;
	s30 =	sshrl.u32 s28, $0x2;
	s12 =	ssub.s32 s7, s29  }
0xc: {  	s8 =	sshrl.u32 s8, $0x3;
	s13 =	sadd.s32 s30, s2;
	s10 =	sadd.s32 s10, s6  }
0xd: {  	s11 =	sadd.s32 s8, s6;
	s6 =	sor.u32 $0x1C02, s31;
	s7 =	sadd.s32 $0xB4E00, s10  }
0xe: {  	s8 =	sadd.s32 $0x9FE00, s10;
	s9 =	sadd.s32 $0xBFE00, s11;
	s10 =	smax.u32 s12, $0x1  }
0xf: {  	s11 =	sshrl.u32 s13, $0x3;
	s12 =	simm.s32 $0x2;
	s13 =	simm.s32 $0x2C00  }
.LBB2_1:
0x10: {  	[spmem:s11], [sflag:s6] =	dma.local [hbm:s1], $0x2800  }
0x11: {  	_ =	swait.ge [sflag:s12], $0x2800  }
0x12: {  	[sflag:s12] =	ssyncset.done $0x0  }
0x13: {  	[sflag:s12] =	ssyncadd.s32 $0xFFFFD800  }
0x14: {  	[tilespmem:s4], [sflag:$0x2] =	stream.linear.gather [hbm4b:s7+s4], $0x2880, $0x38;
	[tilespmem:$0x1D800] =	vst v63  }
0x15: {  	_ =	swait.ge [sflag:s12], $0x2880  }
0x16: {  	[sflag:s12] =	ssyncset.done $0x0  }
0x17: {  	[sflag:s12] =	ssyncadd.s32 $0xFFFFD780  }
0x18: {  	[tilespmem:s13], [sflag:$0x2] =	stream.linear.gather [hbm4b:s8+s4], $0x2880, $0x38;
	[tilespmem:$0x1D800] =	vst v63  }
0x19: {  	_ =	swait.ge [sflag:s12], $0x2880  }
0x1a: {  	[sflag:s12] =	ssyncset.done $0x0  }
0x1b: {  	[sflag:s12] =	ssyncadd.s32 $0xFFFFD780  }
0x1c: {  	s18 =	simm.s32 $0x0;
	[bflag:$0x0] =	sbarrier.arrive $0xFFFF  }
0x1d: {  	[tilespmem:s15], [sflag:$0x1] =	stream.indirect.gather [hbm4b:s5+s14], $0x80, s18, s14, $0xb8;
	[tilespmem:$0x1D800] =	vst v63  }
0x1e: {  	_ =	swait.ge [sflag:s16], $0x4000  }
0x1f: {  	[sflag:s16] =	ssyncset.done $0x0  }
0x20: {  	s31 =	simm.s32 $0x2C00;
	[sflag:s16] =	ssyncadd.s32 $0xFFFFC000  }
0x21: {  	[spmem:s2] =	stream.indirect.scatter.add.f32 [tilespmem:s15], [sflag:$0x2], $0x80, s31, s14, $0xb8;
	[tilespmem:$0x1D800] =	vst v63  }
0x22: {  	_ =	swait.ge [sflag:s12], $0x4000  }
0x23: {  	s19 =	simm.s32 $0x400;
	s18 =	simm.s32 $0x200;
	[sflag:s12] =	ssyncset.done $0x0  }
.LBB2_2:
0x24: {  	s20 =	sshra.s32 s18, $0x2  }
0x25: {  	[sflag:s12] =	ssyncadd.s32 $0xFFFFC000;
	s18 =	smov.u32 s19;
	s21 =	sadd.s32 $0x200, s19  }
0x26: {  	[tilespmem:s15], [sflag:$0x1] =	stream.indirect.gather [hbm4b:s5+s14], $0x80, s20, s14, $0xb8;
	[tilespmem:$0x1D800] =	vst v63  }
0x27: {  	p0 =	sne.s32 s19, $0xA000;
	_ =	swait.ge [sflag:s16], $0x4000  }
.Ltmp0:
0x28: {  	[sflag:s16] =	ssyncset.done $0x0;
	(pc) =	sbr.rel @p0 .LBB2_2-.Ltmp0, $4  }
0x29: {  	s19 =	sadd.s32 $0x2C00, s20;
	[sflag:s16] =	ssyncadd.s32 $0xFFFFC000  }
0x2a: {  	[spmem:s2] =	stream.indirect.scatter.add.f32 [tilespmem:s15], [sflag:$0x2], $0x80, s19, s14, $0xb8;
	[tilespmem:$0x1D800] =	vst v63  }
0x2b: {  	_ =	swait.ge [sflag:s12], $0x4000  }
0x2c: {  	s19 =	smov.u32 s21;
	[sflag:s12] =	ssyncset.done $0x0  }
0x2d: {  	s18 =	sshra.s32 s18, $0x2;
	[sflag:s12] =	ssyncadd.s32 $0xFFFFC000  }
0x2e: {  	[tilespmem:s15], [sflag:$0x1] =	stream.indirect.gather [hbm4b:s5+s14], $0x80, s18, s14, $0xb8;
	[tilespmem:$0x1D800] =	vst v63  }
0x2f: {  	_ =	swait.ge [sflag:s16], $0x4000  }
0x30: {  	[sflag:s16] =	ssyncset.done $0x0  }
0x31: {  	s18 =	sadd.s32 $0x2C00, s18;
	[sflag:s16] =	ssyncadd.s32 $0xFFFFC000  }
0x32: {  	[spmem:s2] =	stream.indirect.scatter.add.f32 [tilespmem:s15], [sflag:$0x2], $0x80, s18, s14, $0xb8;
	[tilespmem:$0x1D800] =	vst v63  }
0x33: {  	_ =	swait.ge [sflag:s12], $0x4000  }
0x34: {  	s17 =	sadd.s32 $0x1, s17;
	[sflag:s12] =	ssyncset.done $0x0  }
0x35: {  	p0 =	sne.s32 s17, s10;
	[sflag:s12] =	ssyncadd.s32 $0xFFFFC000  }
.Ltmp1:
0x36: {  	[bflag:$0x0] =	sbarrier.arrive $0xFFFF;
	(pc) =	sbr.rel @p0 .LBB2_1-.Ltmp1, $4  }
0x37: {  	[hbm:s9], [sflag:s6] =	dma.local [spmem:s11], $0x2800  }
0x38: {  	_ =	swait.ge [sflag:s12], $0x2800  }
0x39: {  	[sflag:s12] =	ssyncset.done $0x0  }
0x3a: {  	[sflag:s12] =	ssyncadd.s32 $0xFFFFD800  }
0x3b: {  	_ =	sfence.sel $0x180000  }
0x3c: {  	[bflag:$0x0] =	sbarrier.arrive $0xFFFF  }
0x3d: {  	p0 =	sne.s32 s3, $0x0;
	_ =	strace $0x9000005F  }
0x3e: {  	s0 =	sadd.s32 @!p0 $0x100000, s0;
	[bflag:$0x2] =	sbarrier.arrive $0xFFFF  }
0x3f: {  	[sflag:s0] =	ssyncadd.tile.s32 @!p0 $0x1;
	_ =	shalt  }
.Lfunc_end2:
_tile_overlayer_lowered:
.L_overlay_start_2:
0x40: {  	(tag) =	ssettag $0x2  }
0x41: {  	s0 =	rddreg [dreg:$0x0];
	s2 =	stileid.u32  }
0x42: {  	s1 =	rddreg [dreg:$0x1];
	p0 =	sne.s32 s2, $0x0  }
0x43: {  	s3 =	rddreg [dreg:$0x2];
	[bflag:$0x3] =	sbarrier.arrive $0xFFFF;
	s2 =	simm.s32 @!p0 $0x1C02  }
0x44: {  	[timem:s3], [sflag:s2] =	dma.local @!p0 [hbm:s0], s1  }
0x45: {  	s0 =	simm.s32 @!p0 $0x2  }
0x46: {  	_ =	swait.ge @!p0 [sflag:s0], s1  }
0x47: {  	s1 =	ssub.s32 @!p0 $0x0, s1;
	[sflag:s0] =	ssyncset.done @!p0 $0x0  }
0x48: {  	[sflag:s0] =	ssyncadd.s32 @!p0 s1  }
0x49: {  	[bflag:$0x3] =	sbarrier.arrive $0xFFFF  }
0x4a: {  	_ =	shalt  }

// kernel: kernel.48.cloned.1.call-start
scs
__scs_entry_jumppad:
0x0: {  	(pc) =	sbr.rel $0x88, $3  }
0x1: {  	(tag) =	ssettag $0x0;
	lr =	simm.s32 $0x1  }
0x2: {  	[smem:$0x3F8D] =	sst lr;
	_ =	strace $0xD0000000  }
0x3: {  	_ = 	snop  }
0x4: {  	_ = 	snop  }
0x5: {  	_ = 	snop  }
0x6: {  	_ = 	snop  }
0x7: {  	_ = 	snop  }
__scs_overlays_trampoline_lowered:
0x8: {  	[smem:$0x3F9C] =	sst s0  }
0x9: {  	[smem:$0x3F9D] =	sst s1  }
0xa: {  	[smem:$0x3F9E] =	sst s2  }
0xb: {  	[smem:$0x3F9F] =	sst s3  }
0xc: {  	[smem:$0x3FA0] =	sst s4  }
0xd: {  	[smem:$0x3FA1] =	sst s5  }
0xe: {  	[smem:$0x3FA2] =	sst s6  }
0xf: {  	[smem:$0x3FA3] =	sst s7  }
0x10: {  	[smem:$0x3FA4] =	sst s8  }
0x11: {  	[smem:$0x3FA5] =	sst s9;
	s0 =	simm.s32 @!p0 $0x0  }
0x12: {  	s1 =	sld [smem:$0x3F8B];
	s0 =	simm.s32 @p0 $0x1  }
0x13: {  	[smem:$0x3FA6] =	sst s0;
	s0 =	simm.s32 @!p1 $0x0  }
0x14: {  	s2 =	sld [smem:$0x3F8A];
	s0 =	simm.s32 @p1 $0x1  }
0x15: {  	[smem:$0x3FA7] =	sst s0;
	s0 =	simm.s32 @!p2 $0x0  }
0x16: {  	s3 =	sld [smem:$0x3FDB];
	s0 =	simm.s32 @p2 $0x1  }
0x17: {  	s4 =	simm.s32 $0x1BF5;
	[smem:$0x3FA9] =	sst s0  }
0x18: {  	s0 =	sld [smem:$0x3F8C];
	_ =	swait.ge [sflag:s4], $0x0  }
0x19: {  	s7 =	sld [smem:$0x3F8D]  }
0x1a: {  	s8 =	sadd.s32 $0xFFFFE003, lr  }
0x1b: {  	s9 =	sadd.s32 $0xFFFFFEF7, lr;
	s5 =	simm.s32 $0xFFFFFFFF;
	p2 =	slt.u32 s8, $0xFFFFF086  }
0x1c: {  	p1 =	slt.u32 s9, $0xF7A;
	s5 =	simm.s32 @!p2 $0x0  }
0x1d: {  	s5 =	simm.s32 @p1 $0x1;
	p0 =	seq.s32 s7, s2  }
0x1e: {  	s7 =	smul.u32 @!p0 $0xF7A, s2;
	p2 =	seq.s32 @!p0 s5, $0x0  }
0x1f: {  	s9 =	smul.u32 $0xF7A, s1;
	s8 =	simm.s32 @!p0 $0x1BF5;
	p2 =	por !p2, p0  }
0x20: {  	[sflag:s8] =	ssyncset.s32 @!p0 $0xFFFFF086;
	s6 =	sadd.s32 @!p0 s3, s7;
	s7 =	simm.s32 @!p0 $0x108  }
0x21: {  	s3 =	sadd.s32 s3, s9;
	s6 =	sadd.s32 @!p0 $0x88, s6;
	s7 =	simm.s32 @p2 $0x1082  }
0x22: {  	[simem:s7], [sflag:s8] =	dma.local @!p0 [hbm:s6], $0xF7A  }
0x23: {  	s9 =	sor.u32 $0xD0000000, s2;
	s6 =	simm.s32 $0x108;
	_ =	swait.ge @!p0 [sflag:s8], $0x0  }
0x24: {  	s3 =	sadd.s32 $0x88, s3;
	s6 =	simm.s32 @!p1 $0x1082;
	[sflag:s4] =	ssyncset.s32 $0xFFFFF086  }
0x25: {  	[simem:s6], [sflag:s4] =	dma.local [hbm:s3], $0xF7A  }
0x26: {  	[smem:$0x3F8D] =	sst s1;
	(tag) =	ssettag s2;
	_ =	strace s9  }
0x27: {  	s1 =	sld [smem:$0x3F9D]  }
0x28: {  	s2 =	sld [smem:$0x3F9E]  }
0x29: {  	s4 =	sld [smem:$0x3FA0]  }
0x2a: {  	p0 =	seq.s32 s5, $0x0;
	s5 =	sld [smem:$0x3FA1]  }
0x2b: {  	s6 =	sld [smem:$0x3FA2]  }
0x2c: {  	s7 =	sld [smem:$0x3FA3]  }
0x2d: {  	s3 =	simm.s32 $0x108;
	s8 =	sld [smem:$0x3FA4]  }
0x2e: {  	s3 =	simm.s32 @!p0 $0x1082;
	s9 =	sld [smem:$0x3FA5]  }
0x2f: {  	lr =	sadd.s32 s0, s3;
	s0 =	sld [smem:$0x3F9C]  }
0x30: {  	s3 =	sld [smem:$0x3F9F]  }
0x31: {  	[smem:$0x3FA8] =	sst s10  }
0x32: {  	s10 =	sld [smem:$0x3FA6];
	_ =	sdelay $0x3  }
0x33: {  	p0 =	seq.s32 s10, $0x1;
	s10 =	sld [smem:$0x3FA8];
	_ =	sdelay $0x3  }
0x34: {  	[smem:$0x3FA8] =	sst s10  }
0x35: {  	s10 =	sld [smem:$0x3FA7];
	_ =	sdelay $0x3  }
0x36: {  	p1 =	seq.s32 s10, $0x1;
	s10 =	sld [smem:$0x3FA8];
	_ =	sdelay $0x3  }
0x37: {  	[smem:$0x3FA8] =	sst s10  }
0x38: {  	s10 =	sld [smem:$0x3FA9]  }
0x39: {  	_ = 	snop;
	(pc) =	sbr.ind lr, $3  }
0x3a: {  	_ = 	snop  }
0x3b: {  	_ = 	snop  }
0x3c: {  	p2 =	seq.s32 s10, $0x1;
	s10 =	sld [smem:$0x3FA8]  }
0x3d: {  	_ =	shalt  }
0x3e: {  	_ =	shalt  }
0x3f: {  	_ =	shalt  }
0x40: {  	_ =	shalt  }
0x41: {  	_ =	shalt  }
0x42: {  	_ =	shalt  }
0x43: {  	_ =	shalt  }
0x44: {  	_ =	shalt  }
0x45: {  	_ =	shalt  }
0x46: {  	_ =	shalt  }
0x47: {  	_ =	shalt  }
0x48: {  	_ =	shalt  }
0x49: {  	_ =	shalt  }
0x4a: {  	_ =	shalt  }
0x4b: {  	_ =	shalt  }
0x4c: {  	_ =	shalt  }
0x4d: {  	_ =	shalt  }
0x4e: {  	_ =	shalt  }
0x4f: {  	_ =	shalt  }
0x50: {  	_ =	shalt  }
0x51: {  	_ =	shalt  }
0x52: {  	_ =	shalt  }
0x53: {  	_ =	shalt  }
0x54: {  	_ =	shalt  }
0x55: {  	_ =	shalt  }
0x56: {  	_ =	shalt  }
0x57: {  	_ =	shalt  }
0x58: {  	_ =	shalt  }
0x59: {  	_ =	shalt  }
0x5a: {  	_ =	shalt  }
0x5b: {  	_ =	shalt  }
0x5c: {  	_ =	shalt  }
0x5d: {  	_ =	shalt  }
0x5e: {  	_ =	shalt  }
0x5f: {  	_ =	shalt  }
0x60: {  	_ =	shalt  }
0x61: {  	_ =	shalt  }
0x62: {  	_ =	shalt  }
0x63: {  	_ =	shalt  }
0x64: {  	_ =	shalt  }
0x65: {  	_ =	shalt  }
0x66: {  	_ =	shalt  }
0x67: {  	_ =	shalt  }
0x68: {  	_ =	shalt  }
0x69: {  	_ =	shalt  }
0x6a: {  	_ =	shalt  }
0x6b: {  	_ =	shalt  }
0x6c: {  	_ =	shalt  }
0x6d: {  	_ =	shalt  }
0x6e: {  	_ =	shalt  }
0x6f: {  	_ =	shalt  }
0x70: {  	_ =	shalt  }
0x71: {  	_ =	shalt  }
0x72: {  	_ =	shalt  }
0x73: {  	_ =	shalt  }
0x74: {  	_ =	shalt  }
0x75: {  	_ =	shalt  }
0x76: {  	_ =	shalt  }
0x77: {  	_ =	shalt  }
0x78: {  	_ =	shalt  }
0x79: {  	_ =	shalt  }
0x7a: {  	_ =	shalt  }
0x7b: {  	_ =	shalt  }
0x7c: {  	_ =	shalt  }
0x7d: {  	_ =	shalt  }
0x7e: {  	_ =	shalt  }
0x7f: {  	_ =	shalt  }
0x80: {  	_ =	shalt  }
0x81: {  	_ =	shalt  }
0x82: {  	_ =	shalt  }
0x83: {  	_ =	shalt  }
0x84: {  	_ =	shalt  }
0x85: {  	_ =	shalt  }
0x86: {  	_ =	shalt  }
0x87: {  	_ =	shalt  }
.Lfunc_end0:
.L_simem_size_0:
called_computation.9_lowered:
.L_overlay_start_0:
0x88: {  	s2 =	sld [smem:$0x3FD9]  }
0x89: {  	s3 =	sld [smem:$0x3FFE];
	_ =	sdelay $0x1  }
0x8a: {  	s1 =	srdreg.scid  }
0x8b: {  	s0 =	sand.u32 $0x1, s1  }
0x8c: {  	s17 =	sshll.u32 s0, $0xA;
	s2 =	sadd.s32 s3, s2  }
0x8d: {  	s2 =	sadd.s32 s2, s17  }
0x8e: {  	[smem:$0x3FB4] =	sst s2  }
0x8f: {  	_ = 	snop  }
0x90: {  	s2 =	sld [smem:$0x3FD0];
	(tm) =	ssettm $0x1  }
0x91: {  	s18 =	sld [smem:$0x3FFB];
	_ =	sdelay $0x3  }
0x92: {  	_ =	strace s18  }
0x93: {  	s3 =	sld [smem:$0x3FFC];
	_ =	sdelay $0x3  }
0x94: {  	_ =	strace s3  }
0x95: {  	s3 =	sld [smem:$0x3FFD];
	_ =	sdelay $0x3  }
0x96: {  	_ =	strace s3  }
0x97: {  	_ =	strace $0x8FFFFFFF  }
0x98: {  	s19 =	sld [smem:$0x3FDB];
	_ =	sdelay $0x1  }
0x99: {  	s4 =	simm.s32 $_scs_section_size  }
0x9a: {  	s5 =	simm.s32 $_size__tile_overlayer_lowered;
	s6 =	simm.s32 $_tile_overlayer_lowered  }
0x9b: {  	s22 =	simm.s32 $0x1BFF;
	s21 =	sshll.u32 s6, $0x1;
	s3 =	sadd.s32 s4, s19  }
0x9c: {  	s7 =	simm.s32 $0x0;
	s20 =	sshll.u32 s5, $0x1;
	s5 =	sadd.s32 s21, s3  }
0x9d: {  	[timem:s7], [sflag:s22] =	dma.local [hbm:s5], s20  }
0x9e: {  	_ =	swait.ge [sflag:s22], s20  }
0x9f: {  	s4 =	ssub.s32 $0x0, s20;
	[sflag:s22] =	ssyncset.done $0x0  }
0xa0: {  	[sflag:s22] =	ssyncadd.s32 s4;
	_ =	sdelay $0x1  }
0xa1: {  	s23 =	simm.s32 $0x1B8B  }
0xa2: {  	_ =	swait.ge [sflag:s23], $0x1  }
0xa3: {  	[sflag:s23] =	ssyncset.done $0x0  }
0xa4: {  	s25 =	simm.s32 $0x1B8E;
	s24 =	sld [smem:$0x3FFE];
	[sflag:s23] =	ssyncadd.s32 $0xFFFFFFFF  }
0xa5: {  	s26 =	simm.s32 $execute0_lowered;
	[smem:$0x3FD2] =	sst s25  }
0xa6: {  	s5 =	sshll.u32 s26, $0x1;
	_ =	strace $0x80000061;
	[dreg:$0x1] =	wrdreg $0xFFFFFFFF  }
0xa7: {  	s28 =	simm.s32 $_size_execute0_lowered;
	s3 =	sadd.s32 s3, s5;
	[dreg:$0x0] =	wrdreg $0x0  }
0xa8: {  	s5 =	sshll.u32 s28, $0x1;
	[dreg:$0x2] =	wrdreg s3  }
0xa9: {  	[dreg:$0x3] =	wrdreg s5  }
0xaa: {  	[dreg:$0x4] =	wrdreg $0xC0  }
0xab: {  	_ =	task [dreg:s7], $0x5FFFF  }
0xac: {  	[dreg:$0x1] =	wrdreg $0xFFFFFFFF  }
0xad: {  	[dreg:$0x0] =	wrdreg $0x60  }
0xae: {  	[dreg:$0x2] =	wrdreg s24  }
0xaf: {  	[dreg:$0x3] =	wrdreg s2  }
0xb0: {  	[dreg:$0x4] =	wrdreg $0x98000  }
0xb1: {  	[dreg:$0x5] =	wrdreg $0x9  }
0xb2: {  	_ =	task.clear_ibuf [dreg:s7], $0x6FFFF;
	_ =	strace $0x90000061  }
0xb3: {  	s29 =	simm.s32 $0x9;
	_ =	strace $0x80000063  }
0xb4: {  	_ =	swait.ge [sflag:s29], $0x1  }
0xb5: {  	[sflag:s29] =	ssyncadd.s32 $0xFFFFFFFF  }
0xb6: {  	_ =	strace $0x90000063  }
0xb7: {  	_ =	sfence  }
0xb8: {  	s30 =	sld [smem:$0x0];
	_ =	sdelay $0x2  }
0xb9: {  	s31 =	sshll.u32 s1, $0xD;
	s1 =	sshrl.u32 s1, $0x2  }
0xba: {  	s3 =	sand.u32 $0x4000, s31;
	s1 =	sadd.s32 s1, s30  }
0xbb: {  	s0 =	sor.u32 s3, s0;
	s1 =	sshll.u32 s1, $0x11  }
0xbc: {  	s0 =	sor.u32 s1, s0  }
0xbd: {  	s0 =	sadd.s32 $0x8F2B, s0  }
0xbe: {  	[sflag:s0] =	ssyncadd.remote.s32 $0x1  }
0xbf: {  	_ =	sfence.sel $0xFFFF  }
0xc0: {  	[dreg:$0x0] =	wrdreg $0xFFFFFFFF;
	(pc) =	sbr.abs _section_cstart, $3  }
0xc1: {  	[dreg:$0x1] =	wrdreg $0xFFFFFFFF  }
0xc2: {  	_ =	task.clear_ibuf [dreg:s7], $0x2FFFF;
	_ =	strace $0x9FFFFFFF  }
0xc3: {  	(tm) =	ssettm $0x7FFFFFFF  }
tec
execute0_lowered:
.L_overlay_start_1:
0x0: {  	(tag) =	ssettag $0x1  }
0x1: {  	s6 =	rddreg [dreg:$0x0]  }
0x2: {  	s1 =	rddreg [dreg:$0x1]  }
0x3: {  	s2 =	rddreg [dreg:$0x2]  }
0x4: {  	s3 =	srdreg.scid;
	s0 =	rddreg [dreg:$0x3];
	s4 =	simm.s32 $0x0  }
0x5: {  	s14 =	simm.s32 $0x80;
	s15 =	simm.s32 $0x5800;
	s7 =	sand.u32 $0x1, s3  }
0x6: {  	s16 =	simm.s32 $0x1;
	s3 =	stileid.u32;
	s8 =	smul.u32 $0x140000, s7  }
0x7: {  	s17 =	simm.s32 $0x0;
	[smem:$0x7FF] =	sst s4;
	s9 =	smul.u32 $0x14000, s3  }
0x8: {  	s5 =	sshll.u32 s7, $0x4;
	_ =	strace $0x80000062;
	s28 =	smul.u32 $0x50000, s3  }
0x9: {  	s7 =	ssub.s32 $0x2, s7;
	s31 =	sshll.u32 s3, $0x6;
	s5 =	sor.u32 s3, s5  }
0xa: {  	s29 =	sshrl.u32 s7, $0x1;
	s10 =	smul.u32 $0x580, s5;
	s5 =	sadd.s32 $0x1CC00, s6  }
0xb: {  	s8 =	sadd.s32 s9, s8;
	s30 =	sshrl.u32 s28, $0x2;
	s12 =	ssub.s32 s7, s29  }
0xc: {  	s8 =	sshrl.u32 s8, $0x3;
	s13 =	sadd.s32 s30, s2;
	s10 =	sadd.s32 s10, s6  }
0xd: {  	s11 =	sadd.s32 s8, s6;
	s6 =	sor.u32 $0x1C02, s31;
	s7 =	sadd.s32 $0xB4E00, s10  }
0xe: {  	s8 =	sadd.s32 $0x9FE00, s10;
	s9 =	sadd.s32 $0xBFE00, s11;
	s10 =	smax.u32 s12, $0x1  }
0xf: {  	s11 =	sshrl.u32 s13, $0x3;
	s12 =	simm.s32 $0x2;
	s13 =	simm.s32 $0x2C00  }
.LBB2_1:
0x10: {  	[spmem:s11], [sflag:s6] =	dma.local [hbm:s1], $0x2800  }
0x11: {  	_ =	swait.ge [sflag:s12], $0x2800  }
0x12: {  	[sflag:s12] =	ssyncset.done $0x0  }
0x13: {  	[sflag:s12] =	ssyncadd.s32 $0xFFFFD800  }
0x14: {  	[tilespmem:s4], [sflag:$0x2] =	stream.linear.gather [hbm4b:s7+s4], $0x2880, $0x38;
	[tilespmem:$0x1D800] =	vst v63  }
0x15: {  	_ =	swait.ge [sflag:s12], $0x2880  }
0x16: {  	[sflag:s12] =	ssyncset.done $0x0  }
0x17: {  	[sflag:s12] =	ssyncadd.s32 $0xFFFFD780  }
0x18: {  	[tilespmem:s13], [sflag:$0x2] =	stream.linear.gather [hbm4b:s8+s4], $0x2880, $0x38;
	[tilespmem:$0x1D800] =	vst v63  }
0x19: {  	_ =	swait.ge [sflag:s12], $0x2880  }
0x1a: {  	[sflag:s12] =	ssyncset.done $0x0  }
0x1b: {  	[sflag:s12] =	ssyncadd.s32 $0xFFFFD780  }
0x1c: {  	s18 =	simm.s32 $0x0;
	[bflag:$0x0] =	sbarrier.arrive $0xFFFF  }
0x1d: {  	[tilespmem:s15], [sflag:$0x1] =	stream.indirect.gather [hbm4b:s5+s14], $0x80, s18, s14, $0xb8;
	[tilespmem:$0x1D800] =	vst v63  }
0x1e: {  	_ =	swait.ge [sflag:s16], $0x4000  }
0x1f: {  	[sflag:s16] =	ssyncset.done $0x0  }
0x20: {  	s31 =	simm.s32 $0x2C00;
	[sflag:s16] =	ssyncadd.s32 $0xFFFFC000  }
0x21: {  	[spmem:s2] =	stream.indirect.scatter.add.f32 [tilespmem:s15], [sflag:$0x2], $0x80, s31, s14, $0xb8;
	[tilespmem:$0x1D800] =	vst v63  }
0x22: {  	_ =	swait.ge [sflag:s12], $0x4000  }
0x23: {  	s19 =	simm.s32 $0x400;
	s18 =	simm.s32 $0x200;
	[sflag:s12] =	ssyncset.done $0x0  }
.LBB2_2:
0x24: {  	s20 =	sshra.s32 s18, $0x2  }
0x25: {  	[sflag:s12] =	ssyncadd.s32 $0xFFFFC000;
	s18 =	smov.u32 s19;
	s21 =	sadd.s32 $0x200, s19  }
0x26: {  	[tilespmem:s15], [sflag:$0x1] =	stream.indirect.gather [hbm4b:s5+s14], $0x80, s20, s14, $0xb8;
	[tilespmem:$0x1D800] =	vst v63  }
0x27: {  	p0 =	sne.s32 s19, $0xA000;
	_ =	swait.ge [sflag:s16], $0x4000  }
.Ltmp0:
0x28: {  	[sflag:s16] =	ssyncset.done $0x0;
	(pc) =	sbr.rel @p0 .LBB2_2-.Ltmp0, $4  }
0x29: {  	s19 =	sadd.s32 $0x2C00, s20;
	[sflag:s16] =	ssyncadd.s32 $0xFFFFC000  }
0x2a: {  	[spmem:s2] =	stream.indirect.scatter.add.f32 [tilespmem:s15], [sflag:$0x2], $0x80, s19, s14, $0xb8;
	[tilespmem:$0x1D800] =	vst v63  }
0x2b: {  	_ =	swait.ge [sflag:s12], $0x4000  }
0x2c: {  	s19 =	smov.u32 s21;
	[sflag:s12] =	ssyncset.done $0x0  }
0x2d: {  	s18 =	sshra.s32 s18, $0x2;
	[sflag:s12] =	ssyncadd.s32 $0xFFFFC000  }
0x2e: {  	[tilespmem:s15], [sflag:$0x1] =	stream.indirect.gather [hbm4b:s5+s14], $0x80, s18, s14, $0xb8;
	[tilespmem:$0x1D800] =	vst v63  }
0x2f: {  	_ =	swait.ge [sflag:s16], $0x4000  }
0x30: {  	[sflag:s16] =	ssyncset.done $0x0  }
0x31: {  	s18 =	sadd.s32 $0x2C00, s18;
	[sflag:s16] =	ssyncadd.s32 $0xFFFFC000  }
0x32: {  	[spmem:s2] =	stream.indirect.scatter.add.f32 [tilespmem:s15], [sflag:$0x2], $0x80, s18, s14, $0xb8;
	[tilespmem:$0x1D800] =	vst v63  }
0x33: {  	_ =	swait.ge [sflag:s12], $0x4000  }
0x34: {  	s17 =	sadd.s32 $0x1, s17;
	[sflag:s12] =	ssyncset.done $0x0  }
0x35: {  	p0 =	sne.s32 s17, s10;
	[sflag:s12] =	ssyncadd.s32 $0xFFFFC000  }
.Ltmp1:
0x36: {  	[bflag:$0x0] =	sbarrier.arrive $0xFFFF;
	(pc) =	sbr.rel @p0 .LBB2_1-.Ltmp1, $4  }
0x37: {  	[hbm:s9], [sflag:s6] =	dma.local [spmem:s11], $0x2800  }
0x38: {  	_ =	swait.ge [sflag:s12], $0x2800  }
0x39: {  	[sflag:s12] =	ssyncset.done $0x0  }
0x3a: {  	[sflag:s12] =	ssyncadd.s32 $0xFFFFD800  }
0x3b: {  	_ =	sfence.sel $0x180000  }
0x3c: {  	[bflag:$0x0] =	sbarrier.arrive $0xFFFF  }
0x3d: {  	p0 =	sne.s32 s3, $0x0;
	_ =	strace $0x90000062  }
0x3e: {  	s0 =	sadd.s32 @!p0 $0x100000, s0;
	[bflag:$0x2] =	sbarrier.arrive $0xFFFF  }
0x3f: {  	[sflag:s0] =	ssyncadd.tile.s32 @!p0 $0x1;
	_ =	shalt  }
.Lfunc_end2:
_tile_overlayer_lowered:
.L_overlay_start_2:
0x40: {  	(tag) =	ssettag $0x2  }
0x41: {  	s0 =	rddreg [dreg:$0x0];
	s2 =	stileid.u32  }
0x42: {  	s1 =	rddreg [dreg:$0x1];
	p0 =	sne.s32 s2, $0x0  }
0x43: {  	s3 =	rddreg [dreg:$0x2];
	[bflag:$0x3] =	sbarrier.arrive $0xFFFF;
	s2 =	simm.s32 @!p0 $0x1C02  }
0x44: {  	[timem:s3], [sflag:s2] =	dma.local @!p0 [hbm:s0], s1  }
0x45: {  	s0 =	simm.s32 @!p0 $0x2  }
0x46: {  	_ =	swait.ge @!p0 [sflag:s0], s1  }
0x47: {  	s1 =	ssub.s32 @!p0 $0x0, s1;
	[sflag:s0] =	ssyncset.done @!p0 $0x0  }
0x48: {  	[sflag:s0] =	ssyncadd.s32 @!p0 s1  }
0x49: {  	[bflag:$0x3] =	sbarrier.arrive $0xFFFF  }
0x4a: {  	_ =	shalt  }

</sc_bundles>
